<compile_context>
chip_gen: v7x
topology: tpu7x:2x2x1
jax: 0.10.2.dev20260603
libtpu: 0.0.44.dev20260713+nightly
codegen_flags: <defaults>
</compile_context>

<pallas_src>
import functools

import jax
import jax.numpy as jnp
from jax import lax
from jax.experimental import pallas as pl
from jax.experimental.pallas import tpu as pltpu
from jax.experimental.pallas import tpu_sc as plsc

NC = 2
NS = 16
NW = NC * NS
LANES = 16
CB = 2

_S = (0.9999997070270158, -0.16666577215354136, 0.0083325581176538,
      -0.00019812575520288488, 2.7040512127216925e-06, -2.0534244526315134e-08)
_C = (0.9999994437076939, -0.4999955822859331, 0.041661033519067386,
      -0.001386274996090388, 2.42532298889456e-05, -2.2194129825286184e-07)

_RSQRT_MAGIC = 0x5F3759DF


def _sin_cos(x):
    x2 = x * x
    s = jnp.float32(_S[5])
    for c in _S[4::-1]:
        s = s * x2 + jnp.float32(c)
    s = s * x
    co = jnp.float32(_C[5])
    for c in _C[4::-1]:
        co = co * x2 + jnp.float32(c)
    return s, co


def _sqrt_nr(s):
    i = lax.bitcast_convert_type(s, jnp.int32)
    y = lax.bitcast_convert_type(jnp.int32(_RSQRT_MAGIC) - (i >> 1),
                                 jnp.float32)
    y = y * (jnp.float32(1.5) - jnp.float32(0.5) * s * y * y)
    return s * y


def _dist(a_re, a_im, b_re, b_im):
    d_re = a_re - b_re
    d_im = a_im - b_im
    s = d_re * d_re + d_im * d_im + jnp.float32(1e-12)
    return _sqrt_nr(s)


def _body(comb, ph_tab, hidx_h, tidx_h, ridx_h, nidx_h,
          pos_out, neg_out,
          hidx_v, tidx_v, ridx_v, nidx_v,
          h_v, t_v, ph_v, negbuf_v, pos_v, neg_v,
          up_sem, nsem0, nsem1,
          *, bpw, k_neg, nch, d_dim):
    wid = lax.axis_index("s") * NC + lax.axis_index("c")
    base = wid * bpw
    ndg = d_dim // LANES
    ng = k_neg // LANES
    lane = lax.iota(jnp.int32, LANES)
    zero = jnp.zeros((LANES,), jnp.float32)

    pltpu.sync_copy(hidx_h.at[pl.ds(base, bpw)], hidx_v)
    pltpu.sync_copy(tidx_h.at[pl.ds(base, bpw)], tidx_v)
    pltpu.sync_copy(ridx_h.at[pl.ds(base, bpw)], ridx_v)
    pltpu.sync_copy(nidx_h.at[wid], nidx_v)

    nsems = (nsem0, nsem1)

    def issue(g, buf):
        idx_sl = nidx_v.at[pl.ds(g * CB * k_neg, CB * k_neg)]
        pltpu.async_copy(comb.at[idx_sl], negbuf_v.at[buf], nsems[buf])

    def drain(g, buf):
        idx_sl = nidx_v.at[pl.ds(g * CB * k_neg, CB * k_neg)]
        pltpu.make_async_copy(comb.at[idx_sl], negbuf_v.at[buf],
                              nsems[buf]).wait()

    issue(0, 0)
    if nch > 1:
        issue(1, 1)

    up = [
        pltpu.async_copy(comb.at[hidx_v], h_v, up_sem),
        pltpu.async_copy(comb.at[tidx_v], t_v, up_sem),
        pltpu.async_copy(ph_tab.at[ridx_v], ph_v, up_sem),
    ]
    for dsc in up:
        dsc.wait()

    def rot_body(bt, _):
        for dg in range(ndg):
            sl_re = pl.ds(dg * LANES, LANES)
            sl_im = pl.ds(d_dim + dg * LANES, LANES)
            s, co = _sin_cos(ph_v[bt, sl_re])
            h_re = h_v[bt, sl_re]
            h_im = h_v[bt, sl_im]
            h_v[bt, sl_re] = h_re * co - h_im * s
            h_v[bt, sl_im] = h_re * s + h_im * co
        return 0

    lax.fori_loop(0, bpw, rot_body, 0)

    dmask = d_dim - 1

    def pos_body(bg, _):
        rows = bg * LANES + lane

        def d_body(dd, acc):
            colr = (lane + dd) & dmask
            coli = colr | d_dim
            a_re = plsc.load_gather(h_v, [rows, colr])
            a_im = plsc.load_gather(h_v, [rows, coli])
            b_re = plsc.load_gather(t_v, [rows, colr])
            b_im = plsc.load_gather(t_v, [rows, coli])
            return acc + _dist(a_re, a_im, b_re, b_im)

        acc = lax.fori_loop(0, d_dim, d_body, zero, unroll=8)
        pos_v[pl.ds(bg * LANES, LANES)] = -acc
        return 0

    lax.fori_loop(0, bpw // LANES, pos_body, 0)

    def chunk_body(i, _):
        for j in range(min(2, nch)):
            g = i * 2 + j
            drain(g, j)
            nb = negbuf_v.at[j]
            for b_loc in range(CB):
                bt = g * CB + b_loc
                bts = lane * 0 + bt
                rowv = [b_loc * k_neg + kg * LANES + lane for kg in range(ng)]

                def t_body(t, accs, bts=bts, rowv=rowv, nb=nb):
                    colr = (lane + t) & dmask
                    coli = colr | d_dim
                    a_re = plsc.load_gather(h_v, [bts, colr])
                    a_im = plsc.load_gather(h_v, [bts, coli])
                    out = []
                    for kg in range(ng):
                        n_re = plsc.load_gather(nb, [rowv[kg], colr])
                        n_im = plsc.load_gather(nb, [rowv[kg], coli])
                        out.append(accs[kg] + _dist(a_re, a_im, n_re, n_im))
                    return tuple(out)

                accs = lax.fori_loop(0, d_dim, t_body, (zero,) * ng,
                                     unroll=4)
                for kg in range(ng):
                    neg_v[bt, pl.ds(kg * LANES, LANES)] = -accs[kg]
            if nch > 2:
                @pl.when(g < nch - 2)
                def _():
                    issue(g + 2, j)
        return 0

    lax.fori_loop(0, (nch + 1) // 2, chunk_body, 0)

    pltpu.sync_copy(pos_v, pos_out.at[pl.ds(base, bpw)])
    pltpu.sync_copy(neg_v, neg_out.at[pl.ds(base, bpw)])


def kernel(head_idx, relation_idx, tail_idx, negative_idx,
           entity_re, entity_im, rel_phase):
    b, k_neg = negative_idx.shape
    d = entity_re.shape[1]
    assert d == 64 and b % NW == 0
    bpw = b // NW
    assert bpw % CB == 0
    nch = bpw // CB

    comb = jnp.stack([entity_re, entity_im],
                     axis=1).reshape(entity_re.shape[0], 2 * d)
    ph_pad = jnp.concatenate([rel_phase, rel_phase], axis=1)
    nidx = negative_idx.astype(jnp.int32).reshape(NW, bpw * k_neg)

    mesh = plsc.VectorSubcoreMesh(core_axis_name="c", subcore_axis_name="s",
                                  num_cores=NC, num_subcores=NS)
    fn = pl.kernel(
        functools.partial(_body, bpw=bpw, k_neg=k_neg, nch=nch, d_dim=d),
        out_type=(jax.ShapeDtypeStruct((b,), jnp.float32),
                  jax.ShapeDtypeStruct((b, d), jnp.float32)),
        mesh=mesh,
        compiler_params=pltpu.CompilerParams(needs_layout_passes=False,
                                             use_tc_tiling_on_sc=False),
        scratch_types=[
            pltpu.VMEM((bpw,), jnp.int32),
            pltpu.VMEM((bpw,), jnp.int32),
            pltpu.VMEM((bpw,), jnp.int32),
            pltpu.VMEM((bpw * k_neg,), jnp.int32),
            pltpu.VMEM((bpw, 2 * d), jnp.float32),
            pltpu.VMEM((bpw, 2 * d), jnp.float32),
            pltpu.VMEM((bpw, 2 * d), jnp.float32),
            pltpu.VMEM((2, CB * k_neg, 2 * d), jnp.float32),
            pltpu.VMEM((bpw,), jnp.float32),
            pltpu.VMEM((bpw, d), jnp.float32),
            pltpu.SemaphoreType.DMA,
            pltpu.SemaphoreType.DMA,
            pltpu.SemaphoreType.DMA,
        ],
    )
    return fn(comb, ph_pad,
              head_idx.astype(jnp.int32), tail_idx.astype(jnp.int32),
              relation_idx.astype(jnp.int32), nidx)

# --- scband reference (transcript-rebuilt; emitter-appended) ---
"""Pipeline reference for scband-rotat-e-84439057039587 (READ-ONLY COPY).

The authoritative reference and input builder live on the scoring server;
editing this copy changes nothing except your own understanding.
"""

import jax, jax.numpy as jnp
import numpy as np
import math

NUM_ENTITIES = 1000000
NUM_RELATIONS = 1000
EMBED_DIM = 64
BATCH = 4096
NUM_NEG = 64


def setup_inputs(seed: int = 0) -> dict:
    key = jax.random.key(seed)
    k1, k2, k3, k4, k5, k6, k7 = jax.random.split(key, 7)
    bound = 6.0 / math.sqrt(EMBED_DIM)
    entity_re = jax.random.uniform(k1, (NUM_ENTITIES, EMBED_DIM), dtype=jnp.float32, minval=-bound, maxval=bound)
    entity_im = jax.random.uniform(k2, (NUM_ENTITIES, EMBED_DIM), dtype=jnp.float32, minval=-bound, maxval=bound)
    rel_phase = jax.random.uniform(k3, (NUM_RELATIONS, EMBED_DIM), dtype=jnp.float32, minval=-math.pi, maxval=math.pi)
    head_idx = jax.random.randint(k4, (BATCH,), 0, NUM_ENTITIES, dtype=jnp.int64 if jax.config.jax_enable_x64 else jnp.int32)
    relation_idx = jax.random.randint(k5, (BATCH,), 0, NUM_RELATIONS, dtype=jnp.int32)
    tail_idx = jax.random.randint(k6, (BATCH,), 0, NUM_ENTITIES, dtype=jnp.int32)
    negative_idx = jax.random.randint(k7, (BATCH, NUM_NEG), 0, NUM_ENTITIES, dtype=jnp.int32)
    return {
        "head_idx": head_idx,
        "relation_idx": relation_idx,
        "tail_idx": tail_idx,
        "negative_idx": negative_idx,
        "entity_re": entity_re,
        "entity_im": entity_im,
        "rel_phase": rel_phase,
    }


def _score(h_re, h_im, r_re, r_im, t_re, t_im):
    hr_re = h_re * r_re - h_im * r_im
    hr_im = h_re * r_im + h_im * r_re
    diff_re = hr_re - t_re
    diff_im = hr_im - t_im
    return -jnp.sqrt(diff_re ** 2 + diff_im ** 2 + 1e-12).sum(axis=-1)


def reference(head_idx, relation_idx, tail_idx, negative_idx, entity_re, entity_im, rel_phase):
    # entity gathers (embedding lookups)
    h_re = jnp.take(entity_re, head_idx, axis=0)
    h_im = jnp.take(entity_im, head_idx, axis=0)
    t_re = jnp.take(entity_re, tail_idx, axis=0)
    t_im = jnp.take(entity_im, tail_idx, axis=0)
    phase = jnp.take(rel_phase, relation_idx, axis=0)
    r_re = jnp.cos(phase)
    r_im = jnp.sin(phase)
    pos_score = _score(h_re, h_im, r_re, r_im, t_re, t_im)
    neg_re = jnp.take(entity_re, negative_idx, axis=0)  # [B, K, D]
    neg_im = jnp.take(entity_im, negative_idx, axis=0)
    neg_score = _score(h_re[:, None, :], h_im[:, None, :], r_re[:, None, :], r_im[:, None, :], neg_re, neg_im)
    return (pos_score, neg_score)

if __name__ == "__main__":
    import jax
    _d = setup_inputs()
    print(jax.jit(kernel)(*tuple(_d.values())))

</pallas_src>

<mosaic_0001>
#map = affine_map<(d0, d1) -> (0, 0)>
#map1 = affine_map<(d0, d1) -> (0)>
module attributes {stable_mosaic.version = 14 : i64} {
  func.func @_body(%arg0: i32, %arg1: i32, %arg2: memref<1000000x128xf32, #tpu.memory_space<hbm>>, %arg3: memref<1000x128xf32, #tpu.memory_space<hbm>>, %arg4: memref<4096xi32, #tpu.memory_space<hbm>>, %arg5: memref<4096xi32, #tpu.memory_space<hbm>>, %arg6: memref<4096xi32, #tpu.memory_space<hbm>>, %arg7: memref<32x8192xi32, #tpu.memory_space<hbm>>, %arg8: memref<4096xf32, #tpu.memory_space<hbm>>, %arg9: memref<4096x64xf32, #tpu.memory_space<hbm>>, %arg10: memref<128xi32, #tpu.memory_space<vmem>>, %arg11: memref<128xi32, #tpu.memory_space<vmem>>, %arg12: memref<128xi32, #tpu.memory_space<vmem>>, %arg13: memref<8192xi32, #tpu.memory_space<vmem>>, %arg14: memref<128x128xf32, #tpu.memory_space<vmem>>, %arg15: memref<128x128xf32, #tpu.memory_space<vmem>>, %arg16: memref<128x128xf32, #tpu.memory_space<vmem>>, %arg17: memref<2x128x128xf32, #tpu.memory_space<vmem>>, %arg18: memref<128xf32, #tpu.memory_space<vmem>>, %arg19: memref<128x64xf32, #tpu.memory_space<vmem>>, %arg20: memref<!tpu.dma_semaphore, #tpu.memory_space<semaphore_mem>>, %arg21: memref<!tpu.dma_semaphore, #tpu.memory_space<semaphore_mem>>, %arg22: memref<!tpu.dma_semaphore, #tpu.memory_space<semaphore_mem>>) attributes {dimension_semantics = [#tpu.dimension_semantics<core_parallel>, #tpu.dimension_semantics<subcore_parallel>], iteration_bounds = array<i64: 2, 16>, scalar_prefetch = 0 : i64, scratch_operands = 13 : i64, tpu.core_type = #tpu.core_type<sc_vector_subcore>, window_params = [{transform_indices = #map}, {transform_indices = #map}, {transform_indices = #map1}, {transform_indices = #map1}, {transform_indices = #map1}, {transform_indices = #map}, {transform_indices = #map1}, {transform_indices = #map}]} {
    %mul3A = arith.constant 2 : i32
    %mul3A_0 = arith.muli %arg1, %mul3A : i32
    %add3A = arith.addi %mul3A_0, %arg0 : i32
    %mul3A_1 = arith.constant 128 : i32
    %mul3A_2 = arith.muli %add3A, %mul3A_1 : i32
    %iota3A = tpu.iota {dimensions = array<i32: 0>} : vector<16xi32>
    %broadcast_in_dim3A = arith.constant 0.000000e+00 : f32
    %broadcast_in_dim3A_3 = vector.broadcast %broadcast_in_dim3A : f32 to vector<16xf32>
    "tpu.region"() ({
      %run_scoped3A = tpu.sem_alloc : memref<!tpu.dma_semaphore, #tpu.memory_space<semaphore_mem>>
      %dma_start3A_60 = tpu.memref_slice %arg4[%mul3A_2] : memref<4096xi32, #tpu.memory_space<hbm>> -> memref<128xi32, #tpu.memory_space<hbm>>
      %dma_start3A_61 = tpu.memref_slice %arg4[%mul3A_2] : memref<4096xi32, #tpu.memory_space<hbm>> -> memref<128xi32, #tpu.memory_space<hbm>>
      tpu.enqueue_dma source(%dma_start3A_61 : memref<128xi32, #tpu.memory_space<hbm>>) target(%arg10 : memref<128xi32, #tpu.memory_space<vmem>>) target_semaphore(%run_scoped3A : memref<!tpu.dma_semaphore, #tpu.memory_space<semaphore_mem>>)
      %dma_wait3A_62 = tpu.memref_slice %arg4[%mul3A_2] : memref<4096xi32, #tpu.memory_space<hbm>> -> memref<128xi32, #tpu.memory_space<hbm>>
      %dma_wait3A_63 = tpu.memref_slice %arg4[%mul3A_2] : memref<4096xi32, #tpu.memory_space<hbm>> -> memref<128xi32, #tpu.memory_space<hbm>>
      tpu.wait_dma2 semaphore(%run_scoped3A : memref<!tpu.dma_semaphore, #tpu.memory_space<semaphore_mem>>) src(%dma_wait3A_63 : memref<128xi32, #tpu.memory_space<hbm>>) dst(%arg10 : memref<128xi32, #tpu.memory_space<vmem>>)
      tpu.yield
    }) : () -> ()
    "tpu.region"() ({
      %run_scoped3A = tpu.sem_alloc : memref<!tpu.dma_semaphore, #tpu.memory_space<semaphore_mem>>
      %dma_start3A_60 = tpu.memref_slice %arg5[%mul3A_2] : memref<4096xi32, #tpu.memory_space<hbm>> -> memref<128xi32, #tpu.memory_space<hbm>>
      %dma_start3A_61 = tpu.memref_slice %arg5[%mul3A_2] : memref<4096xi32, #tpu.memory_space<hbm>> -> memref<128xi32, #tpu.memory_space<hbm>>
      tpu.enqueue_dma source(%dma_start3A_61 : memref<128xi32, #tpu.memory_space<hbm>>) target(%arg11 : memref<128xi32, #tpu.memory_space<vmem>>) target_semaphore(%run_scoped3A : memref<!tpu.dma_semaphore, #tpu.memory_space<semaphore_mem>>)
      %dma_wait3A_62 = tpu.memref_slice %arg5[%mul3A_2] : memref<4096xi32, #tpu.memory_space<hbm>> -> memref<128xi32, #tpu.memory_space<hbm>>
      %dma_wait3A_63 = tpu.memref_slice %arg5[%mul3A_2] : memref<4096xi32, #tpu.memory_space<hbm>> -> memref<128xi32, #tpu.memory_space<hbm>>
      tpu.wait_dma2 semaphore(%run_scoped3A : memref<!tpu.dma_semaphore, #tpu.memory_space<semaphore_mem>>) src(%dma_wait3A_63 : memref<128xi32, #tpu.memory_space<hbm>>) dst(%arg11 : memref<128xi32, #tpu.memory_space<vmem>>)
      tpu.yield
    }) : () -> ()
    "tpu.region"() ({
      %run_scoped3A = tpu.sem_alloc : memref<!tpu.dma_semaphore, #tpu.memory_space<semaphore_mem>>
      %dma_start3A_60 = tpu.memref_slice %arg6[%mul3A_2] : memref<4096xi32, #tpu.memory_space<hbm>> -> memref<128xi32, #tpu.memory_space<hbm>>
      %dma_start3A_61 = tpu.memref_slice %arg6[%mul3A_2] : memref<4096xi32, #tpu.memory_space<hbm>> -> memref<128xi32, #tpu.memory_space<hbm>>
      tpu.enqueue_dma source(%dma_start3A_61 : memref<128xi32, #tpu.memory_space<hbm>>) target(%arg12 : memref<128xi32, #tpu.memory_space<vmem>>) target_semaphore(%run_scoped3A : memref<!tpu.dma_semaphore, #tpu.memory_space<semaphore_mem>>)
      %dma_wait3A_62 = tpu.memref_slice %arg6[%mul3A_2] : memref<4096xi32, #tpu.memory_space<hbm>> -> memref<128xi32, #tpu.memory_space<hbm>>
      %dma_wait3A_63 = tpu.memref_slice %arg6[%mul3A_2] : memref<4096xi32, #tpu.memory_space<hbm>> -> memref<128xi32, #tpu.memory_space<hbm>>
      tpu.wait_dma2 semaphore(%run_scoped3A : memref<!tpu.dma_semaphore, #tpu.memory_space<semaphore_mem>>) src(%dma_wait3A_63 : memref<128xi32, #tpu.memory_space<hbm>>) dst(%arg12 : memref<128xi32, #tpu.memory_space<vmem>>)
      tpu.yield
    }) : () -> ()
    "tpu.region"() ({
      %run_scoped3A = tpu.sem_alloc : memref<!tpu.dma_semaphore, #tpu.memory_space<semaphore_mem>>
      %dma_start3A_60 = arith.constant 0 : i32
      %dma_start3A_61 = tpu.memref_slice %arg7[%add3A, %dma_start3A_60] : memref<32x8192xi32, #tpu.memory_space<hbm>> -> memref<1x8192xi32, #tpu.memory_space<hbm>>
      %dma_start3A_62 = tpu.memref_squeeze %dma_start3A_61 : memref<1x8192xi32, #tpu.memory_space<hbm>> -> memref<8192xi32, #tpu.memory_space<hbm>>
      %dma_start3A_63 = arith.constant 0 : i32
      %dma_start3A_64 = tpu.memref_slice %arg7[%add3A, %dma_start3A_63] : memref<32x8192xi32, #tpu.memory_space<hbm>> -> memref<1x8192xi32, #tpu.memory_space<hbm>>
      %dma_start3A_65 = tpu.memref_squeeze %dma_start3A_64 : memref<1x8192xi32, #tpu.memory_space<hbm>> -> memref<8192xi32, #tpu.memory_space<hbm>>
      tpu.enqueue_dma source(%dma_start3A_65 : memref<8192xi32, #tpu.memory_space<hbm>>) target(%arg13 : memref<8192xi32, #tpu.memory_space<vmem>>) target_semaphore(%run_scoped3A : memref<!tpu.dma_semaphore, #tpu.memory_space<semaphore_mem>>)
      %dma_wait3A_66 = arith.constant 0 : i32
      %dma_wait3A_67 = tpu.memref_slice %arg7[%add3A, %dma_wait3A_66] : memref<32x8192xi32, #tpu.memory_space<hbm>> -> memref<1x8192xi32, #tpu.memory_space<hbm>>
      %dma_wait3A_68 = tpu.memref_squeeze %dma_wait3A_67 : memref<1x8192xi32, #tpu.memory_space<hbm>> -> memref<8192xi32, #tpu.memory_space<hbm>>
      %dma_wait3A_69 = arith.constant 0 : i32
      %dma_wait3A_70 = tpu.memref_slice %arg7[%add3A, %dma_wait3A_69] : memref<32x8192xi32, #tpu.memory_space<hbm>> -> memref<1x8192xi32, #tpu.memory_space<hbm>>
      %dma_wait3A_71 = tpu.memref_squeeze %dma_wait3A_70 : memref<1x8192xi32, #tpu.memory_space<hbm>> -> memref<8192xi32, #tpu.memory_space<hbm>>
      tpu.wait_dma2 semaphore(%run_scoped3A : memref<!tpu.dma_semaphore, #tpu.memory_space<semaphore_mem>>) src(%dma_wait3A_71 : memref<8192xi32, #tpu.memory_space<hbm>>) dst(%arg13 : memref<8192xi32, #tpu.memory_space<vmem>>)
      tpu.yield
    }) : () -> ()
    %dma_start3A = arith.constant 0 : i32
    %dma_start3A_4 = arith.constant 0 : i32
    %dma_start3A_5 = arith.constant 0 : i32
    %dma_start3A_6 = tpu.memref_slice %arg17[%dma_start3A, %dma_start3A_4, %dma_start3A_5] : memref<2x128x128xf32, #tpu.memory_space<vmem>> -> memref<1x128x128xf32, #tpu.memory_space<vmem>>
    %dma_start3A_7 = tpu.memref_squeeze %dma_start3A_6 : memref<1x128x128xf32, #tpu.memory_space<vmem>> -> memref<128x128xf32, #tpu.memory_space<vmem>>
    %dma_start3A_8 = arith.constant 0 : i32
    %dma_start3A_9 = tpu.memref_slice %arg13[%dma_start3A_8] : memref<8192xi32, #tpu.memory_space<vmem>> -> memref<128xi32, #tpu.memory_space<vmem>>
    %dma_start3A_10 = arith.constant 0 : i32
    %dma_start3A_11 = arith.constant 0 : i32
    %dma_start3A_12 = tpu.memref_slice %arg2[%dma_start3A_10, %dma_start3A_11] : memref<1000000x128xf32, #tpu.memory_space<hbm>> -> memref<1000000x128xf32, #tpu.memory_space<hbm>>
    tpu.enqueue_indirect_dma source(%dma_start3A_12 : memref<1000000x128xf32, #tpu.memory_space<hbm>>) target(%dma_start3A_7 : memref<128x128xf32, #tpu.memory_space<vmem>>) offsets(%dma_start3A_9 : memref<128xi32, #tpu.memory_space<vmem>>) semaphore(%arg21 : memref<!tpu.dma_semaphore, #tpu.memory_space<semaphore_mem>>)
    %dma_start3A_13 = arith.constant 1 : i32
    %dma_start3A_14 = arith.constant 0 : i32
    %dma_start3A_15 = arith.constant 0 : i32
    %dma_start3A_16 = tpu.memref_slice %arg17[%dma_start3A_13, %dma_start3A_14, %dma_start3A_15] : memref<2x128x128xf32, #tpu.memory_space<vmem>> -> memref<1x128x128xf32, #tpu.memory_space<vmem>>
    %dma_start3A_17 = tpu.memref_squeeze %dma_start3A_16 : memref<1x128x128xf32, #tpu.memory_space<vmem>> -> memref<128x128xf32, #tpu.memory_space<vmem>>
    %dma_start3A_18 = arith.constant 128 : i32
    %dma_start3A_19 = tpu.memref_slice %arg13[%dma_start3A_18] : memref<8192xi32, #tpu.memory_space<vmem>> -> memref<128xi32, #tpu.memory_space<vmem>>
    %dma_start3A_20 = arith.constant 0 : i32
    %dma_start3A_21 = arith.constant 0 : i32
    %dma_start3A_22 = tpu.memref_slice %arg2[%dma_start3A_20, %dma_start3A_21] : memref<1000000x128xf32, #tpu.memory_space<hbm>> -> memref<1000000x128xf32, #tpu.memory_space<hbm>>
    tpu.enqueue_indirect_dma source(%dma_start3A_22 : memref<1000000x128xf32, #tpu.memory_space<hbm>>) target(%dma_start3A_17 : memref<128x128xf32, #tpu.memory_space<vmem>>) offsets(%dma_start3A_19 : memref<128xi32, #tpu.memory_space<vmem>>) semaphore(%arg22 : memref<!tpu.dma_semaphore, #tpu.memory_space<semaphore_mem>>)
    %dma_start3A_23 = arith.constant 0 : i32
    %dma_start3A_24 = arith.constant 0 : i32
    %dma_start3A_25 = tpu.memref_slice %arg2[%dma_start3A_23, %dma_start3A_24] : memref<1000000x128xf32, #tpu.memory_space<hbm>> -> memref<1000000x128xf32, #tpu.memory_space<hbm>>
    tpu.enqueue_indirect_dma source(%dma_start3A_25 : memref<1000000x128xf32, #tpu.memory_space<hbm>>) target(%arg14 : memref<128x128xf32, #tpu.memory_space<vmem>>) offsets(%arg10 : memref<128xi32, #tpu.memory_space<vmem>>) semaphore(%arg20 : memref<!tpu.dma_semaphore, #tpu.memory_space<semaphore_mem>>)
    %dma_start3A_26 = arith.constant 0 : i32
    %dma_start3A_27 = arith.constant 0 : i32
    %dma_start3A_28 = tpu.memref_slice %arg2[%dma_start3A_26, %dma_start3A_27] : memref<1000000x128xf32, #tpu.memory_space<hbm>> -> memref<1000000x128xf32, #tpu.memory_space<hbm>>
    tpu.enqueue_indirect_dma source(%dma_start3A_28 : memref<1000000x128xf32, #tpu.memory_space<hbm>>) target(%arg15 : memref<128x128xf32, #tpu.memory_space<vmem>>) offsets(%arg11 : memref<128xi32, #tpu.memory_space<vmem>>) semaphore(%arg20 : memref<!tpu.dma_semaphore, #tpu.memory_space<semaphore_mem>>)
    %dma_start3A_29 = arith.constant 0 : i32
    %dma_start3A_30 = arith.constant 0 : i32
    %dma_start3A_31 = tpu.memref_slice %arg3[%dma_start3A_29, %dma_start3A_30] : memref<1000x128xf32, #tpu.memory_space<hbm>> -> memref<1000x128xf32, #tpu.memory_space<hbm>>
    tpu.enqueue_indirect_dma source(%dma_start3A_31 : memref<1000x128xf32, #tpu.memory_space<hbm>>) target(%arg16 : memref<128x128xf32, #tpu.memory_space<vmem>>) offsets(%arg12 : memref<128xi32, #tpu.memory_space<vmem>>) semaphore(%arg20 : memref<!tpu.dma_semaphore, #tpu.memory_space<semaphore_mem>>)
    %dma_wait3A = arith.constant 0 : i32
    %dma_wait3A_32 = arith.constant 0 : i32
    %dma_wait3A_33 = tpu.memref_slice %arg2[%dma_wait3A, %dma_wait3A_32] : memref<1000000x128xf32, #tpu.memory_space<hbm>> -> memref<1000000x128xf32, #tpu.memory_space<hbm>>
    tpu.wait_indirect_dma semaphore(%arg20 : memref<!tpu.dma_semaphore, #tpu.memory_space<semaphore_mem>>) src(%dma_wait3A_33 : memref<1000000x128xf32, #tpu.memory_space<hbm>>) dst(%arg14 : memref<128x128xf32, #tpu.memory_space<vmem>>)
    %dma_wait3A_34 = arith.constant 0 : i32
    %dma_wait3A_35 = arith.constant 0 : i32
    %dma_wait3A_36 = tpu.memref_slice %arg2[%dma_wait3A_34, %dma_wait3A_35] : memref<1000000x128xf32, #tpu.memory_space<hbm>> -> memref<1000000x128xf32, #tpu.memory_space<hbm>>
    tpu.wait_indirect_dma semaphore(%arg20 : memref<!tpu.dma_semaphore, #tpu.memory_space<semaphore_mem>>) src(%dma_wait3A_36 : memref<1000000x128xf32, #tpu.memory_space<hbm>>) dst(%arg15 : memref<128x128xf32, #tpu.memory_space<vmem>>)
    %dma_wait3A_37 = arith.constant 0 : i32
    %dma_wait3A_38 = arith.constant 0 : i32
    %dma_wait3A_39 = tpu.memref_slice %arg3[%dma_wait3A_37, %dma_wait3A_38] : memref<1000x128xf32, #tpu.memory_space<hbm>> -> memref<1000x128xf32, #tpu.memory_space<hbm>>
    tpu.wait_indirect_dma semaphore(%arg20 : memref<!tpu.dma_semaphore, #tpu.memory_space<semaphore_mem>>) src(%dma_wait3A_39 : memref<1000x128xf32, #tpu.memory_space<hbm>>) dst(%arg16 : memref<128x128xf32, #tpu.memory_space<vmem>>)
    %scan3A = arith.constant 0 : i32
    %scan3A_40 = arith.constant 0 : i32
    %scan3A_41 = arith.constant 128 : i32
    %scan3A_42 = arith.addi %scan3A_40, %scan3A_41 : i32
    %scan3A_43 = arith.constant 1 : i32
    %scan3A_44 = scf.for %scan3A_60 = %scan3A_40 to %scan3A_42 step %scan3A_43 iter_args(%scan3A_61 = %scan3A) -> (i32)  : i32 {
      %get3A = arith.index_cast %scan3A_60 : i32 to index
      %get3A_62 = arith.constant 0 : index
      %get3A_63 = tpu.vector_load %arg16[%get3A, %get3A_62] {strides = array<i32>} : memref<128x128xf32, #tpu.memory_space<vmem>>, vector<16xf32>,
      %mul3A_64 = arith.mulf %get3A_63, %get3A_63 : vector<16xf32>
      %mul3A_65 = arith.constant -2.05342445E-8 : f32
      %mul3A_66 = vector.broadcast %mul3A_65 : f32 to vector<16xf32>
      %mul3A_67 = arith.mulf %mul3A_66, %mul3A_64 : vector<16xf32>
      %add3A_68 = arith.constant 2.70405121E-6 : f32
      %add3A_69 = vector.broadcast %add3A_68 : f32 to vector<16xf32>
      %add3A_70 = arith.addf %mul3A_67, %add3A_69 : vector<16xf32>
      %mul3A_71 = arith.mulf %add3A_70, %mul3A_64 : vector<16xf32>
      %add3A_72 = arith.constant -1.98125752E-4 : f32
      %add3A_73 = vector.broadcast %add3A_72 : f32 to vector<16xf32>
      %add3A_74 = arith.addf %mul3A_71, %add3A_73 : vector<16xf32>
      %mul3A_75 = arith.mulf %add3A_74, %mul3A_64 : vector<16xf32>
      %add3A_76 = arith.constant 0.00833255798 : f32
      %add3A_77 = vector.broadcast %add3A_76 : f32 to vector<16xf32>
      %add3A_78 = arith.addf %mul3A_75, %add3A_77 : vector<16xf32>
      %mul3A_79 = arith.mulf %add3A_78, %mul3A_64 : vector<16xf32>
      %add3A_80 = arith.constant -0.166665778 : f32
      %add3A_81 = vector.broadcast %add3A_80 : f32 to vector<16xf32>
      %add3A_82 = arith.addf %mul3A_79, %add3A_81 : vector<16xf32>
      %mul3A_83 = arith.mulf %add3A_82, %mul3A_64 : vector<16xf32>
      %add3A_84 = arith.constant 0.999999701 : f32
      %add3A_85 = vector.broadcast %add3A_84 : f32 to vector<16xf32>
      %add3A_86 = arith.addf %mul3A_83, %add3A_85 : vector<16xf32>
      %mul3A_87 = arith.mulf %add3A_86, %get3A_63 : vector<16xf32>
      %mul3A_88 = arith.constant -2.21941292E-7 : f32
      %mul3A_89 = vector.broadcast %mul3A_88 : f32 to vector<16xf32>
      %mul3A_90 = arith.mulf %mul3A_89, %mul3A_64 : vector<16xf32>
      %add3A_91 = arith.constant 2.42532296E-5 : f32
      %add3A_92 = vector.broadcast %add3A_91 : f32 to vector<16xf32>
      %add3A_93 = arith.addf %mul3A_90, %add3A_92 : vector<16xf32>
      %mul3A_94 = arith.mulf %add3A_93, %mul3A_64 : vector<16xf32>
      %add3A_95 = arith.constant -0.00138627505 : f32
      %add3A_96 = vector.broadcast %add3A_95 : f32 to vector<16xf32>
      %add3A_97 = arith.addf %mul3A_94, %add3A_96 : vector<16xf32>
      %mul3A_98 = arith.mulf %add3A_97, %mul3A_64 : vector<16xf32>
      %add3A_99 = arith.constant 0.0416610353 : f32
      %add3A_100 = vector.broadcast %add3A_99 : f32 to vector<16xf32>
      %add3A_101 = arith.addf %mul3A_98, %add3A_100 : vector<16xf32>
      %mul3A_102 = arith.mulf %add3A_101, %mul3A_64 : vector<16xf32>
      %add3A_103 = arith.constant -0.499995589 : f32
      %add3A_104 = vector.broadcast %add3A_103 : f32 to vector<16xf32>
      %add3A_105 = arith.addf %mul3A_102, %add3A_104 : vector<16xf32>
      %mul3A_106 = arith.mulf %add3A_105, %mul3A_64 : vector<16xf32>
      %add3A_107 = arith.constant 0.999999463 : f32
      %add3A_108 = vector.broadcast %add3A_107 : f32 to vector<16xf32>
      %add3A_109 = arith.addf %mul3A_106, %add3A_108 : vector<16xf32>
      %get3A_110 = arith.index_cast %scan3A_60 : i32 to index
      %get3A_111 = arith.constant 0 : index
      %get3A_112 = tpu.vector_load %arg14[%get3A_110, %get3A_111] {strides = array<i32>} : memref<128x128xf32, #tpu.memory_space<vmem>>, vector<16xf32>,
      %get3A_113 = arith.index_cast %scan3A_60 : i32 to index
      %get3A_114 = arith.constant 64 : index
      %get3A_115 = tpu.vector_load %arg14[%get3A_113, %get3A_114] {strides = array<i32>} : memref<128x128xf32, #tpu.memory_space<vmem>>, vector<16xf32>,
      %mul3A_116 = arith.mulf %get3A_112, %add3A_109 : vector<16xf32>
      %mul3A_117 = arith.mulf %get3A_115, %mul3A_87 : vector<16xf32>
      %sub3A = arith.subf %mul3A_116, %mul3A_117 : vector<16xf32>
      %swap3A = arith.index_cast %scan3A_60 : i32 to index
      %swap3A_118 = arith.constant 0 : index
      %swap3A_119 = tpu.vector_load %arg14[%swap3A, %swap3A_118] {strides = array<i32>} : memref<128x128xf32, #tpu.memory_space<vmem>>, vector<16xf32>,
      tpu.vector_store %arg14[%swap3A, %swap3A_118], %sub3A {strides = array<i32>} : memref<128x128xf32, #tpu.memory_space<vmem>>, vector<16xf32>,
      %mul3A_120 = arith.mulf %get3A_112, %mul3A_87 : vector<16xf32>
      %mul3A_121 = arith.mulf %get3A_115, %add3A_109 : vector<16xf32>
      %add3A_122 = arith.addf %mul3A_120, %mul3A_121 : vector<16xf32>
      %swap3A_123 = arith.index_cast %scan3A_60 : i32 to index
      %swap3A_124 = arith.constant 64 : index
      %swap3A_125 = tpu.vector_load %arg14[%swap3A_123, %swap3A_124] {strides = array<i32>} : memref<128x128xf32, #tpu.memory_space<vmem>>, vector<16xf32>,
      tpu.vector_store %arg14[%swap3A_123, %swap3A_124], %add3A_122 {strides = array<i32>} : memref<128x128xf32, #tpu.memory_space<vmem>>, vector<16xf32>,
      %get3A_126 = arith.index_cast %scan3A_60 : i32 to index
      %get3A_127 = arith.constant 16 : index
      %get3A_128 = tpu.vector_load %arg16[%get3A_126, %get3A_127] {strides = array<i32>} : memref<128x128xf32, #tpu.memory_space<vmem>>, vector<16xf32>,
      %mul3A_129 = arith.mulf %get3A_128, %get3A_128 : vector<16xf32>
      %mul3A_130 = arith.constant -2.05342445E-8 : f32
      %mul3A_131 = vector.broadcast %mul3A_130 : f32 to vector<16xf32>
      %mul3A_132 = arith.mulf %mul3A_131, %mul3A_129 : vector<16xf32>
      %add3A_133 = arith.constant 2.70405121E-6 : f32
      %add3A_134 = vector.broadcast %add3A_133 : f32 to vector<16xf32>
      %add3A_135 = arith.addf %mul3A_132, %add3A_134 : vector<16xf32>
      %mul3A_136 = arith.mulf %add3A_135, %mul3A_129 : vector<16xf32>
      %add3A_137 = arith.constant -1.98125752E-4 : f32
      %add3A_138 = vector.broadcast %add3A_137 : f32 to vector<16xf32>
      %add3A_139 = arith.addf %mul3A_136, %add3A_138 : vector<16xf32>
      %mul3A_140 = arith.mulf %add3A_139, %mul3A_129 : vector<16xf32>
      %add3A_141 = arith.constant 0.00833255798 : f32
      %add3A_142 = vector.broadcast %add3A_141 : f32 to vector<16xf32>
      %add3A_143 = arith.addf %mul3A_140, %add3A_142 : vector<16xf32>
      %mul3A_144 = arith.mulf %add3A_143, %mul3A_129 : vector<16xf32>
      %add3A_145 = arith.constant -0.166665778 : f32
      %add3A_146 = vector.broadcast %add3A_145 : f32 to vector<16xf32>
      %add3A_147 = arith.addf %mul3A_144, %add3A_146 : vector<16xf32>
      %mul3A_148 = arith.mulf %add3A_147, %mul3A_129 : vector<16xf32>
      %add3A_149 = arith.constant 0.999999701 : f32
      %add3A_150 = vector.broadcast %add3A_149 : f32 to vector<16xf32>
      %add3A_151 = arith.addf %mul3A_148, %add3A_150 : vector<16xf32>
      %mul3A_152 = arith.mulf %add3A_151, %get3A_128 : vector<16xf32>
      %mul3A_153 = arith.constant -2.21941292E-7 : f32
      %mul3A_154 = vector.broadcast %mul3A_153 : f32 to vector<16xf32>
      %mul3A_155 = arith.mulf %mul3A_154, %mul3A_129 : vector<16xf32>
      %add3A_156 = arith.constant 2.42532296E-5 : f32
      %add3A_157 = vector.broadcast %add3A_156 : f32 to vector<16xf32>
      %add3A_158 = arith.addf %mul3A_155, %add3A_157 : vector<16xf32>
      %mul3A_159 = arith.mulf %add3A_158, %mul3A_129 : vector<16xf32>
      %add3A_160 = arith.constant -0.00138627505 : f32
      %add3A_161 = vector.broadcast %add3A_160 : f32 to vector<16xf32>
      %add3A_162 = arith.addf %mul3A_159, %add3A_161 : vector<16xf32>
      %mul3A_163 = arith.mulf %add3A_162, %mul3A_129 : vector<16xf32>
      %add3A_164 = arith.constant 0.0416610353 : f32
      %add3A_165 = vector.broadcast %add3A_164 : f32 to vector<16xf32>
      %add3A_166 = arith.addf %mul3A_163, %add3A_165 : vector<16xf32>
      %mul3A_167 = arith.mulf %add3A_166, %mul3A_129 : vector<16xf32>
      %add3A_168 = arith.constant -0.499995589 : f32
      %add3A_169 = vector.broadcast %add3A_168 : f32 to vector<16xf32>
      %add3A_170 = arith.addf %mul3A_167, %add3A_169 : vector<16xf32>
      %mul3A_171 = arith.mulf %add3A_170, %mul3A_129 : vector<16xf32>
      %add3A_172 = arith.constant 0.999999463 : f32
      %add3A_173 = vector.broadcast %add3A_172 : f32 to vector<16xf32>
      %add3A_174 = arith.addf %mul3A_171, %add3A_173 : vector<16xf32>
      %get3A_175 = arith.index_cast %scan3A_60 : i32 to index
      %get3A_176 = arith.constant 16 : index
      %get3A_177 = tpu.vector_load %arg14[%get3A_175, %get3A_176] {strides = array<i32>} : memref<128x128xf32, #tpu.memory_space<vmem>>, vector<16xf32>,
      %get3A_178 = arith.index_cast %scan3A_60 : i32 to index
      %get3A_179 = arith.constant 80 : index
      %get3A_180 = tpu.vector_load %arg14[%get3A_178, %get3A_179] {strides = array<i32>} : memref<128x128xf32, #tpu.memory_space<vmem>>, vector<16xf32>,
      %mul3A_181 = arith.mulf %get3A_177, %add3A_174 : vector<16xf32>
      %mul3A_182 = arith.mulf %get3A_180, %mul3A_152 : vector<16xf32>
      %sub3A_183 = arith.subf %mul3A_181, %mul3A_182 : vector<16xf32>
      %swap3A_184 = arith.index_cast %scan3A_60 : i32 to index
      %swap3A_185 = arith.constant 16 : index
      %swap3A_186 = tpu.vector_load %arg14[%swap3A_184, %swap3A_185] {strides = array<i32>} : memref<128x128xf32, #tpu.memory_space<vmem>>, vector<16xf32>,
      tpu.vector_store %arg14[%swap3A_184, %swap3A_185], %sub3A_183 {strides = array<i32>} : memref<128x128xf32, #tpu.memory_space<vmem>>, vector<16xf32>,
      %mul3A_187 = arith.mulf %get3A_177, %mul3A_152 : vector<16xf32>
      %mul3A_188 = arith.mulf %get3A_180, %add3A_174 : vector<16xf32>
      %add3A_189 = arith.addf %mul3A_187, %mul3A_188 : vector<16xf32>
      %swap3A_190 = arith.index_cast %scan3A_60 : i32 to index
      %swap3A_191 = arith.constant 80 : index
      %swap3A_192 = tpu.vector_load %arg14[%swap3A_190, %swap3A_191] {strides = array<i32>} : memref<128x128xf32, #tpu.memory_space<vmem>>, vector<16xf32>,
      tpu.vector_store %arg14[%swap3A_190, %swap3A_191], %add3A_189 {strides = array<i32>} : memref<128x128xf32, #tpu.memory_space<vmem>>, vector<16xf32>,
      %get3A_193 = arith.index_cast %scan3A_60 : i32 to index
      %get3A_194 = arith.constant 32 : index
      %get3A_195 = tpu.vector_load %arg16[%get3A_193, %get3A_194] {strides = array<i32>} : memref<128x128xf32, #tpu.memory_space<vmem>>, vector<16xf32>,
      %mul3A_196 = arith.mulf %get3A_195, %get3A_195 : vector<16xf32>
      %mul3A_197 = arith.constant -2.05342445E-8 : f32
      %mul3A_198 = vector.broadcast %mul3A_197 : f32 to vector<16xf32>
      %mul3A_199 = arith.mulf %mul3A_198, %mul3A_196 : vector<16xf32>
      %add3A_200 = arith.constant 2.70405121E-6 : f32
      %add3A_201 = vector.broadcast %add3A_200 : f32 to vector<16xf32>
      %add3A_202 = arith.addf %mul3A_199, %add3A_201 : vector<16xf32>
      %mul3A_203 = arith.mulf %add3A_202, %mul3A_196 : vector<16xf32>
      %add3A_204 = arith.constant -1.98125752E-4 : f32
      %add3A_205 = vector.broadcast %add3A_204 : f32 to vector<16xf32>
      %add3A_206 = arith.addf %mul3A_203, %add3A_205 : vector<16xf32>
      %mul3A_207 = arith.mulf %add3A_206, %mul3A_196 : vector<16xf32>
      %add3A_208 = arith.constant 0.00833255798 : f32
      %add3A_209 = vector.broadcast %add3A_208 : f32 to vector<16xf32>
      %add3A_210 = arith.addf %mul3A_207, %add3A_209 : vector<16xf32>
      %mul3A_211 = arith.mulf %add3A_210, %mul3A_196 : vector<16xf32>
      %add3A_212 = arith.constant -0.166665778 : f32
      %add3A_213 = vector.broadcast %add3A_212 : f32 to vector<16xf32>
      %add3A_214 = arith.addf %mul3A_211, %add3A_213 : vector<16xf32>
      %mul3A_215 = arith.mulf %add3A_214, %mul3A_196 : vector<16xf32>
      %add3A_216 = arith.constant 0.999999701 : f32
      %add3A_217 = vector.broadcast %add3A_216 : f32 to vector<16xf32>
      %add3A_218 = arith.addf %mul3A_215, %add3A_217 : vector<16xf32>
      %mul3A_219 = arith.mulf %add3A_218, %get3A_195 : vector<16xf32>
      %mul3A_220 = arith.constant -2.21941292E-7 : f32
      %mul3A_221 = vector.broadcast %mul3A_220 : f32 to vector<16xf32>
      %mul3A_222 = arith.mulf %mul3A_221, %mul3A_196 : vector<16xf32>
      %add3A_223 = arith.constant 2.42532296E-5 : f32
      %add3A_224 = vector.broadcast %add3A_223 : f32 to vector<16xf32>
      %add3A_225 = arith.addf %mul3A_222, %add3A_224 : vector<16xf32>
      %mul3A_226 = arith.mulf %add3A_225, %mul3A_196 : vector<16xf32>
      %add3A_227 = arith.constant -0.00138627505 : f32
      %add3A_228 = vector.broadcast %add3A_227 : f32 to vector<16xf32>
      %add3A_229 = arith.addf %mul3A_226, %add3A_228 : vector<16xf32>
      %mul3A_230 = arith.mulf %add3A_229, %mul3A_196 : vector<16xf32>
      %add3A_231 = arith.constant 0.0416610353 : f32
      %add3A_232 = vector.broadcast %add3A_231 : f32 to vector<16xf32>
      %add3A_233 = arith.addf %mul3A_230, %add3A_232 : vector<16xf32>
      %mul3A_234 = arith.mulf %add3A_233, %mul3A_196 : vector<16xf32>
      %add3A_235 = arith.constant -0.499995589 : f32
      %add3A_236 = vector.broadcast %add3A_235 : f32 to vector<16xf32>
      %add3A_237 = arith.addf %mul3A_234, %add3A_236 : vector<16xf32>
      %mul3A_238 = arith.mulf %add3A_237, %mul3A_196 : vector<16xf32>
      %add3A_239 = arith.constant 0.999999463 : f32
      %add3A_240 = vector.broadcast %add3A_239 : f32 to vector<16xf32>
      %add3A_241 = arith.addf %mul3A_238, %add3A_240 : vector<16xf32>
      %get3A_242 = arith.index_cast %scan3A_60 : i32 to index
      %get3A_243 = arith.constant 32 : index
      %get3A_244 = tpu.vector_load %arg14[%get3A_242, %get3A_243] {strides = array<i32>} : memref<128x128xf32, #tpu.memory_space<vmem>>, vector<16xf32>,
      %get3A_245 = arith.index_cast %scan3A_60 : i32 to index
      %get3A_246 = arith.constant 96 : index
      %get3A_247 = tpu.vector_load %arg14[%get3A_245, %get3A_246] {strides = array<i32>} : memref<128x128xf32, #tpu.memory_space<vmem>>, vector<16xf32>,
      %mul3A_248 = arith.mulf %get3A_244, %add3A_241 : vector<16xf32>
      %mul3A_249 = arith.mulf %get3A_247, %mul3A_219 : vector<16xf32>
      %sub3A_250 = arith.subf %mul3A_248, %mul3A_249 : vector<16xf32>
      %swap3A_251 = arith.index_cast %scan3A_60 : i32 to index
      %swap3A_252 = arith.constant 32 : index
      %swap3A_253 = tpu.vector_load %arg14[%swap3A_251, %swap3A_252] {strides = array<i32>} : memref<128x128xf32, #tpu.memory_space<vmem>>, vector<16xf32>,
      tpu.vector_store %arg14[%swap3A_251, %swap3A_252], %sub3A_250 {strides = array<i32>} : memref<128x128xf32, #tpu.memory_space<vmem>>, vector<16xf32>,
      %mul3A_254 = arith.mulf %get3A_244, %mul3A_219 : vector<16xf32>
      %mul3A_255 = arith.mulf %get3A_247, %add3A_241 : vector<16xf32>
      %add3A_256 = arith.addf %mul3A_254, %mul3A_255 : vector<16xf32>
      %swap3A_257 = arith.index_cast %scan3A_60 : i32 to index
      %swap3A_258 = arith.constant 96 : index
      %swap3A_259 = tpu.vector_load %arg14[%swap3A_257, %swap3A_258] {strides = array<i32>} : memref<128x128xf32, #tpu.memory_space<vmem>>, vector<16xf32>,
      tpu.vector_store %arg14[%swap3A_257, %swap3A_258], %add3A_256 {strides = array<i32>} : memref<128x128xf32, #tpu.memory_space<vmem>>, vector<16xf32>,
      %get3A_260 = arith.index_cast %scan3A_60 : i32 to index
      %get3A_261 = arith.constant 48 : index
      %get3A_262 = tpu.vector_load %arg16[%get3A_260, %get3A_261] {strides = array<i32>} : memref<128x128xf32, #tpu.memory_space<vmem>>, vector<16xf32>,
      %mul3A_263 = arith.mulf %get3A_262, %get3A_262 : vector<16xf32>
      %mul3A_264 = arith.constant -2.05342445E-8 : f32
      %mul3A_265 = vector.broadcast %mul3A_264 : f32 to vector<16xf32>
      %mul3A_266 = arith.mulf %mul3A_265, %mul3A_263 : vector<16xf32>
      %add3A_267 = arith.constant 2.70405121E-6 : f32
      %add3A_268 = vector.broadcast %add3A_267 : f32 to vector<16xf32>
      %add3A_269 = arith.addf %mul3A_266, %add3A_268 : vector<16xf32>
      %mul3A_270 = arith.mulf %add3A_269, %mul3A_263 : vector<16xf32>
      %add3A_271 = arith.constant -1.98125752E-4 : f32
      %add3A_272 = vector.broadcast %add3A_271 : f32 to vector<16xf32>
      %add3A_273 = arith.addf %mul3A_270, %add3A_272 : vector<16xf32>
      %mul3A_274 = arith.mulf %add3A_273, %mul3A_263 : vector<16xf32>
      %add3A_275 = arith.constant 0.00833255798 : f32
      %add3A_276 = vector.broadcast %add3A_275 : f32 to vector<16xf32>
      %add3A_277 = arith.addf %mul3A_274, %add3A_276 : vector<16xf32>
      %mul3A_278 = arith.mulf %add3A_277, %mul3A_263 : vector<16xf32>
      %add3A_279 = arith.constant -0.166665778 : f32
      %add3A_280 = vector.broadcast %add3A_279 : f32 to vector<16xf32>
      %add3A_281 = arith.addf %mul3A_278, %add3A_280 : vector<16xf32>
      %mul3A_282 = arith.mulf %add3A_281, %mul3A_263 : vector<16xf32>
      %add3A_283 = arith.constant 0.999999701 : f32
      %add3A_284 = vector.broadcast %add3A_283 : f32 to vector<16xf32>
      %add3A_285 = arith.addf %mul3A_282, %add3A_284 : vector<16xf32>
      %mul3A_286 = arith.mulf %add3A_285, %get3A_262 : vector<16xf32>
      %mul3A_287 = arith.constant -2.21941292E-7 : f32
      %mul3A_288 = vector.broadcast %mul3A_287 : f32 to vector<16xf32>
      %mul3A_289 = arith.mulf %mul3A_288, %mul3A_263 : vector<16xf32>
      %add3A_290 = arith.constant 2.42532296E-5 : f32
      %add3A_291 = vector.broadcast %add3A_290 : f32 to vector<16xf32>
      %add3A_292 = arith.addf %mul3A_289, %add3A_291 : vector<16xf32>
      %mul3A_293 = arith.mulf %add3A_292, %mul3A_263 : vector<16xf32>
      %add3A_294 = arith.constant -0.00138627505 : f32
      %add3A_295 = vector.broadcast %add3A_294 : f32 to vector<16xf32>
      %add3A_296 = arith.addf %mul3A_293, %add3A_295 : vector<16xf32>
      %mul3A_297 = arith.mulf %add3A_296, %mul3A_263 : vector<16xf32>
      %add3A_298 = arith.constant 0.0416610353 : f32
      %add3A_299 = vector.broadcast %add3A_298 : f32 to vector<16xf32>
      %add3A_300 = arith.addf %mul3A_297, %add3A_299 : vector<16xf32>
      %mul3A_301 = arith.mulf %add3A_300, %mul3A_263 : vector<16xf32>
      %add3A_302 = arith.constant -0.499995589 : f32
      %add3A_303 = vector.broadcast %add3A_302 : f32 to vector<16xf32>
      %add3A_304 = arith.addf %mul3A_301, %add3A_303 : vector<16xf32>
      %mul3A_305 = arith.mulf %add3A_304, %mul3A_263 : vector<16xf32>
      %add3A_306 = arith.constant 0.999999463 : f32
      %add3A_307 = vector.broadcast %add3A_306 : f32 to vector<16xf32>
      %add3A_308 = arith.addf %mul3A_305, %add3A_307 : vector<16xf32>
      %get3A_309 = arith.index_cast %scan3A_60 : i32 to index
      %get3A_310 = arith.constant 48 : index
      %get3A_311 = tpu.vector_load %arg14[%get3A_309, %get3A_310] {strides = array<i32>} : memref<128x128xf32, #tpu.memory_space<vmem>>, vector<16xf32>,
      %get3A_312 = arith.index_cast %scan3A_60 : i32 to index
      %get3A_313 = arith.constant 112 : index
      %get3A_314 = tpu.vector_load %arg14[%get3A_312, %get3A_313] {strides = array<i32>} : memref<128x128xf32, #tpu.memory_space<vmem>>, vector<16xf32>,
      %mul3A_315 = arith.mulf %get3A_311, %add3A_308 : vector<16xf32>
      %mul3A_316 = arith.mulf %get3A_314, %mul3A_286 : vector<16xf32>
      %sub3A_317 = arith.subf %mul3A_315, %mul3A_316 : vector<16xf32>
      %swap3A_318 = arith.index_cast %scan3A_60 : i32 to index
      %swap3A_319 = arith.constant 48 : index
      %swap3A_320 = tpu.vector_load %arg14[%swap3A_318, %swap3A_319] {strides = array<i32>} : memref<128x128xf32, #tpu.memory_space<vmem>>, vector<16xf32>,
      tpu.vector_store %arg14[%swap3A_318, %swap3A_319], %sub3A_317 {strides = array<i32>} : memref<128x128xf32, #tpu.memory_space<vmem>>, vector<16xf32>,
      %mul3A_321 = arith.mulf %get3A_311, %mul3A_286 : vector<16xf32>
      %mul3A_322 = arith.mulf %get3A_314, %add3A_308 : vector<16xf32>
      %add3A_323 = arith.addf %mul3A_321, %mul3A_322 : vector<16xf32>
      %swap3A_324 = arith.index_cast %scan3A_60 : i32 to index
      %swap3A_325 = arith.constant 112 : index
      %swap3A_326 = tpu.vector_load %arg14[%swap3A_324, %swap3A_325] {strides = array<i32>} : memref<128x128xf32, #tpu.memory_space<vmem>>, vector<16xf32>,
      tpu.vector_store %arg14[%swap3A_324, %swap3A_325], %add3A_323 {strides = array<i32>} : memref<128x128xf32, #tpu.memory_space<vmem>>, vector<16xf32>,
      %scan3A_327 = arith.constant 0 : i32
      scf.yield %scan3A_327 : i32
    }
    %scan3A_45 = arith.constant 128 : i32
    %scan3A_46 = arith.constant 0 : i32
    %scan3A_47 = arith.constant 0 : i32
    %scan3A_48 = arith.constant 8 : i32
    %scan3A_49 = arith.addi %scan3A_47, %scan3A_48 : i32
    %scan3A_50 = arith.constant 1 : i32
    %scan3A_51 = scf.for %scan3A_60 = %scan3A_47 to %scan3A_49 step %scan3A_50 iter_args(%scan3A_61 = %scan3A_46) -> (i32)  : i32 {
      %mul3A_62 = arith.constant 16 : i32
      %mul3A_63 = arith.muli %scan3A_60, %mul3A_62 : i32
      %add3A_64 = vector.broadcast %mul3A_63 : i32 to vector<16xi32>
      %add3A_65 = arith.addi %add3A_64, %iota3A : vector<16xi32>
      %scan3A_66 = arith.constant 0 : i32
      %scan3A_67 = arith.constant 64 : i32
      %scan3A_68 = arith.addi %scan3A_66, %scan3A_67 : i32
      %scan3A_69 = arith.constant 8 : i32
      %scan3A_70 = scf.for %scan3A_78 = %scan3A_66 to %scan3A_68 step %scan3A_69 iter_args(%scan3A_79 = %broadcast_in_dim3A_3) -> (vector<16xf32>)  : i32 {
        %add3A_80 = vector.broadcast %scan3A_78 : i32 to vector<16xi32>
        %add3A_81 = arith.addi %iota3A, %add3A_80 : vector<16xi32>
        %and3A = arith.constant 63 : i32
        %and3A_82 = vector.broadcast %and3A : i32 to vector<16xi32>
        %and3A_83 = arith.andi %add3A_81, %and3A_82 : vector<16xi32>
        %or3A = arith.constant 64 : i32
        %or3A_84 = vector.broadcast %or3A : i32 to vector<16xi32>
        %or3A_85 = arith.ori %and3A_83, %or3A_84 : vector<16xi32>
        %gather3A = tpu.vector_load_idx %arg14[%add3A_65, %and3A_83] : memref<128x128xf32, #tpu.memory_space<vmem>>[vector<16xi32>, vector<16xi32>], vector<16xf32>,
        %gather3A_86 = tpu.vector_load_idx %arg14[%add3A_65, %or3A_85] : memref<128x128xf32, #tpu.memory_space<vmem>>[vector<16xi32>, vector<16xi32>], vector<16xf32>,
        %gather3A_87 = tpu.vector_load_idx %arg15[%add3A_65, %and3A_83] : memref<128x128xf32, #tpu.memory_space<vmem>>[vector<16xi32>, vector<16xi32>], vector<16xf32>,
        %gather3A_88 = tpu.vector_load_idx %arg15[%add3A_65, %or3A_85] : memref<128x128xf32, #tpu.memory_space<vmem>>[vector<16xi32>, vector<16xi32>], vector<16xf32>,
        %sub3A = arith.subf %gather3A, %gather3A_87 : vector<16xf32>
        %sub3A_89 = arith.subf %gather3A_86, %gather3A_88 : vector<16xf32>
        %mul3A_90 = arith.mulf %sub3A, %sub3A : vector<16xf32>
        %mul3A_91 = arith.mulf %sub3A_89, %sub3A_89 : vector<16xf32>
        %add3A_92 = arith.addf %mul3A_90, %mul3A_91 : vector<16xf32>
        %add3A_93 = arith.constant 9.99999996E-13 : f32
        %add3A_94 = vector.broadcast %add3A_93 : f32 to vector<16xf32>
        %add3A_95 = arith.addf %add3A_92, %add3A_94 : vector<16xf32>
        %bitcast_convert_type3A = tpu.bitcast %add3A_95 : vector<16xf32> -> vector<16xi32>
        %shift_right_arithmetic3A = arith.constant 1 : i32
        %shift_right_arithmetic3A_96 = vector.broadcast %shift_right_arithmetic3A : i32 to vector<16xi32>
        %shift_right_arithmetic3A_97 = arith.shrsi %bitcast_convert_type3A, %shift_right_arithmetic3A_96 : vector<16xi32>
        %sub3A_98 = arith.constant 1597463007 : i32
        %sub3A_99 = vector.broadcast %sub3A_98 : i32 to vector<16xi32>
        %sub3A_100 = arith.subi %sub3A_99, %shift_right_arithmetic3A_97 : vector<16xi32>
        %bitcast_convert_type3A_101 = tpu.bitcast %sub3A_100 : vector<16xi32> -> vector<16xf32>
        %mul3A_102 = arith.constant 5.000000e-01 : f32
        %mul3A_103 = vector.broadcast %mul3A_102 : f32 to vector<16xf32>
        %mul3A_104 = arith.mulf %mul3A_103, %add3A_95 : vector<16xf32>
        %mul3A_105 = arith.mulf %mul3A_104, %bitcast_convert_type3A_101 : vector<16xf32>
        %mul3A_106 = arith.mulf %mul3A_105, %bitcast_convert_type3A_101 : vector<16xf32>
        %sub3A_107 = arith.constant 1.500000e+00 : f32
        %sub3A_108 = vector.broadcast %sub3A_107 : f32 to vector<16xf32>
        %sub3A_109 = arith.subf %sub3A_108, %mul3A_106 : vector<16xf32>
        %mul3A_110 = arith.mulf %bitcast_convert_type3A_101, %sub3A_109 : vector<16xf32>
        %mul3A_111 = arith.mulf %add3A_95, %mul3A_110 : vector<16xf32>
        %add3A_112 = arith.addf %scan3A_79, %mul3A_111 : vector<16xf32>
        %scan3A_113 = arith.constant 1 : i32
        %scan3A_114 = arith.addi %scan3A_78, %scan3A_113 : i32
        %add3A_115 = vector.broadcast %scan3A_114 : i32 to vector<16xi32>
        %add3A_116 = arith.addi %iota3A, %add3A_115 : vector<16xi32>
        %and3A_117 = arith.constant 63 : i32
        %and3A_118 = vector.broadcast %and3A_117 : i32 to vector<16xi32>
        %and3A_119 = arith.andi %add3A_116, %and3A_118 : vector<16xi32>
        %or3A_120 = arith.constant 64 : i32
        %or3A_121 = vector.broadcast %or3A_120 : i32 to vector<16xi32>
        %or3A_122 = arith.ori %and3A_119, %or3A_121 : vector<16xi32>
        %gather3A_123 = tpu.vector_load_idx %arg14[%add3A_65, %and3A_119] : memref<128x128xf32, #tpu.memory_space<vmem>>[vector<16xi32>, vector<16xi32>], vector<16xf32>,
        %gather3A_124 = tpu.vector_load_idx %arg14[%add3A_65, %or3A_122] : memref<128x128xf32, #tpu.memory_space<vmem>>[vector<16xi32>, vector<16xi32>], vector<16xf32>,
        %gather3A_125 = tpu.vector_load_idx %arg15[%add3A_65, %and3A_119] : memref<128x128xf32, #tpu.memory_space<vmem>>[vector<16xi32>, vector<16xi32>], vector<16xf32>,
        %gather3A_126 = tpu.vector_load_idx %arg15[%add3A_65, %or3A_122] : memref<128x128xf32, #tpu.memory_space<vmem>>[vector<16xi32>, vector<16xi32>], vector<16xf32>,
        %sub3A_127 = arith.subf %gather3A_123, %gather3A_125 : vector<16xf32>
        %sub3A_128 = arith.subf %gather3A_124, %gather3A_126 : vector<16xf32>
        %mul3A_129 = arith.mulf %sub3A_127, %sub3A_127 : vector<16xf32>
        %mul3A_130 = arith.mulf %sub3A_128, %sub3A_128 : vector<16xf32>
        %add3A_131 = arith.addf %mul3A_129, %mul3A_130 : vector<16xf32>
        %add3A_132 = arith.constant 9.99999996E-13 : f32
        %add3A_133 = vector.broadcast %add3A_132 : f32 to vector<16xf32>
        %add3A_134 = arith.addf %add3A_131, %add3A_133 : vector<16xf32>
        %bitcast_convert_type3A_135 = tpu.bitcast %add3A_134 : vector<16xf32> -> vector<16xi32>
        %shift_right_arithmetic3A_136 = arith.constant 1 : i32
        %shift_right_arithmetic3A_137 = vector.broadcast %shift_right_arithmetic3A_136 : i32 to vector<16xi32>
        %shift_right_arithmetic3A_138 = arith.shrsi %bitcast_convert_type3A_135, %shift_right_arithmetic3A_137 : vector<16xi32>
        %sub3A_139 = arith.constant 1597463007 : i32
        %sub3A_140 = vector.broadcast %sub3A_139 : i32 to vector<16xi32>
        %sub3A_141 = arith.subi %sub3A_140, %shift_right_arithmetic3A_138 : vector<16xi32>
        %bitcast_convert_type3A_142 = tpu.bitcast %sub3A_141 : vector<16xi32> -> vector<16xf32>
        %mul3A_143 = arith.constant 5.000000e-01 : f32
        %mul3A_144 = vector.broadcast %mul3A_143 : f32 to vector<16xf32>
        %mul3A_145 = arith.mulf %mul3A_144, %add3A_134 : vector<16xf32>
        %mul3A_146 = arith.mulf %mul3A_145, %bitcast_convert_type3A_142 : vector<16xf32>
        %mul3A_147 = arith.mulf %mul3A_146, %bitcast_convert_type3A_142 : vector<16xf32>
        %sub3A_148 = arith.constant 1.500000e+00 : f32
        %sub3A_149 = vector.broadcast %sub3A_148 : f32 to vector<16xf32>
        %sub3A_150 = arith.subf %sub3A_149, %mul3A_147 : vector<16xf32>
        %mul3A_151 = arith.mulf %bitcast_convert_type3A_142, %sub3A_150 : vector<16xf32>
        %mul3A_152 = arith.mulf %add3A_134, %mul3A_151 : vector<16xf32>
        %add3A_153 = arith.addf %add3A_112, %mul3A_152 : vector<16xf32>
        %scan3A_154 = arith.constant 2 : i32
        %scan3A_155 = arith.addi %scan3A_78, %scan3A_154 : i32
        %add3A_156 = vector.broadcast %scan3A_155 : i32 to vector<16xi32>
        %add3A_157 = arith.addi %iota3A, %add3A_156 : vector<16xi32>
        %and3A_158 = arith.constant 63 : i32
        %and3A_159 = vector.broadcast %and3A_158 : i32 to vector<16xi32>
        %and3A_160 = arith.andi %add3A_157, %and3A_159 : vector<16xi32>
        %or3A_161 = arith.constant 64 : i32
        %or3A_162 = vector.broadcast %or3A_161 : i32 to vector<16xi32>
        %or3A_163 = arith.ori %and3A_160, %or3A_162 : vector<16xi32>
        %gather3A_164 = tpu.vector_load_idx %arg14[%add3A_65, %and3A_160] : memref<128x128xf32, #tpu.memory_space<vmem>>[vector<16xi32>, vector<16xi32>], vector<16xf32>,
        %gather3A_165 = tpu.vector_load_idx %arg14[%add3A_65, %or3A_163] : memref<128x128xf32, #tpu.memory_space<vmem>>[vector<16xi32>, vector<16xi32>], vector<16xf32>,
        %gather3A_166 = tpu.vector_load_idx %arg15[%add3A_65, %and3A_160] : memref<128x128xf32, #tpu.memory_space<vmem>>[vector<16xi32>, vector<16xi32>], vector<16xf32>,
        %gather3A_167 = tpu.vector_load_idx %arg15[%add3A_65, %or3A_163] : memref<128x128xf32, #tpu.memory_space<vmem>>[vector<16xi32>, vector<16xi32>], vector<16xf32>,
        %sub3A_168 = arith.subf %gather3A_164, %gather3A_166 : vector<16xf32>
        %sub3A_169 = arith.subf %gather3A_165, %gather3A_167 : vector<16xf32>
        %mul3A_170 = arith.mulf %sub3A_168, %sub3A_168 : vector<16xf32>
        %mul3A_171 = arith.mulf %sub3A_169, %sub3A_169 : vector<16xf32>
        %add3A_172 = arith.addf %mul3A_170, %mul3A_171 : vector<16xf32>
        %add3A_173 = arith.constant 9.99999996E-13 : f32
        %add3A_174 = vector.broadcast %add3A_173 : f32 to vector<16xf32>
        %add3A_175 = arith.addf %add3A_172, %add3A_174 : vector<16xf32>
        %bitcast_convert_type3A_176 = tpu.bitcast %add3A_175 : vector<16xf32> -> vector<16xi32>
        %shift_right_arithmetic3A_177 = arith.constant 1 : i32
        %shift_right_arithmetic3A_178 = vector.broadcast %shift_right_arithmetic3A_177 : i32 to vector<16xi32>
        %shift_right_arithmetic3A_179 = arith.shrsi %bitcast_convert_type3A_176, %shift_right_arithmetic3A_178 : vector<16xi32>
        %sub3A_180 = arith.constant 1597463007 : i32
        %sub3A_181 = vector.broadcast %sub3A_180 : i32 to vector<16xi32>
        %sub3A_182 = arith.subi %sub3A_181, %shift_right_arithmetic3A_179 : vector<16xi32>
        %bitcast_convert_type3A_183 = tpu.bitcast %sub3A_182 : vector<16xi32> -> vector<16xf32>
        %mul3A_184 = arith.constant 5.000000e-01 : f32
        %mul3A_185 = vector.broadcast %mul3A_184 : f32 to vector<16xf32>
        %mul3A_186 = arith.mulf %mul3A_185, %add3A_175 : vector<16xf32>
        %mul3A_187 = arith.mulf %mul3A_186, %bitcast_convert_type3A_183 : vector<16xf32>
        %mul3A_188 = arith.mulf %mul3A_187, %bitcast_convert_type3A_183 : vector<16xf32>
        %sub3A_189 = arith.constant 1.500000e+00 : f32
        %sub3A_190 = vector.broadcast %sub3A_189 : f32 to vector<16xf32>
        %sub3A_191 = arith.subf %sub3A_190, %mul3A_188 : vector<16xf32>
        %mul3A_192 = arith.mulf %bitcast_convert_type3A_183, %sub3A_191 : vector<16xf32>
        %mul3A_193 = arith.mulf %add3A_175, %mul3A_192 : vector<16xf32>
        %add3A_194 = arith.addf %add3A_153, %mul3A_193 : vector<16xf32>
        %scan3A_195 = arith.constant 3 : i32
        %scan3A_196 = arith.addi %scan3A_78, %scan3A_195 : i32
        %add3A_197 = vector.broadcast %scan3A_196 : i32 to vector<16xi32>
        %add3A_198 = arith.addi %iota3A, %add3A_197 : vector<16xi32>
        %and3A_199 = arith.constant 63 : i32
        %and3A_200 = vector.broadcast %and3A_199 : i32 to vector<16xi32>
        %and3A_201 = arith.andi %add3A_198, %and3A_200 : vector<16xi32>
        %or3A_202 = arith.constant 64 : i32
        %or3A_203 = vector.broadcast %or3A_202 : i32 to vector<16xi32>
        %or3A_204 = arith.ori %and3A_201, %or3A_203 : vector<16xi32>
        %gather3A_205 = tpu.vector_load_idx %arg14[%add3A_65, %and3A_201] : memref<128x128xf32, #tpu.memory_space<vmem>>[vector<16xi32>, vector<16xi32>], vector<16xf32>,
        %gather3A_206 = tpu.vector_load_idx %arg14[%add3A_65, %or3A_204] : memref<128x128xf32, #tpu.memory_space<vmem>>[vector<16xi32>, vector<16xi32>], vector<16xf32>,
        %gather3A_207 = tpu.vector_load_idx %arg15[%add3A_65, %and3A_201] : memref<128x128xf32, #tpu.memory_space<vmem>>[vector<16xi32>, vector<16xi32>], vector<16xf32>,
        %gather3A_208 = tpu.vector_load_idx %arg15[%add3A_65, %or3A_204] : memref<128x128xf32, #tpu.memory_space<vmem>>[vector<16xi32>, vector<16xi32>], vector<16xf32>,
        %sub3A_209 = arith.subf %gather3A_205, %gather3A_207 : vector<16xf32>
        %sub3A_210 = arith.subf %gather3A_206, %gather3A_208 : vector<16xf32>
        %mul3A_211 = arith.mulf %sub3A_209, %sub3A_209 : vector<16xf32>
        %mul3A_212 = arith.mulf %sub3A_210, %sub3A_210 : vector<16xf32>
        %add3A_213 = arith.addf %mul3A_211, %mul3A_212 : vector<16xf32>
        %add3A_214 = arith.constant 9.99999996E-13 : f32
        %add3A_215 = vector.broadcast %add3A_214 : f32 to vector<16xf32>
        %add3A_216 = arith.addf %add3A_213, %add3A_215 : vector<16xf32>
        %bitcast_convert_type3A_217 = tpu.bitcast %add3A_216 : vector<16xf32> -> vector<16xi32>
        %shift_right_arithmetic3A_218 = arith.constant 1 : i32
        %shift_right_arithmetic3A_219 = vector.broadcast %shift_right_arithmetic3A_218 : i32 to vector<16xi32>
        %shift_right_arithmetic3A_220 = arith.shrsi %bitcast_convert_type3A_217, %shift_right_arithmetic3A_219 : vector<16xi32>
        %sub3A_221 = arith.constant 1597463007 : i32
        %sub3A_222 = vector.broadcast %sub3A_221 : i32 to vector<16xi32>
        %sub3A_223 = arith.subi %sub3A_222, %shift_right_arithmetic3A_220 : vector<16xi32>
        %bitcast_convert_type3A_224 = tpu.bitcast %sub3A_223 : vector<16xi32> -> vector<16xf32>
        %mul3A_225 = arith.constant 5.000000e-01 : f32
        %mul3A_226 = vector.broadcast %mul3A_225 : f32 to vector<16xf32>
        %mul3A_227 = arith.mulf %mul3A_226, %add3A_216 : vector<16xf32>
        %mul3A_228 = arith.mulf %mul3A_227, %bitcast_convert_type3A_224 : vector<16xf32>
        %mul3A_229 = arith.mulf %mul3A_228, %bitcast_convert_type3A_224 : vector<16xf32>
        %sub3A_230 = arith.constant 1.500000e+00 : f32
        %sub3A_231 = vector.broadcast %sub3A_230 : f32 to vector<16xf32>
        %sub3A_232 = arith.subf %sub3A_231, %mul3A_229 : vector<16xf32>
        %mul3A_233 = arith.mulf %bitcast_convert_type3A_224, %sub3A_232 : vector<16xf32>
        %mul3A_234 = arith.mulf %add3A_216, %mul3A_233 : vector<16xf32>
        %add3A_235 = arith.addf %add3A_194, %mul3A_234 : vector<16xf32>
        %scan3A_236 = arith.constant 4 : i32
        %scan3A_237 = arith.addi %scan3A_78, %scan3A_236 : i32
        %add3A_238 = vector.broadcast %scan3A_237 : i32 to vector<16xi32>
        %add3A_239 = arith.addi %iota3A, %add3A_238 : vector<16xi32>
        %and3A_240 = arith.constant 63 : i32
        %and3A_241 = vector.broadcast %and3A_240 : i32 to vector<16xi32>
        %and3A_242 = arith.andi %add3A_239, %and3A_241 : vector<16xi32>
        %or3A_243 = arith.constant 64 : i32
        %or3A_244 = vector.broadcast %or3A_243 : i32 to vector<16xi32>
        %or3A_245 = arith.ori %and3A_242, %or3A_244 : vector<16xi32>
        %gather3A_246 = tpu.vector_load_idx %arg14[%add3A_65, %and3A_242] : memref<128x128xf32, #tpu.memory_space<vmem>>[vector<16xi32>, vector<16xi32>], vector<16xf32>,
        %gather3A_247 = tpu.vector_load_idx %arg14[%add3A_65, %or3A_245] : memref<128x128xf32, #tpu.memory_space<vmem>>[vector<16xi32>, vector<16xi32>], vector<16xf32>,
        %gather3A_248 = tpu.vector_load_idx %arg15[%add3A_65, %and3A_242] : memref<128x128xf32, #tpu.memory_space<vmem>>[vector<16xi32>, vector<16xi32>], vector<16xf32>,
        %gather3A_249 = tpu.vector_load_idx %arg15[%add3A_65, %or3A_245] : memref<128x128xf32, #tpu.memory_space<vmem>>[vector<16xi32>, vector<16xi32>], vector<16xf32>,
        %sub3A_250 = arith.subf %gather3A_246, %gather3A_248 : vector<16xf32>
        %sub3A_251 = arith.subf %gather3A_247, %gather3A_249 : vector<16xf32>
        %mul3A_252 = arith.mulf %sub3A_250, %sub3A_250 : vector<16xf32>
        %mul3A_253 = arith.mulf %sub3A_251, %sub3A_251 : vector<16xf32>
        %add3A_254 = arith.addf %mul3A_252, %mul3A_253 : vector<16xf32>
        %add3A_255 = arith.constant 9.99999996E-13 : f32
        %add3A_256 = vector.broadcast %add3A_255 : f32 to vector<16xf32>
        %add3A_257 = arith.addf %add3A_254, %add3A_256 : vector<16xf32>
        %bitcast_convert_type3A_258 = tpu.bitcast %add3A_257 : vector<16xf32> -> vector<16xi32>
        %shift_right_arithmetic3A_259 = arith.constant 1 : i32
        %shift_right_arithmetic3A_260 = vector.broadcast %shift_right_arithmetic3A_259 : i32 to vector<16xi32>
        %shift_right_arithmetic3A_261 = arith.shrsi %bitcast_convert_type3A_258, %shift_right_arithmetic3A_260 : vector<16xi32>
        %sub3A_262 = arith.constant 1597463007 : i32
        %sub3A_263 = vector.broadcast %sub3A_262 : i32 to vector<16xi32>
        %sub3A_264 = arith.subi %sub3A_263, %shift_right_arithmetic3A_261 : vector<16xi32>
        %bitcast_convert_type3A_265 = tpu.bitcast %sub3A_264 : vector<16xi32> -> vector<16xf32>
        %mul3A_266 = arith.constant 5.000000e-01 : f32
        %mul3A_267 = vector.broadcast %mul3A_266 : f32 to vector<16xf32>
        %mul3A_268 = arith.mulf %mul3A_267, %add3A_257 : vector<16xf32>
        %mul3A_269 = arith.mulf %mul3A_268, %bitcast_convert_type3A_265 : vector<16xf32>
        %mul3A_270 = arith.mulf %mul3A_269, %bitcast_convert_type3A_265 : vector<16xf32>
        %sub3A_271 = arith.constant 1.500000e+00 : f32
        %sub3A_272 = vector.broadcast %sub3A_271 : f32 to vector<16xf32>
        %sub3A_273 = arith.subf %sub3A_272, %mul3A_270 : vector<16xf32>
        %mul3A_274 = arith.mulf %bitcast_convert_type3A_265, %sub3A_273 : vector<16xf32>
        %mul3A_275 = arith.mulf %add3A_257, %mul3A_274 : vector<16xf32>
        %add3A_276 = arith.addf %add3A_235, %mul3A_275 : vector<16xf32>
        %scan3A_277 = arith.constant 5 : i32
        %scan3A_278 = arith.addi %scan3A_78, %scan3A_277 : i32
        %add3A_279 = vector.broadcast %scan3A_278 : i32 to vector<16xi32>
        %add3A_280 = arith.addi %iota3A, %add3A_279 : vector<16xi32>
        %and3A_281 = arith.constant 63 : i32
        %and3A_282 = vector.broadcast %and3A_281 : i32 to vector<16xi32>
        %and3A_283 = arith.andi %add3A_280, %and3A_282 : vector<16xi32>
        %or3A_284 = arith.constant 64 : i32
        %or3A_285 = vector.broadcast %or3A_284 : i32 to vector<16xi32>
        %or3A_286 = arith.ori %and3A_283, %or3A_285 : vector<16xi32>
        %gather3A_287 = tpu.vector_load_idx %arg14[%add3A_65, %and3A_283] : memref<128x128xf32, #tpu.memory_space<vmem>>[vector<16xi32>, vector<16xi32>], vector<16xf32>,
        %gather3A_288 = tpu.vector_load_idx %arg14[%add3A_65, %or3A_286] : memref<128x128xf32, #tpu.memory_space<vmem>>[vector<16xi32>, vector<16xi32>], vector<16xf32>,
        %gather3A_289 = tpu.vector_load_idx %arg15[%add3A_65, %and3A_283] : memref<128x128xf32, #tpu.memory_space<vmem>>[vector<16xi32>, vector<16xi32>], vector<16xf32>,
        %gather3A_290 = tpu.vector_load_idx %arg15[%add3A_65, %or3A_286] : memref<128x128xf32, #tpu.memory_space<vmem>>[vector<16xi32>, vector<16xi32>], vector<16xf32>,
        %sub3A_291 = arith.subf %gather3A_287, %gather3A_289 : vector<16xf32>
        %sub3A_292 = arith.subf %gather3A_288, %gather3A_290 : vector<16xf32>
        %mul3A_293 = arith.mulf %sub3A_291, %sub3A_291 : vector<16xf32>
        %mul3A_294 = arith.mulf %sub3A_292, %sub3A_292 : vector<16xf32>
        %add3A_295 = arith.addf %mul3A_293, %mul3A_294 : vector<16xf32>
        %add3A_296 = arith.constant 9.99999996E-13 : f32
        %add3A_297 = vector.broadcast %add3A_296 : f32 to vector<16xf32>
        %add3A_298 = arith.addf %add3A_295, %add3A_297 : vector<16xf32>
        %bitcast_convert_type3A_299 = tpu.bitcast %add3A_298 : vector<16xf32> -> vector<16xi32>
        %shift_right_arithmetic3A_300 = arith.constant 1 : i32
        %shift_right_arithmetic3A_301 = vector.broadcast %shift_right_arithmetic3A_300 : i32 to vector<16xi32>
        %shift_right_arithmetic3A_302 = arith.shrsi %bitcast_convert_type3A_299, %shift_right_arithmetic3A_301 : vector<16xi32>
        %sub3A_303 = arith.constant 1597463007 : i32
        %sub3A_304 = vector.broadcast %sub3A_303 : i32 to vector<16xi32>
        %sub3A_305 = arith.subi %sub3A_304, %shift_right_arithmetic3A_302 : vector<16xi32>
        %bitcast_convert_type3A_306 = tpu.bitcast %sub3A_305 : vector<16xi32> -> vector<16xf32>
        %mul3A_307 = arith.constant 5.000000e-01 : f32
        %mul3A_308 = vector.broadcast %mul3A_307 : f32 to vector<16xf32>
        %mul3A_309 = arith.mulf %mul3A_308, %add3A_298 : vector<16xf32>
        %mul3A_310 = arith.mulf %mul3A_309, %bitcast_convert_type3A_306 : vector<16xf32>
        %mul3A_311 = arith.mulf %mul3A_310, %bitcast_convert_type3A_306 : vector<16xf32>
        %sub3A_312 = arith.constant 1.500000e+00 : f32
        %sub3A_313 = vector.broadcast %sub3A_312 : f32 to vector<16xf32>
        %sub3A_314 = arith.subf %sub3A_313, %mul3A_311 : vector<16xf32>
        %mul3A_315 = arith.mulf %bitcast_convert_type3A_306, %sub3A_314 : vector<16xf32>
        %mul3A_316 = arith.mulf %add3A_298, %mul3A_315 : vector<16xf32>
        %add3A_317 = arith.addf %add3A_276, %mul3A_316 : vector<16xf32>
        %scan3A_318 = arith.constant 6 : i32
        %scan3A_319 = arith.addi %scan3A_78, %scan3A_318 : i32
        %add3A_320 = vector.broadcast %scan3A_319 : i32 to vector<16xi32>
        %add3A_321 = arith.addi %iota3A, %add3A_320 : vector<16xi32>
        %and3A_322 = arith.constant 63 : i32
        %and3A_323 = vector.broadcast %and3A_322 : i32 to vector<16xi32>
        %and3A_324 = arith.andi %add3A_321, %and3A_323 : vector<16xi32>
        %or3A_325 = arith.constant 64 : i32
        %or3A_326 = vector.broadcast %or3A_325 : i32 to vector<16xi32>
        %or3A_327 = arith.ori %and3A_324, %or3A_326 : vector<16xi32>
        %gather3A_328 = tpu.vector_load_idx %arg14[%add3A_65, %and3A_324] : memref<128x128xf32, #tpu.memory_space<vmem>>[vector<16xi32>, vector<16xi32>], vector<16xf32>,
        %gather3A_329 = tpu.vector_load_idx %arg14[%add3A_65, %or3A_327] : memref<128x128xf32, #tpu.memory_space<vmem>>[vector<16xi32>, vector<16xi32>], vector<16xf32>,
        %gather3A_330 = tpu.vector_load_idx %arg15[%add3A_65, %and3A_324] : memref<128x128xf32, #tpu.memory_space<vmem>>[vector<16xi32>, vector<16xi32>], vector<16xf32>,
        %gather3A_331 = tpu.vector_load_idx %arg15[%add3A_65, %or3A_327] : memref<128x128xf32, #tpu.memory_space<vmem>>[vector<16xi32>, vector<16xi32>], vector<16xf32>,
        %sub3A_332 = arith.subf %gather3A_328, %gather3A_330 : vector<16xf32>
        %sub3A_333 = arith.subf %gather3A_329, %gather3A_331 : vector<16xf32>
        %mul3A_334 = arith.mulf %sub3A_332, %sub3A_332 : vector<16xf32>
        %mul3A_335 = arith.mulf %sub3A_333, %sub3A_333 : vector<16xf32>
        %add3A_336 = arith.addf %mul3A_334, %mul3A_335 : vector<16xf32>
        %add3A_337 = arith.constant 9.99999996E-13 : f32
        %add3A_338 = vector.broadcast %add3A_337 : f32 to vector<16xf32>
        %add3A_339 = arith.addf %add3A_336, %add3A_338 : vector<16xf32>
        %bitcast_convert_type3A_340 = tpu.bitcast %add3A_339 : vector<16xf32> -> vector<16xi32>
        %shift_right_arithmetic3A_341 = arith.constant 1 : i32
        %shift_right_arithmetic3A_342 = vector.broadcast %shift_right_arithmetic3A_341 : i32 to vector<16xi32>
        %shift_right_arithmetic3A_343 = arith.shrsi %bitcast_convert_type3A_340, %shift_right_arithmetic3A_342 : vector<16xi32>
        %sub3A_344 = arith.constant 1597463007 : i32
        %sub3A_345 = vector.broadcast %sub3A_344 : i32 to vector<16xi32>
        %sub3A_346 = arith.subi %sub3A_345, %shift_right_arithmetic3A_343 : vector<16xi32>
        %bitcast_convert_type3A_347 = tpu.bitcast %sub3A_346 : vector<16xi32> -> vector<16xf32>
        %mul3A_348 = arith.constant 5.000000e-01 : f32
        %mul3A_349 = vector.broadcast %mul3A_348 : f32 to vector<16xf32>
        %mul3A_350 = arith.mulf %mul3A_349, %add3A_339 : vector<16xf32>
        %mul3A_351 = arith.mulf %mul3A_350, %bitcast_convert_type3A_347 : vector<16xf32>
        %mul3A_352 = arith.mulf %mul3A_351, %bitcast_convert_type3A_347 : vector<16xf32>
        %sub3A_353 = arith.constant 1.500000e+00 : f32
        %sub3A_354 = vector.broadcast %sub3A_353 : f32 to vector<16xf32>
        %sub3A_355 = arith.subf %sub3A_354, %mul3A_352 : vector<16xf32>
        %mul3A_356 = arith.mulf %bitcast_convert_type3A_347, %sub3A_355 : vector<16xf32>
        %mul3A_357 = arith.mulf %add3A_339, %mul3A_356 : vector<16xf32>
        %add3A_358 = arith.addf %add3A_317, %mul3A_357 : vector<16xf32>
        %scan3A_359 = arith.constant 7 : i32
        %scan3A_360 = arith.addi %scan3A_78, %scan3A_359 : i32
        %add3A_361 = vector.broadcast %scan3A_360 : i32 to vector<16xi32>
        %add3A_362 = arith.addi %iota3A, %add3A_361 : vector<16xi32>
        %and3A_363 = arith.constant 63 : i32
        %and3A_364 = vector.broadcast %and3A_363 : i32 to vector<16xi32>
        %and3A_365 = arith.andi %add3A_362, %and3A_364 : vector<16xi32>
        %or3A_366 = arith.constant 64 : i32
        %or3A_367 = vector.broadcast %or3A_366 : i32 to vector<16xi32>
        %or3A_368 = arith.ori %and3A_365, %or3A_367 : vector<16xi32>
        %gather3A_369 = tpu.vector_load_idx %arg14[%add3A_65, %and3A_365] : memref<128x128xf32, #tpu.memory_space<vmem>>[vector<16xi32>, vector<16xi32>], vector<16xf32>,
        %gather3A_370 = tpu.vector_load_idx %arg14[%add3A_65, %or3A_368] : memref<128x128xf32, #tpu.memory_space<vmem>>[vector<16xi32>, vector<16xi32>], vector<16xf32>,
        %gather3A_371 = tpu.vector_load_idx %arg15[%add3A_65, %and3A_365] : memref<128x128xf32, #tpu.memory_space<vmem>>[vector<16xi32>, vector<16xi32>], vector<16xf32>,
        %gather3A_372 = tpu.vector_load_idx %arg15[%add3A_65, %or3A_368] : memref<128x128xf32, #tpu.memory_space<vmem>>[vector<16xi32>, vector<16xi32>], vector<16xf32>,
        %sub3A_373 = arith.subf %gather3A_369, %gather3A_371 : vector<16xf32>
        %sub3A_374 = arith.subf %gather3A_370, %gather3A_372 : vector<16xf32>
        %mul3A_375 = arith.mulf %sub3A_373, %sub3A_373 : vector<16xf32>
        %mul3A_376 = arith.mulf %sub3A_374, %sub3A_374 : vector<16xf32>
        %add3A_377 = arith.addf %mul3A_375, %mul3A_376 : vector<16xf32>
        %add3A_378 = arith.constant 9.99999996E-13 : f32
        %add3A_379 = vector.broadcast %add3A_378 : f32 to vector<16xf32>
        %add3A_380 = arith.addf %add3A_377, %add3A_379 : vector<16xf32>
        %bitcast_convert_type3A_381 = tpu.bitcast %add3A_380 : vector<16xf32> -> vector<16xi32>
        %shift_right_arithmetic3A_382 = arith.constant 1 : i32
        %shift_right_arithmetic3A_383 = vector.broadcast %shift_right_arithmetic3A_382 : i32 to vector<16xi32>
        %shift_right_arithmetic3A_384 = arith.shrsi %bitcast_convert_type3A_381, %shift_right_arithmetic3A_383 : vector<16xi32>
        %sub3A_385 = arith.constant 1597463007 : i32
        %sub3A_386 = vector.broadcast %sub3A_385 : i32 to vector<16xi32>
        %sub3A_387 = arith.subi %sub3A_386, %shift_right_arithmetic3A_384 : vector<16xi32>
        %bitcast_convert_type3A_388 = tpu.bitcast %sub3A_387 : vector<16xi32> -> vector<16xf32>
        %mul3A_389 = arith.constant 5.000000e-01 : f32
        %mul3A_390 = vector.broadcast %mul3A_389 : f32 to vector<16xf32>
        %mul3A_391 = arith.mulf %mul3A_390, %add3A_380 : vector<16xf32>
        %mul3A_392 = arith.mulf %mul3A_391, %bitcast_convert_type3A_388 : vector<16xf32>
        %mul3A_393 = arith.mulf %mul3A_392, %bitcast_convert_type3A_388 : vector<16xf32>
        %sub3A_394 = arith.constant 1.500000e+00 : f32
        %sub3A_395 = vector.broadcast %sub3A_394 : f32 to vector<16xf32>
        %sub3A_396 = arith.subf %sub3A_395, %mul3A_393 : vector<16xf32>
        %mul3A_397 = arith.mulf %bitcast_convert_type3A_388, %sub3A_396 : vector<16xf32>
        %mul3A_398 = arith.mulf %add3A_380, %mul3A_397 : vector<16xf32>
        %add3A_399 = arith.addf %add3A_358, %mul3A_398 : vector<16xf32>
        scf.yield %add3A_399 : vector<16xf32>
      }
      %scan3A_71 = arith.constant 64 : i32
      %neg3A = arith.constant 0.000000e+00 : f32
      %neg3A_72 = vector.broadcast %neg3A : f32 to vector<16xf32>
      %neg3A_73 = arith.subf %neg3A_72, %scan3A_70 : vector<16xf32>
      %mul3A_74 = arith.constant 16 : i32
      %mul3A_75 = arith.muli %scan3A_60, %mul3A_74 : i32
      %swap3A = arith.index_cast %mul3A_75 : i32 to index
      %swap3A_76 = tpu.vector_load %arg18[%swap3A] {strides = array<i32>} : memref<128xf32, #tpu.memory_space<vmem>>, vector<16xf32>,
      tpu.vector_store %arg18[%swap3A], %neg3A_73 {strides = array<i32>} : memref<128xf32, #tpu.memory_space<vmem>>, vector<16xf32>,
      %scan3A_77 = arith.constant 0 : i32
      scf.yield %scan3A_77 : i32
    }
    %scan3A_52 = arith.constant 8 : i32
    %scan3A_53 = arith.constant 0 : i32
    %scan3A_54 = arith.constant 0 : i32
    %scan3A_55 = arith.constant 32 : i32
    %scan3A_56 = arith.addi %scan3A_54, %scan3A_55 : i32
    %scan3A_57 = arith.constant 1 : i32
    %scan3A_58 = scf.for %scan3A_60 = %scan3A_54 to %scan3A_56 step %scan3A_57 iter_args(%scan3A_61 = %scan3A_53) -> (i32)  : i32 {
      %mul3A_62 = arith.constant 2 : i32
      %mul3A_63 = arith.muli %scan3A_60, %mul3A_62 : i32
      %add3A_64 = arith.constant 0 : i32
      %add3A_65 = arith.addi %mul3A_63, %add3A_64 : i32
      %mul3A_66 = arith.constant 2 : i32
      %mul3A_67 = arith.muli %add3A_65, %mul3A_66 : i32
      %mul3A_68 = arith.constant 64 : i32
      %mul3A_69 = arith.muli %mul3A_67, %mul3A_68 : i32
      %dma_wait3A_70 = arith.constant 0 : i32
      %dma_wait3A_71 = arith.constant 0 : i32
      %dma_wait3A_72 = arith.constant 0 : i32
      %dma_wait3A_73 = tpu.memref_slice %arg17[%dma_wait3A_70, %dma_wait3A_71, %dma_wait3A_72] : memref<2x128x128xf32, #tpu.memory_space<vmem>> -> memref<1x128x128xf32, #tpu.memory_space<vmem>>
      %dma_wait3A_74 = tpu.memref_squeeze %dma_wait3A_73 : memref<1x128x128xf32, #tpu.memory_space<vmem>> -> memref<128x128xf32, #tpu.memory_space<vmem>>
      %dma_wait3A_75 = tpu.memref_slice %arg13[%mul3A_69] : memref<8192xi32, #tpu.memory_space<vmem>> -> memref<128xi32, #tpu.memory_space<vmem>>
      %dma_wait3A_76 = arith.constant 0 : i32
      %dma_wait3A_77 = arith.constant 0 : i32
      %dma_wait3A_78 = tpu.memref_slice %arg2[%dma_wait3A_76, %dma_wait3A_77] : memref<1000000x128xf32, #tpu.memory_space<hbm>> -> memref<1000000x128xf32, #tpu.memory_space<hbm>>
      tpu.wait_indirect_dma semaphore(%arg21 : memref<!tpu.dma_semaphore, #tpu.memory_space<semaphore_mem>>) src(%dma_wait3A_78 : memref<1000000x128xf32, #tpu.memory_space<hbm>>) dst(%dma_wait3A_74 : memref<128x128xf32, #tpu.memory_space<vmem>>)
      %mul3A_79 = arith.constant 2 : i32
      %mul3A_80 = arith.muli %add3A_65, %mul3A_79 : i32
      %add3A_81 = arith.constant 0 : i32
      %add3A_82 = arith.addi %mul3A_80, %add3A_81 : i32
      %mul3A_83 = arith.constant 0 : i32
      %mul3A_84 = vector.broadcast %mul3A_83 : i32 to vector<16xi32>
      %mul3A_85 = arith.muli %iota3A, %mul3A_84 : vector<16xi32>
      %add3A_86 = vector.broadcast %add3A_82 : i32 to vector<16xi32>
      %add3A_87 = arith.addi %mul3A_85, %add3A_86 : vector<16xi32>
      %add3A_88 = arith.constant 0 : i32
      %add3A_89 = vector.broadcast %add3A_88 : i32 to vector<16xi32>
      %add3A_90 = arith.addi %add3A_89, %iota3A : vector<16xi32>
      %add3A_91 = arith.constant 16 : i32
      %add3A_92 = vector.broadcast %add3A_91 : i32 to vector<16xi32>
      %add3A_93 = arith.addi %add3A_92, %iota3A : vector<16xi32>
      %add3A_94 = arith.constant 32 : i32
      %add3A_95 = vector.broadcast %add3A_94 : i32 to vector<16xi32>
      %add3A_96 = arith.addi %add3A_95, %iota3A : vector<16xi32>
      %add3A_97 = arith.constant 48 : i32
      %add3A_98 = vector.broadcast %add3A_97 : i32 to vector<16xi32>
      %add3A_99 = arith.addi %add3A_98, %iota3A : vector<16xi32>
      %scan3A_100 = arith.constant 0 : i32
      %scan3A_101 = arith.constant 0 : i32
      %scan3A_102 = arith.constant 64 : i32
      %scan3A_103 = arith.addi %scan3A_101, %scan3A_102 : i32
      %scan3A_104 = arith.constant 4 : i32
      %scan3A_105:4 = scf.for %scan3A_310 = %scan3A_101 to %scan3A_103 step %scan3A_104 iter_args(%scan3A_311 = %broadcast_in_dim3A_3, %scan3A_312 = %broadcast_in_dim3A_3, %scan3A_313 = %broadcast_in_dim3A_3, %scan3A_314 = %broadcast_in_dim3A_3) -> (vector<16xf32>, vector<16xf32>, vector<16xf32>, vector<16xf32>)  : i32 {
        %add3A_315 = vector.broadcast %scan3A_310 : i32 to vector<16xi32>
        %add3A_316 = arith.addi %iota3A, %add3A_315 : vector<16xi32>
        %and3A = arith.constant 63 : i32
        %and3A_317 = vector.broadcast %and3A : i32 to vector<16xi32>
        %and3A_318 = arith.andi %add3A_316, %and3A_317 : vector<16xi32>
        %or3A = arith.constant 64 : i32
        %or3A_319 = vector.broadcast %or3A : i32 to vector<16xi32>
        %or3A_320 = arith.ori %and3A_318, %or3A_319 : vector<16xi32>
        %gather3A = tpu.vector_load_idx %arg14[%add3A_87, %and3A_318] : memref<128x128xf32, #tpu.memory_space<vmem>>[vector<16xi32>, vector<16xi32>], vector<16xf32>,
        %gather3A_321 = tpu.vector_load_idx %arg14[%add3A_87, %or3A_320] : memref<128x128xf32, #tpu.memory_space<vmem>>[vector<16xi32>, vector<16xi32>], vector<16xf32>,
        %gather3A_322 = arith.constant 0 : i32
        %gather3A_323 = arith.constant 0 : i32
        %gather3A_324 = tpu.memref_slice %arg17[%scan3A_100, %gather3A_322, %gather3A_323] : memref<2x128x128xf32, #tpu.memory_space<vmem>> -> memref<1x128x128xf32, #tpu.memory_space<vmem>>
        %gather3A_325 = tpu.memref_squeeze %gather3A_324 : memref<1x128x128xf32, #tpu.memory_space<vmem>> -> memref<128x128xf32, #tpu.memory_space<vmem>>
        %gather3A_326 = tpu.vector_load_idx %gather3A_325[%add3A_90, %and3A_318] : memref<128x128xf32, #tpu.memory_space<vmem>>[vector<16xi32>, vector<16xi32>], vector<16xf32>,
        %gather3A_327 = arith.constant 0 : i32
        %gather3A_328 = arith.constant 0 : i32
        %gather3A_329 = tpu.memref_slice %arg17[%scan3A_100, %gather3A_327, %gather3A_328] : memref<2x128x128xf32, #tpu.memory_space<vmem>> -> memref<1x128x128xf32, #tpu.memory_space<vmem>>
        %gather3A_330 = tpu.memref_squeeze %gather3A_329 : memref<1x128x128xf32, #tpu.memory_space<vmem>> -> memref<128x128xf32, #tpu.memory_space<vmem>>
        %gather3A_331 = tpu.vector_load_idx %gather3A_330[%add3A_90, %or3A_320] : memref<128x128xf32, #tpu.memory_space<vmem>>[vector<16xi32>, vector<16xi32>], vector<16xf32>,
        %sub3A = arith.subf %gather3A, %gather3A_326 : vector<16xf32>
        %sub3A_332 = arith.subf %gather3A_321, %gather3A_331 : vector<16xf32>
        %mul3A_333 = arith.mulf %sub3A, %sub3A : vector<16xf32>
        %mul3A_334 = arith.mulf %sub3A_332, %sub3A_332 : vector<16xf32>
        %add3A_335 = arith.addf %mul3A_333, %mul3A_334 : vector<16xf32>
        %add3A_336 = arith.constant 9.99999996E-13 : f32
        %add3A_337 = vector.broadcast %add3A_336 : f32 to vector<16xf32>
        %add3A_338 = arith.addf %add3A_335, %add3A_337 : vector<16xf32>
        %bitcast_convert_type3A = tpu.bitcast %add3A_338 : vector<16xf32> -> vector<16xi32>
        %shift_right_arithmetic3A = arith.constant 1 : i32
        %shift_right_arithmetic3A_339 = vector.broadcast %shift_right_arithmetic3A : i32 to vector<16xi32>
        %shift_right_arithmetic3A_340 = arith.shrsi %bitcast_convert_type3A, %shift_right_arithmetic3A_339 : vector<16xi32>
        %sub3A_341 = arith.constant 1597463007 : i32
        %sub3A_342 = vector.broadcast %sub3A_341 : i32 to vector<16xi32>
        %sub3A_343 = arith.subi %sub3A_342, %shift_right_arithmetic3A_340 : vector<16xi32>
        %bitcast_convert_type3A_344 = tpu.bitcast %sub3A_343 : vector<16xi32> -> vector<16xf32>
        %mul3A_345 = arith.constant 5.000000e-01 : f32
        %mul3A_346 = vector.broadcast %mul3A_345 : f32 to vector<16xf32>
        %mul3A_347 = arith.mulf %mul3A_346, %add3A_338 : vector<16xf32>
        %mul3A_348 = arith.mulf %mul3A_347, %bitcast_convert_type3A_344 : vector<16xf32>
        %mul3A_349 = arith.mulf %mul3A_348, %bitcast_convert_type3A_344 : vector<16xf32>
        %sub3A_350 = arith.constant 1.500000e+00 : f32
        %sub3A_351 = vector.broadcast %sub3A_350 : f32 to vector<16xf32>
        %sub3A_352 = arith.subf %sub3A_351, %mul3A_349 : vector<16xf32>
        %mul3A_353 = arith.mulf %bitcast_convert_type3A_344, %sub3A_352 : vector<16xf32>
        %mul3A_354 = arith.mulf %add3A_338, %mul3A_353 : vector<16xf32>
        %add3A_355 = arith.addf %scan3A_311, %mul3A_354 : vector<16xf32>
        %gather3A_356 = arith.constant 0 : i32
        %gather3A_357 = arith.constant 0 : i32
        %gather3A_358 = tpu.memref_slice %arg17[%scan3A_100, %gather3A_356, %gather3A_357] : memref<2x128x128xf32, #tpu.memory_space<vmem>> -> memref<1x128x128xf32, #tpu.memory_space<vmem>>
        %gather3A_359 = tpu.memref_squeeze %gather3A_358 : memref<1x128x128xf32, #tpu.memory_space<vmem>> -> memref<128x128xf32, #tpu.memory_space<vmem>>
        %gather3A_360 = tpu.vector_load_idx %gather3A_359[%add3A_93, %and3A_318] : memref<128x128xf32, #tpu.memory_space<vmem>>[vector<16xi32>, vector<16xi32>], vector<16xf32>,
        %gather3A_361 = arith.constant 0 : i32
        %gather3A_362 = arith.constant 0 : i32
        %gather3A_363 = tpu.memref_slice %arg17[%scan3A_100, %gather3A_361, %gather3A_362] : memref<2x128x128xf32, #tpu.memory_space<vmem>> -> memref<1x128x128xf32, #tpu.memory_space<vmem>>
        %gather3A_364 = tpu.memref_squeeze %gather3A_363 : memref<1x128x128xf32, #tpu.memory_space<vmem>> -> memref<128x128xf32, #tpu.memory_space<vmem>>
        %gather3A_365 = tpu.vector_load_idx %gather3A_364[%add3A_93, %or3A_320] : memref<128x128xf32, #tpu.memory_space<vmem>>[vector<16xi32>, vector<16xi32>], vector<16xf32>,
        %sub3A_366 = arith.subf %gather3A, %gather3A_360 : vector<16xf32>
        %sub3A_367 = arith.subf %gather3A_321, %gather3A_365 : vector<16xf32>
        %mul3A_368 = arith.mulf %sub3A_366, %sub3A_366 : vector<16xf32>
        %mul3A_369 = arith.mulf %sub3A_367, %sub3A_367 : vector<16xf32>
        %add3A_370 = arith.addf %mul3A_368, %mul3A_369 : vector<16xf32>
        %add3A_371 = arith.constant 9.99999996E-13 : f32
        %add3A_372 = vector.broadcast %add3A_371 : f32 to vector<16xf32>
        %add3A_373 = arith.addf %add3A_370, %add3A_372 : vector<16xf32>
        %bitcast_convert_type3A_374 = tpu.bitcast %add3A_373 : vector<16xf32> -> vector<16xi32>
        %shift_right_arithmetic3A_375 = arith.constant 1 : i32
        %shift_right_arithmetic3A_376 = vector.broadcast %shift_right_arithmetic3A_375 : i32 to vector<16xi32>
        %shift_right_arithmetic3A_377 = arith.shrsi %bitcast_convert_type3A_374, %shift_right_arithmetic3A_376 : vector<16xi32>
        %sub3A_378 = arith.constant 1597463007 : i32
        %sub3A_379 = vector.broadcast %sub3A_378 : i32 to vector<16xi32>
        %sub3A_380 = arith.subi %sub3A_379, %shift_right_arithmetic3A_377 : vector<16xi32>
        %bitcast_convert_type3A_381 = tpu.bitcast %sub3A_380 : vector<16xi32> -> vector<16xf32>
        %mul3A_382 = arith.constant 5.000000e-01 : f32
        %mul3A_383 = vector.broadcast %mul3A_382 : f32 to vector<16xf32>
        %mul3A_384 = arith.mulf %mul3A_383, %add3A_373 : vector<16xf32>
        %mul3A_385 = arith.mulf %mul3A_384, %bitcast_convert_type3A_381 : vector<16xf32>
        %mul3A_386 = arith.mulf %mul3A_385, %bitcast_convert_type3A_381 : vector<16xf32>
        %sub3A_387 = arith.constant 1.500000e+00 : f32
        %sub3A_388 = vector.broadcast %sub3A_387 : f32 to vector<16xf32>
        %sub3A_389 = arith.subf %sub3A_388, %mul3A_386 : vector<16xf32>
        %mul3A_390 = arith.mulf %bitcast_convert_type3A_381, %sub3A_389 : vector<16xf32>
        %mul3A_391 = arith.mulf %add3A_373, %mul3A_390 : vector<16xf32>
        %add3A_392 = arith.addf %scan3A_312, %mul3A_391 : vector<16xf32>
        %gather3A_393 = arith.constant 0 : i32
        %gather3A_394 = arith.constant 0 : i32
        %gather3A_395 = tpu.memref_slice %arg17[%scan3A_100, %gather3A_393, %gather3A_394] : memref<2x128x128xf32, #tpu.memory_space<vmem>> -> memref<1x128x128xf32, #tpu.memory_space<vmem>>
        %gather3A_396 = tpu.memref_squeeze %gather3A_395 : memref<1x128x128xf32, #tpu.memory_space<vmem>> -> memref<128x128xf32, #tpu.memory_space<vmem>>
        %gather3A_397 = tpu.vector_load_idx %gather3A_396[%add3A_96, %and3A_318] : memref<128x128xf32, #tpu.memory_space<vmem>>[vector<16xi32>, vector<16xi32>], vector<16xf32>,
        %gather3A_398 = arith.constant 0 : i32
        %gather3A_399 = arith.constant 0 : i32
        %gather3A_400 = tpu.memref_slice %arg17[%scan3A_100, %gather3A_398, %gather3A_399] : memref<2x128x128xf32, #tpu.memory_space<vmem>> -> memref<1x128x128xf32, #tpu.memory_space<vmem>>
        %gather3A_401 = tpu.memref_squeeze %gather3A_400 : memref<1x128x128xf32, #tpu.memory_space<vmem>> -> memref<128x128xf32, #tpu.memory_space<vmem>>
        %gather3A_402 = tpu.vector_load_idx %gather3A_401[%add3A_96, %or3A_320] : memref<128x128xf32, #tpu.memory_space<vmem>>[vector<16xi32>, vector<16xi32>], vector<16xf32>,
        %sub3A_403 = arith.subf %gather3A, %gather3A_397 : vector<16xf32>
        %sub3A_404 = arith.subf %gather3A_321, %gather3A_402 : vector<16xf32>
        %mul3A_405 = arith.mulf %sub3A_403, %sub3A_403 : vector<16xf32>
        %mul3A_406 = arith.mulf %sub3A_404, %sub3A_404 : vector<16xf32>
        %add3A_407 = arith.addf %mul3A_405, %mul3A_406 : vector<16xf32>
        %add3A_408 = arith.constant 9.99999996E-13 : f32
        %add3A_409 = vector.broadcast %add3A_408 : f32 to vector<16xf32>
        %add3A_410 = arith.addf %add3A_407, %add3A_409 : vector<16xf32>
        %bitcast_convert_type3A_411 = tpu.bitcast %add3A_410 : vector<16xf32> -> vector<16xi32>
        %shift_right_arithmetic3A_412 = arith.constant 1 : i32
        %shift_right_arithmetic3A_413 = vector.broadcast %shift_right_arithmetic3A_412 : i32 to vector<16xi32>
        %shift_right_arithmetic3A_414 = arith.shrsi %bitcast_convert_type3A_411, %shift_right_arithmetic3A_413 : vector<16xi32>
        %sub3A_415 = arith.constant 1597463007 : i32
        %sub3A_416 = vector.broadcast %sub3A_415 : i32 to vector<16xi32>
        %sub3A_417 = arith.subi %sub3A_416, %shift_right_arithmetic3A_414 : vector<16xi32>
        %bitcast_convert_type3A_418 = tpu.bitcast %sub3A_417 : vector<16xi32> -> vector<16xf32>
        %mul3A_419 = arith.constant 5.000000e-01 : f32
        %mul3A_420 = vector.broadcast %mul3A_419 : f32 to vector<16xf32>
        %mul3A_421 = arith.mulf %mul3A_420, %add3A_410 : vector<16xf32>
        %mul3A_422 = arith.mulf %mul3A_421, %bitcast_convert_type3A_418 : vector<16xf32>
        %mul3A_423 = arith.mulf %mul3A_422, %bitcast_convert_type3A_418 : vector<16xf32>
        %sub3A_424 = arith.constant 1.500000e+00 : f32
        %sub3A_425 = vector.broadcast %sub3A_424 : f32 to vector<16xf32>
        %sub3A_426 = arith.subf %sub3A_425, %mul3A_423 : vector<16xf32>
        %mul3A_427 = arith.mulf %bitcast_convert_type3A_418, %sub3A_426 : vector<16xf32>
        %mul3A_428 = arith.mulf %add3A_410, %mul3A_427 : vector<16xf32>
        %add3A_429 = arith.addf %scan3A_313, %mul3A_428 : vector<16xf32>
        %gather3A_430 = arith.constant 0 : i32
        %gather3A_431 = arith.constant 0 : i32
        %gather3A_432 = tpu.memref_slice %arg17[%scan3A_100, %gather3A_430, %gather3A_431] : memref<2x128x128xf32, #tpu.memory_space<vmem>> -> memref<1x128x128xf32, #tpu.memory_space<vmem>>
        %gather3A_433 = tpu.memref_squeeze %gather3A_432 : memref<1x128x128xf32, #tpu.memory_space<vmem>> -> memref<128x128xf32, #tpu.memory_space<vmem>>
        %gather3A_434 = tpu.vector_load_idx %gather3A_433[%add3A_99, %and3A_318] : memref<128x128xf32, #tpu.memory_space<vmem>>[vector<16xi32>, vector<16xi32>], vector<16xf32>,
        %gather3A_435 = arith.constant 0 : i32
        %gather3A_436 = arith.constant 0 : i32
        %gather3A_437 = tpu.memref_slice %arg17[%scan3A_100, %gather3A_435, %gather3A_436] : memref<2x128x128xf32, #tpu.memory_space<vmem>> -> memref<1x128x128xf32, #tpu.memory_space<vmem>>
        %gather3A_438 = tpu.memref_squeeze %gather3A_437 : memref<1x128x128xf32, #tpu.memory_space<vmem>> -> memref<128x128xf32, #tpu.memory_space<vmem>>
        %gather3A_439 = tpu.vector_load_idx %gather3A_438[%add3A_99, %or3A_320] : memref<128x128xf32, #tpu.memory_space<vmem>>[vector<16xi32>, vector<16xi32>], vector<16xf32>,
        %sub3A_440 = arith.subf %gather3A, %gather3A_434 : vector<16xf32>
        %sub3A_441 = arith.subf %gather3A_321, %gather3A_439 : vector<16xf32>
        %mul3A_442 = arith.mulf %sub3A_440, %sub3A_440 : vector<16xf32>
        %mul3A_443 = arith.mulf %sub3A_441, %sub3A_441 : vector<16xf32>
        %add3A_444 = arith.addf %mul3A_442, %mul3A_443 : vector<16xf32>
        %add3A_445 = arith.constant 9.99999996E-13 : f32
        %add3A_446 = vector.broadcast %add3A_445 : f32 to vector<16xf32>
        %add3A_447 = arith.addf %add3A_444, %add3A_446 : vector<16xf32>
        %bitcast_convert_type3A_448 = tpu.bitcast %add3A_447 : vector<16xf32> -> vector<16xi32>
        %shift_right_arithmetic3A_449 = arith.constant 1 : i32
        %shift_right_arithmetic3A_450 = vector.broadcast %shift_right_arithmetic3A_449 : i32 to vector<16xi32>
        %shift_right_arithmetic3A_451 = arith.shrsi %bitcast_convert_type3A_448, %shift_right_arithmetic3A_450 : vector<16xi32>
        %sub3A_452 = arith.constant 1597463007 : i32
        %sub3A_453 = vector.broadcast %sub3A_452 : i32 to vector<16xi32>
        %sub3A_454 = arith.subi %sub3A_453, %shift_right_arithmetic3A_451 : vector<16xi32>
        %bitcast_convert_type3A_455 = tpu.bitcast %sub3A_454 : vector<16xi32> -> vector<16xf32>
        %mul3A_456 = arith.constant 5.000000e-01 : f32
        %mul3A_457 = vector.broadcast %mul3A_456 : f32 to vector<16xf32>
        %mul3A_458 = arith.mulf %mul3A_457, %add3A_447 : vector<16xf32>
        %mul3A_459 = arith.mulf %mul3A_458, %bitcast_convert_type3A_455 : vector<16xf32>
        %mul3A_460 = arith.mulf %mul3A_459, %bitcast_convert_type3A_455 : vector<16xf32>
        %sub3A_461 = arith.constant 1.500000e+00 : f32
        %sub3A_462 = vector.broadcast %sub3A_461 : f32 to vector<16xf32>
        %sub3A_463 = arith.subf %sub3A_462, %mul3A_460 : vector<16xf32>
        %mul3A_464 = arith.mulf %bitcast_convert_type3A_455, %sub3A_463 : vector<16xf32>
        %mul3A_465 = arith.mulf %add3A_447, %mul3A_464 : vector<16xf32>
        %add3A_466 = arith.addf %scan3A_314, %mul3A_465 : vector<16xf32>
        %scan3A_467 = arith.constant 1 : i32
        %scan3A_468 = arith.addi %scan3A_310, %scan3A_467 : i32
        %add3A_469 = vector.broadcast %scan3A_468 : i32 to vector<16xi32>
        %add3A_470 = arith.addi %iota3A, %add3A_469 : vector<16xi32>
        %and3A_471 = arith.constant 63 : i32
        %and3A_472 = vector.broadcast %and3A_471 : i32 to vector<16xi32>
        %and3A_473 = arith.andi %add3A_470, %and3A_472 : vector<16xi32>
        %or3A_474 = arith.constant 64 : i32
        %or3A_475 = vector.broadcast %or3A_474 : i32 to vector<16xi32>
        %or3A_476 = arith.ori %and3A_473, %or3A_475 : vector<16xi32>
        %gather3A_477 = tpu.vector_load_idx %arg14[%add3A_87, %and3A_473] : memref<128x128xf32, #tpu.memory_space<vmem>>[vector<16xi32>, vector<16xi32>], vector<16xf32>,
        %gather3A_478 = tpu.vector_load_idx %arg14[%add3A_87, %or3A_476] : memref<128x128xf32, #tpu.memory_space<vmem>>[vector<16xi32>, vector<16xi32>], vector<16xf32>,
        %gather3A_479 = arith.constant 0 : i32
        %gather3A_480 = arith.constant 0 : i32
        %gather3A_481 = tpu.memref_slice %arg17[%scan3A_100, %gather3A_479, %gather3A_480] : memref<2x128x128xf32, #tpu.memory_space<vmem>> -> memref<1x128x128xf32, #tpu.memory_space<vmem>>
        %gather3A_482 = tpu.memref_squeeze %gather3A_481 : memref<1x128x128xf32, #tpu.memory_space<vmem>> -> memref<128x128xf32, #tpu.memory_space<vmem>>
        %gather3A_483 = tpu.vector_load_idx %gather3A_482[%add3A_90, %and3A_473] : memref<128x128xf32, #tpu.memory_space<vmem>>[vector<16xi32>, vector<16xi32>], vector<16xf32>,
        %gather3A_484 = arith.constant 0 : i32
        %gather3A_485 = arith.constant 0 : i32
        %gather3A_486 = tpu.memref_slice %arg17[%scan3A_100, %gather3A_484, %gather3A_485] : memref<2x128x128xf32, #tpu.memory_space<vmem>> -> memref<1x128x128xf32, #tpu.memory_space<vmem>>
        %gather3A_487 = tpu.memref_squeeze %gather3A_486 : memref<1x128x128xf32, #tpu.memory_space<vmem>> -> memref<128x128xf32, #tpu.memory_space<vmem>>
        %gather3A_488 = tpu.vector_load_idx %gather3A_487[%add3A_90, %or3A_476] : memref<128x128xf32, #tpu.memory_space<vmem>>[vector<16xi32>, vector<16xi32>], vector<16xf32>,
        %sub3A_489 = arith.subf %gather3A_477, %gather3A_483 : vector<16xf32>
        %sub3A_490 = arith.subf %gather3A_478, %gather3A_488 : vector<16xf32>
        %mul3A_491 = arith.mulf %sub3A_489, %sub3A_489 : vector<16xf32>
        %mul3A_492 = arith.mulf %sub3A_490, %sub3A_490 : vector<16xf32>
        %add3A_493 = arith.addf %mul3A_491, %mul3A_492 : vector<16xf32>
        %add3A_494 = arith.constant 9.99999996E-13 : f32
        %add3A_495 = vector.broadcast %add3A_494 : f32 to vector<16xf32>
        %add3A_496 = arith.addf %add3A_493, %add3A_495 : vector<16xf32>
        %bitcast_convert_type3A_497 = tpu.bitcast %add3A_496 : vector<16xf32> -> vector<16xi32>
        %shift_right_arithmetic3A_498 = arith.constant 1 : i32
        %shift_right_arithmetic3A_499 = vector.broadcast %shift_right_arithmetic3A_498 : i32 to vector<16xi32>
        %shift_right_arithmetic3A_500 = arith.shrsi %bitcast_convert_type3A_497, %shift_right_arithmetic3A_499 : vector<16xi32>
        %sub3A_501 = arith.constant 1597463007 : i32
        %sub3A_502 = vector.broadcast %sub3A_501 : i32 to vector<16xi32>
        %sub3A_503 = arith.subi %sub3A_502, %shift_right_arithmetic3A_500 : vector<16xi32>
        %bitcast_convert_type3A_504 = tpu.bitcast %sub3A_503 : vector<16xi32> -> vector<16xf32>
        %mul3A_505 = arith.constant 5.000000e-01 : f32
        %mul3A_506 = vector.broadcast %mul3A_505 : f32 to vector<16xf32>
        %mul3A_507 = arith.mulf %mul3A_506, %add3A_496 : vector<16xf32>
        %mul3A_508 = arith.mulf %mul3A_507, %bitcast_convert_type3A_504 : vector<16xf32>
        %mul3A_509 = arith.mulf %mul3A_508, %bitcast_convert_type3A_504 : vector<16xf32>
        %sub3A_510 = arith.constant 1.500000e+00 : f32
        %sub3A_511 = vector.broadcast %sub3A_510 : f32 to vector<16xf32>
        %sub3A_512 = arith.subf %sub3A_511, %mul3A_509 : vector<16xf32>
        %mul3A_513 = arith.mulf %bitcast_convert_type3A_504, %sub3A_512 : vector<16xf32>
        %mul3A_514 = arith.mulf %add3A_496, %mul3A_513 : vector<16xf32>
        %add3A_515 = arith.addf %add3A_355, %mul3A_514 : vector<16xf32>
        %gather3A_516 = arith.constant 0 : i32
        %gather3A_517 = arith.constant 0 : i32
        %gather3A_518 = tpu.memref_slice %arg17[%scan3A_100, %gather3A_516, %gather3A_517] : memref<2x128x128xf32, #tpu.memory_space<vmem>> -> memref<1x128x128xf32, #tpu.memory_space<vmem>>
        %gather3A_519 = tpu.memref_squeeze %gather3A_518 : memref<1x128x128xf32, #tpu.memory_space<vmem>> -> memref<128x128xf32, #tpu.memory_space<vmem>>
        %gather3A_520 = tpu.vector_load_idx %gather3A_519[%add3A_93, %and3A_473] : memref<128x128xf32, #tpu.memory_space<vmem>>[vector<16xi32>, vector<16xi32>], vector<16xf32>,
        %gather3A_521 = arith.constant 0 : i32
        %gather3A_522 = arith.constant 0 : i32
        %gather3A_523 = tpu.memref_slice %arg17[%scan3A_100, %gather3A_521, %gather3A_522] : memref<2x128x128xf32, #tpu.memory_space<vmem>> -> memref<1x128x128xf32, #tpu.memory_space<vmem>>
        %gather3A_524 = tpu.memref_squeeze %gather3A_523 : memref<1x128x128xf32, #tpu.memory_space<vmem>> -> memref<128x128xf32, #tpu.memory_space<vmem>>
        %gather3A_525 = tpu.vector_load_idx %gather3A_524[%add3A_93, %or3A_476] : memref<128x128xf32, #tpu.memory_space<vmem>>[vector<16xi32>, vector<16xi32>], vector<16xf32>,
        %sub3A_526 = arith.subf %gather3A_477, %gather3A_520 : vector<16xf32>
        %sub3A_527 = arith.subf %gather3A_478, %gather3A_525 : vector<16xf32>
        %mul3A_528 = arith.mulf %sub3A_526, %sub3A_526 : vector<16xf32>
        %mul3A_529 = arith.mulf %sub3A_527, %sub3A_527 : vector<16xf32>
        %add3A_530 = arith.addf %mul3A_528, %mul3A_529 : vector<16xf32>
        %add3A_531 = arith.constant 9.99999996E-13 : f32
        %add3A_532 = vector.broadcast %add3A_531 : f32 to vector<16xf32>
        %add3A_533 = arith.addf %add3A_530, %add3A_532 : vector<16xf32>
        %bitcast_convert_type3A_534 = tpu.bitcast %add3A_533 : vector<16xf32> -> vector<16xi32>
        %shift_right_arithmetic3A_535 = arith.constant 1 : i32
        %shift_right_arithmetic3A_536 = vector.broadcast %shift_right_arithmetic3A_535 : i32 to vector<16xi32>
        %shift_right_arithmetic3A_537 = arith.shrsi %bitcast_convert_type3A_534, %shift_right_arithmetic3A_536 : vector<16xi32>
        %sub3A_538 = arith.constant 1597463007 : i32
        %sub3A_539 = vector.broadcast %sub3A_538 : i32 to vector<16xi32>
        %sub3A_540 = arith.subi %sub3A_539, %shift_right_arithmetic3A_537 : vector<16xi32>
        %bitcast_convert_type3A_541 = tpu.bitcast %sub3A_540 : vector<16xi32> -> vector<16xf32>
        %mul3A_542 = arith.constant 5.000000e-01 : f32
        %mul3A_543 = vector.broadcast %mul3A_542 : f32 to vector<16xf32>
        %mul3A_544 = arith.mulf %mul3A_543, %add3A_533 : vector<16xf32>
        %mul3A_545 = arith.mulf %mul3A_544, %bitcast_convert_type3A_541 : vector<16xf32>
        %mul3A_546 = arith.mulf %mul3A_545, %bitcast_convert_type3A_541 : vector<16xf32>
        %sub3A_547 = arith.constant 1.500000e+00 : f32
        %sub3A_548 = vector.broadcast %sub3A_547 : f32 to vector<16xf32>
        %sub3A_549 = arith.subf %sub3A_548, %mul3A_546 : vector<16xf32>
        %mul3A_550 = arith.mulf %bitcast_convert_type3A_541, %sub3A_549 : vector<16xf32>
        %mul3A_551 = arith.mulf %add3A_533, %mul3A_550 : vector<16xf32>
        %add3A_552 = arith.addf %add3A_392, %mul3A_551 : vector<16xf32>
        %gather3A_553 = arith.constant 0 : i32
        %gather3A_554 = arith.constant 0 : i32
        %gather3A_555 = tpu.memref_slice %arg17[%scan3A_100, %gather3A_553, %gather3A_554] : memref<2x128x128xf32, #tpu.memory_space<vmem>> -> memref<1x128x128xf32, #tpu.memory_space<vmem>>
        %gather3A_556 = tpu.memref_squeeze %gather3A_555 : memref<1x128x128xf32, #tpu.memory_space<vmem>> -> memref<128x128xf32, #tpu.memory_space<vmem>>
        %gather3A_557 = tpu.vector_load_idx %gather3A_556[%add3A_96, %and3A_473] : memref<128x128xf32, #tpu.memory_space<vmem>>[vector<16xi32>, vector<16xi32>], vector<16xf32>,
        %gather3A_558 = arith.constant 0 : i32
        %gather3A_559 = arith.constant 0 : i32
        %gather3A_560 = tpu.memref_slice %arg17[%scan3A_100, %gather3A_558, %gather3A_559] : memref<2x128x128xf32, #tpu.memory_space<vmem>> -> memref<1x128x128xf32, #tpu.memory_space<vmem>>
        %gather3A_561 = tpu.memref_squeeze %gather3A_560 : memref<1x128x128xf32, #tpu.memory_space<vmem>> -> memref<128x128xf32, #tpu.memory_space<vmem>>
        %gather3A_562 = tpu.vector_load_idx %gather3A_561[%add3A_96, %or3A_476] : memref<128x128xf32, #tpu.memory_space<vmem>>[vector<16xi32>, vector<16xi32>], vector<16xf32>,
        %sub3A_563 = arith.subf %gather3A_477, %gather3A_557 : vector<16xf32>
        %sub3A_564 = arith.subf %gather3A_478, %gather3A_562 : vector<16xf32>
        %mul3A_565 = arith.mulf %sub3A_563, %sub3A_563 : vector<16xf32>
        %mul3A_566 = arith.mulf %sub3A_564, %sub3A_564 : vector<16xf32>
        %add3A_567 = arith.addf %mul3A_565, %mul3A_566 : vector<16xf32>
        %add3A_568 = arith.constant 9.99999996E-13 : f32
        %add3A_569 = vector.broadcast %add3A_568 : f32 to vector<16xf32>
        %add3A_570 = arith.addf %add3A_567, %add3A_569 : vector<16xf32>
        %bitcast_convert_type3A_571 = tpu.bitcast %add3A_570 : vector<16xf32> -> vector<16xi32>
        %shift_right_arithmetic3A_572 = arith.constant 1 : i32
        %shift_right_arithmetic3A_573 = vector.broadcast %shift_right_arithmetic3A_572 : i32 to vector<16xi32>
        %shift_right_arithmetic3A_574 = arith.shrsi %bitcast_convert_type3A_571, %shift_right_arithmetic3A_573 : vector<16xi32>
        %sub3A_575 = arith.constant 1597463007 : i32
        %sub3A_576 = vector.broadcast %sub3A_575 : i32 to vector<16xi32>
        %sub3A_577 = arith.subi %sub3A_576, %shift_right_arithmetic3A_574 : vector<16xi32>
        %bitcast_convert_type3A_578 = tpu.bitcast %sub3A_577 : vector<16xi32> -> vector<16xf32>
        %mul3A_579 = arith.constant 5.000000e-01 : f32
        %mul3A_580 = vector.broadcast %mul3A_579 : f32 to vector<16xf32>
        %mul3A_581 = arith.mulf %mul3A_580, %add3A_570 : vector<16xf32>
        %mul3A_582 = arith.mulf %mul3A_581, %bitcast_convert_type3A_578 : vector<16xf32>
        %mul3A_583 = arith.mulf %mul3A_582, %bitcast_convert_type3A_578 : vector<16xf32>
        %sub3A_584 = arith.constant 1.500000e+00 : f32
        %sub3A_585 = vector.broadcast %sub3A_584 : f32 to vector<16xf32>
        %sub3A_586 = arith.subf %sub3A_585, %mul3A_583 : vector<16xf32>
        %mul3A_587 = arith.mulf %bitcast_convert_type3A_578, %sub3A_586 : vector<16xf32>
        %mul3A_588 = arith.mulf %add3A_570, %mul3A_587 : vector<16xf32>
        %add3A_589 = arith.addf %add3A_429, %mul3A_588 : vector<16xf32>
        %gather3A_590 = arith.constant 0 : i32
        %gather3A_591 = arith.constant 0 : i32
        %gather3A_592 = tpu.memref_slice %arg17[%scan3A_100, %gather3A_590, %gather3A_591] : memref<2x128x128xf32, #tpu.memory_space<vmem>> -> memref<1x128x128xf32, #tpu.memory_space<vmem>>
        %gather3A_593 = tpu.memref_squeeze %gather3A_592 : memref<1x128x128xf32, #tpu.memory_space<vmem>> -> memref<128x128xf32, #tpu.memory_space<vmem>>
        %gather3A_594 = tpu.vector_load_idx %gather3A_593[%add3A_99, %and3A_473] : memref<128x128xf32, #tpu.memory_space<vmem>>[vector<16xi32>, vector<16xi32>], vector<16xf32>,
        %gather3A_595 = arith.constant 0 : i32
        %gather3A_596 = arith.constant 0 : i32
        %gather3A_597 = tpu.memref_slice %arg17[%scan3A_100, %gather3A_595, %gather3A_596] : memref<2x128x128xf32, #tpu.memory_space<vmem>> -> memref<1x128x128xf32, #tpu.memory_space<vmem>>
        %gather3A_598 = tpu.memref_squeeze %gather3A_597 : memref<1x128x128xf32, #tpu.memory_space<vmem>> -> memref<128x128xf32, #tpu.memory_space<vmem>>
        %gather3A_599 = tpu.vector_load_idx %gather3A_598[%add3A_99, %or3A_476] : memref<128x128xf32, #tpu.memory_space<vmem>>[vector<16xi32>, vector<16xi32>], vector<16xf32>,
        %sub3A_600 = arith.subf %gather3A_477, %gather3A_594 : vector<16xf32>
        %sub3A_601 = arith.subf %gather3A_478, %gather3A_599 : vector<16xf32>
        %mul3A_602 = arith.mulf %sub3A_600, %sub3A_600 : vector<16xf32>
        %mul3A_603 = arith.mulf %sub3A_601, %sub3A_601 : vector<16xf32>
        %add3A_604 = arith.addf %mul3A_602, %mul3A_603 : vector<16xf32>
        %add3A_605 = arith.constant 9.99999996E-13 : f32
        %add3A_606 = vector.broadcast %add3A_605 : f32 to vector<16xf32>
        %add3A_607 = arith.addf %add3A_604, %add3A_606 : vector<16xf32>
        %bitcast_convert_type3A_608 = tpu.bitcast %add3A_607 : vector<16xf32> -> vector<16xi32>
        %shift_right_arithmetic3A_609 = arith.constant 1 : i32
        %shift_right_arithmetic3A_610 = vector.broadcast %shift_right_arithmetic3A_609 : i32 to vector<16xi32>
        %shift_right_arithmetic3A_611 = arith.shrsi %bitcast_convert_type3A_608, %shift_right_arithmetic3A_610 : vector<16xi32>
        %sub3A_612 = arith.constant 1597463007 : i32
        %sub3A_613 = vector.broadcast %sub3A_612 : i32 to vector<16xi32>
        %sub3A_614 = arith.subi %sub3A_613, %shift_right_arithmetic3A_611 : vector<16xi32>
        %bitcast_convert_type3A_615 = tpu.bitcast %sub3A_614 : vector<16xi32> -> vector<16xf32>
        %mul3A_616 = arith.constant 5.000000e-01 : f32
        %mul3A_617 = vector.broadcast %mul3A_616 : f32 to vector<16xf32>
        %mul3A_618 = arith.mulf %mul3A_617, %add3A_607 : vector<16xf32>
        %mul3A_619 = arith.mulf %mul3A_618, %bitcast_convert_type3A_615 : vector<16xf32>
        %mul3A_620 = arith.mulf %mul3A_619, %bitcast_convert_type3A_615 : vector<16xf32>
        %sub3A_621 = arith.constant 1.500000e+00 : f32
        %sub3A_622 = vector.broadcast %sub3A_621 : f32 to vector<16xf32>
        %sub3A_623 = arith.subf %sub3A_622, %mul3A_620 : vector<16xf32>
        %mul3A_624 = arith.mulf %bitcast_convert_type3A_615, %sub3A_623 : vector<16xf32>
        %mul3A_625 = arith.mulf %add3A_607, %mul3A_624 : vector<16xf32>
        %add3A_626 = arith.addf %add3A_466, %mul3A_625 : vector<16xf32>
        %scan3A_627 = arith.constant 2 : i32
        %scan3A_628 = arith.addi %scan3A_310, %scan3A_627 : i32
        %add3A_629 = vector.broadcast %scan3A_628 : i32 to vector<16xi32>
        %add3A_630 = arith.addi %iota3A, %add3A_629 : vector<16xi32>
        %and3A_631 = arith.constant 63 : i32
        %and3A_632 = vector.broadcast %and3A_631 : i32 to vector<16xi32>
        %and3A_633 = arith.andi %add3A_630, %and3A_632 : vector<16xi32>
        %or3A_634 = arith.constant 64 : i32
        %or3A_635 = vector.broadcast %or3A_634 : i32 to vector<16xi32>
        %or3A_636 = arith.ori %and3A_633, %or3A_635 : vector<16xi32>
        %gather3A_637 = tpu.vector_load_idx %arg14[%add3A_87, %and3A_633] : memref<128x128xf32, #tpu.memory_space<vmem>>[vector<16xi32>, vector<16xi32>], vector<16xf32>,
        %gather3A_638 = tpu.vector_load_idx %arg14[%add3A_87, %or3A_636] : memref<128x128xf32, #tpu.memory_space<vmem>>[vector<16xi32>, vector<16xi32>], vector<16xf32>,
        %gather3A_639 = arith.constant 0 : i32
        %gather3A_640 = arith.constant 0 : i32
        %gather3A_641 = tpu.memref_slice %arg17[%scan3A_100, %gather3A_639, %gather3A_640] : memref<2x128x128xf32, #tpu.memory_space<vmem>> -> memref<1x128x128xf32, #tpu.memory_space<vmem>>
        %gather3A_642 = tpu.memref_squeeze %gather3A_641 : memref<1x128x128xf32, #tpu.memory_space<vmem>> -> memref<128x128xf32, #tpu.memory_space<vmem>>
        %gather3A_643 = tpu.vector_load_idx %gather3A_642[%add3A_90, %and3A_633] : memref<128x128xf32, #tpu.memory_space<vmem>>[vector<16xi32>, vector<16xi32>], vector<16xf32>,
        %gather3A_644 = arith.constant 0 : i32
        %gather3A_645 = arith.constant 0 : i32
        %gather3A_646 = tpu.memref_slice %arg17[%scan3A_100, %gather3A_644, %gather3A_645] : memref<2x128x128xf32, #tpu.memory_space<vmem>> -> memref<1x128x128xf32, #tpu.memory_space<vmem>>
        %gather3A_647 = tpu.memref_squeeze %gather3A_646 : memref<1x128x128xf32, #tpu.memory_space<vmem>> -> memref<128x128xf32, #tpu.memory_space<vmem>>
        %gather3A_648 = tpu.vector_load_idx %gather3A_647[%add3A_90, %or3A_636] : memref<128x128xf32, #tpu.memory_space<vmem>>[vector<16xi32>, vector<16xi32>], vector<16xf32>,
        %sub3A_649 = arith.subf %gather3A_637, %gather3A_643 : vector<16xf32>
        %sub3A_650 = arith.subf %gather3A_638, %gather3A_648 : vector<16xf32>
        %mul3A_651 = arith.mulf %sub3A_649, %sub3A_649 : vector<16xf32>
        %mul3A_652 = arith.mulf %sub3A_650, %sub3A_650 : vector<16xf32>
        %add3A_653 = arith.addf %mul3A_651, %mul3A_652 : vector<16xf32>
        %add3A_654 = arith.constant 9.99999996E-13 : f32
        %add3A_655 = vector.broadcast %add3A_654 : f32 to vector<16xf32>
        %add3A_656 = arith.addf %add3A_653, %add3A_655 : vector<16xf32>
        %bitcast_convert_type3A_657 = tpu.bitcast %add3A_656 : vector<16xf32> -> vector<16xi32>
        %shift_right_arithmetic3A_658 = arith.constant 1 : i32
        %shift_right_arithmetic3A_659 = vector.broadcast %shift_right_arithmetic3A_658 : i32 to vector<16xi32>
        %shift_right_arithmetic3A_660 = arith.shrsi %bitcast_convert_type3A_657, %shift_right_arithmetic3A_659 : vector<16xi32>
        %sub3A_661 = arith.constant 1597463007 : i32
        %sub3A_662 = vector.broadcast %sub3A_661 : i32 to vector<16xi32>
        %sub3A_663 = arith.subi %sub3A_662, %shift_right_arithmetic3A_660 : vector<16xi32>
        %bitcast_convert_type3A_664 = tpu.bitcast %sub3A_663 : vector<16xi32> -> vector<16xf32>
        %mul3A_665 = arith.constant 5.000000e-01 : f32
        %mul3A_666 = vector.broadcast %mul3A_665 : f32 to vector<16xf32>
        %mul3A_667 = arith.mulf %mul3A_666, %add3A_656 : vector<16xf32>
        %mul3A_668 = arith.mulf %mul3A_667, %bitcast_convert_type3A_664 : vector<16xf32>
        %mul3A_669 = arith.mulf %mul3A_668, %bitcast_convert_type3A_664 : vector<16xf32>
        %sub3A_670 = arith.constant 1.500000e+00 : f32
        %sub3A_671 = vector.broadcast %sub3A_670 : f32 to vector<16xf32>
        %sub3A_672 = arith.subf %sub3A_671, %mul3A_669 : vector<16xf32>
        %mul3A_673 = arith.mulf %bitcast_convert_type3A_664, %sub3A_672 : vector<16xf32>
        %mul3A_674 = arith.mulf %add3A_656, %mul3A_673 : vector<16xf32>
        %add3A_675 = arith.addf %add3A_515, %mul3A_674 : vector<16xf32>
        %gather3A_676 = arith.constant 0 : i32
        %gather3A_677 = arith.constant 0 : i32
        %gather3A_678 = tpu.memref_slice %arg17[%scan3A_100, %gather3A_676, %gather3A_677] : memref<2x128x128xf32, #tpu.memory_space<vmem>> -> memref<1x128x128xf32, #tpu.memory_space<vmem>>
        %gather3A_679 = tpu.memref_squeeze %gather3A_678 : memref<1x128x128xf32, #tpu.memory_space<vmem>> -> memref<128x128xf32, #tpu.memory_space<vmem>>
        %gather3A_680 = tpu.vector_load_idx %gather3A_679[%add3A_93, %and3A_633] : memref<128x128xf32, #tpu.memory_space<vmem>>[vector<16xi32>, vector<16xi32>], vector<16xf32>,
        %gather3A_681 = arith.constant 0 : i32
        %gather3A_682 = arith.constant 0 : i32
        %gather3A_683 = tpu.memref_slice %arg17[%scan3A_100, %gather3A_681, %gather3A_682] : memref<2x128x128xf32, #tpu.memory_space<vmem>> -> memref<1x128x128xf32, #tpu.memory_space<vmem>>
        %gather3A_684 = tpu.memref_squeeze %gather3A_683 : memref<1x128x128xf32, #tpu.memory_space<vmem>> -> memref<128x128xf32, #tpu.memory_space<vmem>>
        %gather3A_685 = tpu.vector_load_idx %gather3A_684[%add3A_93, %or3A_636] : memref<128x128xf32, #tpu.memory_space<vmem>>[vector<16xi32>, vector<16xi32>], vector<16xf32>,
        %sub3A_686 = arith.subf %gather3A_637, %gather3A_680 : vector<16xf32>
        %sub3A_687 = arith.subf %gather3A_638, %gather3A_685 : vector<16xf32>
        %mul3A_688 = arith.mulf %sub3A_686, %sub3A_686 : vector<16xf32>
        %mul3A_689 = arith.mulf %sub3A_687, %sub3A_687 : vector<16xf32>
        %add3A_690 = arith.addf %mul3A_688, %mul3A_689 : vector<16xf32>
        %add3A_691 = arith.constant 9.99999996E-13 : f32
        %add3A_692 = vector.broadcast %add3A_691 : f32 to vector<16xf32>
        %add3A_693 = arith.addf %add3A_690, %add3A_692 : vector<16xf32>
        %bitcast_convert_type3A_694 = tpu.bitcast %add3A_693 : vector<16xf32> -> vector<16xi32>
        %shift_right_arithmetic3A_695 = arith.constant 1 : i32
        %shift_right_arithmetic3A_696 = vector.broadcast %shift_right_arithmetic3A_695 : i32 to vector<16xi32>
        %shift_right_arithmetic3A_697 = arith.shrsi %bitcast_convert_type3A_694, %shift_right_arithmetic3A_696 : vector<16xi32>
        %sub3A_698 = arith.constant 1597463007 : i32
        %sub3A_699 = vector.broadcast %sub3A_698 : i32 to vector<16xi32>
        %sub3A_700 = arith.subi %sub3A_699, %shift_right_arithmetic3A_697 : vector<16xi32>
        %bitcast_convert_type3A_701 = tpu.bitcast %sub3A_700 : vector<16xi32> -> vector<16xf32>
        %mul3A_702 = arith.constant 5.000000e-01 : f32
        %mul3A_703 = vector.broadcast %mul3A_702 : f32 to vector<16xf32>
        %mul3A_704 = arith.mulf %mul3A_703, %add3A_693 : vector<16xf32>
        %mul3A_705 = arith.mulf %mul3A_704, %bitcast_convert_type3A_701 : vector<16xf32>
        %mul3A_706 = arith.mulf %mul3A_705, %bitcast_convert_type3A_701 : vector<16xf32>
        %sub3A_707 = arith.constant 1.500000e+00 : f32
        %sub3A_708 = vector.broadcast %sub3A_707 : f32 to vector<16xf32>
        %sub3A_709 = arith.subf %sub3A_708, %mul3A_706 : vector<16xf32>
        %mul3A_710 = arith.mulf %bitcast_convert_type3A_701, %sub3A_709 : vector<16xf32>
        %mul3A_711 = arith.mulf %add3A_693, %mul3A_710 : vector<16xf32>
        %add3A_712 = arith.addf %add3A_552, %mul3A_711 : vector<16xf32>
        %gather3A_713 = arith.constant 0 : i32
        %gather3A_714 = arith.constant 0 : i32
        %gather3A_715 = tpu.memref_slice %arg17[%scan3A_100, %gather3A_713, %gather3A_714] : memref<2x128x128xf32, #tpu.memory_space<vmem>> -> memref<1x128x128xf32, #tpu.memory_space<vmem>>
        %gather3A_716 = tpu.memref_squeeze %gather3A_715 : memref<1x128x128xf32, #tpu.memory_space<vmem>> -> memref<128x128xf32, #tpu.memory_space<vmem>>
        %gather3A_717 = tpu.vector_load_idx %gather3A_716[%add3A_96, %and3A_633] : memref<128x128xf32, #tpu.memory_space<vmem>>[vector<16xi32>, vector<16xi32>], vector<16xf32>,
        %gather3A_718 = arith.constant 0 : i32
        %gather3A_719 = arith.constant 0 : i32
        %gather3A_720 = tpu.memref_slice %arg17[%scan3A_100, %gather3A_718, %gather3A_719] : memref<2x128x128xf32, #tpu.memory_space<vmem>> -> memref<1x128x128xf32, #tpu.memory_space<vmem>>
        %gather3A_721 = tpu.memref_squeeze %gather3A_720 : memref<1x128x128xf32, #tpu.memory_space<vmem>> -> memref<128x128xf32, #tpu.memory_space<vmem>>
        %gather3A_722 = tpu.vector_load_idx %gather3A_721[%add3A_96, %or3A_636] : memref<128x128xf32, #tpu.memory_space<vmem>>[vector<16xi32>, vector<16xi32>], vector<16xf32>,
        %sub3A_723 = arith.subf %gather3A_637, %gather3A_717 : vector<16xf32>
        %sub3A_724 = arith.subf %gather3A_638, %gather3A_722 : vector<16xf32>
        %mul3A_725 = arith.mulf %sub3A_723, %sub3A_723 : vector<16xf32>
        %mul3A_726 = arith.mulf %sub3A_724, %sub3A_724 : vector<16xf32>
        %add3A_727 = arith.addf %mul3A_725, %mul3A_726 : vector<16xf32>
        %add3A_728 = arith.constant 9.99999996E-13 : f32
        %add3A_729 = vector.broadcast %add3A_728 : f32 to vector<16xf32>
        %add3A_730 = arith.addf %add3A_727, %add3A_729 : vector<16xf32>
        %bitcast_convert_type3A_731 = tpu.bitcast %add3A_730 : vector<16xf32> -> vector<16xi32>
        %shift_right_arithmetic3A_732 = arith.constant 1 : i32
        %shift_right_arithmetic3A_733 = vector.broadcast %shift_right_arithmetic3A_732 : i32 to vector<16xi32>
        %shift_right_arithmetic3A_734 = arith.shrsi %bitcast_convert_type3A_731, %shift_right_arithmetic3A_733 : vector<16xi32>
        %sub3A_735 = arith.constant 1597463007 : i32
        %sub3A_736 = vector.broadcast %sub3A_735 : i32 to vector<16xi32>
        %sub3A_737 = arith.subi %sub3A_736, %shift_right_arithmetic3A_734 : vector<16xi32>
        %bitcast_convert_type3A_738 = tpu.bitcast %sub3A_737 : vector<16xi32> -> vector<16xf32>
        %mul3A_739 = arith.constant 5.000000e-01 : f32
        %mul3A_740 = vector.broadcast %mul3A_739 : f32 to vector<16xf32>
        %mul3A_741 = arith.mulf %mul3A_740, %add3A_730 : vector<16xf32>
        %mul3A_742 = arith.mulf %mul3A_741, %bitcast_convert_type3A_738 : vector<16xf32>
        %mul3A_743 = arith.mulf %mul3A_742, %bitcast_convert_type3A_738 : vector<16xf32>
        %sub3A_744 = arith.constant 1.500000e+00 : f32
        %sub3A_745 = vector.broadcast %sub3A_744 : f32 to vector<16xf32>
        %sub3A_746 = arith.subf %sub3A_745, %mul3A_743 : vector<16xf32>
        %mul3A_747 = arith.mulf %bitcast_convert_type3A_738, %sub3A_746 : vector<16xf32>
        %mul3A_748 = arith.mulf %add3A_730, %mul3A_747 : vector<16xf32>
        %add3A_749 = arith.addf %add3A_589, %mul3A_748 : vector<16xf32>
        %gather3A_750 = arith.constant 0 : i32
        %gather3A_751 = arith.constant 0 : i32
        %gather3A_752 = tpu.memref_slice %arg17[%scan3A_100, %gather3A_750, %gather3A_751] : memref<2x128x128xf32, #tpu.memory_space<vmem>> -> memref<1x128x128xf32, #tpu.memory_space<vmem>>
        %gather3A_753 = tpu.memref_squeeze %gather3A_752 : memref<1x128x128xf32, #tpu.memory_space<vmem>> -> memref<128x128xf32, #tpu.memory_space<vmem>>
        %gather3A_754 = tpu.vector_load_idx %gather3A_753[%add3A_99, %and3A_633] : memref<128x128xf32, #tpu.memory_space<vmem>>[vector<16xi32>, vector<16xi32>], vector<16xf32>,
        %gather3A_755 = arith.constant 0 : i32
        %gather3A_756 = arith.constant 0 : i32
        %gather3A_757 = tpu.memref_slice %arg17[%scan3A_100, %gather3A_755, %gather3A_756] : memref<2x128x128xf32, #tpu.memory_space<vmem>> -> memref<1x128x128xf32, #tpu.memory_space<vmem>>
        %gather3A_758 = tpu.memref_squeeze %gather3A_757 : memref<1x128x128xf32, #tpu.memory_space<vmem>> -> memref<128x128xf32, #tpu.memory_space<vmem>>
        %gather3A_759 = tpu.vector_load_idx %gather3A_758[%add3A_99, %or3A_636] : memref<128x128xf32, #tpu.memory_space<vmem>>[vector<16xi32>, vector<16xi32>], vector<16xf32>,
        %sub3A_760 = arith.subf %gather3A_637, %gather3A_754 : vector<16xf32>
        %sub3A_761 = arith.subf %gather3A_638, %gather3A_759 : vector<16xf32>
        %mul3A_762 = arith.mulf %sub3A_760, %sub3A_760 : vector<16xf32>
        %mul3A_763 = arith.mulf %sub3A_761, %sub3A_761 : vector<16xf32>
        %add3A_764 = arith.addf %mul3A_762, %mul3A_763 : vector<16xf32>
        %add3A_765 = arith.constant 9.99999996E-13 : f32
        %add3A_766 = vector.broadcast %add3A_765 : f32 to vector<16xf32>
        %add3A_767 = arith.addf %add3A_764, %add3A_766 : vector<16xf32>
        %bitcast_convert_type3A_768 = tpu.bitcast %add3A_767 : vector<16xf32> -> vector<16xi32>
        %shift_right_arithmetic3A_769 = arith.constant 1 : i32
        %shift_right_arithmetic3A_770 = vector.broadcast %shift_right_arithmetic3A_769 : i32 to vector<16xi32>
        %shift_right_arithmetic3A_771 = arith.shrsi %bitcast_convert_type3A_768, %shift_right_arithmetic3A_770 : vector<16xi32>
        %sub3A_772 = arith.constant 1597463007 : i32
        %sub3A_773 = vector.broadcast %sub3A_772 : i32 to vector<16xi32>
        %sub3A_774 = arith.subi %sub3A_773, %shift_right_arithmetic3A_771 : vector<16xi32>
        %bitcast_convert_type3A_775 = tpu.bitcast %sub3A_774 : vector<16xi32> -> vector<16xf32>
        %mul3A_776 = arith.constant 5.000000e-01 : f32
        %mul3A_777 = vector.broadcast %mul3A_776 : f32 to vector<16xf32>
        %mul3A_778 = arith.mulf %mul3A_777, %add3A_767 : vector<16xf32>
        %mul3A_779 = arith.mulf %mul3A_778, %bitcast_convert_type3A_775 : vector<16xf32>
        %mul3A_780 = arith.mulf %mul3A_779, %bitcast_convert_type3A_775 : vector<16xf32>
        %sub3A_781 = arith.constant 1.500000e+00 : f32
        %sub3A_782 = vector.broadcast %sub3A_781 : f32 to vector<16xf32>
        %sub3A_783 = arith.subf %sub3A_782, %mul3A_780 : vector<16xf32>
        %mul3A_784 = arith.mulf %bitcast_convert_type3A_775, %sub3A_783 : vector<16xf32>
        %mul3A_785 = arith.mulf %add3A_767, %mul3A_784 : vector<16xf32>
        %add3A_786 = arith.addf %add3A_626, %mul3A_785 : vector<16xf32>
        %scan3A_787 = arith.constant 3 : i32
        %scan3A_788 = arith.addi %scan3A_310, %scan3A_787 : i32
        %add3A_789 = vector.broadcast %scan3A_788 : i32 to vector<16xi32>
        %add3A_790 = arith.addi %iota3A, %add3A_789 : vector<16xi32>
        %and3A_791 = arith.constant 63 : i32
        %and3A_792 = vector.broadcast %and3A_791 : i32 to vector<16xi32>
        %and3A_793 = arith.andi %add3A_790, %and3A_792 : vector<16xi32>
        %or3A_794 = arith.constant 64 : i32
        %or3A_795 = vector.broadcast %or3A_794 : i32 to vector<16xi32>
        %or3A_796 = arith.ori %and3A_793, %or3A_795 : vector<16xi32>
        %gather3A_797 = tpu.vector_load_idx %arg14[%add3A_87, %and3A_793] : memref<128x128xf32, #tpu.memory_space<vmem>>[vector<16xi32>, vector<16xi32>], vector<16xf32>,
        %gather3A_798 = tpu.vector_load_idx %arg14[%add3A_87, %or3A_796] : memref<128x128xf32, #tpu.memory_space<vmem>>[vector<16xi32>, vector<16xi32>], vector<16xf32>,
        %gather3A_799 = arith.constant 0 : i32
        %gather3A_800 = arith.constant 0 : i32
        %gather3A_801 = tpu.memref_slice %arg17[%scan3A_100, %gather3A_799, %gather3A_800] : memref<2x128x128xf32, #tpu.memory_space<vmem>> -> memref<1x128x128xf32, #tpu.memory_space<vmem>>
        %gather3A_802 = tpu.memref_squeeze %gather3A_801 : memref<1x128x128xf32, #tpu.memory_space<vmem>> -> memref<128x128xf32, #tpu.memory_space<vmem>>
        %gather3A_803 = tpu.vector_load_idx %gather3A_802[%add3A_90, %and3A_793] : memref<128x128xf32, #tpu.memory_space<vmem>>[vector<16xi32>, vector<16xi32>], vector<16xf32>,
        %gather3A_804 = arith.constant 0 : i32
        %gather3A_805 = arith.constant 0 : i32
        %gather3A_806 = tpu.memref_slice %arg17[%scan3A_100, %gather3A_804, %gather3A_805] : memref<2x128x128xf32, #tpu.memory_space<vmem>> -> memref<1x128x128xf32, #tpu.memory_space<vmem>>
        %gather3A_807 = tpu.memref_squeeze %gather3A_806 : memref<1x128x128xf32, #tpu.memory_space<vmem>> -> memref<128x128xf32, #tpu.memory_space<vmem>>
        %gather3A_808 = tpu.vector_load_idx %gather3A_807[%add3A_90, %or3A_796] : memref<128x128xf32, #tpu.memory_space<vmem>>[vector<16xi32>, vector<16xi32>], vector<16xf32>,
        %sub3A_809 = arith.subf %gather3A_797, %gather3A_803 : vector<16xf32>
        %sub3A_810 = arith.subf %gather3A_798, %gather3A_808 : vector<16xf32>
        %mul3A_811 = arith.mulf %sub3A_809, %sub3A_809 : vector<16xf32>
        %mul3A_812 = arith.mulf %sub3A_810, %sub3A_810 : vector<16xf32>
        %add3A_813 = arith.addf %mul3A_811, %mul3A_812 : vector<16xf32>
        %add3A_814 = arith.constant 9.99999996E-13 : f32
        %add3A_815 = vector.broadcast %add3A_814 : f32 to vector<16xf32>
        %add3A_816 = arith.addf %add3A_813, %add3A_815 : vector<16xf32>
        %bitcast_convert_type3A_817 = tpu.bitcast %add3A_816 : vector<16xf32> -> vector<16xi32>
        %shift_right_arithmetic3A_818 = arith.constant 1 : i32
        %shift_right_arithmetic3A_819 = vector.broadcast %shift_right_arithmetic3A_818 : i32 to vector<16xi32>
        %shift_right_arithmetic3A_820 = arith.shrsi %bitcast_convert_type3A_817, %shift_right_arithmetic3A_819 : vector<16xi32>
        %sub3A_821 = arith.constant 1597463007 : i32
        %sub3A_822 = vector.broadcast %sub3A_821 : i32 to vector<16xi32>
        %sub3A_823 = arith.subi %sub3A_822, %shift_right_arithmetic3A_820 : vector<16xi32>
        %bitcast_convert_type3A_824 = tpu.bitcast %sub3A_823 : vector<16xi32> -> vector<16xf32>
        %mul3A_825 = arith.constant 5.000000e-01 : f32
        %mul3A_826 = vector.broadcast %mul3A_825 : f32 to vector<16xf32>
        %mul3A_827 = arith.mulf %mul3A_826, %add3A_816 : vector<16xf32>
        %mul3A_828 = arith.mulf %mul3A_827, %bitcast_convert_type3A_824 : vector<16xf32>
        %mul3A_829 = arith.mulf %mul3A_828, %bitcast_convert_type3A_824 : vector<16xf32>
        %sub3A_830 = arith.constant 1.500000e+00 : f32
        %sub3A_831 = vector.broadcast %sub3A_830 : f32 to vector<16xf32>
        %sub3A_832 = arith.subf %sub3A_831, %mul3A_829 : vector<16xf32>
        %mul3A_833 = arith.mulf %bitcast_convert_type3A_824, %sub3A_832 : vector<16xf32>
        %mul3A_834 = arith.mulf %add3A_816, %mul3A_833 : vector<16xf32>
        %add3A_835 = arith.addf %add3A_675, %mul3A_834 : vector<16xf32>
        %gather3A_836 = arith.constant 0 : i32
        %gather3A_837 = arith.constant 0 : i32
        %gather3A_838 = tpu.memref_slice %arg17[%scan3A_100, %gather3A_836, %gather3A_837] : memref<2x128x128xf32, #tpu.memory_space<vmem>> -> memref<1x128x128xf32, #tpu.memory_space<vmem>>
        %gather3A_839 = tpu.memref_squeeze %gather3A_838 : memref<1x128x128xf32, #tpu.memory_space<vmem>> -> memref<128x128xf32, #tpu.memory_space<vmem>>
        %gather3A_840 = tpu.vector_load_idx %gather3A_839[%add3A_93, %and3A_793] : memref<128x128xf32, #tpu.memory_space<vmem>>[vector<16xi32>, vector<16xi32>], vector<16xf32>,
        %gather3A_841 = arith.constant 0 : i32
        %gather3A_842 = arith.constant 0 : i32
        %gather3A_843 = tpu.memref_slice %arg17[%scan3A_100, %gather3A_841, %gather3A_842] : memref<2x128x128xf32, #tpu.memory_space<vmem>> -> memref<1x128x128xf32, #tpu.memory_space<vmem>>
        %gather3A_844 = tpu.memref_squeeze %gather3A_843 : memref<1x128x128xf32, #tpu.memory_space<vmem>> -> memref<128x128xf32, #tpu.memory_space<vmem>>
        %gather3A_845 = tpu.vector_load_idx %gather3A_844[%add3A_93, %or3A_796] : memref<128x128xf32, #tpu.memory_space<vmem>>[vector<16xi32>, vector<16xi32>], vector<16xf32>,
        %sub3A_846 = arith.subf %gather3A_797, %gather3A_840 : vector<16xf32>
        %sub3A_847 = arith.subf %gather3A_798, %gather3A_845 : vector<16xf32>
        %mul3A_848 = arith.mulf %sub3A_846, %sub3A_846 : vector<16xf32>
        %mul3A_849 = arith.mulf %sub3A_847, %sub3A_847 : vector<16xf32>
        %add3A_850 = arith.addf %mul3A_848, %mul3A_849 : vector<16xf32>
        %add3A_851 = arith.constant 9.99999996E-13 : f32
        %add3A_852 = vector.broadcast %add3A_851 : f32 to vector<16xf32>
        %add3A_853 = arith.addf %add3A_850, %add3A_852 : vector<16xf32>
        %bitcast_convert_type3A_854 = tpu.bitcast %add3A_853 : vector<16xf32> -> vector<16xi32>
        %shift_right_arithmetic3A_855 = arith.constant 1 : i32
        %shift_right_arithmetic3A_856 = vector.broadcast %shift_right_arithmetic3A_855 : i32 to vector<16xi32>
        %shift_right_arithmetic3A_857 = arith.shrsi %bitcast_convert_type3A_854, %shift_right_arithmetic3A_856 : vector<16xi32>
        %sub3A_858 = arith.constant 1597463007 : i32
        %sub3A_859 = vector.broadcast %sub3A_858 : i32 to vector<16xi32>
        %sub3A_860 = arith.subi %sub3A_859, %shift_right_arithmetic3A_857 : vector<16xi32>
        %bitcast_convert_type3A_861 = tpu.bitcast %sub3A_860 : vector<16xi32> -> vector<16xf32>
        %mul3A_862 = arith.constant 5.000000e-01 : f32
        %mul3A_863 = vector.broadcast %mul3A_862 : f32 to vector<16xf32>
        %mul3A_864 = arith.mulf %mul3A_863, %add3A_853 : vector<16xf32>
        %mul3A_865 = arith.mulf %mul3A_864, %bitcast_convert_type3A_861 : vector<16xf32>
        %mul3A_866 = arith.mulf %mul3A_865, %bitcast_convert_type3A_861 : vector<16xf32>
        %sub3A_867 = arith.constant 1.500000e+00 : f32
        %sub3A_868 = vector.broadcast %sub3A_867 : f32 to vector<16xf32>
        %sub3A_869 = arith.subf %sub3A_868, %mul3A_866 : vector<16xf32>
        %mul3A_870 = arith.mulf %bitcast_convert_type3A_861, %sub3A_869 : vector<16xf32>
        %mul3A_871 = arith.mulf %add3A_853, %mul3A_870 : vector<16xf32>
        %add3A_872 = arith.addf %add3A_712, %mul3A_871 : vector<16xf32>
        %gather3A_873 = arith.constant 0 : i32
        %gather3A_874 = arith.constant 0 : i32
        %gather3A_875 = tpu.memref_slice %arg17[%scan3A_100, %gather3A_873, %gather3A_874] : memref<2x128x128xf32, #tpu.memory_space<vmem>> -> memref<1x128x128xf32, #tpu.memory_space<vmem>>
        %gather3A_876 = tpu.memref_squeeze %gather3A_875 : memref<1x128x128xf32, #tpu.memory_space<vmem>> -> memref<128x128xf32, #tpu.memory_space<vmem>>
        %gather3A_877 = tpu.vector_load_idx %gather3A_876[%add3A_96, %and3A_793] : memref<128x128xf32, #tpu.memory_space<vmem>>[vector<16xi32>, vector<16xi32>], vector<16xf32>,
        %gather3A_878 = arith.constant 0 : i32
        %gather3A_879 = arith.constant 0 : i32
        %gather3A_880 = tpu.memref_slice %arg17[%scan3A_100, %gather3A_878, %gather3A_879] : memref<2x128x128xf32, #tpu.memory_space<vmem>> -> memref<1x128x128xf32, #tpu.memory_space<vmem>>
        %gather3A_881 = tpu.memref_squeeze %gather3A_880 : memref<1x128x128xf32, #tpu.memory_space<vmem>> -> memref<128x128xf32, #tpu.memory_space<vmem>>
        %gather3A_882 = tpu.vector_load_idx %gather3A_881[%add3A_96, %or3A_796] : memref<128x128xf32, #tpu.memory_space<vmem>>[vector<16xi32>, vector<16xi32>], vector<16xf32>,
        %sub3A_883 = arith.subf %gather3A_797, %gather3A_877 : vector<16xf32>
        %sub3A_884 = arith.subf %gather3A_798, %gather3A_882 : vector<16xf32>
        %mul3A_885 = arith.mulf %sub3A_883, %sub3A_883 : vector<16xf32>
        %mul3A_886 = arith.mulf %sub3A_884, %sub3A_884 : vector<16xf32>
        %add3A_887 = arith.addf %mul3A_885, %mul3A_886 : vector<16xf32>
        %add3A_888 = arith.constant 9.99999996E-13 : f32
        %add3A_889 = vector.broadcast %add3A_888 : f32 to vector<16xf32>
        %add3A_890 = arith.addf %add3A_887, %add3A_889 : vector<16xf32>
        %bitcast_convert_type3A_891 = tpu.bitcast %add3A_890 : vector<16xf32> -> vector<16xi32>
        %shift_right_arithmetic3A_892 = arith.constant 1 : i32
        %shift_right_arithmetic3A_893 = vector.broadcast %shift_right_arithmetic3A_892 : i32 to vector<16xi32>
        %shift_right_arithmetic3A_894 = arith.shrsi %bitcast_convert_type3A_891, %shift_right_arithmetic3A_893 : vector<16xi32>
        %sub3A_895 = arith.constant 1597463007 : i32
        %sub3A_896 = vector.broadcast %sub3A_895 : i32 to vector<16xi32>
        %sub3A_897 = arith.subi %sub3A_896, %shift_right_arithmetic3A_894 : vector<16xi32>
        %bitcast_convert_type3A_898 = tpu.bitcast %sub3A_897 : vector<16xi32> -> vector<16xf32>
        %mul3A_899 = arith.constant 5.000000e-01 : f32
        %mul3A_900 = vector.broadcast %mul3A_899 : f32 to vector<16xf32>
        %mul3A_901 = arith.mulf %mul3A_900, %add3A_890 : vector<16xf32>
        %mul3A_902 = arith.mulf %mul3A_901, %bitcast_convert_type3A_898 : vector<16xf32>
        %mul3A_903 = arith.mulf %mul3A_902, %bitcast_convert_type3A_898 : vector<16xf32>
        %sub3A_904 = arith.constant 1.500000e+00 : f32
        %sub3A_905 = vector.broadcast %sub3A_904 : f32 to vector<16xf32>
        %sub3A_906 = arith.subf %sub3A_905, %mul3A_903 : vector<16xf32>
        %mul3A_907 = arith.mulf %bitcast_convert_type3A_898, %sub3A_906 : vector<16xf32>
        %mul3A_908 = arith.mulf %add3A_890, %mul3A_907 : vector<16xf32>
        %add3A_909 = arith.addf %add3A_749, %mul3A_908 : vector<16xf32>
        %gather3A_910 = arith.constant 0 : i32
        %gather3A_911 = arith.constant 0 : i32
        %gather3A_912 = tpu.memref_slice %arg17[%scan3A_100, %gather3A_910, %gather3A_911] : memref<2x128x128xf32, #tpu.memory_space<vmem>> -> memref<1x128x128xf32, #tpu.memory_space<vmem>>
        %gather3A_913 = tpu.memref_squeeze %gather3A_912 : memref<1x128x128xf32, #tpu.memory_space<vmem>> -> memref<128x128xf32, #tpu.memory_space<vmem>>
        %gather3A_914 = tpu.vector_load_idx %gather3A_913[%add3A_99, %and3A_793] : memref<128x128xf32, #tpu.memory_space<vmem>>[vector<16xi32>, vector<16xi32>], vector<16xf32>,
        %gather3A_915 = arith.constant 0 : i32
        %gather3A_916 = arith.constant 0 : i32
        %gather3A_917 = tpu.memref_slice %arg17[%scan3A_100, %gather3A_915, %gather3A_916] : memref<2x128x128xf32, #tpu.memory_space<vmem>> -> memref<1x128x128xf32, #tpu.memory_space<vmem>>
        %gather3A_918 = tpu.memref_squeeze %gather3A_917 : memref<1x128x128xf32, #tpu.memory_space<vmem>> -> memref<128x128xf32, #tpu.memory_space<vmem>>
        %gather3A_919 = tpu.vector_load_idx %gather3A_918[%add3A_99, %or3A_796] : memref<128x128xf32, #tpu.memory_space<vmem>>[vector<16xi32>, vector<16xi32>], vector<16xf32>,
        %sub3A_920 = arith.subf %gather3A_797, %gather3A_914 : vector<16xf32>
        %sub3A_921 = arith.subf %gather3A_798, %gather3A_919 : vector<16xf32>
        %mul3A_922 = arith.mulf %sub3A_920, %sub3A_920 : vector<16xf32>
        %mul3A_923 = arith.mulf %sub3A_921, %sub3A_921 : vector<16xf32>
        %add3A_924 = arith.addf %mul3A_922, %mul3A_923 : vector<16xf32>
        %add3A_925 = arith.constant 9.99999996E-13 : f32
        %add3A_926 = vector.broadcast %add3A_925 : f32 to vector<16xf32>
        %add3A_927 = arith.addf %add3A_924, %add3A_926 : vector<16xf32>
        %bitcast_convert_type3A_928 = tpu.bitcast %add3A_927 : vector<16xf32> -> vector<16xi32>
        %shift_right_arithmetic3A_929 = arith.constant 1 : i32
        %shift_right_arithmetic3A_930 = vector.broadcast %shift_right_arithmetic3A_929 : i32 to vector<16xi32>
        %shift_right_arithmetic3A_931 = arith.shrsi %bitcast_convert_type3A_928, %shift_right_arithmetic3A_930 : vector<16xi32>
        %sub3A_932 = arith.constant 1597463007 : i32
        %sub3A_933 = vector.broadcast %sub3A_932 : i32 to vector<16xi32>
        %sub3A_934 = arith.subi %sub3A_933, %shift_right_arithmetic3A_931 : vector<16xi32>
        %bitcast_convert_type3A_935 = tpu.bitcast %sub3A_934 : vector<16xi32> -> vector<16xf32>
        %mul3A_936 = arith.constant 5.000000e-01 : f32
        %mul3A_937 = vector.broadcast %mul3A_936 : f32 to vector<16xf32>
        %mul3A_938 = arith.mulf %mul3A_937, %add3A_927 : vector<16xf32>
        %mul3A_939 = arith.mulf %mul3A_938, %bitcast_convert_type3A_935 : vector<16xf32>
        %mul3A_940 = arith.mulf %mul3A_939, %bitcast_convert_type3A_935 : vector<16xf32>
        %sub3A_941 = arith.constant 1.500000e+00 : f32
        %sub3A_942 = vector.broadcast %sub3A_941 : f32 to vector<16xf32>
        %sub3A_943 = arith.subf %sub3A_942, %mul3A_940 : vector<16xf32>
        %mul3A_944 = arith.mulf %bitcast_convert_type3A_935, %sub3A_943 : vector<16xf32>
        %mul3A_945 = arith.mulf %add3A_927, %mul3A_944 : vector<16xf32>
        %add3A_946 = arith.addf %add3A_786, %mul3A_945 : vector<16xf32>
        scf.yield %add3A_835, %add3A_872, %add3A_909, %add3A_946 : vector<16xf32>, vector<16xf32>, vector<16xf32>, vector<16xf32>
      }
      %scan3A_106 = arith.constant 64 : i32
      %neg3A = arith.constant 0.000000e+00 : f32
      %neg3A_107 = vector.broadcast %neg3A : f32 to vector<16xf32>
      %neg3A_108 = arith.subf %neg3A_107, %scan3A_105#0 : vector<16xf32>
      %swap3A = arith.index_cast %add3A_82 : i32 to index
      %swap3A_109 = arith.constant 0 : index
      %swap3A_110 = tpu.vector_load %arg19[%swap3A, %swap3A_109] {strides = array<i32>} : memref<128x64xf32, #tpu.memory_space<vmem>>, vector<16xf32>,
      tpu.vector_store %arg19[%swap3A, %swap3A_109], %neg3A_108 {strides = array<i32>} : memref<128x64xf32, #tpu.memory_space<vmem>>, vector<16xf32>,
      %neg3A_111 = arith.constant 0.000000e+00 : f32
      %neg3A_112 = vector.broadcast %neg3A_111 : f32 to vector<16xf32>
      %neg3A_113 = arith.subf %neg3A_112, %scan3A_105#1 : vector<16xf32>
      %swap3A_114 = arith.index_cast %add3A_82 : i32 to index
      %swap3A_115 = arith.constant 16 : index
      %swap3A_116 = tpu.vector_load %arg19[%swap3A_114, %swap3A_115] {strides = array<i32>} : memref<128x64xf32, #tpu.memory_space<vmem>>, vector<16xf32>,
      tpu.vector_store %arg19[%swap3A_114, %swap3A_115], %neg3A_113 {strides = array<i32>} : memref<128x64xf32, #tpu.memory_space<vmem>>, vector<16xf32>,
      %neg3A_117 = arith.constant 0.000000e+00 : f32
      %neg3A_118 = vector.broadcast %neg3A_117 : f32 to vector<16xf32>
      %neg3A_119 = arith.subf %neg3A_118, %scan3A_105#2 : vector<16xf32>
      %swap3A_120 = arith.index_cast %add3A_82 : i32 to index
      %swap3A_121 = arith.constant 32 : index
      %swap3A_122 = tpu.vector_load %arg19[%swap3A_120, %swap3A_121] {strides = array<i32>} : memref<128x64xf32, #tpu.memory_space<vmem>>, vector<16xf32>,
      tpu.vector_store %arg19[%swap3A_120, %swap3A_121], %neg3A_119 {strides = array<i32>} : memref<128x64xf32, #tpu.memory_space<vmem>>, vector<16xf32>,
      %neg3A_123 = arith.constant 0.000000e+00 : f32
      %neg3A_124 = vector.broadcast %neg3A_123 : f32 to vector<16xf32>
      %neg3A_125 = arith.subf %neg3A_124, %scan3A_105#3 : vector<16xf32>
      %swap3A_126 = arith.index_cast %add3A_82 : i32 to index
      %swap3A_127 = arith.constant 48 : index
      %swap3A_128 = tpu.vector_load %arg19[%swap3A_126, %swap3A_127] {strides = array<i32>} : memref<128x64xf32, #tpu.memory_space<vmem>>, vector<16xf32>,
      tpu.vector_store %arg19[%swap3A_126, %swap3A_127], %neg3A_125 {strides = array<i32>} : memref<128x64xf32, #tpu.memory_space<vmem>>, vector<16xf32>,
      %mul3A_129 = arith.constant 2 : i32
      %mul3A_130 = arith.muli %add3A_65, %mul3A_129 : i32
      %add3A_131 = arith.constant 1 : i32
      %add3A_132 = arith.addi %mul3A_130, %add3A_131 : i32
      %mul3A_133 = arith.constant 0 : i32
      %mul3A_134 = vector.broadcast %mul3A_133 : i32 to vector<16xi32>
      %mul3A_135 = arith.muli %iota3A, %mul3A_134 : vector<16xi32>
      %add3A_136 = vector.broadcast %add3A_132 : i32 to vector<16xi32>
      %add3A_137 = arith.addi %mul3A_135, %add3A_136 : vector<16xi32>
      %add3A_138 = arith.constant 64 : i32
      %add3A_139 = vector.broadcast %add3A_138 : i32 to vector<16xi32>
      %add3A_140 = arith.addi %add3A_139, %iota3A : vector<16xi32>
      %add3A_141 = arith.constant 80 : i32
      %add3A_142 = vector.broadcast %add3A_141 : i32 to vector<16xi32>
      %add3A_143 = arith.addi %add3A_142, %iota3A : vector<16xi32>
      %add3A_144 = arith.constant 96 : i32
      %add3A_145 = vector.broadcast %add3A_144 : i32 to vector<16xi32>
      %add3A_146 = arith.addi %add3A_145, %iota3A : vector<16xi32>
      %add3A_147 = arith.constant 112 : i32
      %add3A_148 = vector.broadcast %add3A_147 : i32 to vector<16xi32>
      %add3A_149 = arith.addi %add3A_148, %iota3A : vector<16xi32>
      %scan3A_150 = arith.constant 0 : i32
      %scan3A_151 = arith.constant 0 : i32
      %scan3A_152 = arith.constant 64 : i32
      %scan3A_153 = arith.addi %scan3A_151, %scan3A_152 : i32
      %scan3A_154 = arith.constant 4 : i32
      %scan3A_155:4 = scf.for %scan3A_310 = %scan3A_151 to %scan3A_153 step %scan3A_154 iter_args(%scan3A_311 = %broadcast_in_dim3A_3, %scan3A_312 = %broadcast_in_dim3A_3, %scan3A_313 = %broadcast_in_dim3A_3, %scan3A_314 = %broadcast_in_dim3A_3) -> (vector<16xf32>, vector<16xf32>, vector<16xf32>, vector<16xf32>)  : i32 {
        %add3A_315 = vector.broadcast %scan3A_310 : i32 to vector<16xi32>
        %add3A_316 = arith.addi %iota3A, %add3A_315 : vector<16xi32>
        %and3A = arith.constant 63 : i32
        %and3A_317 = vector.broadcast %and3A : i32 to vector<16xi32>
        %and3A_318 = arith.andi %add3A_316, %and3A_317 : vector<16xi32>
        %or3A = arith.constant 64 : i32
        %or3A_319 = vector.broadcast %or3A : i32 to vector<16xi32>
        %or3A_320 = arith.ori %and3A_318, %or3A_319 : vector<16xi32>
        %gather3A = tpu.vector_load_idx %arg14[%add3A_137, %and3A_318] : memref<128x128xf32, #tpu.memory_space<vmem>>[vector<16xi32>, vector<16xi32>], vector<16xf32>,
        %gather3A_321 = tpu.vector_load_idx %arg14[%add3A_137, %or3A_320] : memref<128x128xf32, #tpu.memory_space<vmem>>[vector<16xi32>, vector<16xi32>], vector<16xf32>,
        %gather3A_322 = arith.constant 0 : i32
        %gather3A_323 = arith.constant 0 : i32
        %gather3A_324 = tpu.memref_slice %arg17[%scan3A_150, %gather3A_322, %gather3A_323] : memref<2x128x128xf32, #tpu.memory_space<vmem>> -> memref<1x128x128xf32, #tpu.memory_space<vmem>>
        %gather3A_325 = tpu.memref_squeeze %gather3A_324 : memref<1x128x128xf32, #tpu.memory_space<vmem>> -> memref<128x128xf32, #tpu.memory_space<vmem>>
        %gather3A_326 = tpu.vector_load_idx %gather3A_325[%add3A_140, %and3A_318] : memref<128x128xf32, #tpu.memory_space<vmem>>[vector<16xi32>, vector<16xi32>], vector<16xf32>,
        %gather3A_327 = arith.constant 0 : i32
        %gather3A_328 = arith.constant 0 : i32
        %gather3A_329 = tpu.memref_slice %arg17[%scan3A_150, %gather3A_327, %gather3A_328] : memref<2x128x128xf32, #tpu.memory_space<vmem>> -> memref<1x128x128xf32, #tpu.memory_space<vmem>>
        %gather3A_330 = tpu.memref_squeeze %gather3A_329 : memref<1x128x128xf32, #tpu.memory_space<vmem>> -> memref<128x128xf32, #tpu.memory_space<vmem>>
        %gather3A_331 = tpu.vector_load_idx %gather3A_330[%add3A_140, %or3A_320] : memref<128x128xf32, #tpu.memory_space<vmem>>[vector<16xi32>, vector<16xi32>], vector<16xf32>,
        %sub3A = arith.subf %gather3A, %gather3A_326 : vector<16xf32>
        %sub3A_332 = arith.subf %gather3A_321, %gather3A_331 : vector<16xf32>
        %mul3A_333 = arith.mulf %sub3A, %sub3A : vector<16xf32>
        %mul3A_334 = arith.mulf %sub3A_332, %sub3A_332 : vector<16xf32>
        %add3A_335 = arith.addf %mul3A_333, %mul3A_334 : vector<16xf32>
        %add3A_336 = arith.constant 9.99999996E-13 : f32
        %add3A_337 = vector.broadcast %add3A_336 : f32 to vector<16xf32>
        %add3A_338 = arith.addf %add3A_335, %add3A_337 : vector<16xf32>
        %bitcast_convert_type3A = tpu.bitcast %add3A_338 : vector<16xf32> -> vector<16xi32>
        %shift_right_arithmetic3A = arith.constant 1 : i32
        %shift_right_arithmetic3A_339 = vector.broadcast %shift_right_arithmetic3A : i32 to vector<16xi32>
        %shift_right_arithmetic3A_340 = arith.shrsi %bitcast_convert_type3A, %shift_right_arithmetic3A_339 : vector<16xi32>
        %sub3A_341 = arith.constant 1597463007 : i32
        %sub3A_342 = vector.broadcast %sub3A_341 : i32 to vector<16xi32>
        %sub3A_343 = arith.subi %sub3A_342, %shift_right_arithmetic3A_340 : vector<16xi32>
        %bitcast_convert_type3A_344 = tpu.bitcast %sub3A_343 : vector<16xi32> -> vector<16xf32>
        %mul3A_345 = arith.constant 5.000000e-01 : f32
        %mul3A_346 = vector.broadcast %mul3A_345 : f32 to vector<16xf32>
        %mul3A_347 = arith.mulf %mul3A_346, %add3A_338 : vector<16xf32>
        %mul3A_348 = arith.mulf %mul3A_347, %bitcast_convert_type3A_344 : vector<16xf32>
        %mul3A_349 = arith.mulf %mul3A_348, %bitcast_convert_type3A_344 : vector<16xf32>
        %sub3A_350 = arith.constant 1.500000e+00 : f32
        %sub3A_351 = vector.broadcast %sub3A_350 : f32 to vector<16xf32>
        %sub3A_352 = arith.subf %sub3A_351, %mul3A_349 : vector<16xf32>
        %mul3A_353 = arith.mulf %bitcast_convert_type3A_344, %sub3A_352 : vector<16xf32>
        %mul3A_354 = arith.mulf %add3A_338, %mul3A_353 : vector<16xf32>
        %add3A_355 = arith.addf %scan3A_311, %mul3A_354 : vector<16xf32>
        %gather3A_356 = arith.constant 0 : i32
        %gather3A_357 = arith.constant 0 : i32
        %gather3A_358 = tpu.memref_slice %arg17[%scan3A_150, %gather3A_356, %gather3A_357] : memref<2x128x128xf32, #tpu.memory_space<vmem>> -> memref<1x128x128xf32, #tpu.memory_space<vmem>>
        %gather3A_359 = tpu.memref_squeeze %gather3A_358 : memref<1x128x128xf32, #tpu.memory_space<vmem>> -> memref<128x128xf32, #tpu.memory_space<vmem>>
        %gather3A_360 = tpu.vector_load_idx %gather3A_359[%add3A_143, %and3A_318] : memref<128x128xf32, #tpu.memory_space<vmem>>[vector<16xi32>, vector<16xi32>], vector<16xf32>,
        %gather3A_361 = arith.constant 0 : i32
        %gather3A_362 = arith.constant 0 : i32
        %gather3A_363 = tpu.memref_slice %arg17[%scan3A_150, %gather3A_361, %gather3A_362] : memref<2x128x128xf32, #tpu.memory_space<vmem>> -> memref<1x128x128xf32, #tpu.memory_space<vmem>>
        %gather3A_364 = tpu.memref_squeeze %gather3A_363 : memref<1x128x128xf32, #tpu.memory_space<vmem>> -> memref<128x128xf32, #tpu.memory_space<vmem>>
        %gather3A_365 = tpu.vector_load_idx %gather3A_364[%add3A_143, %or3A_320] : memref<128x128xf32, #tpu.memory_space<vmem>>[vector<16xi32>, vector<16xi32>], vector<16xf32>,
        %sub3A_366 = arith.subf %gather3A, %gather3A_360 : vector<16xf32>
        %sub3A_367 = arith.subf %gather3A_321, %gather3A_365 : vector<16xf32>
        %mul3A_368 = arith.mulf %sub3A_366, %sub3A_366 : vector<16xf32>
        %mul3A_369 = arith.mulf %sub3A_367, %sub3A_367 : vector<16xf32>
        %add3A_370 = arith.addf %mul3A_368, %mul3A_369 : vector<16xf32>
        %add3A_371 = arith.constant 9.99999996E-13 : f32
        %add3A_372 = vector.broadcast %add3A_371 : f32 to vector<16xf32>
        %add3A_373 = arith.addf %add3A_370, %add3A_372 : vector<16xf32>
        %bitcast_convert_type3A_374 = tpu.bitcast %add3A_373 : vector<16xf32> -> vector<16xi32>
        %shift_right_arithmetic3A_375 = arith.constant 1 : i32
        %shift_right_arithmetic3A_376 = vector.broadcast %shift_right_arithmetic3A_375 : i32 to vector<16xi32>
        %shift_right_arithmetic3A_377 = arith.shrsi %bitcast_convert_type3A_374, %shift_right_arithmetic3A_376 : vector<16xi32>
        %sub3A_378 = arith.constant 1597463007 : i32
        %sub3A_379 = vector.broadcast %sub3A_378 : i32 to vector<16xi32>
        %sub3A_380 = arith.subi %sub3A_379, %shift_right_arithmetic3A_377 : vector<16xi32>
        %bitcast_convert_type3A_381 = tpu.bitcast %sub3A_380 : vector<16xi32> -> vector<16xf32>
        %mul3A_382 = arith.constant 5.000000e-01 : f32
        %mul3A_383 = vector.broadcast %mul3A_382 : f32 to vector<16xf32>
        %mul3A_384 = arith.mulf %mul3A_383, %add3A_373 : vector<16xf32>
        %mul3A_385 = arith.mulf %mul3A_384, %bitcast_convert_type3A_381 : vector<16xf32>
        %mul3A_386 = arith.mulf %mul3A_385, %bitcast_convert_type3A_381 : vector<16xf32>
        %sub3A_387 = arith.constant 1.500000e+00 : f32
        %sub3A_388 = vector.broadcast %sub3A_387 : f32 to vector<16xf32>
        %sub3A_389 = arith.subf %sub3A_388, %mul3A_386 : vector<16xf32>
        %mul3A_390 = arith.mulf %bitcast_convert_type3A_381, %sub3A_389 : vector<16xf32>
        %mul3A_391 = arith.mulf %add3A_373, %mul3A_390 : vector<16xf32>
        %add3A_392 = arith.addf %scan3A_312, %mul3A_391 : vector<16xf32>
        %gather3A_393 = arith.constant 0 : i32
        %gather3A_394 = arith.constant 0 : i32
        %gather3A_395 = tpu.memref_slice %arg17[%scan3A_150, %gather3A_393, %gather3A_394] : memref<2x128x128xf32, #tpu.memory_space<vmem>> -> memref<1x128x128xf32, #tpu.memory_space<vmem>>
        %gather3A_396 = tpu.memref_squeeze %gather3A_395 : memref<1x128x128xf32, #tpu.memory_space<vmem>> -> memref<128x128xf32, #tpu.memory_space<vmem>>
        %gather3A_397 = tpu.vector_load_idx %gather3A_396[%add3A_146, %and3A_318] : memref<128x128xf32, #tpu.memory_space<vmem>>[vector<16xi32>, vector<16xi32>], vector<16xf32>,
        %gather3A_398 = arith.constant 0 : i32
        %gather3A_399 = arith.constant 0 : i32
        %gather3A_400 = tpu.memref_slice %arg17[%scan3A_150, %gather3A_398, %gather3A_399] : memref<2x128x128xf32, #tpu.memory_space<vmem>> -> memref<1x128x128xf32, #tpu.memory_space<vmem>>
        %gather3A_401 = tpu.memref_squeeze %gather3A_400 : memref<1x128x128xf32, #tpu.memory_space<vmem>> -> memref<128x128xf32, #tpu.memory_space<vmem>>
        %gather3A_402 = tpu.vector_load_idx %gather3A_401[%add3A_146, %or3A_320] : memref<128x128xf32, #tpu.memory_space<vmem>>[vector<16xi32>, vector<16xi32>], vector<16xf32>,
        %sub3A_403 = arith.subf %gather3A, %gather3A_397 : vector<16xf32>
        %sub3A_404 = arith.subf %gather3A_321, %gather3A_402 : vector<16xf32>
        %mul3A_405 = arith.mulf %sub3A_403, %sub3A_403 : vector<16xf32>
        %mul3A_406 = arith.mulf %sub3A_404, %sub3A_404 : vector<16xf32>
        %add3A_407 = arith.addf %mul3A_405, %mul3A_406 : vector<16xf32>
        %add3A_408 = arith.constant 9.99999996E-13 : f32
        %add3A_409 = vector.broadcast %add3A_408 : f32 to vector<16xf32>
        %add3A_410 = arith.addf %add3A_407, %add3A_409 : vector<16xf32>
        %bitcast_convert_type3A_411 = tpu.bitcast %add3A_410 : vector<16xf32> -> vector<16xi32>
        %shift_right_arithmetic3A_412 = arith.constant 1 : i32
        %shift_right_arithmetic3A_413 = vector.broadcast %shift_right_arithmetic3A_412 : i32 to vector<16xi32>
        %shift_right_arithmetic3A_414 = arith.shrsi %bitcast_convert_type3A_411, %shift_right_arithmetic3A_413 : vector<16xi32>
        %sub3A_415 = arith.constant 1597463007 : i32
        %sub3A_416 = vector.broadcast %sub3A_415 : i32 to vector<16xi32>
        %sub3A_417 = arith.subi %sub3A_416, %shift_right_arithmetic3A_414 : vector<16xi32>
        %bitcast_convert_type3A_418 = tpu.bitcast %sub3A_417 : vector<16xi32> -> vector<16xf32>
        %mul3A_419 = arith.constant 5.000000e-01 : f32
        %mul3A_420 = vector.broadcast %mul3A_419 : f32 to vector<16xf32>
        %mul3A_421 = arith.mulf %mul3A_420, %add3A_410 : vector<16xf32>
        %mul3A_422 = arith.mulf %mul3A_421, %bitcast_convert_type3A_418 : vector<16xf32>
        %mul3A_423 = arith.mulf %mul3A_422, %bitcast_convert_type3A_418 : vector<16xf32>
        %sub3A_424 = arith.constant 1.500000e+00 : f32
        %sub3A_425 = vector.broadcast %sub3A_424 : f32 to vector<16xf32>
        %sub3A_426 = arith.subf %sub3A_425, %mul3A_423 : vector<16xf32>
        %mul3A_427 = arith.mulf %bitcast_convert_type3A_418, %sub3A_426 : vector<16xf32>
        %mul3A_428 = arith.mulf %add3A_410, %mul3A_427 : vector<16xf32>
        %add3A_429 = arith.addf %scan3A_313, %mul3A_428 : vector<16xf32>
        %gather3A_430 = arith.constant 0 : i32
        %gather3A_431 = arith.constant 0 : i32
        %gather3A_432 = tpu.memref_slice %arg17[%scan3A_150, %gather3A_430, %gather3A_431] : memref<2x128x128xf32, #tpu.memory_space<vmem>> -> memref<1x128x128xf32, #tpu.memory_space<vmem>>
        %gather3A_433 = tpu.memref_squeeze %gather3A_432 : memref<1x128x128xf32, #tpu.memory_space<vmem>> -> memref<128x128xf32, #tpu.memory_space<vmem>>
        %gather3A_434 = tpu.vector_load_idx %gather3A_433[%add3A_149, %and3A_318] : memref<128x128xf32, #tpu.memory_space<vmem>>[vector<16xi32>, vector<16xi32>], vector<16xf32>,
        %gather3A_435 = arith.constant 0 : i32
        %gather3A_436 = arith.constant 0 : i32
        %gather3A_437 = tpu.memref_slice %arg17[%scan3A_150, %gather3A_435, %gather3A_436] : memref<2x128x128xf32, #tpu.memory_space<vmem>> -> memref<1x128x128xf32, #tpu.memory_space<vmem>>
        %gather3A_438 = tpu.memref_squeeze %gather3A_437 : memref<1x128x128xf32, #tpu.memory_space<vmem>> -> memref<128x128xf32, #tpu.memory_space<vmem>>
        %gather3A_439 = tpu.vector_load_idx %gather3A_438[%add3A_149, %or3A_320] : memref<128x128xf32, #tpu.memory_space<vmem>>[vector<16xi32>, vector<16xi32>], vector<16xf32>,
        %sub3A_440 = arith.subf %gather3A, %gather3A_434 : vector<16xf32>
        %sub3A_441 = arith.subf %gather3A_321, %gather3A_439 : vector<16xf32>
        %mul3A_442 = arith.mulf %sub3A_440, %sub3A_440 : vector<16xf32>
        %mul3A_443 = arith.mulf %sub3A_441, %sub3A_441 : vector<16xf32>
        %add3A_444 = arith.addf %mul3A_442, %mul3A_443 : vector<16xf32>
        %add3A_445 = arith.constant 9.99999996E-13 : f32
        %add3A_446 = vector.broadcast %add3A_445 : f32 to vector<16xf32>
        %add3A_447 = arith.addf %add3A_444, %add3A_446 : vector<16xf32>
        %bitcast_convert_type3A_448 = tpu.bitcast %add3A_447 : vector<16xf32> -> vector<16xi32>
        %shift_right_arithmetic3A_449 = arith.constant 1 : i32
        %shift_right_arithmetic3A_450 = vector.broadcast %shift_right_arithmetic3A_449 : i32 to vector<16xi32>
        %shift_right_arithmetic3A_451 = arith.shrsi %bitcast_convert_type3A_448, %shift_right_arithmetic3A_450 : vector<16xi32>
        %sub3A_452 = arith.constant 1597463007 : i32
        %sub3A_453 = vector.broadcast %sub3A_452 : i32 to vector<16xi32>
        %sub3A_454 = arith.subi %sub3A_453, %shift_right_arithmetic3A_451 : vector<16xi32>
        %bitcast_convert_type3A_455 = tpu.bitcast %sub3A_454 : vector<16xi32> -> vector<16xf32>
        %mul3A_456 = arith.constant 5.000000e-01 : f32
        %mul3A_457 = vector.broadcast %mul3A_456 : f32 to vector<16xf32>
        %mul3A_458 = arith.mulf %mul3A_457, %add3A_447 : vector<16xf32>
        %mul3A_459 = arith.mulf %mul3A_458, %bitcast_convert_type3A_455 : vector<16xf32>
        %mul3A_460 = arith.mulf %mul3A_459, %bitcast_convert_type3A_455 : vector<16xf32>
        %sub3A_461 = arith.constant 1.500000e+00 : f32
        %sub3A_462 = vector.broadcast %sub3A_461 : f32 to vector<16xf32>
        %sub3A_463 = arith.subf %sub3A_462, %mul3A_460 : vector<16xf32>
        %mul3A_464 = arith.mulf %bitcast_convert_type3A_455, %sub3A_463 : vector<16xf32>
        %mul3A_465 = arith.mulf %add3A_447, %mul3A_464 : vector<16xf32>
        %add3A_466 = arith.addf %scan3A_314, %mul3A_465 : vector<16xf32>
        %scan3A_467 = arith.constant 1 : i32
        %scan3A_468 = arith.addi %scan3A_310, %scan3A_467 : i32
        %add3A_469 = vector.broadcast %scan3A_468 : i32 to vector<16xi32>
        %add3A_470 = arith.addi %iota3A, %add3A_469 : vector<16xi32>
        %and3A_471 = arith.constant 63 : i32
        %and3A_472 = vector.broadcast %and3A_471 : i32 to vector<16xi32>
        %and3A_473 = arith.andi %add3A_470, %and3A_472 : vector<16xi32>
        %or3A_474 = arith.constant 64 : i32
        %or3A_475 = vector.broadcast %or3A_474 : i32 to vector<16xi32>
        %or3A_476 = arith.ori %and3A_473, %or3A_475 : vector<16xi32>
        %gather3A_477 = tpu.vector_load_idx %arg14[%add3A_137, %and3A_473] : memref<128x128xf32, #tpu.memory_space<vmem>>[vector<16xi32>, vector<16xi32>], vector<16xf32>,
        %gather3A_478 = tpu.vector_load_idx %arg14[%add3A_137, %or3A_476] : memref<128x128xf32, #tpu.memory_space<vmem>>[vector<16xi32>, vector<16xi32>], vector<16xf32>,
        %gather3A_479 = arith.constant 0 : i32
        %gather3A_480 = arith.constant 0 : i32
        %gather3A_481 = tpu.memref_slice %arg17[%scan3A_150, %gather3A_479, %gather3A_480] : memref<2x128x128xf32, #tpu.memory_space<vmem>> -> memref<1x128x128xf32, #tpu.memory_space<vmem>>
        %gather3A_482 = tpu.memref_squeeze %gather3A_481 : memref<1x128x128xf32, #tpu.memory_space<vmem>> -> memref<128x128xf32, #tpu.memory_space<vmem>>
        %gather3A_483 = tpu.vector_load_idx %gather3A_482[%add3A_140, %and3A_473] : memref<128x128xf32, #tpu.memory_space<vmem>>[vector<16xi32>, vector<16xi32>], vector<16xf32>,
        %gather3A_484 = arith.constant 0 : i32
        %gather3A_485 = arith.constant 0 : i32
        %gather3A_486 = tpu.memref_slice %arg17[%scan3A_150, %gather3A_484, %gather3A_485] : memref<2x128x128xf32, #tpu.memory_space<vmem>> -> memref<1x128x128xf32, #tpu.memory_space<vmem>>
        %gather3A_487 = tpu.memref_squeeze %gather3A_486 : memref<1x128x128xf32, #tpu.memory_space<vmem>> -> memref<128x128xf32, #tpu.memory_space<vmem>>
        %gather3A_488 = tpu.vector_load_idx %gather3A_487[%add3A_140, %or3A_476] : memref<128x128xf32, #tpu.memory_space<vmem>>[vector<16xi32>, vector<16xi32>], vector<16xf32>,
        %sub3A_489 = arith.subf %gather3A_477, %gather3A_483 : vector<16xf32>
        %sub3A_490 = arith.subf %gather3A_478, %gather3A_488 : vector<16xf32>
        %mul3A_491 = arith.mulf %sub3A_489, %sub3A_489 : vector<16xf32>
        %mul3A_492 = arith.mulf %sub3A_490, %sub3A_490 : vector<16xf32>
        %add3A_493 = arith.addf %mul3A_491, %mul3A_492 : vector<16xf32>
        %add3A_494 = arith.constant 9.99999996E-13 : f32
        %add3A_495 = vector.broadcast %add3A_494 : f32 to vector<16xf32>
        %add3A_496 = arith.addf %add3A_493, %add3A_495 : vector<16xf32>
        %bitcast_convert_type3A_497 = tpu.bitcast %add3A_496 : vector<16xf32> -> vector<16xi32>
        %shift_right_arithmetic3A_498 = arith.constant 1 : i32
        %shift_right_arithmetic3A_499 = vector.broadcast %shift_right_arithmetic3A_498 : i32 to vector<16xi32>
        %shift_right_arithmetic3A_500 = arith.shrsi %bitcast_convert_type3A_497, %shift_right_arithmetic3A_499 : vector<16xi32>
        %sub3A_501 = arith.constant 1597463007 : i32
        %sub3A_502 = vector.broadcast %sub3A_501 : i32 to vector<16xi32>
        %sub3A_503 = arith.subi %sub3A_502, %shift_right_arithmetic3A_500 : vector<16xi32>
        %bitcast_convert_type3A_504 = tpu.bitcast %sub3A_503 : vector<16xi32> -> vector<16xf32>
        %mul3A_505 = arith.constant 5.000000e-01 : f32
        %mul3A_506 = vector.broadcast %mul3A_505 : f32 to vector<16xf32>
        %mul3A_507 = arith.mulf %mul3A_506, %add3A_496 : vector<16xf32>
        %mul3A_508 = arith.mulf %mul3A_507, %bitcast_convert_type3A_504 : vector<16xf32>
        %mul3A_509 = arith.mulf %mul3A_508, %bitcast_convert_type3A_504 : vector<16xf32>
        %sub3A_510 = arith.constant 1.500000e+00 : f32
        %sub3A_511 = vector.broadcast %sub3A_510 : f32 to vector<16xf32>
        %sub3A_512 = arith.subf %sub3A_511, %mul3A_509 : vector<16xf32>
        %mul3A_513 = arith.mulf %bitcast_convert_type3A_504, %sub3A_512 : vector<16xf32>
        %mul3A_514 = arith.mulf %add3A_496, %mul3A_513 : vector<16xf32>
        %add3A_515 = arith.addf %add3A_355, %mul3A_514 : vector<16xf32>
        %gather3A_516 = arith.constant 0 : i32
        %gather3A_517 = arith.constant 0 : i32
        %gather3A_518 = tpu.memref_slice %arg17[%scan3A_150, %gather3A_516, %gather3A_517] : memref<2x128x128xf32, #tpu.memory_space<vmem>> -> memref<1x128x128xf32, #tpu.memory_space<vmem>>
        %gather3A_519 = tpu.memref_squeeze %gather3A_518 : memref<1x128x128xf32, #tpu.memory_space<vmem>> -> memref<128x128xf32, #tpu.memory_space<vmem>>
        %gather3A_520 = tpu.vector_load_idx %gather3A_519[%add3A_143, %and3A_473] : memref<128x128xf32, #tpu.memory_space<vmem>>[vector<16xi32>, vector<16xi32>], vector<16xf32>,
        %gather3A_521 = arith.constant 0 : i32
        %gather3A_522 = arith.constant 0 : i32
        %gather3A_523 = tpu.memref_slice %arg17[%scan3A_150, %gather3A_521, %gather3A_522] : memref<2x128x128xf32, #tpu.memory_space<vmem>> -> memref<1x128x128xf32, #tpu.memory_space<vmem>>
        %gather3A_524 = tpu.memref_squeeze %gather3A_523 : memref<1x128x128xf32, #tpu.memory_space<vmem>> -> memref<128x128xf32, #tpu.memory_space<vmem>>
        %gather3A_525 = tpu.vector_load_idx %gather3A_524[%add3A_143, %or3A_476] : memref<128x128xf32, #tpu.memory_space<vmem>>[vector<16xi32>, vector<16xi32>], vector<16xf32>,
        %sub3A_526 = arith.subf %gather3A_477, %gather3A_520 : vector<16xf32>
        %sub3A_527 = arith.subf %gather3A_478, %gather3A_525 : vector<16xf32>
        %mul3A_528 = arith.mulf %sub3A_526, %sub3A_526 : vector<16xf32>
        %mul3A_529 = arith.mulf %sub3A_527, %sub3A_527 : vector<16xf32>
        %add3A_530 = arith.addf %mul3A_528, %mul3A_529 : vector<16xf32>
        %add3A_531 = arith.constant 9.99999996E-13 : f32
        %add3A_532 = vector.broadcast %add3A_531 : f32 to vector<16xf32>
        %add3A_533 = arith.addf %add3A_530, %add3A_532 : vector<16xf32>
        %bitcast_convert_type3A_534 = tpu.bitcast %add3A_533 : vector<16xf32> -> vector<16xi32>
        %shift_right_arithmetic3A_535 = arith.constant 1 : i32
        %shift_right_arithmetic3A_536 = vector.broadcast %shift_right_arithmetic3A_535 : i32 to vector<16xi32>
        %shift_right_arithmetic3A_537 = arith.shrsi %bitcast_convert_type3A_534, %shift_right_arithmetic3A_536 : vector<16xi32>
        %sub3A_538 = arith.constant 1597463007 : i32
        %sub3A_539 = vector.broadcast %sub3A_538 : i32 to vector<16xi32>
        %sub3A_540 = arith.subi %sub3A_539, %shift_right_arithmetic3A_537 : vector<16xi32>
        %bitcast_convert_type3A_541 = tpu.bitcast %sub3A_540 : vector<16xi32> -> vector<16xf32>
        %mul3A_542 = arith.constant 5.000000e-01 : f32
        %mul3A_543 = vector.broadcast %mul3A_542 : f32 to vector<16xf32>
        %mul3A_544 = arith.mulf %mul3A_543, %add3A_533 : vector<16xf32>
        %mul3A_545 = arith.mulf %mul3A_544, %bitcast_convert_type3A_541 : vector<16xf32>
        %mul3A_546 = arith.mulf %mul3A_545, %bitcast_convert_type3A_541 : vector<16xf32>
        %sub3A_547 = arith.constant 1.500000e+00 : f32
        %sub3A_548 = vector.broadcast %sub3A_547 : f32 to vector<16xf32>
        %sub3A_549 = arith.subf %sub3A_548, %mul3A_546 : vector<16xf32>
        %mul3A_550 = arith.mulf %bitcast_convert_type3A_541, %sub3A_549 : vector<16xf32>
        %mul3A_551 = arith.mulf %add3A_533, %mul3A_550 : vector<16xf32>
        %add3A_552 = arith.addf %add3A_392, %mul3A_551 : vector<16xf32>
        %gather3A_553 = arith.constant 0 : i32
        %gather3A_554 = arith.constant 0 : i32
        %gather3A_555 = tpu.memref_slice %arg17[%scan3A_150, %gather3A_553, %gather3A_554] : memref<2x128x128xf32, #tpu.memory_space<vmem>> -> memref<1x128x128xf32, #tpu.memory_space<vmem>>
        %gather3A_556 = tpu.memref_squeeze %gather3A_555 : memref<1x128x128xf32, #tpu.memory_space<vmem>> -> memref<128x128xf32, #tpu.memory_space<vmem>>
        %gather3A_557 = tpu.vector_load_idx %gather3A_556[%add3A_146, %and3A_473] : memref<128x128xf32, #tpu.memory_space<vmem>>[vector<16xi32>, vector<16xi32>], vector<16xf32>,
        %gather3A_558 = arith.constant 0 : i32
        %gather3A_559 = arith.constant 0 : i32
        %gather3A_560 = tpu.memref_slice %arg17[%scan3A_150, %gather3A_558, %gather3A_559] : memref<2x128x128xf32, #tpu.memory_space<vmem>> -> memref<1x128x128xf32, #tpu.memory_space<vmem>>
        %gather3A_561 = tpu.memref_squeeze %gather3A_560 : memref<1x128x128xf32, #tpu.memory_space<vmem>> -> memref<128x128xf32, #tpu.memory_space<vmem>>
        %gather3A_562 = tpu.vector_load_idx %gather3A_561[%add3A_146, %or3A_476] : memref<128x128xf32, #tpu.memory_space<vmem>>[vector<16xi32>, vector<16xi32>], vector<16xf32>,
        %sub3A_563 = arith.subf %gather3A_477, %gather3A_557 : vector<16xf32>
        %sub3A_564 = arith.subf %gather3A_478, %gather3A_562 : vector<16xf32>
        %mul3A_565 = arith.mulf %sub3A_563, %sub3A_563 : vector<16xf32>
        %mul3A_566 = arith.mulf %sub3A_564, %sub3A_564 : vector<16xf32>
        %add3A_567 = arith.addf %mul3A_565, %mul3A_566 : vector<16xf32>
        %add3A_568 = arith.constant 9.99999996E-13 : f32
        %add3A_569 = vector.broadcast %add3A_568 : f32 to vector<16xf32>
        %add3A_570 = arith.addf %add3A_567, %add3A_569 : vector<16xf32>
        %bitcast_convert_type3A_571 = tpu.bitcast %add3A_570 : vector<16xf32> -> vector<16xi32>
        %shift_right_arithmetic3A_572 = arith.constant 1 : i32
        %shift_right_arithmetic3A_573 = vector.broadcast %shift_right_arithmetic3A_572 : i32 to vector<16xi32>
        %shift_right_arithmetic3A_574 = arith.shrsi %bitcast_convert_type3A_571, %shift_right_arithmetic3A_573 : vector<16xi32>
        %sub3A_575 = arith.constant 1597463007 : i32
        %sub3A_576 = vector.broadcast %sub3A_575 : i32 to vector<16xi32>
        %sub3A_577 = arith.subi %sub3A_576, %shift_right_arithmetic3A_574 : vector<16xi32>
        %bitcast_convert_type3A_578 = tpu.bitcast %sub3A_577 : vector<16xi32> -> vector<16xf32>
        %mul3A_579 = arith.constant 5.000000e-01 : f32
        %mul3A_580 = vector.broadcast %mul3A_579 : f32 to vector<16xf32>
        %mul3A_581 = arith.mulf %mul3A_580, %add3A_570 : vector<16xf32>
        %mul3A_582 = arith.mulf %mul3A_581, %bitcast_convert_type3A_578 : vector<16xf32>
        %mul3A_583 = arith.mulf %mul3A_582, %bitcast_convert_type3A_578 : vector<16xf32>
        %sub3A_584 = arith.constant 1.500000e+00 : f32
        %sub3A_585 = vector.broadcast %sub3A_584 : f32 to vector<16xf32>
        %sub3A_586 = arith.subf %sub3A_585, %mul3A_583 : vector<16xf32>
        %mul3A_587 = arith.mulf %bitcast_convert_type3A_578, %sub3A_586 : vector<16xf32>
        %mul3A_588 = arith.mulf %add3A_570, %mul3A_587 : vector<16xf32>
        %add3A_589 = arith.addf %add3A_429, %mul3A_588 : vector<16xf32>
        %gather3A_590 = arith.constant 0 : i32
        %gather3A_591 = arith.constant 0 : i32
        %gather3A_592 = tpu.memref_slice %arg17[%scan3A_150, %gather3A_590, %gather3A_591] : memref<2x128x128xf32, #tpu.memory_space<vmem>> -> memref<1x128x128xf32, #tpu.memory_space<vmem>>
        %gather3A_593 = tpu.memref_squeeze %gather3A_592 : memref<1x128x128xf32, #tpu.memory_space<vmem>> -> memref<128x128xf32, #tpu.memory_space<vmem>>
        %gather3A_594 = tpu.vector_load_idx %gather3A_593[%add3A_149, %and3A_473] : memref<128x128xf32, #tpu.memory_space<vmem>>[vector<16xi32>, vector<16xi32>], vector<16xf32>,
        %gather3A_595 = arith.constant 0 : i32
        %gather3A_596 = arith.constant 0 : i32
        %gather3A_597 = tpu.memref_slice %arg17[%scan3A_150, %gather3A_595, %gather3A_596] : memref<2x128x128xf32, #tpu.memory_space<vmem>> -> memref<1x128x128xf32, #tpu.memory_space<vmem>>
        %gather3A_598 = tpu.memref_squeeze %gather3A_597 : memref<1x128x128xf32, #tpu.memory_space<vmem>> -> memref<128x128xf32, #tpu.memory_space<vmem>>
        %gather3A_599 = tpu.vector_load_idx %gather3A_598[%add3A_149, %or3A_476] : memref<128x128xf32, #tpu.memory_space<vmem>>[vector<16xi32>, vector<16xi32>], vector<16xf32>,
        %sub3A_600 = arith.subf %gather3A_477, %gather3A_594 : vector<16xf32>
        %sub3A_601 = arith.subf %gather3A_478, %gather3A_599 : vector<16xf32>
        %mul3A_602 = arith.mulf %sub3A_600, %sub3A_600 : vector<16xf32>
        %mul3A_603 = arith.mulf %sub3A_601, %sub3A_601 : vector<16xf32>
        %add3A_604 = arith.addf %mul3A_602, %mul3A_603 : vector<16xf32>
        %add3A_605 = arith.constant 9.99999996E-13 : f32
        %add3A_606 = vector.broadcast %add3A_605 : f32 to vector<16xf32>
        %add3A_607 = arith.addf %add3A_604, %add3A_606 : vector<16xf32>
        %bitcast_convert_type3A_608 = tpu.bitcast %add3A_607 : vector<16xf32> -> vector<16xi32>
        %shift_right_arithmetic3A_609 = arith.constant 1 : i32
        %shift_right_arithmetic3A_610 = vector.broadcast %shift_right_arithmetic3A_609 : i32 to vector<16xi32>
        %shift_right_arithmetic3A_611 = arith.shrsi %bitcast_convert_type3A_608, %shift_right_arithmetic3A_610 : vector<16xi32>
        %sub3A_612 = arith.constant 1597463007 : i32
        %sub3A_613 = vector.broadcast %sub3A_612 : i32 to vector<16xi32>
        %sub3A_614 = arith.subi %sub3A_613, %shift_right_arithmetic3A_611 : vector<16xi32>
        %bitcast_convert_type3A_615 = tpu.bitcast %sub3A_614 : vector<16xi32> -> vector<16xf32>
        %mul3A_616 = arith.constant 5.000000e-01 : f32
        %mul3A_617 = vector.broadcast %mul3A_616 : f32 to vector<16xf32>
        %mul3A_618 = arith.mulf %mul3A_617, %add3A_607 : vector<16xf32>
        %mul3A_619 = arith.mulf %mul3A_618, %bitcast_convert_type3A_615 : vector<16xf32>
        %mul3A_620 = arith.mulf %mul3A_619, %bitcast_convert_type3A_615 : vector<16xf32>
        %sub3A_621 = arith.constant 1.500000e+00 : f32
        %sub3A_622 = vector.broadcast %sub3A_621 : f32 to vector<16xf32>
        %sub3A_623 = arith.subf %sub3A_622, %mul3A_620 : vector<16xf32>
        %mul3A_624 = arith.mulf %bitcast_convert_type3A_615, %sub3A_623 : vector<16xf32>
        %mul3A_625 = arith.mulf %add3A_607, %mul3A_624 : vector<16xf32>
        %add3A_626 = arith.addf %add3A_466, %mul3A_625 : vector<16xf32>
        %scan3A_627 = arith.constant 2 : i32
        %scan3A_628 = arith.addi %scan3A_310, %scan3A_627 : i32
        %add3A_629 = vector.broadcast %scan3A_628 : i32 to vector<16xi32>
        %add3A_630 = arith.addi %iota3A, %add3A_629 : vector<16xi32>
        %and3A_631 = arith.constant 63 : i32
        %and3A_632 = vector.broadcast %and3A_631 : i32 to vector<16xi32>
        %and3A_633 = arith.andi %add3A_630, %and3A_632 : vector<16xi32>
        %or3A_634 = arith.constant 64 : i32
        %or3A_635 = vector.broadcast %or3A_634 : i32 to vector<16xi32>
        %or3A_636 = arith.ori %and3A_633, %or3A_635 : vector<16xi32>
        %gather3A_637 = tpu.vector_load_idx %arg14[%add3A_137, %and3A_633] : memref<128x128xf32, #tpu.memory_space<vmem>>[vector<16xi32>, vector<16xi32>], vector<16xf32>,
        %gather3A_638 = tpu.vector_load_idx %arg14[%add3A_137, %or3A_636] : memref<128x128xf32, #tpu.memory_space<vmem>>[vector<16xi32>, vector<16xi32>], vector<16xf32>,
        %gather3A_639 = arith.constant 0 : i32
        %gather3A_640 = arith.constant 0 : i32
        %gather3A_641 = tpu.memref_slice %arg17[%scan3A_150, %gather3A_639, %gather3A_640] : memref<2x128x128xf32, #tpu.memory_space<vmem>> -> memref<1x128x128xf32, #tpu.memory_space<vmem>>
        %gather3A_642 = tpu.memref_squeeze %gather3A_641 : memref<1x128x128xf32, #tpu.memory_space<vmem>> -> memref<128x128xf32, #tpu.memory_space<vmem>>
        %gather3A_643 = tpu.vector_load_idx %gather3A_642[%add3A_140, %and3A_633] : memref<128x128xf32, #tpu.memory_space<vmem>>[vector<16xi32>, vector<16xi32>], vector<16xf32>,
        %gather3A_644 = arith.constant 0 : i32
        %gather3A_645 = arith.constant 0 : i32
        %gather3A_646 = tpu.memref_slice %arg17[%scan3A_150, %gather3A_644, %gather3A_645] : memref<2x128x128xf32, #tpu.memory_space<vmem>> -> memref<1x128x128xf32, #tpu.memory_space<vmem>>
        %gather3A_647 = tpu.memref_squeeze %gather3A_646 : memref<1x128x128xf32, #tpu.memory_space<vmem>> -> memref<128x128xf32, #tpu.memory_space<vmem>>
        %gather3A_648 = tpu.vector_load_idx %gather3A_647[%add3A_140, %or3A_636] : memref<128x128xf32, #tpu.memory_space<vmem>>[vector<16xi32>, vector<16xi32>], vector<16xf32>,
        %sub3A_649 = arith.subf %gather3A_637, %gather3A_643 : vector<16xf32>
        %sub3A_650 = arith.subf %gather3A_638, %gather3A_648 : vector<16xf32>
        %mul3A_651 = arith.mulf %sub3A_649, %sub3A_649 : vector<16xf32>
        %mul3A_652 = arith.mulf %sub3A_650, %sub3A_650 : vector<16xf32>
        %add3A_653 = arith.addf %mul3A_651, %mul3A_652 : vector<16xf32>
        %add3A_654 = arith.constant 9.99999996E-13 : f32
        %add3A_655 = vector.broadcast %add3A_654 : f32 to vector<16xf32>
        %add3A_656 = arith.addf %add3A_653, %add3A_655 : vector<16xf32>
        %bitcast_convert_type3A_657 = tpu.bitcast %add3A_656 : vector<16xf32> -> vector<16xi32>
        %shift_right_arithmetic3A_658 = arith.constant 1 : i32
        %shift_right_arithmetic3A_659 = vector.broadcast %shift_right_arithmetic3A_658 : i32 to vector<16xi32>
        %shift_right_arithmetic3A_660 = arith.shrsi %bitcast_convert_type3A_657, %shift_right_arithmetic3A_659 : vector<16xi32>
        %sub3A_661 = arith.constant 1597463007 : i32
        %sub3A_662 = vector.broadcast %sub3A_661 : i32 to vector<16xi32>
        %sub3A_663 = arith.subi %sub3A_662, %shift_right_arithmetic3A_660 : vector<16xi32>
        %bitcast_convert_type3A_664 = tpu.bitcast %sub3A_663 : vector<16xi32> -> vector<16xf32>
        %mul3A_665 = arith.constant 5.000000e-01 : f32
        %mul3A_666 = vector.broadcast %mul3A_665 : f32 to vector<16xf32>
        %mul3A_667 = arith.mulf %mul3A_666, %add3A_656 : vector<16xf32>
        %mul3A_668 = arith.mulf %mul3A_667, %bitcast_convert_type3A_664 : vector<16xf32>
        %mul3A_669 = arith.mulf %mul3A_668, %bitcast_convert_type3A_664 : vector<16xf32>
        %sub3A_670 = arith.constant 1.500000e+00 : f32
        %sub3A_671 = vector.broadcast %sub3A_670 : f32 to vector<16xf32>
        %sub3A_672 = arith.subf %sub3A_671, %mul3A_669 : vector<16xf32>
        %mul3A_673 = arith.mulf %bitcast_convert_type3A_664, %sub3A_672 : vector<16xf32>
        %mul3A_674 = arith.mulf %add3A_656, %mul3A_673 : vector<16xf32>
        %add3A_675 = arith.addf %add3A_515, %mul3A_674 : vector<16xf32>
        %gather3A_676 = arith.constant 0 : i32
        %gather3A_677 = arith.constant 0 : i32
        %gather3A_678 = tpu.memref_slice %arg17[%scan3A_150, %gather3A_676, %gather3A_677] : memref<2x128x128xf32, #tpu.memory_space<vmem>> -> memref<1x128x128xf32, #tpu.memory_space<vmem>>
        %gather3A_679 = tpu.memref_squeeze %gather3A_678 : memref<1x128x128xf32, #tpu.memory_space<vmem>> -> memref<128x128xf32, #tpu.memory_space<vmem>>
        %gather3A_680 = tpu.vector_load_idx %gather3A_679[%add3A_143, %and3A_633] : memref<128x128xf32, #tpu.memory_space<vmem>>[vector<16xi32>, vector<16xi32>], vector<16xf32>,
        %gather3A_681 = arith.constant 0 : i32
        %gather3A_682 = arith.constant 0 : i32
        %gather3A_683 = tpu.memref_slice %arg17[%scan3A_150, %gather3A_681, %gather3A_682] : memref<2x128x128xf32, #tpu.memory_space<vmem>> -> memref<1x128x128xf32, #tpu.memory_space<vmem>>
        %gather3A_684 = tpu.memref_squeeze %gather3A_683 : memref<1x128x128xf32, #tpu.memory_space<vmem>> -> memref<128x128xf32, #tpu.memory_space<vmem>>
        %gather3A_685 = tpu.vector_load_idx %gather3A_684[%add3A_143, %or3A_636] : memref<128x128xf32, #tpu.memory_space<vmem>>[vector<16xi32>, vector<16xi32>], vector<16xf32>,
        %sub3A_686 = arith.subf %gather3A_637, %gather3A_680 : vector<16xf32>
        %sub3A_687 = arith.subf %gather3A_638, %gather3A_685 : vector<16xf32>
        %mul3A_688 = arith.mulf %sub3A_686, %sub3A_686 : vector<16xf32>
        %mul3A_689 = arith.mulf %sub3A_687, %sub3A_687 : vector<16xf32>
        %add3A_690 = arith.addf %mul3A_688, %mul3A_689 : vector<16xf32>
        %add3A_691 = arith.constant 9.99999996E-13 : f32
        %add3A_692 = vector.broadcast %add3A_691 : f32 to vector<16xf32>
        %add3A_693 = arith.addf %add3A_690, %add3A_692 : vector<16xf32>
        %bitcast_convert_type3A_694 = tpu.bitcast %add3A_693 : vector<16xf32> -> vector<16xi32>
        %shift_right_arithmetic3A_695 = arith.constant 1 : i32
        %shift_right_arithmetic3A_696 = vector.broadcast %shift_right_arithmetic3A_695 : i32 to vector<16xi32>
        %shift_right_arithmetic3A_697 = arith.shrsi %bitcast_convert_type3A_694, %shift_right_arithmetic3A_696 : vector<16xi32>
        %sub3A_698 = arith.constant 1597463007 : i32
        %sub3A_699 = vector.broadcast %sub3A_698 : i32 to vector<16xi32>
        %sub3A_700 = arith.subi %sub3A_699, %shift_right_arithmetic3A_697 : vector<16xi32>
        %bitcast_convert_type3A_701 = tpu.bitcast %sub3A_700 : vector<16xi32> -> vector<16xf32>
        %mul3A_702 = arith.constant 5.000000e-01 : f32
        %mul3A_703 = vector.broadcast %mul3A_702 : f32 to vector<16xf32>
        %mul3A_704 = arith.mulf %mul3A_703, %add3A_693 : vector<16xf32>
        %mul3A_705 = arith.mulf %mul3A_704, %bitcast_convert_type3A_701 : vector<16xf32>
        %mul3A_706 = arith.mulf %mul3A_705, %bitcast_convert_type3A_701 : vector<16xf32>
        %sub3A_707 = arith.constant 1.500000e+00 : f32
        %sub3A_708 = vector.broadcast %sub3A_707 : f32 to vector<16xf32>
        %sub3A_709 = arith.subf %sub3A_708, %mul3A_706 : vector<16xf32>
        %mul3A_710 = arith.mulf %bitcast_convert_type3A_701, %sub3A_709 : vector<16xf32>
        %mul3A_711 = arith.mulf %add3A_693, %mul3A_710 : vector<16xf32>
        %add3A_712 = arith.addf %add3A_552, %mul3A_711 : vector<16xf32>
        %gather3A_713 = arith.constant 0 : i32
        %gather3A_714 = arith.constant 0 : i32
        %gather3A_715 = tpu.memref_slice %arg17[%scan3A_150, %gather3A_713, %gather3A_714] : memref<2x128x128xf32, #tpu.memory_space<vmem>> -> memref<1x128x128xf32, #tpu.memory_space<vmem>>
        %gather3A_716 = tpu.memref_squeeze %gather3A_715 : memref<1x128x128xf32, #tpu.memory_space<vmem>> -> memref<128x128xf32, #tpu.memory_space<vmem>>
        %gather3A_717 = tpu.vector_load_idx %gather3A_716[%add3A_146, %and3A_633] : memref<128x128xf32, #tpu.memory_space<vmem>>[vector<16xi32>, vector<16xi32>], vector<16xf32>,
        %gather3A_718 = arith.constant 0 : i32
        %gather3A_719 = arith.constant 0 : i32
        %gather3A_720 = tpu.memref_slice %arg17[%scan3A_150, %gather3A_718, %gather3A_719] : memref<2x128x128xf32, #tpu.memory_space<vmem>> -> memref<1x128x128xf32, #tpu.memory_space<vmem>>
        %gather3A_721 = tpu.memref_squeeze %gather3A_720 : memref<1x128x128xf32, #tpu.memory_space<vmem>> -> memref<128x128xf32, #tpu.memory_space<vmem>>
        %gather3A_722 = tpu.vector_load_idx %gather3A_721[%add3A_146, %or3A_636] : memref<128x128xf32, #tpu.memory_space<vmem>>[vector<16xi32>, vector<16xi32>], vector<16xf32>,
        %sub3A_723 = arith.subf %gather3A_637, %gather3A_717 : vector<16xf32>
        %sub3A_724 = arith.subf %gather3A_638, %gather3A_722 : vector<16xf32>
        %mul3A_725 = arith.mulf %sub3A_723, %sub3A_723 : vector<16xf32>
        %mul3A_726 = arith.mulf %sub3A_724, %sub3A_724 : vector<16xf32>
        %add3A_727 = arith.addf %mul3A_725, %mul3A_726 : vector<16xf32>
        %add3A_728 = arith.constant 9.99999996E-13 : f32
        %add3A_729 = vector.broadcast %add3A_728 : f32 to vector<16xf32>
        %add3A_730 = arith.addf %add3A_727, %add3A_729 : vector<16xf32>
        %bitcast_convert_type3A_731 = tpu.bitcast %add3A_730 : vector<16xf32> -> vector<16xi32>
        %shift_right_arithmetic3A_732 = arith.constant 1 : i32
        %shift_right_arithmetic3A_733 = vector.broadcast %shift_right_arithmetic3A_732 : i32 to vector<16xi32>
        %shift_right_arithmetic3A_734 = arith.shrsi %bitcast_convert_type3A_731, %shift_right_arithmetic3A_733 : vector<16xi32>
        %sub3A_735 = arith.constant 1597463007 : i32
        %sub3A_736 = vector.broadcast %sub3A_735 : i32 to vector<16xi32>
        %sub3A_737 = arith.subi %sub3A_736, %shift_right_arithmetic3A_734 : vector<16xi32>
        %bitcast_convert_type3A_738 = tpu.bitcast %sub3A_737 : vector<16xi32> -> vector<16xf32>
        %mul3A_739 = arith.constant 5.000000e-01 : f32
        %mul3A_740 = vector.broadcast %mul3A_739 : f32 to vector<16xf32>
        %mul3A_741 = arith.mulf %mul3A_740, %add3A_730 : vector<16xf32>
        %mul3A_742 = arith.mulf %mul3A_741, %bitcast_convert_type3A_738 : vector<16xf32>
        %mul3A_743 = arith.mulf %mul3A_742, %bitcast_convert_type3A_738 : vector<16xf32>
        %sub3A_744 = arith.constant 1.500000e+00 : f32
        %sub3A_745 = vector.broadcast %sub3A_744 : f32 to vector<16xf32>
        %sub3A_746 = arith.subf %sub3A_745, %mul3A_743 : vector<16xf32>
        %mul3A_747 = arith.mulf %bitcast_convert_type3A_738, %sub3A_746 : vector<16xf32>
        %mul3A_748 = arith.mulf %add3A_730, %mul3A_747 : vector<16xf32>
        %add3A_749 = arith.addf %add3A_589, %mul3A_748 : vector<16xf32>
        %gather3A_750 = arith.constant 0 : i32
        %gather3A_751 = arith.constant 0 : i32
        %gather3A_752 = tpu.memref_slice %arg17[%scan3A_150, %gather3A_750, %gather3A_751] : memref<2x128x128xf32, #tpu.memory_space<vmem>> -> memref<1x128x128xf32, #tpu.memory_space<vmem>>
        %gather3A_753 = tpu.memref_squeeze %gather3A_752 : memref<1x128x128xf32, #tpu.memory_space<vmem>> -> memref<128x128xf32, #tpu.memory_space<vmem>>
        %gather3A_754 = tpu.vector_load_idx %gather3A_753[%add3A_149, %and3A_633] : memref<128x128xf32, #tpu.memory_space<vmem>>[vector<16xi32>, vector<16xi32>], vector<16xf32>,
        %gather3A_755 = arith.constant 0 : i32
        %gather3A_756 = arith.constant 0 : i32
        %gather3A_757 = tpu.memref_slice %arg17[%scan3A_150, %gather3A_755, %gather3A_756] : memref<2x128x128xf32, #tpu.memory_space<vmem>> -> memref<1x128x128xf32, #tpu.memory_space<vmem>>
        %gather3A_758 = tpu.memref_squeeze %gather3A_757 : memref<1x128x128xf32, #tpu.memory_space<vmem>> -> memref<128x128xf32, #tpu.memory_space<vmem>>
        %gather3A_759 = tpu.vector_load_idx %gather3A_758[%add3A_149, %or3A_636] : memref<128x128xf32, #tpu.memory_space<vmem>>[vector<16xi32>, vector<16xi32>], vector<16xf32>,
        %sub3A_760 = arith.subf %gather3A_637, %gather3A_754 : vector<16xf32>
        %sub3A_761 = arith.subf %gather3A_638, %gather3A_759 : vector<16xf32>
        %mul3A_762 = arith.mulf %sub3A_760, %sub3A_760 : vector<16xf32>
        %mul3A_763 = arith.mulf %sub3A_761, %sub3A_761 : vector<16xf32>
        %add3A_764 = arith.addf %mul3A_762, %mul3A_763 : vector<16xf32>
        %add3A_765 = arith.constant 9.99999996E-13 : f32
        %add3A_766 = vector.broadcast %add3A_765 : f32 to vector<16xf32>
        %add3A_767 = arith.addf %add3A_764, %add3A_766 : vector<16xf32>
        %bitcast_convert_type3A_768 = tpu.bitcast %add3A_767 : vector<16xf32> -> vector<16xi32>
        %shift_right_arithmetic3A_769 = arith.constant 1 : i32
        %shift_right_arithmetic3A_770 = vector.broadcast %shift_right_arithmetic3A_769 : i32 to vector<16xi32>
        %shift_right_arithmetic3A_771 = arith.shrsi %bitcast_convert_type3A_768, %shift_right_arithmetic3A_770 : vector<16xi32>
        %sub3A_772 = arith.constant 1597463007 : i32
        %sub3A_773 = vector.broadcast %sub3A_772 : i32 to vector<16xi32>
        %sub3A_774 = arith.subi %sub3A_773, %shift_right_arithmetic3A_771 : vector<16xi32>
        %bitcast_convert_type3A_775 = tpu.bitcast %sub3A_774 : vector<16xi32> -> vector<16xf32>
        %mul3A_776 = arith.constant 5.000000e-01 : f32
        %mul3A_777 = vector.broadcast %mul3A_776 : f32 to vector<16xf32>
        %mul3A_778 = arith.mulf %mul3A_777, %add3A_767 : vector<16xf32>
        %mul3A_779 = arith.mulf %mul3A_778, %bitcast_convert_type3A_775 : vector<16xf32>
        %mul3A_780 = arith.mulf %mul3A_779, %bitcast_convert_type3A_775 : vector<16xf32>
        %sub3A_781 = arith.constant 1.500000e+00 : f32
        %sub3A_782 = vector.broadcast %sub3A_781 : f32 to vector<16xf32>
        %sub3A_783 = arith.subf %sub3A_782, %mul3A_780 : vector<16xf32>
        %mul3A_784 = arith.mulf %bitcast_convert_type3A_775, %sub3A_783 : vector<16xf32>
        %mul3A_785 = arith.mulf %add3A_767, %mul3A_784 : vector<16xf32>
        %add3A_786 = arith.addf %add3A_626, %mul3A_785 : vector<16xf32>
        %scan3A_787 = arith.constant 3 : i32
        %scan3A_788 = arith.addi %scan3A_310, %scan3A_787 : i32
        %add3A_789 = vector.broadcast %scan3A_788 : i32 to vector<16xi32>
        %add3A_790 = arith.addi %iota3A, %add3A_789 : vector<16xi32>
        %and3A_791 = arith.constant 63 : i32
        %and3A_792 = vector.broadcast %and3A_791 : i32 to vector<16xi32>
        %and3A_793 = arith.andi %add3A_790, %and3A_792 : vector<16xi32>
        %or3A_794 = arith.constant 64 : i32
        %or3A_795 = vector.broadcast %or3A_794 : i32 to vector<16xi32>
        %or3A_796 = arith.ori %and3A_793, %or3A_795 : vector<16xi32>
        %gather3A_797 = tpu.vector_load_idx %arg14[%add3A_137, %and3A_793] : memref<128x128xf32, #tpu.memory_space<vmem>>[vector<16xi32>, vector<16xi32>], vector<16xf32>,
        %gather3A_798 = tpu.vector_load_idx %arg14[%add3A_137, %or3A_796] : memref<128x128xf32, #tpu.memory_space<vmem>>[vector<16xi32>, vector<16xi32>], vector<16xf32>,
        %gather3A_799 = arith.constant 0 : i32
        %gather3A_800 = arith.constant 0 : i32
        %gather3A_801 = tpu.memref_slice %arg17[%scan3A_150, %gather3A_799, %gather3A_800] : memref<2x128x128xf32, #tpu.memory_space<vmem>> -> memref<1x128x128xf32, #tpu.memory_space<vmem>>
        %gather3A_802 = tpu.memref_squeeze %gather3A_801 : memref<1x128x128xf32, #tpu.memory_space<vmem>> -> memref<128x128xf32, #tpu.memory_space<vmem>>
        %gather3A_803 = tpu.vector_load_idx %gather3A_802[%add3A_140, %and3A_793] : memref<128x128xf32, #tpu.memory_space<vmem>>[vector<16xi32>, vector<16xi32>], vector<16xf32>,
        %gather3A_804 = arith.constant 0 : i32
        %gather3A_805 = arith.constant 0 : i32
        %gather3A_806 = tpu.memref_slice %arg17[%scan3A_150, %gather3A_804, %gather3A_805] : memref<2x128x128xf32, #tpu.memory_space<vmem>> -> memref<1x128x128xf32, #tpu.memory_space<vmem>>
        %gather3A_807 = tpu.memref_squeeze %gather3A_806 : memref<1x128x128xf32, #tpu.memory_space<vmem>> -> memref<128x128xf32, #tpu.memory_space<vmem>>
        %gather3A_808 = tpu.vector_load_idx %gather3A_807[%add3A_140, %or3A_796] : memref<128x128xf32, #tpu.memory_space<vmem>>[vector<16xi32>, vector<16xi32>], vector<16xf32>,
        %sub3A_809 = arith.subf %gather3A_797, %gather3A_803 : vector<16xf32>
        %sub3A_810 = arith.subf %gather3A_798, %gather3A_808 : vector<16xf32>
        %mul3A_811 = arith.mulf %sub3A_809, %sub3A_809 : vector<16xf32>
        %mul3A_812 = arith.mulf %sub3A_810, %sub3A_810 : vector<16xf32>
        %add3A_813 = arith.addf %mul3A_811, %mul3A_812 : vector<16xf32>
        %add3A_814 = arith.constant 9.99999996E-13 : f32
        %add3A_815 = vector.broadcast %add3A_814 : f32 to vector<16xf32>
        %add3A_816 = arith.addf %add3A_813, %add3A_815 : vector<16xf32>
        %bitcast_convert_type3A_817 = tpu.bitcast %add3A_816 : vector<16xf32> -> vector<16xi32>
        %shift_right_arithmetic3A_818 = arith.constant 1 : i32
        %shift_right_arithmetic3A_819 = vector.broadcast %shift_right_arithmetic3A_818 : i32 to vector<16xi32>
        %shift_right_arithmetic3A_820 = arith.shrsi %bitcast_convert_type3A_817, %shift_right_arithmetic3A_819 : vector<16xi32>
        %sub3A_821 = arith.constant 1597463007 : i32
        %sub3A_822 = vector.broadcast %sub3A_821 : i32 to vector<16xi32>
        %sub3A_823 = arith.subi %sub3A_822, %shift_right_arithmetic3A_820 : vector<16xi32>
        %bitcast_convert_type3A_824 = tpu.bitcast %sub3A_823 : vector<16xi32> -> vector<16xf32>
        %mul3A_825 = arith.constant 5.000000e-01 : f32
        %mul3A_826 = vector.broadcast %mul3A_825 : f32 to vector<16xf32>
        %mul3A_827 = arith.mulf %mul3A_826, %add3A_816 : vector<16xf32>
        %mul3A_828 = arith.mulf %mul3A_827, %bitcast_convert_type3A_824 : vector<16xf32>
        %mul3A_829 = arith.mulf %mul3A_828, %bitcast_convert_type3A_824 : vector<16xf32>
        %sub3A_830 = arith.constant 1.500000e+00 : f32
        %sub3A_831 = vector.broadcast %sub3A_830 : f32 to vector<16xf32>
        %sub3A_832 = arith.subf %sub3A_831, %mul3A_829 : vector<16xf32>
        %mul3A_833 = arith.mulf %bitcast_convert_type3A_824, %sub3A_832 : vector<16xf32>
        %mul3A_834 = arith.mulf %add3A_816, %mul3A_833 : vector<16xf32>
        %add3A_835 = arith.addf %add3A_675, %mul3A_834 : vector<16xf32>
        %gather3A_836 = arith.constant 0 : i32
        %gather3A_837 = arith.constant 0 : i32
        %gather3A_838 = tpu.memref_slice %arg17[%scan3A_150, %gather3A_836, %gather3A_837] : memref<2x128x128xf32, #tpu.memory_space<vmem>> -> memref<1x128x128xf32, #tpu.memory_space<vmem>>
        %gather3A_839 = tpu.memref_squeeze %gather3A_838 : memref<1x128x128xf32, #tpu.memory_space<vmem>> -> memref<128x128xf32, #tpu.memory_space<vmem>>
        %gather3A_840 = tpu.vector_load_idx %gather3A_839[%add3A_143, %and3A_793] : memref<128x128xf32, #tpu.memory_space<vmem>>[vector<16xi32>, vector<16xi32>], vector<16xf32>,
        %gather3A_841 = arith.constant 0 : i32
        %gather3A_842 = arith.constant 0 : i32
        %gather3A_843 = tpu.memref_slice %arg17[%scan3A_150, %gather3A_841, %gather3A_842] : memref<2x128x128xf32, #tpu.memory_space<vmem>> -> memref<1x128x128xf32, #tpu.memory_space<vmem>>
        %gather3A_844 = tpu.memref_squeeze %gather3A_843 : memref<1x128x128xf32, #tpu.memory_space<vmem>> -> memref<128x128xf32, #tpu.memory_space<vmem>>
        %gather3A_845 = tpu.vector_load_idx %gather3A_844[%add3A_143, %or3A_796] : memref<128x128xf32, #tpu.memory_space<vmem>>[vector<16xi32>, vector<16xi32>], vector<16xf32>,
        %sub3A_846 = arith.subf %gather3A_797, %gather3A_840 : vector<16xf32>
        %sub3A_847 = arith.subf %gather3A_798, %gather3A_845 : vector<16xf32>
        %mul3A_848 = arith.mulf %sub3A_846, %sub3A_846 : vector<16xf32>
        %mul3A_849 = arith.mulf %sub3A_847, %sub3A_847 : vector<16xf32>
        %add3A_850 = arith.addf %mul3A_848, %mul3A_849 : vector<16xf32>
        %add3A_851 = arith.constant 9.99999996E-13 : f32
        %add3A_852 = vector.broadcast %add3A_851 : f32 to vector<16xf32>
        %add3A_853 = arith.addf %add3A_850, %add3A_852 : vector<16xf32>
        %bitcast_convert_type3A_854 = tpu.bitcast %add3A_853 : vector<16xf32> -> vector<16xi32>
        %shift_right_arithmetic3A_855 = arith.constant 1 : i32
        %shift_right_arithmetic3A_856 = vector.broadcast %shift_right_arithmetic3A_855 : i32 to vector<16xi32>
        %shift_right_arithmetic3A_857 = arith.shrsi %bitcast_convert_type3A_854, %shift_right_arithmetic3A_856 : vector<16xi32>
        %sub3A_858 = arith.constant 1597463007 : i32
        %sub3A_859 = vector.broadcast %sub3A_858 : i32 to vector<16xi32>
        %sub3A_860 = arith.subi %sub3A_859, %shift_right_arithmetic3A_857 : vector<16xi32>
        %bitcast_convert_type3A_861 = tpu.bitcast %sub3A_860 : vector<16xi32> -> vector<16xf32>
        %mul3A_862 = arith.constant 5.000000e-01 : f32
        %mul3A_863 = vector.broadcast %mul3A_862 : f32 to vector<16xf32>
        %mul3A_864 = arith.mulf %mul3A_863, %add3A_853 : vector<16xf32>
        %mul3A_865 = arith.mulf %mul3A_864, %bitcast_convert_type3A_861 : vector<16xf32>
        %mul3A_866 = arith.mulf %mul3A_865, %bitcast_convert_type3A_861 : vector<16xf32>
        %sub3A_867 = arith.constant 1.500000e+00 : f32
        %sub3A_868 = vector.broadcast %sub3A_867 : f32 to vector<16xf32>
        %sub3A_869 = arith.subf %sub3A_868, %mul3A_866 : vector<16xf32>
        %mul3A_870 = arith.mulf %bitcast_convert_type3A_861, %sub3A_869 : vector<16xf32>
        %mul3A_871 = arith.mulf %add3A_853, %mul3A_870 : vector<16xf32>
        %add3A_872 = arith.addf %add3A_712, %mul3A_871 : vector<16xf32>
        %gather3A_873 = arith.constant 0 : i32
        %gather3A_874 = arith.constant 0 : i32
        %gather3A_875 = tpu.memref_slice %arg17[%scan3A_150, %gather3A_873, %gather3A_874] : memref<2x128x128xf32, #tpu.memory_space<vmem>> -> memref<1x128x128xf32, #tpu.memory_space<vmem>>
        %gather3A_876 = tpu.memref_squeeze %gather3A_875 : memref<1x128x128xf32, #tpu.memory_space<vmem>> -> memref<128x128xf32, #tpu.memory_space<vmem>>
        %gather3A_877 = tpu.vector_load_idx %gather3A_876[%add3A_146, %and3A_793] : memref<128x128xf32, #tpu.memory_space<vmem>>[vector<16xi32>, vector<16xi32>], vector<16xf32>,
        %gather3A_878 = arith.constant 0 : i32
        %gather3A_879 = arith.constant 0 : i32
        %gather3A_880 = tpu.memref_slice %arg17[%scan3A_150, %gather3A_878, %gather3A_879] : memref<2x128x128xf32, #tpu.memory_space<vmem>> -> memref<1x128x128xf32, #tpu.memory_space<vmem>>
        %gather3A_881 = tpu.memref_squeeze %gather3A_880 : memref<1x128x128xf32, #tpu.memory_space<vmem>> -> memref<128x128xf32, #tpu.memory_space<vmem>>
        %gather3A_882 = tpu.vector_load_idx %gather3A_881[%add3A_146, %or3A_796] : memref<128x128xf32, #tpu.memory_space<vmem>>[vector<16xi32>, vector<16xi32>], vector<16xf32>,
        %sub3A_883 = arith.subf %gather3A_797, %gather3A_877 : vector<16xf32>
        %sub3A_884 = arith.subf %gather3A_798, %gather3A_882 : vector<16xf32>
        %mul3A_885 = arith.mulf %sub3A_883, %sub3A_883 : vector<16xf32>
        %mul3A_886 = arith.mulf %sub3A_884, %sub3A_884 : vector<16xf32>
        %add3A_887 = arith.addf %mul3A_885, %mul3A_886 : vector<16xf32>
        %add3A_888 = arith.constant 9.99999996E-13 : f32
        %add3A_889 = vector.broadcast %add3A_888 : f32 to vector<16xf32>
        %add3A_890 = arith.addf %add3A_887, %add3A_889 : vector<16xf32>
        %bitcast_convert_type3A_891 = tpu.bitcast %add3A_890 : vector<16xf32> -> vector<16xi32>
        %shift_right_arithmetic3A_892 = arith.constant 1 : i32
        %shift_right_arithmetic3A_893 = vector.broadcast %shift_right_arithmetic3A_892 : i32 to vector<16xi32>
        %shift_right_arithmetic3A_894 = arith.shrsi %bitcast_convert_type3A_891, %shift_right_arithmetic3A_893 : vector<16xi32>
        %sub3A_895 = arith.constant 1597463007 : i32
        %sub3A_896 = vector.broadcast %sub3A_895 : i32 to vector<16xi32>
        %sub3A_897 = arith.subi %sub3A_896, %shift_right_arithmetic3A_894 : vector<16xi32>
        %bitcast_convert_type3A_898 = tpu.bitcast %sub3A_897 : vector<16xi32> -> vector<16xf32>
        %mul3A_899 = arith.constant 5.000000e-01 : f32
        %mul3A_900 = vector.broadcast %mul3A_899 : f32 to vector<16xf32>
        %mul3A_901 = arith.mulf %mul3A_900, %add3A_890 : vector<16xf32>
        %mul3A_902 = arith.mulf %mul3A_901, %bitcast_convert_type3A_898 : vector<16xf32>
        %mul3A_903 = arith.mulf %mul3A_902, %bitcast_convert_type3A_898 : vector<16xf32>
        %sub3A_904 = arith.constant 1.500000e+00 : f32
        %sub3A_905 = vector.broadcast %sub3A_904 : f32 to vector<16xf32>
        %sub3A_906 = arith.subf %sub3A_905, %mul3A_903 : vector<16xf32>
        %mul3A_907 = arith.mulf %bitcast_convert_type3A_898, %sub3A_906 : vector<16xf32>
        %mul3A_908 = arith.mulf %add3A_890, %mul3A_907 : vector<16xf32>
        %add3A_909 = arith.addf %add3A_749, %mul3A_908 : vector<16xf32>
        %gather3A_910 = arith.constant 0 : i32
        %gather3A_911 = arith.constant 0 : i32
        %gather3A_912 = tpu.memref_slice %arg17[%scan3A_150, %gather3A_910, %gather3A_911] : memref<2x128x128xf32, #tpu.memory_space<vmem>> -> memref<1x128x128xf32, #tpu.memory_space<vmem>>
        %gather3A_913 = tpu.memref_squeeze %gather3A_912 : memref<1x128x128xf32, #tpu.memory_space<vmem>> -> memref<128x128xf32, #tpu.memory_space<vmem>>
        %gather3A_914 = tpu.vector_load_idx %gather3A_913[%add3A_149, %and3A_793] : memref<128x128xf32, #tpu.memory_space<vmem>>[vector<16xi32>, vector<16xi32>], vector<16xf32>,
        %gather3A_915 = arith.constant 0 : i32
        %gather3A_916 = arith.constant 0 : i32
        %gather3A_917 = tpu.memref_slice %arg17[%scan3A_150, %gather3A_915, %gather3A_916] : memref<2x128x128xf32, #tpu.memory_space<vmem>> -> memref<1x128x128xf32, #tpu.memory_space<vmem>>
        %gather3A_918 = tpu.memref_squeeze %gather3A_917 : memref<1x128x128xf32, #tpu.memory_space<vmem>> -> memref<128x128xf32, #tpu.memory_space<vmem>>
        %gather3A_919 = tpu.vector_load_idx %gather3A_918[%add3A_149, %or3A_796] : memref<128x128xf32, #tpu.memory_space<vmem>>[vector<16xi32>, vector<16xi32>], vector<16xf32>,
        %sub3A_920 = arith.subf %gather3A_797, %gather3A_914 : vector<16xf32>
        %sub3A_921 = arith.subf %gather3A_798, %gather3A_919 : vector<16xf32>
        %mul3A_922 = arith.mulf %sub3A_920, %sub3A_920 : vector<16xf32>
        %mul3A_923 = arith.mulf %sub3A_921, %sub3A_921 : vector<16xf32>
        %add3A_924 = arith.addf %mul3A_922, %mul3A_923 : vector<16xf32>
        %add3A_925 = arith.constant 9.99999996E-13 : f32
        %add3A_926 = vector.broadcast %add3A_925 : f32 to vector<16xf32>
        %add3A_927 = arith.addf %add3A_924, %add3A_926 : vector<16xf32>
        %bitcast_convert_type3A_928 = tpu.bitcast %add3A_927 : vector<16xf32> -> vector<16xi32>
        %shift_right_arithmetic3A_929 = arith.constant 1 : i32
        %shift_right_arithmetic3A_930 = vector.broadcast %shift_right_arithmetic3A_929 : i32 to vector<16xi32>
        %shift_right_arithmetic3A_931 = arith.shrsi %bitcast_convert_type3A_928, %shift_right_arithmetic3A_930 : vector<16xi32>
        %sub3A_932 = arith.constant 1597463007 : i32
        %sub3A_933 = vector.broadcast %sub3A_932 : i32 to vector<16xi32>
        %sub3A_934 = arith.subi %sub3A_933, %shift_right_arithmetic3A_931 : vector<16xi32>
        %bitcast_convert_type3A_935 = tpu.bitcast %sub3A_934 : vector<16xi32> -> vector<16xf32>
        %mul3A_936 = arith.constant 5.000000e-01 : f32
        %mul3A_937 = vector.broadcast %mul3A_936 : f32 to vector<16xf32>
        %mul3A_938 = arith.mulf %mul3A_937, %add3A_927 : vector<16xf32>
        %mul3A_939 = arith.mulf %mul3A_938, %bitcast_convert_type3A_935 : vector<16xf32>
        %mul3A_940 = arith.mulf %mul3A_939, %bitcast_convert_type3A_935 : vector<16xf32>
        %sub3A_941 = arith.constant 1.500000e+00 : f32
        %sub3A_942 = vector.broadcast %sub3A_941 : f32 to vector<16xf32>
        %sub3A_943 = arith.subf %sub3A_942, %mul3A_940 : vector<16xf32>
        %mul3A_944 = arith.mulf %bitcast_convert_type3A_935, %sub3A_943 : vector<16xf32>
        %mul3A_945 = arith.mulf %add3A_927, %mul3A_944 : vector<16xf32>
        %add3A_946 = arith.addf %add3A_786, %mul3A_945 : vector<16xf32>
        scf.yield %add3A_835, %add3A_872, %add3A_909, %add3A_946 : vector<16xf32>, vector<16xf32>, vector<16xf32>, vector<16xf32>
      }
      %scan3A_156 = arith.constant 64 : i32
      %neg3A_157 = arith.constant 0.000000e+00 : f32
      %neg3A_158 = vector.broadcast %neg3A_157 : f32 to vector<16xf32>
      %neg3A_159 = arith.subf %neg3A_158, %scan3A_155#0 : vector<16xf32>
      %swap3A_160 = arith.index_cast %add3A_132 : i32 to index
      %swap3A_161 = arith.constant 0 : index
      %swap3A_162 = tpu.vector_load %arg19[%swap3A_160, %swap3A_161] {strides = array<i32>} : memref<128x64xf32, #tpu.memory_space<vmem>>, vector<16xf32>,
      tpu.vector_store %arg19[%swap3A_160, %swap3A_161], %neg3A_159 {strides = array<i32>} : memref<128x64xf32, #tpu.memory_space<vmem>>, vector<16xf32>,
      %neg3A_163 = arith.constant 0.000000e+00 : f32
      %neg3A_164 = vector.broadcast %neg3A_163 : f32 to vector<16xf32>
      %neg3A_165 = arith.subf %neg3A_164, %scan3A_155#1 : vector<16xf32>
      %swap3A_166 = arith.index_cast %add3A_132 : i32 to index
      %swap3A_167 = arith.constant 16 : index
      %swap3A_168 = tpu.vector_load %arg19[%swap3A_166, %swap3A_167] {strides = array<i32>} : memref<128x64xf32, #tpu.memory_space<vmem>>, vector<16xf32>,
      tpu.vector_store %arg19[%swap3A_166, %swap3A_167], %neg3A_165 {strides = array<i32>} : memref<128x64xf32, #tpu.memory_space<vmem>>, vector<16xf32>,
      %neg3A_169 = arith.constant 0.000000e+00 : f32
      %neg3A_170 = vector.broadcast %neg3A_169 : f32 to vector<16xf32>
      %neg3A_171 = arith.subf %neg3A_170, %scan3A_155#2 : vector<16xf32>
      %swap3A_172 = arith.index_cast %add3A_132 : i32 to index
      %swap3A_173 = arith.constant 32 : index
      %swap3A_174 = tpu.vector_load %arg19[%swap3A_172, %swap3A_173] {strides = array<i32>} : memref<128x64xf32, #tpu.memory_space<vmem>>, vector<16xf32>,
      tpu.vector_store %arg19[%swap3A_172, %swap3A_173], %neg3A_171 {strides = array<i32>} : memref<128x64xf32, #tpu.memory_space<vmem>>, vector<16xf32>,
      %neg3A_175 = arith.constant 0.000000e+00 : f32
      %neg3A_176 = vector.broadcast %neg3A_175 : f32 to vector<16xf32>
      %neg3A_177 = arith.subf %neg3A_176, %scan3A_155#3 : vector<16xf32>
      %swap3A_178 = arith.index_cast %add3A_132 : i32 to index
      %swap3A_179 = arith.constant 48 : index
      %swap3A_180 = tpu.vector_load %arg19[%swap3A_178, %swap3A_179] {strides = array<i32>} : memref<128x64xf32, #tpu.memory_space<vmem>>, vector<16xf32>,
      tpu.vector_store %arg19[%swap3A_178, %swap3A_179], %neg3A_177 {strides = array<i32>} : memref<128x64xf32, #tpu.memory_space<vmem>>, vector<16xf32>,
      %lt3A = arith.constant 62 : i32
      %lt3A_181 = arith.cmpi slt, %add3A_65, %lt3A : i32
      %convert_element_type3A = arith.extui %lt3A_181 : i1 to i32
      %cond3A = arith.constant 0 : i32
      %cond3A_182 = arith.cmpi ne, %convert_element_type3A, %cond3A : i32
      scf.if %cond3A_182 {
        %add3A_310 = arith.constant 2 : i32
        %add3A_311 = arith.addi %add3A_65, %add3A_310 : i32
        %mul3A_312 = arith.constant 2 : i32
        %mul3A_313 = arith.muli %add3A_311, %mul3A_312 : i32
        %mul3A_314 = arith.constant 64 : i32
        %mul3A_315 = arith.muli %mul3A_313, %mul3A_314 : i32
        %dma_start3A_316 = arith.constant 0 : i32
        %dma_start3A_317 = arith.constant 0 : i32
        %dma_start3A_318 = arith.constant 0 : i32
        %dma_start3A_319 = tpu.memref_slice %arg17[%dma_start3A_316, %dma_start3A_317, %dma_start3A_318] : memref<2x128x128xf32, #tpu.memory_space<vmem>> -> memref<1x128x128xf32, #tpu.memory_space<vmem>>
        %dma_start3A_320 = tpu.memref_squeeze %dma_start3A_319 : memref<1x128x128xf32, #tpu.memory_space<vmem>> -> memref<128x128xf32, #tpu.memory_space<vmem>>
        %dma_start3A_321 = tpu.memref_slice %arg13[%mul3A_315] : memref<8192xi32, #tpu.memory_space<vmem>> -> memref<128xi32, #tpu.memory_space<vmem>>
        %dma_start3A_322 = arith.constant 0 : i32
        %dma_start3A_323 = arith.constant 0 : i32
        %dma_start3A_324 = tpu.memref_slice %arg2[%dma_start3A_322, %dma_start3A_323] : memref<1000000x128xf32, #tpu.memory_space<hbm>> -> memref<1000000x128xf32, #tpu.memory_space<hbm>>
        tpu.enqueue_indirect_dma source(%dma_start3A_324 : memref<1000000x128xf32, #tpu.memory_space<hbm>>) target(%dma_start3A_320 : memref<128x128xf32, #tpu.memory_space<vmem>>) offsets(%dma_start3A_321 : memref<128xi32, #tpu.memory_space<vmem>>) semaphore(%arg21 : memref<!tpu.dma_semaphore, #tpu.memory_space<semaphore_mem>>)
      } else {
      }
      %mul3A_183 = arith.constant 2 : i32
      %mul3A_184 = arith.muli %scan3A_60, %mul3A_183 : i32
      %add3A_185 = arith.constant 1 : i32
      %add3A_186 = arith.addi %mul3A_184, %add3A_185 : i32
      %mul3A_187 = arith.constant 2 : i32
      %mul3A_188 = arith.muli %add3A_186, %mul3A_187 : i32
      %mul3A_189 = arith.constant 64 : i32
      %mul3A_190 = arith.muli %mul3A_188, %mul3A_189 : i32
      %dma_wait3A_191 = arith.constant 1 : i32
      %dma_wait3A_192 = arith.constant 0 : i32
      %dma_wait3A_193 = arith.constant 0 : i32
      %dma_wait3A_194 = tpu.memref_slice %arg17[%dma_wait3A_191, %dma_wait3A_192, %dma_wait3A_193] : memref<2x128x128xf32, #tpu.memory_space<vmem>> -> memref<1x128x128xf32, #tpu.memory_space<vmem>>
      %dma_wait3A_195 = tpu.memref_squeeze %dma_wait3A_194 : memref<1x128x128xf32, #tpu.memory_space<vmem>> -> memref<128x128xf32, #tpu.memory_space<vmem>>
      %dma_wait3A_196 = tpu.memref_slice %arg13[%mul3A_190] : memref<8192xi32, #tpu.memory_space<vmem>> -> memref<128xi32, #tpu.memory_space<vmem>>
      %dma_wait3A_197 = arith.constant 0 : i32
      %dma_wait3A_198 = arith.constant 0 : i32
      %dma_wait3A_199 = tpu.memref_slice %arg2[%dma_wait3A_197, %dma_wait3A_198] : memref<1000000x128xf32, #tpu.memory_space<hbm>> -> memref<1000000x128xf32, #tpu.memory_space<hbm>>
      tpu.wait_indirect_dma semaphore(%arg22 : memref<!tpu.dma_semaphore, #tpu.memory_space<semaphore_mem>>) src(%dma_wait3A_199 : memref<1000000x128xf32, #tpu.memory_space<hbm>>) dst(%dma_wait3A_195 : memref<128x128xf32, #tpu.memory_space<vmem>>)
      %mul3A_200 = arith.constant 2 : i32
      %mul3A_201 = arith.muli %add3A_186, %mul3A_200 : i32
      %add3A_202 = arith.constant 0 : i32
      %add3A_203 = arith.addi %mul3A_201, %add3A_202 : i32
      %mul3A_204 = arith.constant 0 : i32
      %mul3A_205 = vector.broadcast %mul3A_204 : i32 to vector<16xi32>
      %mul3A_206 = arith.muli %iota3A, %mul3A_205 : vector<16xi32>
      %add3A_207 = vector.broadcast %add3A_203 : i32 to vector<16xi32>
      %add3A_208 = arith.addi %mul3A_206, %add3A_207 : vector<16xi32>
      %add3A_209 = arith.constant 0 : i32
      %add3A_210 = vector.broadcast %add3A_209 : i32 to vector<16xi32>
      %add3A_211 = arith.addi %add3A_210, %iota3A : vector<16xi32>
      %add3A_212 = arith.constant 16 : i32
      %add3A_213 = vector.broadcast %add3A_212 : i32 to vector<16xi32>
      %add3A_214 = arith.addi %add3A_213, %iota3A : vector<16xi32>
      %add3A_215 = arith.constant 32 : i32
      %add3A_216 = vector.broadcast %add3A_215 : i32 to vector<16xi32>
      %add3A_217 = arith.addi %add3A_216, %iota3A : vector<16xi32>
      %add3A_218 = arith.constant 48 : i32
      %add3A_219 = vector.broadcast %add3A_218 : i32 to vector<16xi32>
      %add3A_220 = arith.addi %add3A_219, %iota3A : vector<16xi32>
      %scan3A_221 = arith.constant 1 : i32
      %scan3A_222 = arith.constant 0 : i32
      %scan3A_223 = arith.constant 64 : i32
      %scan3A_224 = arith.addi %scan3A_222, %scan3A_223 : i32
      %scan3A_225 = arith.constant 4 : i32
      %scan3A_226:4 = scf.for %scan3A_310 = %scan3A_222 to %scan3A_224 step %scan3A_225 iter_args(%scan3A_311 = %broadcast_in_dim3A_3, %scan3A_312 = %broadcast_in_dim3A_3, %scan3A_313 = %broadcast_in_dim3A_3, %scan3A_314 = %broadcast_in_dim3A_3) -> (vector<16xf32>, vector<16xf32>, vector<16xf32>, vector<16xf32>)  : i32 {
        %add3A_315 = vector.broadcast %scan3A_310 : i32 to vector<16xi32>
        %add3A_316 = arith.addi %iota3A, %add3A_315 : vector<16xi32>
        %and3A = arith.constant 63 : i32
        %and3A_317 = vector.broadcast %and3A : i32 to vector<16xi32>
        %and3A_318 = arith.andi %add3A_316, %and3A_317 : vector<16xi32>
        %or3A = arith.constant 64 : i32
        %or3A_319 = vector.broadcast %or3A : i32 to vector<16xi32>
        %or3A_320 = arith.ori %and3A_318, %or3A_319 : vector<16xi32>
        %gather3A = tpu.vector_load_idx %arg14[%add3A_208, %and3A_318] : memref<128x128xf32, #tpu.memory_space<vmem>>[vector<16xi32>, vector<16xi32>], vector<16xf32>,
        %gather3A_321 = tpu.vector_load_idx %arg14[%add3A_208, %or3A_320] : memref<128x128xf32, #tpu.memory_space<vmem>>[vector<16xi32>, vector<16xi32>], vector<16xf32>,
        %gather3A_322 = arith.constant 0 : i32
        %gather3A_323 = arith.constant 0 : i32
        %gather3A_324 = tpu.memref_slice %arg17[%scan3A_221, %gather3A_322, %gather3A_323] : memref<2x128x128xf32, #tpu.memory_space<vmem>> -> memref<1x128x128xf32, #tpu.memory_space<vmem>>
        %gather3A_325 = tpu.memref_squeeze %gather3A_324 : memref<1x128x128xf32, #tpu.memory_space<vmem>> -> memref<128x128xf32, #tpu.memory_space<vmem>>
        %gather3A_326 = tpu.vector_load_idx %gather3A_325[%add3A_211, %and3A_318] : memref<128x128xf32, #tpu.memory_space<vmem>>[vector<16xi32>, vector<16xi32>], vector<16xf32>,
        %gather3A_327 = arith.constant 0 : i32
        %gather3A_328 = arith.constant 0 : i32
        %gather3A_329 = tpu.memref_slice %arg17[%scan3A_221, %gather3A_327, %gather3A_328] : memref<2x128x128xf32, #tpu.memory_space<vmem>> -> memref<1x128x128xf32, #tpu.memory_space<vmem>>
        %gather3A_330 = tpu.memref_squeeze %gather3A_329 : memref<1x128x128xf32, #tpu.memory_space<vmem>> -> memref<128x128xf32, #tpu.memory_space<vmem>>
        %gather3A_331 = tpu.vector_load_idx %gather3A_330[%add3A_211, %or3A_320] : memref<128x128xf32, #tpu.memory_space<vmem>>[vector<16xi32>, vector<16xi32>], vector<16xf32>,
        %sub3A = arith.subf %gather3A, %gather3A_326 : vector<16xf32>
        %sub3A_332 = arith.subf %gather3A_321, %gather3A_331 : vector<16xf32>
        %mul3A_333 = arith.mulf %sub3A, %sub3A : vector<16xf32>
        %mul3A_334 = arith.mulf %sub3A_332, %sub3A_332 : vector<16xf32>
        %add3A_335 = arith.addf %mul3A_333, %mul3A_334 : vector<16xf32>
        %add3A_336 = arith.constant 9.99999996E-13 : f32
        %add3A_337 = vector.broadcast %add3A_336 : f32 to vector<16xf32>
        %add3A_338 = arith.addf %add3A_335, %add3A_337 : vector<16xf32>
        %bitcast_convert_type3A = tpu.bitcast %add3A_338 : vector<16xf32> -> vector<16xi32>
        %shift_right_arithmetic3A = arith.constant 1 : i32
        %shift_right_arithmetic3A_339 = vector.broadcast %shift_right_arithmetic3A : i32 to vector<16xi32>
        %shift_right_arithmetic3A_340 = arith.shrsi %bitcast_convert_type3A, %shift_right_arithmetic3A_339 : vector<16xi32>
        %sub3A_341 = arith.constant 1597463007 : i32
        %sub3A_342 = vector.broadcast %sub3A_341 : i32 to vector<16xi32>
        %sub3A_343 = arith.subi %sub3A_342, %shift_right_arithmetic3A_340 : vector<16xi32>
        %bitcast_convert_type3A_344 = tpu.bitcast %sub3A_343 : vector<16xi32> -> vector<16xf32>
        %mul3A_345 = arith.constant 5.000000e-01 : f32
        %mul3A_346 = vector.broadcast %mul3A_345 : f32 to vector<16xf32>
        %mul3A_347 = arith.mulf %mul3A_346, %add3A_338 : vector<16xf32>
        %mul3A_348 = arith.mulf %mul3A_347, %bitcast_convert_type3A_344 : vector<16xf32>
        %mul3A_349 = arith.mulf %mul3A_348, %bitcast_convert_type3A_344 : vector<16xf32>
        %sub3A_350 = arith.constant 1.500000e+00 : f32
        %sub3A_351 = vector.broadcast %sub3A_350 : f32 to vector<16xf32>
        %sub3A_352 = arith.subf %sub3A_351, %mul3A_349 : vector<16xf32>
        %mul3A_353 = arith.mulf %bitcast_convert_type3A_344, %sub3A_352 : vector<16xf32>
        %mul3A_354 = arith.mulf %add3A_338, %mul3A_353 : vector<16xf32>
        %add3A_355 = arith.addf %scan3A_311, %mul3A_354 : vector<16xf32>
        %gather3A_356 = arith.constant 0 : i32
        %gather3A_357 = arith.constant 0 : i32
        %gather3A_358 = tpu.memref_slice %arg17[%scan3A_221, %gather3A_356, %gather3A_357] : memref<2x128x128xf32, #tpu.memory_space<vmem>> -> memref<1x128x128xf32, #tpu.memory_space<vmem>>
        %gather3A_359 = tpu.memref_squeeze %gather3A_358 : memref<1x128x128xf32, #tpu.memory_space<vmem>> -> memref<128x128xf32, #tpu.memory_space<vmem>>
        %gather3A_360 = tpu.vector_load_idx %gather3A_359[%add3A_214, %and3A_318] : memref<128x128xf32, #tpu.memory_space<vmem>>[vector<16xi32>, vector<16xi32>], vector<16xf32>,
        %gather3A_361 = arith.constant 0 : i32
        %gather3A_362 = arith.constant 0 : i32
        %gather3A_363 = tpu.memref_slice %arg17[%scan3A_221, %gather3A_361, %gather3A_362] : memref<2x128x128xf32, #tpu.memory_space<vmem>> -> memref<1x128x128xf32, #tpu.memory_space<vmem>>
        %gather3A_364 = tpu.memref_squeeze %gather3A_363 : memref<1x128x128xf32, #tpu.memory_space<vmem>> -> memref<128x128xf32, #tpu.memory_space<vmem>>
        %gather3A_365 = tpu.vector_load_idx %gather3A_364[%add3A_214, %or3A_320] : memref<128x128xf32, #tpu.memory_space<vmem>>[vector<16xi32>, vector<16xi32>], vector<16xf32>,
        %sub3A_366 = arith.subf %gather3A, %gather3A_360 : vector<16xf32>
        %sub3A_367 = arith.subf %gather3A_321, %gather3A_365 : vector<16xf32>
        %mul3A_368 = arith.mulf %sub3A_366, %sub3A_366 : vector<16xf32>
        %mul3A_369 = arith.mulf %sub3A_367, %sub3A_367 : vector<16xf32>
        %add3A_370 = arith.addf %mul3A_368, %mul3A_369 : vector<16xf32>
        %add3A_371 = arith.constant 9.99999996E-13 : f32
        %add3A_372 = vector.broadcast %add3A_371 : f32 to vector<16xf32>
        %add3A_373 = arith.addf %add3A_370, %add3A_372 : vector<16xf32>
        %bitcast_convert_type3A_374 = tpu.bitcast %add3A_373 : vector<16xf32> -> vector<16xi32>
        %shift_right_arithmetic3A_375 = arith.constant 1 : i32
        %shift_right_arithmetic3A_376 = vector.broadcast %shift_right_arithmetic3A_375 : i32 to vector<16xi32>
        %shift_right_arithmetic3A_377 = arith.shrsi %bitcast_convert_type3A_374, %shift_right_arithmetic3A_376 : vector<16xi32>
        %sub3A_378 = arith.constant 1597463007 : i32
        %sub3A_379 = vector.broadcast %sub3A_378 : i32 to vector<16xi32>
        %sub3A_380 = arith.subi %sub3A_379, %shift_right_arithmetic3A_377 : vector<16xi32>
        %bitcast_convert_type3A_381 = tpu.bitcast %sub3A_380 : vector<16xi32> -> vector<16xf32>
        %mul3A_382 = arith.constant 5.000000e-01 : f32
        %mul3A_383 = vector.broadcast %mul3A_382 : f32 to vector<16xf32>
        %mul3A_384 = arith.mulf %mul3A_383, %add3A_373 : vector<16xf32>
        %mul3A_385 = arith.mulf %mul3A_384, %bitcast_convert_type3A_381 : vector<16xf32>
        %mul3A_386 = arith.mulf %mul3A_385, %bitcast_convert_type3A_381 : vector<16xf32>
        %sub3A_387 = arith.constant 1.500000e+00 : f32
        %sub3A_388 = vector.broadcast %sub3A_387 : f32 to vector<16xf32>
        %sub3A_389 = arith.subf %sub3A_388, %mul3A_386 : vector<16xf32>
        %mul3A_390 = arith.mulf %bitcast_convert_type3A_381, %sub3A_389 : vector<16xf32>
        %mul3A_391 = arith.mulf %add3A_373, %mul3A_390 : vector<16xf32>
        %add3A_392 = arith.addf %scan3A_312, %mul3A_391 : vector<16xf32>
        %gather3A_393 = arith.constant 0 : i32
        %gather3A_394 = arith.constant 0 : i32
        %gather3A_395 = tpu.memref_slice %arg17[%scan3A_221, %gather3A_393, %gather3A_394] : memref<2x128x128xf32, #tpu.memory_space<vmem>> -> memref<1x128x128xf32, #tpu.memory_space<vmem>>
        %gather3A_396 = tpu.memref_squeeze %gather3A_395 : memref<1x128x128xf32, #tpu.memory_space<vmem>> -> memref<128x128xf32, #tpu.memory_space<vmem>>
        %gather3A_397 = tpu.vector_load_idx %gather3A_396[%add3A_217, %and3A_318] : memref<128x128xf32, #tpu.memory_space<vmem>>[vector<16xi32>, vector<16xi32>], vector<16xf32>,
        %gather3A_398 = arith.constant 0 : i32
        %gather3A_399 = arith.constant 0 : i32
        %gather3A_400 = tpu.memref_slice %arg17[%scan3A_221, %gather3A_398, %gather3A_399] : memref<2x128x128xf32, #tpu.memory_space<vmem>> -> memref<1x128x128xf32, #tpu.memory_space<vmem>>
        %gather3A_401 = tpu.memref_squeeze %gather3A_400 : memref<1x128x128xf32, #tpu.memory_space<vmem>> -> memref<128x128xf32, #tpu.memory_space<vmem>>
        %gather3A_402 = tpu.vector_load_idx %gather3A_401[%add3A_217, %or3A_320] : memref<128x128xf32, #tpu.memory_space<vmem>>[vector<16xi32>, vector<16xi32>], vector<16xf32>,
        %sub3A_403 = arith.subf %gather3A, %gather3A_397 : vector<16xf32>
        %sub3A_404 = arith.subf %gather3A_321, %gather3A_402 : vector<16xf32>
        %mul3A_405 = arith.mulf %sub3A_403, %sub3A_403 : vector<16xf32>
        %mul3A_406 = arith.mulf %sub3A_404, %sub3A_404 : vector<16xf32>
        %add3A_407 = arith.addf %mul3A_405, %mul3A_406 : vector<16xf32>
        %add3A_408 = arith.constant 9.99999996E-13 : f32
        %add3A_409 = vector.broadcast %add3A_408 : f32 to vector<16xf32>
        %add3A_410 = arith.addf %add3A_407, %add3A_409 : vector<16xf32>
        %bitcast_convert_type3A_411 = tpu.bitcast %add3A_410 : vector<16xf32> -> vector<16xi32>
        %shift_right_arithmetic3A_412 = arith.constant 1 : i32
        %shift_right_arithmetic3A_413 = vector.broadcast %shift_right_arithmetic3A_412 : i32 to vector<16xi32>
        %shift_right_arithmetic3A_414 = arith.shrsi %bitcast_convert_type3A_411, %shift_right_arithmetic3A_413 : vector<16xi32>
        %sub3A_415 = arith.constant 1597463007 : i32
        %sub3A_416 = vector.broadcast %sub3A_415 : i32 to vector<16xi32>
        %sub3A_417 = arith.subi %sub3A_416, %shift_right_arithmetic3A_414 : vector<16xi32>
        %bitcast_convert_type3A_418 = tpu.bitcast %sub3A_417 : vector<16xi32> -> vector<16xf32>
        %mul3A_419 = arith.constant 5.000000e-01 : f32
        %mul3A_420 = vector.broadcast %mul3A_419 : f32 to vector<16xf32>
        %mul3A_421 = arith.mulf %mul3A_420, %add3A_410 : vector<16xf32>
        %mul3A_422 = arith.mulf %mul3A_421, %bitcast_convert_type3A_418 : vector<16xf32>
        %mul3A_423 = arith.mulf %mul3A_422, %bitcast_convert_type3A_418 : vector<16xf32>
        %sub3A_424 = arith.constant 1.500000e+00 : f32
        %sub3A_425 = vector.broadcast %sub3A_424 : f32 to vector<16xf32>
        %sub3A_426 = arith.subf %sub3A_425, %mul3A_423 : vector<16xf32>
        %mul3A_427 = arith.mulf %bitcast_convert_type3A_418, %sub3A_426 : vector<16xf32>
        %mul3A_428 = arith.mulf %add3A_410, %mul3A_427 : vector<16xf32>
        %add3A_429 = arith.addf %scan3A_313, %mul3A_428 : vector<16xf32>
        %gather3A_430 = arith.constant 0 : i32
        %gather3A_431 = arith.constant 0 : i32
        %gather3A_432 = tpu.memref_slice %arg17[%scan3A_221, %gather3A_430, %gather3A_431] : memref<2x128x128xf32, #tpu.memory_space<vmem>> -> memref<1x128x128xf32, #tpu.memory_space<vmem>>
        %gather3A_433 = tpu.memref_squeeze %gather3A_432 : memref<1x128x128xf32, #tpu.memory_space<vmem>> -> memref<128x128xf32, #tpu.memory_space<vmem>>
        %gather3A_434 = tpu.vector_load_idx %gather3A_433[%add3A_220, %and3A_318] : memref<128x128xf32, #tpu.memory_space<vmem>>[vector<16xi32>, vector<16xi32>], vector<16xf32>,
        %gather3A_435 = arith.constant 0 : i32
        %gather3A_436 = arith.constant 0 : i32
        %gather3A_437 = tpu.memref_slice %arg17[%scan3A_221, %gather3A_435, %gather3A_436] : memref<2x128x128xf32, #tpu.memory_space<vmem>> -> memref<1x128x128xf32, #tpu.memory_space<vmem>>
        %gather3A_438 = tpu.memref_squeeze %gather3A_437 : memref<1x128x128xf32, #tpu.memory_space<vmem>> -> memref<128x128xf32, #tpu.memory_space<vmem>>
        %gather3A_439 = tpu.vector_load_idx %gather3A_438[%add3A_220, %or3A_320] : memref<128x128xf32, #tpu.memory_space<vmem>>[vector<16xi32>, vector<16xi32>], vector<16xf32>,
        %sub3A_440 = arith.subf %gather3A, %gather3A_434 : vector<16xf32>
        %sub3A_441 = arith.subf %gather3A_321, %gather3A_439 : vector<16xf32>
        %mul3A_442 = arith.mulf %sub3A_440, %sub3A_440 : vector<16xf32>
        %mul3A_443 = arith.mulf %sub3A_441, %sub3A_441 : vector<16xf32>
        %add3A_444 = arith.addf %mul3A_442, %mul3A_443 : vector<16xf32>
        %add3A_445 = arith.constant 9.99999996E-13 : f32
        %add3A_446 = vector.broadcast %add3A_445 : f32 to vector<16xf32>
        %add3A_447 = arith.addf %add3A_444, %add3A_446 : vector<16xf32>
        %bitcast_convert_type3A_448 = tpu.bitcast %add3A_447 : vector<16xf32> -> vector<16xi32>
        %shift_right_arithmetic3A_449 = arith.constant 1 : i32
        %shift_right_arithmetic3A_450 = vector.broadcast %shift_right_arithmetic3A_449 : i32 to vector<16xi32>
        %shift_right_arithmetic3A_451 = arith.shrsi %bitcast_convert_type3A_448, %shift_right_arithmetic3A_450 : vector<16xi32>
        %sub3A_452 = arith.constant 1597463007 : i32
        %sub3A_453 = vector.broadcast %sub3A_452 : i32 to vector<16xi32>
        %sub3A_454 = arith.subi %sub3A_453, %shift_right_arithmetic3A_451 : vector<16xi32>
        %bitcast_convert_type3A_455 = tpu.bitcast %sub3A_454 : vector<16xi32> -> vector<16xf32>
        %mul3A_456 = arith.constant 5.000000e-01 : f32
        %mul3A_457 = vector.broadcast %mul3A_456 : f32 to vector<16xf32>
        %mul3A_458 = arith.mulf %mul3A_457, %add3A_447 : vector<16xf32>
        %mul3A_459 = arith.mulf %mul3A_458, %bitcast_convert_type3A_455 : vector<16xf32>
        %mul3A_460 = arith.mulf %mul3A_459, %bitcast_convert_type3A_455 : vector<16xf32>
        %sub3A_461 = arith.constant 1.500000e+00 : f32
        %sub3A_462 = vector.broadcast %sub3A_461 : f32 to vector<16xf32>
        %sub3A_463 = arith.subf %sub3A_462, %mul3A_460 : vector<16xf32>
        %mul3A_464 = arith.mulf %bitcast_convert_type3A_455, %sub3A_463 : vector<16xf32>
        %mul3A_465 = arith.mulf %add3A_447, %mul3A_464 : vector<16xf32>
        %add3A_466 = arith.addf %scan3A_314, %mul3A_465 : vector<16xf32>
        %scan3A_467 = arith.constant 1 : i32
        %scan3A_468 = arith.addi %scan3A_310, %scan3A_467 : i32
        %add3A_469 = vector.broadcast %scan3A_468 : i32 to vector<16xi32>
        %add3A_470 = arith.addi %iota3A, %add3A_469 : vector<16xi32>
        %and3A_471 = arith.constant 63 : i32
        %and3A_472 = vector.broadcast %and3A_471 : i32 to vector<16xi32>
        %and3A_473 = arith.andi %add3A_470, %and3A_472 : vector<16xi32>
        %or3A_474 = arith.constant 64 : i32
        %or3A_475 = vector.broadcast %or3A_474 : i32 to vector<16xi32>
        %or3A_476 = arith.ori %and3A_473, %or3A_475 : vector<16xi32>
        %gather3A_477 = tpu.vector_load_idx %arg14[%add3A_208, %and3A_473] : memref<128x128xf32, #tpu.memory_space<vmem>>[vector<16xi32>, vector<16xi32>], vector<16xf32>,
        %gather3A_478 = tpu.vector_load_idx %arg14[%add3A_208, %or3A_476] : memref<128x128xf32, #tpu.memory_space<vmem>>[vector<16xi32>, vector<16xi32>], vector<16xf32>,
        %gather3A_479 = arith.constant 0 : i32
        %gather3A_480 = arith.constant 0 : i32
        %gather3A_481 = tpu.memref_slice %arg17[%scan3A_221, %gather3A_479, %gather3A_480] : memref<2x128x128xf32, #tpu.memory_space<vmem>> -> memref<1x128x128xf32, #tpu.memory_space<vmem>>
        %gather3A_482 = tpu.memref_squeeze %gather3A_481 : memref<1x128x128xf32, #tpu.memory_space<vmem>> -> memref<128x128xf32, #tpu.memory_space<vmem>>
        %gather3A_483 = tpu.vector_load_idx %gather3A_482[%add3A_211, %and3A_473] : memref<128x128xf32, #tpu.memory_space<vmem>>[vector<16xi32>, vector<16xi32>], vector<16xf32>,
        %gather3A_484 = arith.constant 0 : i32
        %gather3A_485 = arith.constant 0 : i32
        %gather3A_486 = tpu.memref_slice %arg17[%scan3A_221, %gather3A_484, %gather3A_485] : memref<2x128x128xf32, #tpu.memory_space<vmem>> -> memref<1x128x128xf32, #tpu.memory_space<vmem>>
        %gather3A_487 = tpu.memref_squeeze %gather3A_486 : memref<1x128x128xf32, #tpu.memory_space<vmem>> -> memref<128x128xf32, #tpu.memory_space<vmem>>
        %gather3A_488 = tpu.vector_load_idx %gather3A_487[%add3A_211, %or3A_476] : memref<128x128xf32, #tpu.memory_space<vmem>>[vector<16xi32>, vector<16xi32>], vector<16xf32>,
        %sub3A_489 = arith.subf %gather3A_477, %gather3A_483 : vector<16xf32>
        %sub3A_490 = arith.subf %gather3A_478, %gather3A_488 : vector<16xf32>
        %mul3A_491 = arith.mulf %sub3A_489, %sub3A_489 : vector<16xf32>
        %mul3A_492 = arith.mulf %sub3A_490, %sub3A_490 : vector<16xf32>
        %add3A_493 = arith.addf %mul3A_491, %mul3A_492 : vector<16xf32>
        %add3A_494 = arith.constant 9.99999996E-13 : f32
        %add3A_495 = vector.broadcast %add3A_494 : f32 to vector<16xf32>
        %add3A_496 = arith.addf %add3A_493, %add3A_495 : vector<16xf32>
        %bitcast_convert_type3A_497 = tpu.bitcast %add3A_496 : vector<16xf32> -> vector<16xi32>
        %shift_right_arithmetic3A_498 = arith.constant 1 : i32
        %shift_right_arithmetic3A_499 = vector.broadcast %shift_right_arithmetic3A_498 : i32 to vector<16xi32>
        %shift_right_arithmetic3A_500 = arith.shrsi %bitcast_convert_type3A_497, %shift_right_arithmetic3A_499 : vector<16xi32>
        %sub3A_501 = arith.constant 1597463007 : i32
        %sub3A_502 = vector.broadcast %sub3A_501 : i32 to vector<16xi32>
        %sub3A_503 = arith.subi %sub3A_502, %shift_right_arithmetic3A_500 : vector<16xi32>
        %bitcast_convert_type3A_504 = tpu.bitcast %sub3A_503 : vector<16xi32> -> vector<16xf32>
        %mul3A_505 = arith.constant 5.000000e-01 : f32
        %mul3A_506 = vector.broadcast %mul3A_505 : f32 to vector<16xf32>
        %mul3A_507 = arith.mulf %mul3A_506, %add3A_496 : vector<16xf32>
        %mul3A_508 = arith.mulf %mul3A_507, %bitcast_convert_type3A_504 : vector<16xf32>
        %mul3A_509 = arith.mulf %mul3A_508, %bitcast_convert_type3A_504 : vector<16xf32>
        %sub3A_510 = arith.constant 1.500000e+00 : f32
        %sub3A_511 = vector.broadcast %sub3A_510 : f32 to vector<16xf32>
        %sub3A_512 = arith.subf %sub3A_511, %mul3A_509 : vector<16xf32>
        %mul3A_513 = arith.mulf %bitcast_convert_type3A_504, %sub3A_512 : vector<16xf32>
        %mul3A_514 = arith.mulf %add3A_496, %mul3A_513 : vector<16xf32>
        %add3A_515 = arith.addf %add3A_355, %mul3A_514 : vector<16xf32>
        %gather3A_516 = arith.constant 0 : i32
        %gather3A_517 = arith.constant 0 : i32
        %gather3A_518 = tpu.memref_slice %arg17[%scan3A_221, %gather3A_516, %gather3A_517] : memref<2x128x128xf32, #tpu.memory_space<vmem>> -> memref<1x128x128xf32, #tpu.memory_space<vmem>>
        %gather3A_519 = tpu.memref_squeeze %gather3A_518 : memref<1x128x128xf32, #tpu.memory_space<vmem>> -> memref<128x128xf32, #tpu.memory_space<vmem>>
        %gather3A_520 = tpu.vector_load_idx %gather3A_519[%add3A_214, %and3A_473] : memref<128x128xf32, #tpu.memory_space<vmem>>[vector<16xi32>, vector<16xi32>], vector<16xf32>,
        %gather3A_521 = arith.constant 0 : i32
        %gather3A_522 = arith.constant 0 : i32
        %gather3A_523 = tpu.memref_slice %arg17[%scan3A_221, %gather3A_521, %gather3A_522] : memref<2x128x128xf32, #tpu.memory_space<vmem>> -> memref<1x128x128xf32, #tpu.memory_space<vmem>>
        %gather3A_524 = tpu.memref_squeeze %gather3A_523 : memref<1x128x128xf32, #tpu.memory_space<vmem>> -> memref<128x128xf32, #tpu.memory_space<vmem>>
        %gather3A_525 = tpu.vector_load_idx %gather3A_524[%add3A_214, %or3A_476] : memref<128x128xf32, #tpu.memory_space<vmem>>[vector<16xi32>, vector<16xi32>], vector<16xf32>,
        %sub3A_526 = arith.subf %gather3A_477, %gather3A_520 : vector<16xf32>
        %sub3A_527 = arith.subf %gather3A_478, %gather3A_525 : vector<16xf32>
        %mul3A_528 = arith.mulf %sub3A_526, %sub3A_526 : vector<16xf32>
        %mul3A_529 = arith.mulf %sub3A_527, %sub3A_527 : vector<16xf32>
        %add3A_530 = arith.addf %mul3A_528, %mul3A_529 : vector<16xf32>
        %add3A_531 = arith.constant 9.99999996E-13 : f32
        %add3A_532 = vector.broadcast %add3A_531 : f32 to vector<16xf32>
        %add3A_533 = arith.addf %add3A_530, %add3A_532 : vector<16xf32>
        %bitcast_convert_type3A_534 = tpu.bitcast %add3A_533 : vector<16xf32> -> vector<16xi32>
        %shift_right_arithmetic3A_535 = arith.constant 1 : i32
        %shift_right_arithmetic3A_536 = vector.broadcast %shift_right_arithmetic3A_535 : i32 to vector<16xi32>
        %shift_right_arithmetic3A_537 = arith.shrsi %bitcast_convert_type3A_534, %shift_right_arithmetic3A_536 : vector<16xi32>
        %sub3A_538 = arith.constant 1597463007 : i32
        %sub3A_539 = vector.broadcast %sub3A_538 : i32 to vector<16xi32>
        %sub3A_540 = arith.subi %sub3A_539, %shift_right_arithmetic3A_537 : vector<16xi32>
        %bitcast_convert_type3A_541 = tpu.bitcast %sub3A_540 : vector<16xi32> -> vector<16xf32>
        %mul3A_542 = arith.constant 5.000000e-01 : f32
        %mul3A_543 = vector.broadcast %mul3A_542 : f32 to vector<16xf32>
        %mul3A_544 = arith.mulf %mul3A_543, %add3A_533 : vector<16xf32>
        %mul3A_545 = arith.mulf %mul3A_544, %bitcast_convert_type3A_541 : vector<16xf32>
        %mul3A_546 = arith.mulf %mul3A_545, %bitcast_convert_type3A_541 : vector<16xf32>
        %sub3A_547 = arith.constant 1.500000e+00 : f32
        %sub3A_548 = vector.broadcast %sub3A_547 : f32 to vector<16xf32>
        %sub3A_549 = arith.subf %sub3A_548, %mul3A_546 : vector<16xf32>
        %mul3A_550 = arith.mulf %bitcast_convert_type3A_541, %sub3A_549 : vector<16xf32>
        %mul3A_551 = arith.mulf %add3A_533, %mul3A_550 : vector<16xf32>
        %add3A_552 = arith.addf %add3A_392, %mul3A_551 : vector<16xf32>
        %gather3A_553 = arith.constant 0 : i32
        %gather3A_554 = arith.constant 0 : i32
        %gather3A_555 = tpu.memref_slice %arg17[%scan3A_221, %gather3A_553, %gather3A_554] : memref<2x128x128xf32, #tpu.memory_space<vmem>> -> memref<1x128x128xf32, #tpu.memory_space<vmem>>
        %gather3A_556 = tpu.memref_squeeze %gather3A_555 : memref<1x128x128xf32, #tpu.memory_space<vmem>> -> memref<128x128xf32, #tpu.memory_space<vmem>>
        %gather3A_557 = tpu.vector_load_idx %gather3A_556[%add3A_217, %and3A_473] : memref<128x128xf32, #tpu.memory_space<vmem>>[vector<16xi32>, vector<16xi32>], vector<16xf32>,
        %gather3A_558 = arith.constant 0 : i32
        %gather3A_559 = arith.constant 0 : i32
        %gather3A_560 = tpu.memref_slice %arg17[%scan3A_221, %gather3A_558, %gather3A_559] : memref<2x128x128xf32, #tpu.memory_space<vmem>> -> memref<1x128x128xf32, #tpu.memory_space<vmem>>
        %gather3A_561 = tpu.memref_squeeze %gather3A_560 : memref<1x128x128xf32, #tpu.memory_space<vmem>> -> memref<128x128xf32, #tpu.memory_space<vmem>>
        %gather3A_562 = tpu.vector_load_idx %gather3A_561[%add3A_217, %or3A_476] : memref<128x128xf32, #tpu.memory_space<vmem>>[vector<16xi32>, vector<16xi32>], vector<16xf32>,
        %sub3A_563 = arith.subf %gather3A_477, %gather3A_557 : vector<16xf32>
        %sub3A_564 = arith.subf %gather3A_478, %gather3A_562 : vector<16xf32>
        %mul3A_565 = arith.mulf %sub3A_563, %sub3A_563 : vector<16xf32>
        %mul3A_566 = arith.mulf %sub3A_564, %sub3A_564 : vector<16xf32>
        %add3A_567 = arith.addf %mul3A_565, %mul3A_566 : vector<16xf32>
        %add3A_568 = arith.constant 9.99999996E-13 : f32
        %add3A_569 = vector.broadcast %add3A_568 : f32 to vector<16xf32>
        %add3A_570 = arith.addf %add3A_567, %add3A_569 : vector<16xf32>
        %bitcast_convert_type3A_571 = tpu.bitcast %add3A_570 : vector<16xf32> -> vector<16xi32>
        %shift_right_arithmetic3A_572 = arith.constant 1 : i32
        %shift_right_arithmetic3A_573 = vector.broadcast %shift_right_arithmetic3A_572 : i32 to vector<16xi32>
        %shift_right_arithmetic3A_574 = arith.shrsi %bitcast_convert_type3A_571, %shift_right_arithmetic3A_573 : vector<16xi32>
        %sub3A_575 = arith.constant 1597463007 : i32
        %sub3A_576 = vector.broadcast %sub3A_575 : i32 to vector<16xi32>
        %sub3A_577 = arith.subi %sub3A_576, %shift_right_arithmetic3A_574 : vector<16xi32>
        %bitcast_convert_type3A_578 = tpu.bitcast %sub3A_577 : vector<16xi32> -> vector<16xf32>
        %mul3A_579 = arith.constant 5.000000e-01 : f32
        %mul3A_580 = vector.broadcast %mul3A_579 : f32 to vector<16xf32>
        %mul3A_581 = arith.mulf %mul3A_580, %add3A_570 : vector<16xf32>
        %mul3A_582 = arith.mulf %mul3A_581, %bitcast_convert_type3A_578 : vector<16xf32>
        %mul3A_583 = arith.mulf %mul3A_582, %bitcast_convert_type3A_578 : vector<16xf32>
        %sub3A_584 = arith.constant 1.500000e+00 : f32
        %sub3A_585 = vector.broadcast %sub3A_584 : f32 to vector<16xf32>
        %sub3A_586 = arith.subf %sub3A_585, %mul3A_583 : vector<16xf32>
        %mul3A_587 = arith.mulf %bitcast_convert_type3A_578, %sub3A_586 : vector<16xf32>
        %mul3A_588 = arith.mulf %add3A_570, %mul3A_587 : vector<16xf32>
        %add3A_589 = arith.addf %add3A_429, %mul3A_588 : vector<16xf32>
        %gather3A_590 = arith.constant 0 : i32
        %gather3A_591 = arith.constant 0 : i32
        %gather3A_592 = tpu.memref_slice %arg17[%scan3A_221, %gather3A_590, %gather3A_591] : memref<2x128x128xf32, #tpu.memory_space<vmem>> -> memref<1x128x128xf32, #tpu.memory_space<vmem>>
        %gather3A_593 = tpu.memref_squeeze %gather3A_592 : memref<1x128x128xf32, #tpu.memory_space<vmem>> -> memref<128x128xf32, #tpu.memory_space<vmem>>
        %gather3A_594 = tpu.vector_load_idx %gather3A_593[%add3A_220, %and3A_473] : memref<128x128xf32, #tpu.memory_space<vmem>>[vector<16xi32>, vector<16xi32>], vector<16xf32>,
        %gather3A_595 = arith.constant 0 : i32
        %gather3A_596 = arith.constant 0 : i32
        %gather3A_597 = tpu.memref_slice %arg17[%scan3A_221, %gather3A_595, %gather3A_596] : memref<2x128x128xf32, #tpu.memory_space<vmem>> -> memref<1x128x128xf32, #tpu.memory_space<vmem>>
        %gather3A_598 = tpu.memref_squeeze %gather3A_597 : memref<1x128x128xf32, #tpu.memory_space<vmem>> -> memref<128x128xf32, #tpu.memory_space<vmem>>
        %gather3A_599 = tpu.vector_load_idx %gather3A_598[%add3A_220, %or3A_476] : memref<128x128xf32, #tpu.memory_space<vmem>>[vector<16xi32>, vector<16xi32>], vector<16xf32>,
        %sub3A_600 = arith.subf %gather3A_477, %gather3A_594 : vector<16xf32>
        %sub3A_601 = arith.subf %gather3A_478, %gather3A_599 : vector<16xf32>
        %mul3A_602 = arith.mulf %sub3A_600, %sub3A_600 : vector<16xf32>
        %mul3A_603 = arith.mulf %sub3A_601, %sub3A_601 : vector<16xf32>
        %add3A_604 = arith.addf %mul3A_602, %mul3A_603 : vector<16xf32>
        %add3A_605 = arith.constant 9.99999996E-13 : f32
        %add3A_606 = vector.broadcast %add3A_605 : f32 to vector<16xf32>
        %add3A_607 = arith.addf %add3A_604, %add3A_606 : vector<16xf32>
        %bitcast_convert_type3A_608 = tpu.bitcast %add3A_607 : vector<16xf32> -> vector<16xi32>
        %shift_right_arithmetic3A_609 = arith.constant 1 : i32
        %shift_right_arithmetic3A_610 = vector.broadcast %shift_right_arithmetic3A_609 : i32 to vector<16xi32>
        %shift_right_arithmetic3A_611 = arith.shrsi %bitcast_convert_type3A_608, %shift_right_arithmetic3A_610 : vector<16xi32>
        %sub3A_612 = arith.constant 1597463007 : i32
        %sub3A_613 = vector.broadcast %sub3A_612 : i32 to vector<16xi32>
        %sub3A_614 = arith.subi %sub3A_613, %shift_right_arithmetic3A_611 : vector<16xi32>
        %bitcast_convert_type3A_615 = tpu.bitcast %sub3A_614 : vector<16xi32> -> vector<16xf32>
        %mul3A_616 = arith.constant 5.000000e-01 : f32
        %mul3A_617 = vector.broadcast %mul3A_616 : f32 to vector<16xf32>
        %mul3A_618 = arith.mulf %mul3A_617, %add3A_607 : vector<16xf32>
        %mul3A_619 = arith.mulf %mul3A_618, %bitcast_convert_type3A_615 : vector<16xf32>
        %mul3A_620 = arith.mulf %mul3A_619, %bitcast_convert_type3A_615 : vector<16xf32>
        %sub3A_621 = arith.constant 1.500000e+00 : f32
        %sub3A_622 = vector.broadcast %sub3A_621 : f32 to vector<16xf32>
        %sub3A_623 = arith.subf %sub3A_622, %mul3A_620 : vector<16xf32>
        %mul3A_624 = arith.mulf %bitcast_convert_type3A_615, %sub3A_623 : vector<16xf32>
        %mul3A_625 = arith.mulf %add3A_607, %mul3A_624 : vector<16xf32>
        %add3A_626 = arith.addf %add3A_466, %mul3A_625 : vector<16xf32>
        %scan3A_627 = arith.constant 2 : i32
        %scan3A_628 = arith.addi %scan3A_310, %scan3A_627 : i32
        %add3A_629 = vector.broadcast %scan3A_628 : i32 to vector<16xi32>
        %add3A_630 = arith.addi %iota3A, %add3A_629 : vector<16xi32>
        %and3A_631 = arith.constant 63 : i32
        %and3A_632 = vector.broadcast %and3A_631 : i32 to vector<16xi32>
        %and3A_633 = arith.andi %add3A_630, %and3A_632 : vector<16xi32>
        %or3A_634 = arith.constant 64 : i32
        %or3A_635 = vector.broadcast %or3A_634 : i32 to vector<16xi32>
        %or3A_636 = arith.ori %and3A_633, %or3A_635 : vector<16xi32>
        %gather3A_637 = tpu.vector_load_idx %arg14[%add3A_208, %and3A_633] : memref<128x128xf32, #tpu.memory_space<vmem>>[vector<16xi32>, vector<16xi32>], vector<16xf32>,
        %gather3A_638 = tpu.vector_load_idx %arg14[%add3A_208, %or3A_636] : memref<128x128xf32, #tpu.memory_space<vmem>>[vector<16xi32>, vector<16xi32>], vector<16xf32>,
        %gather3A_639 = arith.constant 0 : i32
        %gather3A_640 = arith.constant 0 : i32
        %gather3A_641 = tpu.memref_slice %arg17[%scan3A_221, %gather3A_639, %gather3A_640] : memref<2x128x128xf32, #tpu.memory_space<vmem>> -> memref<1x128x128xf32, #tpu.memory_space<vmem>>
        %gather3A_642 = tpu.memref_squeeze %gather3A_641 : memref<1x128x128xf32, #tpu.memory_space<vmem>> -> memref<128x128xf32, #tpu.memory_space<vmem>>
        %gather3A_643 = tpu.vector_load_idx %gather3A_642[%add3A_211, %and3A_633] : memref<128x128xf32, #tpu.memory_space<vmem>>[vector<16xi32>, vector<16xi32>], vector<16xf32>,
        %gather3A_644 = arith.constant 0 : i32
        %gather3A_645 = arith.constant 0 : i32
        %gather3A_646 = tpu.memref_slice %arg17[%scan3A_221, %gather3A_644, %gather3A_645] : memref<2x128x128xf32, #tpu.memory_space<vmem>> -> memref<1x128x128xf32, #tpu.memory_space<vmem>>
        %gather3A_647 = tpu.memref_squeeze %gather3A_646 : memref<1x128x128xf32, #tpu.memory_space<vmem>> -> memref<128x128xf32, #tpu.memory_space<vmem>>
        %gather3A_648 = tpu.vector_load_idx %gather3A_647[%add3A_211, %or3A_636] : memref<128x128xf32, #tpu.memory_space<vmem>>[vector<16xi32>, vector<16xi32>], vector<16xf32>,
        %sub3A_649 = arith.subf %gather3A_637, %gather3A_643 : vector<16xf32>
        %sub3A_650 = arith.subf %gather3A_638, %gather3A_648 : vector<16xf32>
        %mul3A_651 = arith.mulf %sub3A_649, %sub3A_649 : vector<16xf32>
        %mul3A_652 = arith.mulf %sub3A_650, %sub3A_650 : vector<16xf32>
        %add3A_653 = arith.addf %mul3A_651, %mul3A_652 : vector<16xf32>
        %add3A_654 = arith.constant 9.99999996E-13 : f32
        %add3A_655 = vector.broadcast %add3A_654 : f32 to vector<16xf32>
        %add3A_656 = arith.addf %add3A_653, %add3A_655 : vector<16xf32>
        %bitcast_convert_type3A_657 = tpu.bitcast %add3A_656 : vector<16xf32> -> vector<16xi32>
        %shift_right_arithmetic3A_658 = arith.constant 1 : i32
        %shift_right_arithmetic3A_659 = vector.broadcast %shift_right_arithmetic3A_658 : i32 to vector<16xi32>
        %shift_right_arithmetic3A_660 = arith.shrsi %bitcast_convert_type3A_657, %shift_right_arithmetic3A_659 : vector<16xi32>
        %sub3A_661 = arith.constant 1597463007 : i32
        %sub3A_662 = vector.broadcast %sub3A_661 : i32 to vector<16xi32>
        %sub3A_663 = arith.subi %sub3A_662, %shift_right_arithmetic3A_660 : vector<16xi32>
        %bitcast_convert_type3A_664 = tpu.bitcast %sub3A_663 : vector<16xi32> -> vector<16xf32>
        %mul3A_665 = arith.constant 5.000000e-01 : f32
        %mul3A_666 = vector.broadcast %mul3A_665 : f32 to vector<16xf32>
        %mul3A_667 = arith.mulf %mul3A_666, %add3A_656 : vector<16xf32>
        %mul3A_668 = arith.mulf %mul3A_667, %bitcast_convert_type3A_664 : vector<16xf32>
        %mul3A_669 = arith.mulf %mul3A_668, %bitcast_convert_type3A_664 : vector<16xf32>
        %sub3A_670 = arith.constant 1.500000e+00 : f32
        %sub3A_671 = vector.broadcast %sub3A_670 : f32 to vector<16xf32>
        %sub3A_672 = arith.subf %sub3A_671, %mul3A_669 : vector<16xf32>
        %mul3A_673 = arith.mulf %bitcast_convert_type3A_664, %sub3A_672 : vector<16xf32>
        %mul3A_674 = arith.mulf %add3A_656, %mul3A_673 : vector<16xf32>
        %add3A_675 = arith.addf %add3A_515, %mul3A_674 : vector<16xf32>
        %gather3A_676 = arith.constant 0 : i32
        %gather3A_677 = arith.constant 0 : i32
        %gather3A_678 = tpu.memref_slice %arg17[%scan3A_221, %gather3A_676, %gather3A_677] : memref<2x128x128xf32, #tpu.memory_space<vmem>> -> memref<1x128x128xf32, #tpu.memory_space<vmem>>
        %gather3A_679 = tpu.memref_squeeze %gather3A_678 : memref<1x128x128xf32, #tpu.memory_space<vmem>> -> memref<128x128xf32, #tpu.memory_space<vmem>>
        %gather3A_680 = tpu.vector_load_idx %gather3A_679[%add3A_214, %and3A_633] : memref<128x128xf32, #tpu.memory_space<vmem>>[vector<16xi32>, vector<16xi32>], vector<16xf32>,
        %gather3A_681 = arith.constant 0 : i32
        %gather3A_682 = arith.constant 0 : i32
        %gather3A_683 = tpu.memref_slice %arg17[%scan3A_221, %gather3A_681, %gather3A_682] : memref<2x128x128xf32, #tpu.memory_space<vmem>> -> memref<1x128x128xf32, #tpu.memory_space<vmem>>
        %gather3A_684 = tpu.memref_squeeze %gather3A_683 : memref<1x128x128xf32, #tpu.memory_space<vmem>> -> memref<128x128xf32, #tpu.memory_space<vmem>>
        %gather3A_685 = tpu.vector_load_idx %gather3A_684[%add3A_214, %or3A_636] : memref<128x128xf32, #tpu.memory_space<vmem>>[vector<16xi32>, vector<16xi32>], vector<16xf32>,
        %sub3A_686 = arith.subf %gather3A_637, %gather3A_680 : vector<16xf32>
        %sub3A_687 = arith.subf %gather3A_638, %gather3A_685 : vector<16xf32>
        %mul3A_688 = arith.mulf %sub3A_686, %sub3A_686 : vector<16xf32>
        %mul3A_689 = arith.mulf %sub3A_687, %sub3A_687 : vector<16xf32>
        %add3A_690 = arith.addf %mul3A_688, %mul3A_689 : vector<16xf32>
        %add3A_691 = arith.constant 9.99999996E-13 : f32
        %add3A_692 = vector.broadcast %add3A_691 : f32 to vector<16xf32>
        %add3A_693 = arith.addf %add3A_690, %add3A_692 : vector<16xf32>
        %bitcast_convert_type3A_694 = tpu.bitcast %add3A_693 : vector<16xf32> -> vector<16xi32>
        %shift_right_arithmetic3A_695 = arith.constant 1 : i32
        %shift_right_arithmetic3A_696 = vector.broadcast %shift_right_arithmetic3A_695 : i32 to vector<16xi32>
        %shift_right_arithmetic3A_697 = arith.shrsi %bitcast_convert_type3A_694, %shift_right_arithmetic3A_696 : vector<16xi32>
        %sub3A_698 = arith.constant 1597463007 : i32
        %sub3A_699 = vector.broadcast %sub3A_698 : i32 to vector<16xi32>
        %sub3A_700 = arith.subi %sub3A_699, %shift_right_arithmetic3A_697 : vector<16xi32>
        %bitcast_convert_type3A_701 = tpu.bitcast %sub3A_700 : vector<16xi32> -> vector<16xf32>
        %mul3A_702 = arith.constant 5.000000e-01 : f32
        %mul3A_703 = vector.broadcast %mul3A_702 : f32 to vector<16xf32>
        %mul3A_704 = arith.mulf %mul3A_703, %add3A_693 : vector<16xf32>
        %mul3A_705 = arith.mulf %mul3A_704, %bitcast_convert_type3A_701 : vector<16xf32>
        %mul3A_706 = arith.mulf %mul3A_705, %bitcast_convert_type3A_701 : vector<16xf32>
        %sub3A_707 = arith.constant 1.500000e+00 : f32
        %sub3A_708 = vector.broadcast %sub3A_707 : f32 to vector<16xf32>
        %sub3A_709 = arith.subf %sub3A_708, %mul3A_706 : vector<16xf32>
        %mul3A_710 = arith.mulf %bitcast_convert_type3A_701, %sub3A_709 : vector<16xf32>
        %mul3A_711 = arith.mulf %add3A_693, %mul3A_710 : vector<16xf32>
        %add3A_712 = arith.addf %add3A_552, %mul3A_711 : vector<16xf32>
        %gather3A_713 = arith.constant 0 : i32
        %gather3A_714 = arith.constant 0 : i32
        %gather3A_715 = tpu.memref_slice %arg17[%scan3A_221, %gather3A_713, %gather3A_714] : memref<2x128x128xf32, #tpu.memory_space<vmem>> -> memref<1x128x128xf32, #tpu.memory_space<vmem>>
        %gather3A_716 = tpu.memref_squeeze %gather3A_715 : memref<1x128x128xf32, #tpu.memory_space<vmem>> -> memref<128x128xf32, #tpu.memory_space<vmem>>
        %gather3A_717 = tpu.vector_load_idx %gather3A_716[%add3A_217, %and3A_633] : memref<128x128xf32, #tpu.memory_space<vmem>>[vector<16xi32>, vector<16xi32>], vector<16xf32>,
        %gather3A_718 = arith.constant 0 : i32
        %gather3A_719 = arith.constant 0 : i32
        %gather3A_720 = tpu.memref_slice %arg17[%scan3A_221, %gather3A_718, %gather3A_719] : memref<2x128x128xf32, #tpu.memory_space<vmem>> -> memref<1x128x128xf32, #tpu.memory_space<vmem>>
        %gather3A_721 = tpu.memref_squeeze %gather3A_720 : memref<1x128x128xf32, #tpu.memory_space<vmem>> -> memref<128x128xf32, #tpu.memory_space<vmem>>
        %gather3A_722 = tpu.vector_load_idx %gather3A_721[%add3A_217, %or3A_636] : memref<128x128xf32, #tpu.memory_space<vmem>>[vector<16xi32>, vector<16xi32>], vector<16xf32>,
        %sub3A_723 = arith.subf %gather3A_637, %gather3A_717 : vector<16xf32>
        %sub3A_724 = arith.subf %gather3A_638, %gather3A_722 : vector<16xf32>
        %mul3A_725 = arith.mulf %sub3A_723, %sub3A_723 : vector<16xf32>
        %mul3A_726 = arith.mulf %sub3A_724, %sub3A_724 : vector<16xf32>
        %add3A_727 = arith.addf %mul3A_725, %mul3A_726 : vector<16xf32>
        %add3A_728 = arith.constant 9.99999996E-13 : f32
        %add3A_729 = vector.broadcast %add3A_728 : f32 to vector<16xf32>
        %add3A_730 = arith.addf %add3A_727, %add3A_729 : vector<16xf32>
        %bitcast_convert_type3A_731 = tpu.bitcast %add3A_730 : vector<16xf32> -> vector<16xi32>
        %shift_right_arithmetic3A_732 = arith.constant 1 : i32
        %shift_right_arithmetic3A_733 = vector.broadcast %shift_right_arithmetic3A_732 : i32 to vector<16xi32>
        %shift_right_arithmetic3A_734 = arith.shrsi %bitcast_convert_type3A_731, %shift_right_arithmetic3A_733 : vector<16xi32>
        %sub3A_735 = arith.constant 1597463007 : i32
        %sub3A_736 = vector.broadcast %sub3A_735 : i32 to vector<16xi32>
        %sub3A_737 = arith.subi %sub3A_736, %shift_right_arithmetic3A_734 : vector<16xi32>
        %bitcast_convert_type3A_738 = tpu.bitcast %sub3A_737 : vector<16xi32> -> vector<16xf32>
        %mul3A_739 = arith.constant 5.000000e-01 : f32
        %mul3A_740 = vector.broadcast %mul3A_739 : f32 to vector<16xf32>
        %mul3A_741 = arith.mulf %mul3A_740, %add3A_730 : vector<16xf32>
        %mul3A_742 = arith.mulf %mul3A_741, %bitcast_convert_type3A_738 : vector<16xf32>
        %mul3A_743 = arith.mulf %mul3A_742, %bitcast_convert_type3A_738 : vector<16xf32>
        %sub3A_744 = arith.constant 1.500000e+00 : f32
        %sub3A_745 = vector.broadcast %sub3A_744 : f32 to vector<16xf32>
        %sub3A_746 = arith.subf %sub3A_745, %mul3A_743 : vector<16xf32>
        %mul3A_747 = arith.mulf %bitcast_convert_type3A_738, %sub3A_746 : vector<16xf32>
        %mul3A_748 = arith.mulf %add3A_730, %mul3A_747 : vector<16xf32>
        %add3A_749 = arith.addf %add3A_589, %mul3A_748 : vector<16xf32>
        %gather3A_750 = arith.constant 0 : i32
        %gather3A_751 = arith.constant 0 : i32
        %gather3A_752 = tpu.memref_slice %arg17[%scan3A_221, %gather3A_750, %gather3A_751] : memref<2x128x128xf32, #tpu.memory_space<vmem>> -> memref<1x128x128xf32, #tpu.memory_space<vmem>>
        %gather3A_753 = tpu.memref_squeeze %gather3A_752 : memref<1x128x128xf32, #tpu.memory_space<vmem>> -> memref<128x128xf32, #tpu.memory_space<vmem>>
        %gather3A_754 = tpu.vector_load_idx %gather3A_753[%add3A_220, %and3A_633] : memref<128x128xf32, #tpu.memory_space<vmem>>[vector<16xi32>, vector<16xi32>], vector<16xf32>,
        %gather3A_755 = arith.constant 0 : i32
        %gather3A_756 = arith.constant 0 : i32
        %gather3A_757 = tpu.memref_slice %arg17[%scan3A_221, %gather3A_755, %gather3A_756] : memref<2x128x128xf32, #tpu.memory_space<vmem>> -> memref<1x128x128xf32, #tpu.memory_space<vmem>>
        %gather3A_758 = tpu.memref_squeeze %gather3A_757 : memref<1x128x128xf32, #tpu.memory_space<vmem>> -> memref<128x128xf32, #tpu.memory_space<vmem>>
        %gather3A_759 = tpu.vector_load_idx %gather3A_758[%add3A_220, %or3A_636] : memref<128x128xf32, #tpu.memory_space<vmem>>[vector<16xi32>, vector<16xi32>], vector<16xf32>,
        %sub3A_760 = arith.subf %gather3A_637, %gather3A_754 : vector<16xf32>
        %sub3A_761 = arith.subf %gather3A_638, %gather3A_759 : vector<16xf32>
        %mul3A_762 = arith.mulf %sub3A_760, %sub3A_760 : vector<16xf32>
        %mul3A_763 = arith.mulf %sub3A_761, %sub3A_761 : vector<16xf32>
        %add3A_764 = arith.addf %mul3A_762, %mul3A_763 : vector<16xf32>
        %add3A_765 = arith.constant 9.99999996E-13 : f32
        %add3A_766 = vector.broadcast %add3A_765 : f32 to vector<16xf32>
        %add3A_767 = arith.addf %add3A_764, %add3A_766 : vector<16xf32>
        %bitcast_convert_type3A_768 = tpu.bitcast %add3A_767 : vector<16xf32> -> vector<16xi32>
        %shift_right_arithmetic3A_769 = arith.constant 1 : i32
        %shift_right_arithmetic3A_770 = vector.broadcast %shift_right_arithmetic3A_769 : i32 to vector<16xi32>
        %shift_right_arithmetic3A_771 = arith.shrsi %bitcast_convert_type3A_768, %shift_right_arithmetic3A_770 : vector<16xi32>
        %sub3A_772 = arith.constant 1597463007 : i32
        %sub3A_773 = vector.broadcast %sub3A_772 : i32 to vector<16xi32>
        %sub3A_774 = arith.subi %sub3A_773, %shift_right_arithmetic3A_771 : vector<16xi32>
        %bitcast_convert_type3A_775 = tpu.bitcast %sub3A_774 : vector<16xi32> -> vector<16xf32>
        %mul3A_776 = arith.constant 5.000000e-01 : f32
        %mul3A_777 = vector.broadcast %mul3A_776 : f32 to vector<16xf32>
        %mul3A_778 = arith.mulf %mul3A_777, %add3A_767 : vector<16xf32>
        %mul3A_779 = arith.mulf %mul3A_778, %bitcast_convert_type3A_775 : vector<16xf32>
        %mul3A_780 = arith.mulf %mul3A_779, %bitcast_convert_type3A_775 : vector<16xf32>
        %sub3A_781 = arith.constant 1.500000e+00 : f32
        %sub3A_782 = vector.broadcast %sub3A_781 : f32 to vector<16xf32>
        %sub3A_783 = arith.subf %sub3A_782, %mul3A_780 : vector<16xf32>
        %mul3A_784 = arith.mulf %bitcast_convert_type3A_775, %sub3A_783 : vector<16xf32>
        %mul3A_785 = arith.mulf %add3A_767, %mul3A_784 : vector<16xf32>
        %add3A_786 = arith.addf %add3A_626, %mul3A_785 : vector<16xf32>
        %scan3A_787 = arith.constant 3 : i32
        %scan3A_788 = arith.addi %scan3A_310, %scan3A_787 : i32
        %add3A_789 = vector.broadcast %scan3A_788 : i32 to vector<16xi32>
        %add3A_790 = arith.addi %iota3A, %add3A_789 : vector<16xi32>
        %and3A_791 = arith.constant 63 : i32
        %and3A_792 = vector.broadcast %and3A_791 : i32 to vector<16xi32>
        %and3A_793 = arith.andi %add3A_790, %and3A_792 : vector<16xi32>
        %or3A_794 = arith.constant 64 : i32
        %or3A_795 = vector.broadcast %or3A_794 : i32 to vector<16xi32>
        %or3A_796 = arith.ori %and3A_793, %or3A_795 : vector<16xi32>
        %gather3A_797 = tpu.vector_load_idx %arg14[%add3A_208, %and3A_793] : memref<128x128xf32, #tpu.memory_space<vmem>>[vector<16xi32>, vector<16xi32>], vector<16xf32>,
        %gather3A_798 = tpu.vector_load_idx %arg14[%add3A_208, %or3A_796] : memref<128x128xf32, #tpu.memory_space<vmem>>[vector<16xi32>, vector<16xi32>], vector<16xf32>,
        %gather3A_799 = arith.constant 0 : i32
        %gather3A_800 = arith.constant 0 : i32
        %gather3A_801 = tpu.memref_slice %arg17[%scan3A_221, %gather3A_799, %gather3A_800] : memref<2x128x128xf32, #tpu.memory_space<vmem>> -> memref<1x128x128xf32, #tpu.memory_space<vmem>>
        %gather3A_802 = tpu.memref_squeeze %gather3A_801 : memref<1x128x128xf32, #tpu.memory_space<vmem>> -> memref<128x128xf32, #tpu.memory_space<vmem>>
        %gather3A_803 = tpu.vector_load_idx %gather3A_802[%add3A_211, %and3A_793] : memref<128x128xf32, #tpu.memory_space<vmem>>[vector<16xi32>, vector<16xi32>], vector<16xf32>,
        %gather3A_804 = arith.constant 0 : i32
        %gather3A_805 = arith.constant 0 : i32
        %gather3A_806 = tpu.memref_slice %arg17[%scan3A_221, %gather3A_804, %gather3A_805] : memref<2x128x128xf32, #tpu.memory_space<vmem>> -> memref<1x128x128xf32, #tpu.memory_space<vmem>>
        %gather3A_807 = tpu.memref_squeeze %gather3A_806 : memref<1x128x128xf32, #tpu.memory_space<vmem>> -> memref<128x128xf32, #tpu.memory_space<vmem>>
        %gather3A_808 = tpu.vector_load_idx %gather3A_807[%add3A_211, %or3A_796] : memref<128x128xf32, #tpu.memory_space<vmem>>[vector<16xi32>, vector<16xi32>], vector<16xf32>,
        %sub3A_809 = arith.subf %gather3A_797, %gather3A_803 : vector<16xf32>
        %sub3A_810 = arith.subf %gather3A_798, %gather3A_808 : vector<16xf32>
        %mul3A_811 = arith.mulf %sub3A_809, %sub3A_809 : vector<16xf32>
        %mul3A_812 = arith.mulf %sub3A_810, %sub3A_810 : vector<16xf32>
        %add3A_813 = arith.addf %mul3A_811, %mul3A_812 : vector<16xf32>
        %add3A_814 = arith.constant 9.99999996E-13 : f32
        %add3A_815 = vector.broadcast %add3A_814 : f32 to vector<16xf32>
        %add3A_816 = arith.addf %add3A_813, %add3A_815 : vector<16xf32>
        %bitcast_convert_type3A_817 = tpu.bitcast %add3A_816 : vector<16xf32> -> vector<16xi32>
        %shift_right_arithmetic3A_818 = arith.constant 1 : i32
        %shift_right_arithmetic3A_819 = vector.broadcast %shift_right_arithmetic3A_818 : i32 to vector<16xi32>
        %shift_right_arithmetic3A_820 = arith.shrsi %bitcast_convert_type3A_817, %shift_right_arithmetic3A_819 : vector<16xi32>
        %sub3A_821 = arith.constant 1597463007 : i32
        %sub3A_822 = vector.broadcast %sub3A_821 : i32 to vector<16xi32>
        %sub3A_823 = arith.subi %sub3A_822, %shift_right_arithmetic3A_820 : vector<16xi32>
        %bitcast_convert_type3A_824 = tpu.bitcast %sub3A_823 : vector<16xi32> -> vector<16xf32>
        %mul3A_825 = arith.constant 5.000000e-01 : f32
        %mul3A_826 = vector.broadcast %mul3A_825 : f32 to vector<16xf32>
        %mul3A_827 = arith.mulf %mul3A_826, %add3A_816 : vector<16xf32>
        %mul3A_828 = arith.mulf %mul3A_827, %bitcast_convert_type3A_824 : vector<16xf32>
        %mul3A_829 = arith.mulf %mul3A_828, %bitcast_convert_type3A_824 : vector<16xf32>
        %sub3A_830 = arith.constant 1.500000e+00 : f32
        %sub3A_831 = vector.broadcast %sub3A_830 : f32 to vector<16xf32>
        %sub3A_832 = arith.subf %sub3A_831, %mul3A_829 : vector<16xf32>
        %mul3A_833 = arith.mulf %bitcast_convert_type3A_824, %sub3A_832 : vector<16xf32>
        %mul3A_834 = arith.mulf %add3A_816, %mul3A_833 : vector<16xf32>
        %add3A_835 = arith.addf %add3A_675, %mul3A_834 : vector<16xf32>
        %gather3A_836 = arith.constant 0 : i32
        %gather3A_837 = arith.constant 0 : i32
        %gather3A_838 = tpu.memref_slice %arg17[%scan3A_221, %gather3A_836, %gather3A_837] : memref<2x128x128xf32, #tpu.memory_space<vmem>> -> memref<1x128x128xf32, #tpu.memory_space<vmem>>
        %gather3A_839 = tpu.memref_squeeze %gather3A_838 : memref<1x128x128xf32, #tpu.memory_space<vmem>> -> memref<128x128xf32, #tpu.memory_space<vmem>>
        %gather3A_840 = tpu.vector_load_idx %gather3A_839[%add3A_214, %and3A_793] : memref<128x128xf32, #tpu.memory_space<vmem>>[vector<16xi32>, vector<16xi32>], vector<16xf32>,
        %gather3A_841 = arith.constant 0 : i32
        %gather3A_842 = arith.constant 0 : i32
        %gather3A_843 = tpu.memref_slice %arg17[%scan3A_221, %gather3A_841, %gather3A_842] : memref<2x128x128xf32, #tpu.memory_space<vmem>> -> memref<1x128x128xf32, #tpu.memory_space<vmem>>
        %gather3A_844 = tpu.memref_squeeze %gather3A_843 : memref<1x128x128xf32, #tpu.memory_space<vmem>> -> memref<128x128xf32, #tpu.memory_space<vmem>>
        %gather3A_845 = tpu.vector_load_idx %gather3A_844[%add3A_214, %or3A_796] : memref<128x128xf32, #tpu.memory_space<vmem>>[vector<16xi32>, vector<16xi32>], vector<16xf32>,
        %sub3A_846 = arith.subf %gather3A_797, %gather3A_840 : vector<16xf32>
        %sub3A_847 = arith.subf %gather3A_798, %gather3A_845 : vector<16xf32>
        %mul3A_848 = arith.mulf %sub3A_846, %sub3A_846 : vector<16xf32>
        %mul3A_849 = arith.mulf %sub3A_847, %sub3A_847 : vector<16xf32>
        %add3A_850 = arith.addf %mul3A_848, %mul3A_849 : vector<16xf32>
        %add3A_851 = arith.constant 9.99999996E-13 : f32
        %add3A_852 = vector.broadcast %add3A_851 : f32 to vector<16xf32>
        %add3A_853 = arith.addf %add3A_850, %add3A_852 : vector<16xf32>
        %bitcast_convert_type3A_854 = tpu.bitcast %add3A_853 : vector<16xf32> -> vector<16xi32>
        %shift_right_arithmetic3A_855 = arith.constant 1 : i32
        %shift_right_arithmetic3A_856 = vector.broadcast %shift_right_arithmetic3A_855 : i32 to vector<16xi32>
        %shift_right_arithmetic3A_857 = arith.shrsi %bitcast_convert_type3A_854, %shift_right_arithmetic3A_856 : vector<16xi32>
        %sub3A_858 = arith.constant 1597463007 : i32
        %sub3A_859 = vector.broadcast %sub3A_858 : i32 to vector<16xi32>
        %sub3A_860 = arith.subi %sub3A_859, %shift_right_arithmetic3A_857 : vector<16xi32>
        %bitcast_convert_type3A_861 = tpu.bitcast %sub3A_860 : vector<16xi32> -> vector<16xf32>
        %mul3A_862 = arith.constant 5.000000e-01 : f32
        %mul3A_863 = vector.broadcast %mul3A_862 : f32 to vector<16xf32>
        %mul3A_864 = arith.mulf %mul3A_863, %add3A_853 : vector<16xf32>
        %mul3A_865 = arith.mulf %mul3A_864, %bitcast_convert_type3A_861 : vector<16xf32>
        %mul3A_866 = arith.mulf %mul3A_865, %bitcast_convert_type3A_861 : vector<16xf32>
        %sub3A_867 = arith.constant 1.500000e+00 : f32
        %sub3A_868 = vector.broadcast %sub3A_867 : f32 to vector<16xf32>
        %sub3A_869 = arith.subf %sub3A_868, %mul3A_866 : vector<16xf32>
        %mul3A_870 = arith.mulf %bitcast_convert_type3A_861, %sub3A_869 : vector<16xf32>
        %mul3A_871 = arith.mulf %add3A_853, %mul3A_870 : vector<16xf32>
        %add3A_872 = arith.addf %add3A_712, %mul3A_871 : vector<16xf32>
        %gather3A_873 = arith.constant 0 : i32
        %gather3A_874 = arith.constant 0 : i32
        %gather3A_875 = tpu.memref_slice %arg17[%scan3A_221, %gather3A_873, %gather3A_874] : memref<2x128x128xf32, #tpu.memory_space<vmem>> -> memref<1x128x128xf32, #tpu.memory_space<vmem>>
        %gather3A_876 = tpu.memref_squeeze %gather3A_875 : memref<1x128x128xf32, #tpu.memory_space<vmem>> -> memref<128x128xf32, #tpu.memory_space<vmem>>
        %gather3A_877 = tpu.vector_load_idx %gather3A_876[%add3A_217, %and3A_793] : memref<128x128xf32, #tpu.memory_space<vmem>>[vector<16xi32>, vector<16xi32>], vector<16xf32>,
        %gather3A_878 = arith.constant 0 : i32
        %gather3A_879 = arith.constant 0 : i32
        %gather3A_880 = tpu.memref_slice %arg17[%scan3A_221, %gather3A_878, %gather3A_879] : memref<2x128x128xf32, #tpu.memory_space<vmem>> -> memref<1x128x128xf32, #tpu.memory_space<vmem>>
        %gather3A_881 = tpu.memref_squeeze %gather3A_880 : memref<1x128x128xf32, #tpu.memory_space<vmem>> -> memref<128x128xf32, #tpu.memory_space<vmem>>
        %gather3A_882 = tpu.vector_load_idx %gather3A_881[%add3A_217, %or3A_796] : memref<128x128xf32, #tpu.memory_space<vmem>>[vector<16xi32>, vector<16xi32>], vector<16xf32>,
        %sub3A_883 = arith.subf %gather3A_797, %gather3A_877 : vector<16xf32>
        %sub3A_884 = arith.subf %gather3A_798, %gather3A_882 : vector<16xf32>
        %mul3A_885 = arith.mulf %sub3A_883, %sub3A_883 : vector<16xf32>
        %mul3A_886 = arith.mulf %sub3A_884, %sub3A_884 : vector<16xf32>
        %add3A_887 = arith.addf %mul3A_885, %mul3A_886 : vector<16xf32>
        %add3A_888 = arith.constant 9.99999996E-13 : f32
        %add3A_889 = vector.broadcast %add3A_888 : f32 to vector<16xf32>
        %add3A_890 = arith.addf %add3A_887, %add3A_889 : vector<16xf32>
        %bitcast_convert_type3A_891 = tpu.bitcast %add3A_890 : vector<16xf32> -> vector<16xi32>
        %shift_right_arithmetic3A_892 = arith.constant 1 : i32
        %shift_right_arithmetic3A_893 = vector.broadcast %shift_right_arithmetic3A_892 : i32 to vector<16xi32>
        %shift_right_arithmetic3A_894 = arith.shrsi %bitcast_convert_type3A_891, %shift_right_arithmetic3A_893 : vector<16xi32>
        %sub3A_895 = arith.constant 1597463007 : i32
        %sub3A_896 = vector.broadcast %sub3A_895 : i32 to vector<16xi32>
        %sub3A_897 = arith.subi %sub3A_896, %shift_right_arithmetic3A_894 : vector<16xi32>
        %bitcast_convert_type3A_898 = tpu.bitcast %sub3A_897 : vector<16xi32> -> vector<16xf32>
        %mul3A_899 = arith.constant 5.000000e-01 : f32
        %mul3A_900 = vector.broadcast %mul3A_899 : f32 to vector<16xf32>
        %mul3A_901 = arith.mulf %mul3A_900, %add3A_890 : vector<16xf32>
        %mul3A_902 = arith.mulf %mul3A_901, %bitcast_convert_type3A_898 : vector<16xf32>
        %mul3A_903 = arith.mulf %mul3A_902, %bitcast_convert_type3A_898 : vector<16xf32>
        %sub3A_904 = arith.constant 1.500000e+00 : f32
        %sub3A_905 = vector.broadcast %sub3A_904 : f32 to vector<16xf32>
        %sub3A_906 = arith.subf %sub3A_905, %mul3A_903 : vector<16xf32>
        %mul3A_907 = arith.mulf %bitcast_convert_type3A_898, %sub3A_906 : vector<16xf32>
        %mul3A_908 = arith.mulf %add3A_890, %mul3A_907 : vector<16xf32>
        %add3A_909 = arith.addf %add3A_749, %mul3A_908 : vector<16xf32>
        %gather3A_910 = arith.constant 0 : i32
        %gather3A_911 = arith.constant 0 : i32
        %gather3A_912 = tpu.memref_slice %arg17[%scan3A_221, %gather3A_910, %gather3A_911] : memref<2x128x128xf32, #tpu.memory_space<vmem>> -> memref<1x128x128xf32, #tpu.memory_space<vmem>>
        %gather3A_913 = tpu.memref_squeeze %gather3A_912 : memref<1x128x128xf32, #tpu.memory_space<vmem>> -> memref<128x128xf32, #tpu.memory_space<vmem>>
        %gather3A_914 = tpu.vector_load_idx %gather3A_913[%add3A_220, %and3A_793] : memref<128x128xf32, #tpu.memory_space<vmem>>[vector<16xi32>, vector<16xi32>], vector<16xf32>,
        %gather3A_915 = arith.constant 0 : i32
        %gather3A_916 = arith.constant 0 : i32
        %gather3A_917 = tpu.memref_slice %arg17[%scan3A_221, %gather3A_915, %gather3A_916] : memref<2x128x128xf32, #tpu.memory_space<vmem>> -> memref<1x128x128xf32, #tpu.memory_space<vmem>>
        %gather3A_918 = tpu.memref_squeeze %gather3A_917 : memref<1x128x128xf32, #tpu.memory_space<vmem>> -> memref<128x128xf32, #tpu.memory_space<vmem>>
        %gather3A_919 = tpu.vector_load_idx %gather3A_918[%add3A_220, %or3A_796] : memref<128x128xf32, #tpu.memory_space<vmem>>[vector<16xi32>, vector<16xi32>], vector<16xf32>,
        %sub3A_920 = arith.subf %gather3A_797, %gather3A_914 : vector<16xf32>
        %sub3A_921 = arith.subf %gather3A_798, %gather3A_919 : vector<16xf32>
        %mul3A_922 = arith.mulf %sub3A_920, %sub3A_920 : vector<16xf32>
        %mul3A_923 = arith.mulf %sub3A_921, %sub3A_921 : vector<16xf32>
        %add3A_924 = arith.addf %mul3A_922, %mul3A_923 : vector<16xf32>
        %add3A_925 = arith.constant 9.99999996E-13 : f32
        %add3A_926 = vector.broadcast %add3A_925 : f32 to vector<16xf32>
        %add3A_927 = arith.addf %add3A_924, %add3A_926 : vector<16xf32>
        %bitcast_convert_type3A_928 = tpu.bitcast %add3A_927 : vector<16xf32> -> vector<16xi32>
        %shift_right_arithmetic3A_929 = arith.constant 1 : i32
        %shift_right_arithmetic3A_930 = vector.broadcast %shift_right_arithmetic3A_929 : i32 to vector<16xi32>
        %shift_right_arithmetic3A_931 = arith.shrsi %bitcast_convert_type3A_928, %shift_right_arithmetic3A_930 : vector<16xi32>
        %sub3A_932 = arith.constant 1597463007 : i32
        %sub3A_933 = vector.broadcast %sub3A_932 : i32 to vector<16xi32>
        %sub3A_934 = arith.subi %sub3A_933, %shift_right_arithmetic3A_931 : vector<16xi32>
        %bitcast_convert_type3A_935 = tpu.bitcast %sub3A_934 : vector<16xi32> -> vector<16xf32>
        %mul3A_936 = arith.constant 5.000000e-01 : f32
        %mul3A_937 = vector.broadcast %mul3A_936 : f32 to vector<16xf32>
        %mul3A_938 = arith.mulf %mul3A_937, %add3A_927 : vector<16xf32>
        %mul3A_939 = arith.mulf %mul3A_938, %bitcast_convert_type3A_935 : vector<16xf32>
        %mul3A_940 = arith.mulf %mul3A_939, %bitcast_convert_type3A_935 : vector<16xf32>
        %sub3A_941 = arith.constant 1.500000e+00 : f32
        %sub3A_942 = vector.broadcast %sub3A_941 : f32 to vector<16xf32>
        %sub3A_943 = arith.subf %sub3A_942, %mul3A_940 : vector<16xf32>
        %mul3A_944 = arith.mulf %bitcast_convert_type3A_935, %sub3A_943 : vector<16xf32>
        %mul3A_945 = arith.mulf %add3A_927, %mul3A_944 : vector<16xf32>
        %add3A_946 = arith.addf %add3A_786, %mul3A_945 : vector<16xf32>
        scf.yield %add3A_835, %add3A_872, %add3A_909, %add3A_946 : vector<16xf32>, vector<16xf32>, vector<16xf32>, vector<16xf32>
      }
      %scan3A_227 = arith.constant 64 : i32
      %neg3A_228 = arith.constant 0.000000e+00 : f32
      %neg3A_229 = vector.broadcast %neg3A_228 : f32 to vector<16xf32>
      %neg3A_230 = arith.subf %neg3A_229, %scan3A_226#0 : vector<16xf32>
      %swap3A_231 = arith.index_cast %add3A_203 : i32 to index
      %swap3A_232 = arith.constant 0 : index
      %swap3A_233 = tpu.vector_load %arg19[%swap3A_231, %swap3A_232] {strides = array<i32>} : memref<128x64xf32, #tpu.memory_space<vmem>>, vector<16xf32>,
      tpu.vector_store %arg19[%swap3A_231, %swap3A_232], %neg3A_230 {strides = array<i32>} : memref<128x64xf32, #tpu.memory_space<vmem>>, vector<16xf32>,
      %neg3A_234 = arith.constant 0.000000e+00 : f32
      %neg3A_235 = vector.broadcast %neg3A_234 : f32 to vector<16xf32>
      %neg3A_236 = arith.subf %neg3A_235, %scan3A_226#1 : vector<16xf32>
      %swap3A_237 = arith.index_cast %add3A_203 : i32 to index
      %swap3A_238 = arith.constant 16 : index
      %swap3A_239 = tpu.vector_load %arg19[%swap3A_237, %swap3A_238] {strides = array<i32>} : memref<128x64xf32, #tpu.memory_space<vmem>>, vector<16xf32>,
      tpu.vector_store %arg19[%swap3A_237, %swap3A_238], %neg3A_236 {strides = array<i32>} : memref<128x64xf32, #tpu.memory_space<vmem>>, vector<16xf32>,
      %neg3A_240 = arith.constant 0.000000e+00 : f32
      %neg3A_241 = vector.broadcast %neg3A_240 : f32 to vector<16xf32>
      %neg3A_242 = arith.subf %neg3A_241, %scan3A_226#2 : vector<16xf32>
      %swap3A_243 = arith.index_cast %add3A_203 : i32 to index
      %swap3A_244 = arith.constant 32 : index
      %swap3A_245 = tpu.vector_load %arg19[%swap3A_243, %swap3A_244] {strides = array<i32>} : memref<128x64xf32, #tpu.memory_space<vmem>>, vector<16xf32>,
      tpu.vector_store %arg19[%swap3A_243, %swap3A_244], %neg3A_242 {strides = array<i32>} : memref<128x64xf32, #tpu.memory_space<vmem>>, vector<16xf32>,
      %neg3A_246 = arith.constant 0.000000e+00 : f32
      %neg3A_247 = vector.broadcast %neg3A_246 : f32 to vector<16xf32>
      %neg3A_248 = arith.subf %neg3A_247, %scan3A_226#3 : vector<16xf32>
      %swap3A_249 = arith.index_cast %add3A_203 : i32 to index
      %swap3A_250 = arith.constant 48 : index
      %swap3A_251 = tpu.vector_load %arg19[%swap3A_249, %swap3A_250] {strides = array<i32>} : memref<128x64xf32, #tpu.memory_space<vmem>>, vector<16xf32>,
      tpu.vector_store %arg19[%swap3A_249, %swap3A_250], %neg3A_248 {strides = array<i32>} : memref<128x64xf32, #tpu.memory_space<vmem>>, vector<16xf32>,
      %mul3A_252 = arith.constant 2 : i32
      %mul3A_253 = arith.muli %add3A_186, %mul3A_252 : i32
      %add3A_254 = arith.constant 1 : i32
      %add3A_255 = arith.addi %mul3A_253, %add3A_254 : i32
      %mul3A_256 = arith.constant 0 : i32
      %mul3A_257 = vector.broadcast %mul3A_256 : i32 to vector<16xi32>
      %mul3A_258 = arith.muli %iota3A, %mul3A_257 : vector<16xi32>
      %add3A_259 = vector.broadcast %add3A_255 : i32 to vector<16xi32>
      %add3A_260 = arith.addi %mul3A_258, %add3A_259 : vector<16xi32>
      %add3A_261 = arith.constant 64 : i32
      %add3A_262 = vector.broadcast %add3A_261 : i32 to vector<16xi32>
      %add3A_263 = arith.addi %add3A_262, %iota3A : vector<16xi32>
      %add3A_264 = arith.constant 80 : i32
      %add3A_265 = vector.broadcast %add3A_264 : i32 to vector<16xi32>
      %add3A_266 = arith.addi %add3A_265, %iota3A : vector<16xi32>
      %add3A_267 = arith.constant 96 : i32
      %add3A_268 = vector.broadcast %add3A_267 : i32 to vector<16xi32>
      %add3A_269 = arith.addi %add3A_268, %iota3A : vector<16xi32>
      %add3A_270 = arith.constant 112 : i32
      %add3A_271 = vector.broadcast %add3A_270 : i32 to vector<16xi32>
      %add3A_272 = arith.addi %add3A_271, %iota3A : vector<16xi32>
      %scan3A_273 = arith.constant 1 : i32
      %scan3A_274 = arith.constant 0 : i32
      %scan3A_275 = arith.constant 64 : i32
      %scan3A_276 = arith.addi %scan3A_274, %scan3A_275 : i32
      %scan3A_277 = arith.constant 4 : i32
      %scan3A_278:4 = scf.for %scan3A_310 = %scan3A_274 to %scan3A_276 step %scan3A_277 iter_args(%scan3A_311 = %broadcast_in_dim3A_3, %scan3A_312 = %broadcast_in_dim3A_3, %scan3A_313 = %broadcast_in_dim3A_3, %scan3A_314 = %broadcast_in_dim3A_3) -> (vector<16xf32>, vector<16xf32>, vector<16xf32>, vector<16xf32>)  : i32 {
        %add3A_315 = vector.broadcast %scan3A_310 : i32 to vector<16xi32>
        %add3A_316 = arith.addi %iota3A, %add3A_315 : vector<16xi32>
        %and3A = arith.constant 63 : i32
        %and3A_317 = vector.broadcast %and3A : i32 to vector<16xi32>
        %and3A_318 = arith.andi %add3A_316, %and3A_317 : vector<16xi32>
        %or3A = arith.constant 64 : i32
        %or3A_319 = vector.broadcast %or3A : i32 to vector<16xi32>
        %or3A_320 = arith.ori %and3A_318, %or3A_319 : vector<16xi32>
        %gather3A = tpu.vector_load_idx %arg14[%add3A_260, %and3A_318] : memref<128x128xf32, #tpu.memory_space<vmem>>[vector<16xi32>, vector<16xi32>], vector<16xf32>,
        %gather3A_321 = tpu.vector_load_idx %arg14[%add3A_260, %or3A_320] : memref<128x128xf32, #tpu.memory_space<vmem>>[vector<16xi32>, vector<16xi32>], vector<16xf32>,
        %gather3A_322 = arith.constant 0 : i32
        %gather3A_323 = arith.constant 0 : i32
        %gather3A_324 = tpu.memref_slice %arg17[%scan3A_273, %gather3A_322, %gather3A_323] : memref<2x128x128xf32, #tpu.memory_space<vmem>> -> memref<1x128x128xf32, #tpu.memory_space<vmem>>
        %gather3A_325 = tpu.memref_squeeze %gather3A_324 : memref<1x128x128xf32, #tpu.memory_space<vmem>> -> memref<128x128xf32, #tpu.memory_space<vmem>>
        %gather3A_326 = tpu.vector_load_idx %gather3A_325[%add3A_263, %and3A_318] : memref<128x128xf32, #tpu.memory_space<vmem>>[vector<16xi32>, vector<16xi32>], vector<16xf32>,
        %gather3A_327 = arith.constant 0 : i32
        %gather3A_328 = arith.constant 0 : i32
        %gather3A_329 = tpu.memref_slice %arg17[%scan3A_273, %gather3A_327, %gather3A_328] : memref<2x128x128xf32, #tpu.memory_space<vmem>> -> memref<1x128x128xf32, #tpu.memory_space<vmem>>
        %gather3A_330 = tpu.memref_squeeze %gather3A_329 : memref<1x128x128xf32, #tpu.memory_space<vmem>> -> memref<128x128xf32, #tpu.memory_space<vmem>>
        %gather3A_331 = tpu.vector_load_idx %gather3A_330[%add3A_263, %or3A_320] : memref<128x128xf32, #tpu.memory_space<vmem>>[vector<16xi32>, vector<16xi32>], vector<16xf32>,
        %sub3A = arith.subf %gather3A, %gather3A_326 : vector<16xf32>
        %sub3A_332 = arith.subf %gather3A_321, %gather3A_331 : vector<16xf32>
        %mul3A_333 = arith.mulf %sub3A, %sub3A : vector<16xf32>
        %mul3A_334 = arith.mulf %sub3A_332, %sub3A_332 : vector<16xf32>
        %add3A_335 = arith.addf %mul3A_333, %mul3A_334 : vector<16xf32>
        %add3A_336 = arith.constant 9.99999996E-13 : f32
        %add3A_337 = vector.broadcast %add3A_336 : f32 to vector<16xf32>
        %add3A_338 = arith.addf %add3A_335, %add3A_337 : vector<16xf32>
        %bitcast_convert_type3A = tpu.bitcast %add3A_338 : vector<16xf32> -> vector<16xi32>
        %shift_right_arithmetic3A = arith.constant 1 : i32
        %shift_right_arithmetic3A_339 = vector.broadcast %shift_right_arithmetic3A : i32 to vector<16xi32>
        %shift_right_arithmetic3A_340 = arith.shrsi %bitcast_convert_type3A, %shift_right_arithmetic3A_339 : vector<16xi32>
        %sub3A_341 = arith.constant 1597463007 : i32
        %sub3A_342 = vector.broadcast %sub3A_341 : i32 to vector<16xi32>
        %sub3A_343 = arith.subi %sub3A_342, %shift_right_arithmetic3A_340 : vector<16xi32>
        %bitcast_convert_type3A_344 = tpu.bitcast %sub3A_343 : vector<16xi32> -> vector<16xf32>
        %mul3A_345 = arith.constant 5.000000e-01 : f32
        %mul3A_346 = vector.broadcast %mul3A_345 : f32 to vector<16xf32>
        %mul3A_347 = arith.mulf %mul3A_346, %add3A_338 : vector<16xf32>
        %mul3A_348 = arith.mulf %mul3A_347, %bitcast_convert_type3A_344 : vector<16xf32>
        %mul3A_349 = arith.mulf %mul3A_348, %bitcast_convert_type3A_344 : vector<16xf32>
        %sub3A_350 = arith.constant 1.500000e+00 : f32
        %sub3A_351 = vector.broadcast %sub3A_350 : f32 to vector<16xf32>
        %sub3A_352 = arith.subf %sub3A_351, %mul3A_349 : vector<16xf32>
        %mul3A_353 = arith.mulf %bitcast_convert_type3A_344, %sub3A_352 : vector<16xf32>
        %mul3A_354 = arith.mulf %add3A_338, %mul3A_353 : vector<16xf32>
        %add3A_355 = arith.addf %scan3A_311, %mul3A_354 : vector<16xf32>
        %gather3A_356 = arith.constant 0 : i32
        %gather3A_357 = arith.constant 0 : i32
        %gather3A_358 = tpu.memref_slice %arg17[%scan3A_273, %gather3A_356, %gather3A_357] : memref<2x128x128xf32, #tpu.memory_space<vmem>> -> memref<1x128x128xf32, #tpu.memory_space<vmem>>
        %gather3A_359 = tpu.memref_squeeze %gather3A_358 : memref<1x128x128xf32, #tpu.memory_space<vmem>> -> memref<128x128xf32, #tpu.memory_space<vmem>>
        %gather3A_360 = tpu.vector_load_idx %gather3A_359[%add3A_266, %and3A_318] : memref<128x128xf32, #tpu.memory_space<vmem>>[vector<16xi32>, vector<16xi32>], vector<16xf32>,
        %gather3A_361 = arith.constant 0 : i32
        %gather3A_362 = arith.constant 0 : i32
        %gather3A_363 = tpu.memref_slice %arg17[%scan3A_273, %gather3A_361, %gather3A_362] : memref<2x128x128xf32, #tpu.memory_space<vmem>> -> memref<1x128x128xf32, #tpu.memory_space<vmem>>
        %gather3A_364 = tpu.memref_squeeze %gather3A_363 : memref<1x128x128xf32, #tpu.memory_space<vmem>> -> memref<128x128xf32, #tpu.memory_space<vmem>>
        %gather3A_365 = tpu.vector_load_idx %gather3A_364[%add3A_266, %or3A_320] : memref<128x128xf32, #tpu.memory_space<vmem>>[vector<16xi32>, vector<16xi32>], vector<16xf32>,
        %sub3A_366 = arith.subf %gather3A, %gather3A_360 : vector<16xf32>
        %sub3A_367 = arith.subf %gather3A_321, %gather3A_365 : vector<16xf32>
        %mul3A_368 = arith.mulf %sub3A_366, %sub3A_366 : vector<16xf32>
        %mul3A_369 = arith.mulf %sub3A_367, %sub3A_367 : vector<16xf32>
        %add3A_370 = arith.addf %mul3A_368, %mul3A_369 : vector<16xf32>
        %add3A_371 = arith.constant 9.99999996E-13 : f32
        %add3A_372 = vector.broadcast %add3A_371 : f32 to vector<16xf32>
        %add3A_373 = arith.addf %add3A_370, %add3A_372 : vector<16xf32>
        %bitcast_convert_type3A_374 = tpu.bitcast %add3A_373 : vector<16xf32> -> vector<16xi32>
        %shift_right_arithmetic3A_375 = arith.constant 1 : i32
        %shift_right_arithmetic3A_376 = vector.broadcast %shift_right_arithmetic3A_375 : i32 to vector<16xi32>
        %shift_right_arithmetic3A_377 = arith.shrsi %bitcast_convert_type3A_374, %shift_right_arithmetic3A_376 : vector<16xi32>
        %sub3A_378 = arith.constant 1597463007 : i32
        %sub3A_379 = vector.broadcast %sub3A_378 : i32 to vector<16xi32>
        %sub3A_380 = arith.subi %sub3A_379, %shift_right_arithmetic3A_377 : vector<16xi32>
        %bitcast_convert_type3A_381 = tpu.bitcast %sub3A_380 : vector<16xi32> -> vector<16xf32>
        %mul3A_382 = arith.constant 5.000000e-01 : f32
        %mul3A_383 = vector.broadcast %mul3A_382 : f32 to vector<16xf32>
        %mul3A_384 = arith.mulf %mul3A_383, %add3A_373 : vector<16xf32>
        %mul3A_385 = arith.mulf %mul3A_384, %bitcast_convert_type3A_381 : vector<16xf32>
        %mul3A_386 = arith.mulf %mul3A_385, %bitcast_convert_type3A_381 : vector<16xf32>
        %sub3A_387 = arith.constant 1.500000e+00 : f32
        %sub3A_388 = vector.broadcast %sub3A_387 : f32 to vector<16xf32>
        %sub3A_389 = arith.subf %sub3A_388, %mul3A_386 : vector<16xf32>
        %mul3A_390 = arith.mulf %bitcast_convert_type3A_381, %sub3A_389 : vector<16xf32>
        %mul3A_391 = arith.mulf %add3A_373, %mul3A_390 : vector<16xf32>
        %add3A_392 = arith.addf %scan3A_312, %mul3A_391 : vector<16xf32>
        %gather3A_393 = arith.constant 0 : i32
        %gather3A_394 = arith.constant 0 : i32
        %gather3A_395 = tpu.memref_slice %arg17[%scan3A_273, %gather3A_393, %gather3A_394] : memref<2x128x128xf32, #tpu.memory_space<vmem>> -> memref<1x128x128xf32, #tpu.memory_space<vmem>>
        %gather3A_396 = tpu.memref_squeeze %gather3A_395 : memref<1x128x128xf32, #tpu.memory_space<vmem>> -> memref<128x128xf32, #tpu.memory_space<vmem>>
        %gather3A_397 = tpu.vector_load_idx %gather3A_396[%add3A_269, %and3A_318] : memref<128x128xf32, #tpu.memory_space<vmem>>[vector<16xi32>, vector<16xi32>], vector<16xf32>,
        %gather3A_398 = arith.constant 0 : i32
        %gather3A_399 = arith.constant 0 : i32
        %gather3A_400 = tpu.memref_slice %arg17[%scan3A_273, %gather3A_398, %gather3A_399] : memref<2x128x128xf32, #tpu.memory_space<vmem>> -> memref<1x128x128xf32, #tpu.memory_space<vmem>>
        %gather3A_401 = tpu.memref_squeeze %gather3A_400 : memref<1x128x128xf32, #tpu.memory_space<vmem>> -> memref<128x128xf32, #tpu.memory_space<vmem>>
        %gather3A_402 = tpu.vector_load_idx %gather3A_401[%add3A_269, %or3A_320] : memref<128x128xf32, #tpu.memory_space<vmem>>[vector<16xi32>, vector<16xi32>], vector<16xf32>,
        %sub3A_403 = arith.subf %gather3A, %gather3A_397 : vector<16xf32>
        %sub3A_404 = arith.subf %gather3A_321, %gather3A_402 : vector<16xf32>
        %mul3A_405 = arith.mulf %sub3A_403, %sub3A_403 : vector<16xf32>
        %mul3A_406 = arith.mulf %sub3A_404, %sub3A_404 : vector<16xf32>
        %add3A_407 = arith.addf %mul3A_405, %mul3A_406 : vector<16xf32>
        %add3A_408 = arith.constant 9.99999996E-13 : f32
        %add3A_409 = vector.broadcast %add3A_408 : f32 to vector<16xf32>
        %add3A_410 = arith.addf %add3A_407, %add3A_409 : vector<16xf32>
        %bitcast_convert_type3A_411 = tpu.bitcast %add3A_410 : vector<16xf32> -> vector<16xi32>
        %shift_right_arithmetic3A_412 = arith.constant 1 : i32
        %shift_right_arithmetic3A_413 = vector.broadcast %shift_right_arithmetic3A_412 : i32 to vector<16xi32>
        %shift_right_arithmetic3A_414 = arith.shrsi %bitcast_convert_type3A_411, %shift_right_arithmetic3A_413 : vector<16xi32>
        %sub3A_415 = arith.constant 1597463007 : i32
        %sub3A_416 = vector.broadcast %sub3A_415 : i32 to vector<16xi32>
        %sub3A_417 = arith.subi %sub3A_416, %shift_right_arithmetic3A_414 : vector<16xi32>
        %bitcast_convert_type3A_418 = tpu.bitcast %sub3A_417 : vector<16xi32> -> vector<16xf32>
        %mul3A_419 = arith.constant 5.000000e-01 : f32
        %mul3A_420 = vector.broadcast %mul3A_419 : f32 to vector<16xf32>
        %mul3A_421 = arith.mulf %mul3A_420, %add3A_410 : vector<16xf32>
        %mul3A_422 = arith.mulf %mul3A_421, %bitcast_convert_type3A_418 : vector<16xf32>
        %mul3A_423 = arith.mulf %mul3A_422, %bitcast_convert_type3A_418 : vector<16xf32>
        %sub3A_424 = arith.constant 1.500000e+00 : f32
        %sub3A_425 = vector.broadcast %sub3A_424 : f32 to vector<16xf32>
        %sub3A_426 = arith.subf %sub3A_425, %mul3A_423 : vector<16xf32>
        %mul3A_427 = arith.mulf %bitcast_convert_type3A_418, %sub3A_426 : vector<16xf32>
        %mul3A_428 = arith.mulf %add3A_410, %mul3A_427 : vector<16xf32>
        %add3A_429 = arith.addf %scan3A_313, %mul3A_428 : vector<16xf32>
        %gather3A_430 = arith.constant 0 : i32
        %gather3A_431 = arith.constant 0 : i32
        %gather3A_432 = tpu.memref_slice %arg17[%scan3A_273, %gather3A_430, %gather3A_431] : memref<2x128x128xf32, #tpu.memory_space<vmem>> -> memref<1x128x128xf32, #tpu.memory_space<vmem>>
        %gather3A_433 = tpu.memref_squeeze %gather3A_432 : memref<1x128x128xf32, #tpu.memory_space<vmem>> -> memref<128x128xf32, #tpu.memory_space<vmem>>
        %gather3A_434 = tpu.vector_load_idx %gather3A_433[%add3A_272, %and3A_318] : memref<128x128xf32, #tpu.memory_space<vmem>>[vector<16xi32>, vector<16xi32>], vector<16xf32>,
        %gather3A_435 = arith.constant 0 : i32
        %gather3A_436 = arith.constant 0 : i32
        %gather3A_437 = tpu.memref_slice %arg17[%scan3A_273, %gather3A_435, %gather3A_436] : memref<2x128x128xf32, #tpu.memory_space<vmem>> -> memref<1x128x128xf32, #tpu.memory_space<vmem>>
        %gather3A_438 = tpu.memref_squeeze %gather3A_437 : memref<1x128x128xf32, #tpu.memory_space<vmem>> -> memref<128x128xf32, #tpu.memory_space<vmem>>
        %gather3A_439 = tpu.vector_load_idx %gather3A_438[%add3A_272, %or3A_320] : memref<128x128xf32, #tpu.memory_space<vmem>>[vector<16xi32>, vector<16xi32>], vector<16xf32>,
        %sub3A_440 = arith.subf %gather3A, %gather3A_434 : vector<16xf32>
        %sub3A_441 = arith.subf %gather3A_321, %gather3A_439 : vector<16xf32>
        %mul3A_442 = arith.mulf %sub3A_440, %sub3A_440 : vector<16xf32>
        %mul3A_443 = arith.mulf %sub3A_441, %sub3A_441 : vector<16xf32>
        %add3A_444 = arith.addf %mul3A_442, %mul3A_443 : vector<16xf32>
        %add3A_445 = arith.constant 9.99999996E-13 : f32
        %add3A_446 = vector.broadcast %add3A_445 : f32 to vector<16xf32>
        %add3A_447 = arith.addf %add3A_444, %add3A_446 : vector<16xf32>
        %bitcast_convert_type3A_448 = tpu.bitcast %add3A_447 : vector<16xf32> -> vector<16xi32>
        %shift_right_arithmetic3A_449 = arith.constant 1 : i32
        %shift_right_arithmetic3A_450 = vector.broadcast %shift_right_arithmetic3A_449 : i32 to vector<16xi32>
        %shift_right_arithmetic3A_451 = arith.shrsi %bitcast_convert_type3A_448, %shift_right_arithmetic3A_450 : vector<16xi32>
        %sub3A_452 = arith.constant 1597463007 : i32
        %sub3A_453 = vector.broadcast %sub3A_452 : i32 to vector<16xi32>
        %sub3A_454 = arith.subi %sub3A_453, %shift_right_arithmetic3A_451 : vector<16xi32>
        %bitcast_convert_type3A_455 = tpu.bitcast %sub3A_454 : vector<16xi32> -> vector<16xf32>
        %mul3A_456 = arith.constant 5.000000e-01 : f32
        %mul3A_457 = vector.broadcast %mul3A_456 : f32 to vector<16xf32>
        %mul3A_458 = arith.mulf %mul3A_457, %add3A_447 : vector<16xf32>
        %mul3A_459 = arith.mulf %mul3A_458, %bitcast_convert_type3A_455 : vector<16xf32>
        %mul3A_460 = arith.mulf %mul3A_459, %bitcast_convert_type3A_455 : vector<16xf32>
        %sub3A_461 = arith.constant 1.500000e+00 : f32
        %sub3A_462 = vector.broadcast %sub3A_461 : f32 to vector<16xf32>
        %sub3A_463 = arith.subf %sub3A_462, %mul3A_460 : vector<16xf32>
        %mul3A_464 = arith.mulf %bitcast_convert_type3A_455, %sub3A_463 : vector<16xf32>
        %mul3A_465 = arith.mulf %add3A_447, %mul3A_464 : vector<16xf32>
        %add3A_466 = arith.addf %scan3A_314, %mul3A_465 : vector<16xf32>
        %scan3A_467 = arith.constant 1 : i32
        %scan3A_468 = arith.addi %scan3A_310, %scan3A_467 : i32
        %add3A_469 = vector.broadcast %scan3A_468 : i32 to vector<16xi32>
        %add3A_470 = arith.addi %iota3A, %add3A_469 : vector<16xi32>
        %and3A_471 = arith.constant 63 : i32
        %and3A_472 = vector.broadcast %and3A_471 : i32 to vector<16xi32>
        %and3A_473 = arith.andi %add3A_470, %and3A_472 : vector<16xi32>
        %or3A_474 = arith.constant 64 : i32
        %or3A_475 = vector.broadcast %or3A_474 : i32 to vector<16xi32>
        %or3A_476 = arith.ori %and3A_473, %or3A_475 : vector<16xi32>
        %gather3A_477 = tpu.vector_load_idx %arg14[%add3A_260, %and3A_473] : memref<128x128xf32, #tpu.memory_space<vmem>>[vector<16xi32>, vector<16xi32>], vector<16xf32>,
        %gather3A_478 = tpu.vector_load_idx %arg14[%add3A_260, %or3A_476] : memref<128x128xf32, #tpu.memory_space<vmem>>[vector<16xi32>, vector<16xi32>], vector<16xf32>,
        %gather3A_479 = arith.constant 0 : i32
        %gather3A_480 = arith.constant 0 : i32
        %gather3A_481 = tpu.memref_slice %arg17[%scan3A_273, %gather3A_479, %gather3A_480] : memref<2x128x128xf32, #tpu.memory_space<vmem>> -> memref<1x128x128xf32, #tpu.memory_space<vmem>>
        %gather3A_482 = tpu.memref_squeeze %gather3A_481 : memref<1x128x128xf32, #tpu.memory_space<vmem>> -> memref<128x128xf32, #tpu.memory_space<vmem>>
        %gather3A_483 = tpu.vector_load_idx %gather3A_482[%add3A_263, %and3A_473] : memref<128x128xf32, #tpu.memory_space<vmem>>[vector<16xi32>, vector<16xi32>], vector<16xf32>,
        %gather3A_484 = arith.constant 0 : i32
        %gather3A_485 = arith.constant 0 : i32
        %gather3A_486 = tpu.memref_slice %arg17[%scan3A_273, %gather3A_484, %gather3A_485] : memref<2x128x128xf32, #tpu.memory_space<vmem>> -> memref<1x128x128xf32, #tpu.memory_space<vmem>>
        %gather3A_487 = tpu.memref_squeeze %gather3A_486 : memref<1x128x128xf32, #tpu.memory_space<vmem>> -> memref<128x128xf32, #tpu.memory_space<vmem>>
        %gather3A_488 = tpu.vector_load_idx %gather3A_487[%add3A_263, %or3A_476] : memref<128x128xf32, #tpu.memory_space<vmem>>[vector<16xi32>, vector<16xi32>], vector<16xf32>,
        %sub3A_489 = arith.subf %gather3A_477, %gather3A_483 : vector<16xf32>
        %sub3A_490 = arith.subf %gather3A_478, %gather3A_488 : vector<16xf32>
        %mul3A_491 = arith.mulf %sub3A_489, %sub3A_489 : vector<16xf32>
        %mul3A_492 = arith.mulf %sub3A_490, %sub3A_490 : vector<16xf32>
        %add3A_493 = arith.addf %mul3A_491, %mul3A_492 : vector<16xf32>
        %add3A_494 = arith.constant 9.99999996E-13 : f32
        %add3A_495 = vector.broadcast %add3A_494 : f32 to vector<16xf32>
        %add3A_496 = arith.addf %add3A_493, %add3A_495 : vector<16xf32>
        %bitcast_convert_type3A_497 = tpu.bitcast %add3A_496 : vector<16xf32> -> vector<16xi32>
        %shift_right_arithmetic3A_498 = arith.constant 1 : i32
        %shift_right_arithmetic3A_499 = vector.broadcast %shift_right_arithmetic3A_498 : i32 to vector<16xi32>
        %shift_right_arithmetic3A_500 = arith.shrsi %bitcast_convert_type3A_497, %shift_right_arithmetic3A_499 : vector<16xi32>
        %sub3A_501 = arith.constant 1597463007 : i32
        %sub3A_502 = vector.broadcast %sub3A_501 : i32 to vector<16xi32>
        %sub3A_503 = arith.subi %sub3A_502, %shift_right_arithmetic3A_500 : vector<16xi32>
        %bitcast_convert_type3A_504 = tpu.bitcast %sub3A_503 : vector<16xi32> -> vector<16xf32>
        %mul3A_505 = arith.constant 5.000000e-01 : f32
        %mul3A_506 = vector.broadcast %mul3A_505 : f32 to vector<16xf32>
        %mul3A_507 = arith.mulf %mul3A_506, %add3A_496 : vector<16xf32>
        %mul3A_508 = arith.mulf %mul3A_507, %bitcast_convert_type3A_504 : vector<16xf32>
        %mul3A_509 = arith.mulf %mul3A_508, %bitcast_convert_type3A_504 : vector<16xf32>
        %sub3A_510 = arith.constant 1.500000e+00 : f32
        %sub3A_511 = vector.broadcast %sub3A_510 : f32 to vector<16xf32>
        %sub3A_512 = arith.subf %sub3A_511, %mul3A_509 : vector<16xf32>
        %mul3A_513 = arith.mulf %bitcast_convert_type3A_504, %sub3A_512 : vector<16xf32>
        %mul3A_514 = arith.mulf %add3A_496, %mul3A_513 : vector<16xf32>
        %add3A_515 = arith.addf %add3A_355, %mul3A_514 : vector<16xf32>
        %gather3A_516 = arith.constant 0 : i32
        %gather3A_517 = arith.constant 0 : i32
        %gather3A_518 = tpu.memref_slice %arg17[%scan3A_273, %gather3A_516, %gather3A_517] : memref<2x128x128xf32, #tpu.memory_space<vmem>> -> memref<1x128x128xf32, #tpu.memory_space<vmem>>
        %gather3A_519 = tpu.memref_squeeze %gather3A_518 : memref<1x128x128xf32, #tpu.memory_space<vmem>> -> memref<128x128xf32, #tpu.memory_space<vmem>>
        %gather3A_520 = tpu.vector_load_idx %gather3A_519[%add3A_266, %and3A_473] : memref<128x128xf32, #tpu.memory_space<vmem>>[vector<16xi32>, vector<16xi32>], vector<16xf32>,
        %gather3A_521 = arith.constant 0 : i32
        %gather3A_522 = arith.constant 0 : i32
        %gather3A_523 = tpu.memref_slice %arg17[%scan3A_273, %gather3A_521, %gather3A_522] : memref<2x128x128xf32, #tpu.memory_space<vmem>> -> memref<1x128x128xf32, #tpu.memory_space<vmem>>
        %gather3A_524 = tpu.memref_squeeze %gather3A_523 : memref<1x128x128xf32, #tpu.memory_space<vmem>> -> memref<128x128xf32, #tpu.memory_space<vmem>>
        %gather3A_525 = tpu.vector_load_idx %gather3A_524[%add3A_266, %or3A_476] : memref<128x128xf32, #tpu.memory_space<vmem>>[vector<16xi32>, vector<16xi32>], vector<16xf32>,
        %sub3A_526 = arith.subf %gather3A_477, %gather3A_520 : vector<16xf32>
        %sub3A_527 = arith.subf %gather3A_478, %gather3A_525 : vector<16xf32>
        %mul3A_528 = arith.mulf %sub3A_526, %sub3A_526 : vector<16xf32>
        %mul3A_529 = arith.mulf %sub3A_527, %sub3A_527 : vector<16xf32>
        %add3A_530 = arith.addf %mul3A_528, %mul3A_529 : vector<16xf32>
        %add3A_531 = arith.constant 9.99999996E-13 : f32
        %add3A_532 = vector.broadcast %add3A_531 : f32 to vector<16xf32>
        %add3A_533 = arith.addf %add3A_530, %add3A_532 : vector<16xf32>
        %bitcast_convert_type3A_534 = tpu.bitcast %add3A_533 : vector<16xf32> -> vector<16xi32>
        %shift_right_arithmetic3A_535 = arith.constant 1 : i32
        %shift_right_arithmetic3A_536 = vector.broadcast %shift_right_arithmetic3A_535 : i32 to vector<16xi32>
        %shift_right_arithmetic3A_537 = arith.shrsi %bitcast_convert_type3A_534, %shift_right_arithmetic3A_536 : vector<16xi32>
        %sub3A_538 = arith.constant 1597463007 : i32
        %sub3A_539 = vector.broadcast %sub3A_538 : i32 to vector<16xi32>
        %sub3A_540 = arith.subi %sub3A_539, %shift_right_arithmetic3A_537 : vector<16xi32>
        %bitcast_convert_type3A_541 = tpu.bitcast %sub3A_540 : vector<16xi32> -> vector<16xf32>
        %mul3A_542 = arith.constant 5.000000e-01 : f32
        %mul3A_543 = vector.broadcast %mul3A_542 : f32 to vector<16xf32>
        %mul3A_544 = arith.mulf %mul3A_543, %add3A_533 : vector<16xf32>
        %mul3A_545 = arith.mulf %mul3A_544, %bitcast_convert_type3A_541 : vector<16xf32>
        %mul3A_546 = arith.mulf %mul3A_545, %bitcast_convert_type3A_541 : vector<16xf32>
        %sub3A_547 = arith.constant 1.500000e+00 : f32
        %sub3A_548 = vector.broadcast %sub3A_547 : f32 to vector<16xf32>
        %sub3A_549 = arith.subf %sub3A_548, %mul3A_546 : vector<16xf32>
        %mul3A_550 = arith.mulf %bitcast_convert_type3A_541, %sub3A_549 : vector<16xf32>
        %mul3A_551 = arith.mulf %add3A_533, %mul3A_550 : vector<16xf32>
        %add3A_552 = arith.addf %add3A_392, %mul3A_551 : vector<16xf32>
        %gather3A_553 = arith.constant 0 : i32
        %gather3A_554 = arith.constant 0 : i32
        %gather3A_555 = tpu.memref_slice %arg17[%scan3A_273, %gather3A_553, %gather3A_554] : memref<2x128x128xf32, #tpu.memory_space<vmem>> -> memref<1x128x128xf32, #tpu.memory_space<vmem>>
        %gather3A_556 = tpu.memref_squeeze %gather3A_555 : memref<1x128x128xf32, #tpu.memory_space<vmem>> -> memref<128x128xf32, #tpu.memory_space<vmem>>
        %gather3A_557 = tpu.vector_load_idx %gather3A_556[%add3A_269, %and3A_473] : memref<128x128xf32, #tpu.memory_space<vmem>>[vector<16xi32>, vector<16xi32>], vector<16xf32>,
        %gather3A_558 = arith.constant 0 : i32
        %gather3A_559 = arith.constant 0 : i32
        %gather3A_560 = tpu.memref_slice %arg17[%scan3A_273, %gather3A_558, %gather3A_559] : memref<2x128x128xf32, #tpu.memory_space<vmem>> -> memref<1x128x128xf32, #tpu.memory_space<vmem>>
        %gather3A_561 = tpu.memref_squeeze %gather3A_560 : memref<1x128x128xf32, #tpu.memory_space<vmem>> -> memref<128x128xf32, #tpu.memory_space<vmem>>
        %gather3A_562 = tpu.vector_load_idx %gather3A_561[%add3A_269, %or3A_476] : memref<128x128xf32, #tpu.memory_space<vmem>>[vector<16xi32>, vector<16xi32>], vector<16xf32>,
        %sub3A_563 = arith.subf %gather3A_477, %gather3A_557 : vector<16xf32>
        %sub3A_564 = arith.subf %gather3A_478, %gather3A_562 : vector<16xf32>
        %mul3A_565 = arith.mulf %sub3A_563, %sub3A_563 : vector<16xf32>
        %mul3A_566 = arith.mulf %sub3A_564, %sub3A_564 : vector<16xf32>
        %add3A_567 = arith.addf %mul3A_565, %mul3A_566 : vector<16xf32>
        %add3A_568 = arith.constant 9.99999996E-13 : f32
        %add3A_569 = vector.broadcast %add3A_568 : f32 to vector<16xf32>
        %add3A_570 = arith.addf %add3A_567, %add3A_569 : vector<16xf32>
        %bitcast_convert_type3A_571 = tpu.bitcast %add3A_570 : vector<16xf32> -> vector<16xi32>
        %shift_right_arithmetic3A_572 = arith.constant 1 : i32
        %shift_right_arithmetic3A_573 = vector.broadcast %shift_right_arithmetic3A_572 : i32 to vector<16xi32>
        %shift_right_arithmetic3A_574 = arith.shrsi %bitcast_convert_type3A_571, %shift_right_arithmetic3A_573 : vector<16xi32>
        %sub3A_575 = arith.constant 1597463007 : i32
        %sub3A_576 = vector.broadcast %sub3A_575 : i32 to vector<16xi32>
        %sub3A_577 = arith.subi %sub3A_576, %shift_right_arithmetic3A_574 : vector<16xi32>
        %bitcast_convert_type3A_578 = tpu.bitcast %sub3A_577 : vector<16xi32> -> vector<16xf32>
        %mul3A_579 = arith.constant 5.000000e-01 : f32
        %mul3A_580 = vector.broadcast %mul3A_579 : f32 to vector<16xf32>
        %mul3A_581 = arith.mulf %mul3A_580, %add3A_570 : vector<16xf32>
        %mul3A_582 = arith.mulf %mul3A_581, %bitcast_convert_type3A_578 : vector<16xf32>
        %mul3A_583 = arith.mulf %mul3A_582, %bitcast_convert_type3A_578 : vector<16xf32>
        %sub3A_584 = arith.constant 1.500000e+00 : f32
        %sub3A_585 = vector.broadcast %sub3A_584 : f32 to vector<16xf32>
        %sub3A_586 = arith.subf %sub3A_585, %mul3A_583 : vector<16xf32>
        %mul3A_587 = arith.mulf %bitcast_convert_type3A_578, %sub3A_586 : vector<16xf32>
        %mul3A_588 = arith.mulf %add3A_570, %mul3A_587 : vector<16xf32>
        %add3A_589 = arith.addf %add3A_429, %mul3A_588 : vector<16xf32>
        %gather3A_590 = arith.constant 0 : i32
        %gather3A_591 = arith.constant 0 : i32
        %gather3A_592 = tpu.memref_slice %arg17[%scan3A_273, %gather3A_590, %gather3A_591] : memref<2x128x128xf32, #tpu.memory_space<vmem>> -> memref<1x128x128xf32, #tpu.memory_space<vmem>>
        %gather3A_593 = tpu.memref_squeeze %gather3A_592 : memref<1x128x128xf32, #tpu.memory_space<vmem>> -> memref<128x128xf32, #tpu.memory_space<vmem>>
        %gather3A_594 = tpu.vector_load_idx %gather3A_593[%add3A_272, %and3A_473] : memref<128x128xf32, #tpu.memory_space<vmem>>[vector<16xi32>, vector<16xi32>], vector<16xf32>,
        %gather3A_595 = arith.constant 0 : i32
        %gather3A_596 = arith.constant 0 : i32
        %gather3A_597 = tpu.memref_slice %arg17[%scan3A_273, %gather3A_595, %gather3A_596] : memref<2x128x128xf32, #tpu.memory_space<vmem>> -> memref<1x128x128xf32, #tpu.memory_space<vmem>>
        %gather3A_598 = tpu.memref_squeeze %gather3A_597 : memref<1x128x128xf32, #tpu.memory_space<vmem>> -> memref<128x128xf32, #tpu.memory_space<vmem>>
        %gather3A_599 = tpu.vector_load_idx %gather3A_598[%add3A_272, %or3A_476] : memref<128x128xf32, #tpu.memory_space<vmem>>[vector<16xi32>, vector<16xi32>], vector<16xf32>,
        %sub3A_600 = arith.subf %gather3A_477, %gather3A_594 : vector<16xf32>
        %sub3A_601 = arith.subf %gather3A_478, %gather3A_599 : vector<16xf32>
        %mul3A_602 = arith.mulf %sub3A_600, %sub3A_600 : vector<16xf32>
        %mul3A_603 = arith.mulf %sub3A_601, %sub3A_601 : vector<16xf32>
        %add3A_604 = arith.addf %mul3A_602, %mul3A_603 : vector<16xf32>
        %add3A_605 = arith.constant 9.99999996E-13 : f32
        %add3A_606 = vector.broadcast %add3A_605 : f32 to vector<16xf32>
        %add3A_607 = arith.addf %add3A_604, %add3A_606 : vector<16xf32>
        %bitcast_convert_type3A_608 = tpu.bitcast %add3A_607 : vector<16xf32> -> vector<16xi32>
        %shift_right_arithmetic3A_609 = arith.constant 1 : i32
        %shift_right_arithmetic3A_610 = vector.broadcast %shift_right_arithmetic3A_609 : i32 to vector<16xi32>
        %shift_right_arithmetic3A_611 = arith.shrsi %bitcast_convert_type3A_608, %shift_right_arithmetic3A_610 : vector<16xi32>
        %sub3A_612 = arith.constant 1597463007 : i32
        %sub3A_613 = vector.broadcast %sub3A_612 : i32 to vector<16xi32>
        %sub3A_614 = arith.subi %sub3A_613, %shift_right_arithmetic3A_611 : vector<16xi32>
        %bitcast_convert_type3A_615 = tpu.bitcast %sub3A_614 : vector<16xi32> -> vector<16xf32>
        %mul3A_616 = arith.constant 5.000000e-01 : f32
        %mul3A_617 = vector.broadcast %mul3A_616 : f32 to vector<16xf32>
        %mul3A_618 = arith.mulf %mul3A_617, %add3A_607 : vector<16xf32>
        %mul3A_619 = arith.mulf %mul3A_618, %bitcast_convert_type3A_615 : vector<16xf32>
        %mul3A_620 = arith.mulf %mul3A_619, %bitcast_convert_type3A_615 : vector<16xf32>
        %sub3A_621 = arith.constant 1.500000e+00 : f32
        %sub3A_622 = vector.broadcast %sub3A_621 : f32 to vector<16xf32>
        %sub3A_623 = arith.subf %sub3A_622, %mul3A_620 : vector<16xf32>
        %mul3A_624 = arith.mulf %bitcast_convert_type3A_615, %sub3A_623 : vector<16xf32>
        %mul3A_625 = arith.mulf %add3A_607, %mul3A_624 : vector<16xf32>
        %add3A_626 = arith.addf %add3A_466, %mul3A_625 : vector<16xf32>
        %scan3A_627 = arith.constant 2 : i32
        %scan3A_628 = arith.addi %scan3A_310, %scan3A_627 : i32
        %add3A_629 = vector.broadcast %scan3A_628 : i32 to vector<16xi32>
        %add3A_630 = arith.addi %iota3A, %add3A_629 : vector<16xi32>
        %and3A_631 = arith.constant 63 : i32
        %and3A_632 = vector.broadcast %and3A_631 : i32 to vector<16xi32>
        %and3A_633 = arith.andi %add3A_630, %and3A_632 : vector<16xi32>
        %or3A_634 = arith.constant 64 : i32
        %or3A_635 = vector.broadcast %or3A_634 : i32 to vector<16xi32>
        %or3A_636 = arith.ori %and3A_633, %or3A_635 : vector<16xi32>
        %gather3A_637 = tpu.vector_load_idx %arg14[%add3A_260, %and3A_633] : memref<128x128xf32, #tpu.memory_space<vmem>>[vector<16xi32>, vector<16xi32>], vector<16xf32>,
        %gather3A_638 = tpu.vector_load_idx %arg14[%add3A_260, %or3A_636] : memref<128x128xf32, #tpu.memory_space<vmem>>[vector<16xi32>, vector<16xi32>], vector<16xf32>,
        %gather3A_639 = arith.constant 0 : i32
        %gather3A_640 = arith.constant 0 : i32
        %gather3A_641 = tpu.memref_slice %arg17[%scan3A_273, %gather3A_639, %gather3A_640] : memref<2x128x128xf32, #tpu.memory_space<vmem>> -> memref<1x128x128xf32, #tpu.memory_space<vmem>>
        %gather3A_642 = tpu.memref_squeeze %gather3A_641 : memref<1x128x128xf32, #tpu.memory_space<vmem>> -> memref<128x128xf32, #tpu.memory_space<vmem>>
        %gather3A_643 = tpu.vector_load_idx %gather3A_642[%add3A_263, %and3A_633] : memref<128x128xf32, #tpu.memory_space<vmem>>[vector<16xi32>, vector<16xi32>], vector<16xf32>,
        %gather3A_644 = arith.constant 0 : i32
        %gather3A_645 = arith.constant 0 : i32
        %gather3A_646 = tpu.memref_slice %arg17[%scan3A_273, %gather3A_644, %gather3A_645] : memref<2x128x128xf32, #tpu.memory_space<vmem>> -> memref<1x128x128xf32, #tpu.memory_space<vmem>>
        %gather3A_647 = tpu.memref_squeeze %gather3A_646 : memref<1x128x128xf32, #tpu.memory_space<vmem>> -> memref<128x128xf32, #tpu.memory_space<vmem>>
        %gather3A_648 = tpu.vector_load_idx %gather3A_647[%add3A_263, %or3A_636] : memref<128x128xf32, #tpu.memory_space<vmem>>[vector<16xi32>, vector<16xi32>], vector<16xf32>,
        %sub3A_649 = arith.subf %gather3A_637, %gather3A_643 : vector<16xf32>
        %sub3A_650 = arith.subf %gather3A_638, %gather3A_648 : vector<16xf32>
        %mul3A_651 = arith.mulf %sub3A_649, %sub3A_649 : vector<16xf32>
        %mul3A_652 = arith.mulf %sub3A_650, %sub3A_650 : vector<16xf32>
        %add3A_653 = arith.addf %mul3A_651, %mul3A_652 : vector<16xf32>
        %add3A_654 = arith.constant 9.99999996E-13 : f32
        %add3A_655 = vector.broadcast %add3A_654 : f32 to vector<16xf32>
        %add3A_656 = arith.addf %add3A_653, %add3A_655 : vector<16xf32>
        %bitcast_convert_type3A_657 = tpu.bitcast %add3A_656 : vector<16xf32> -> vector<16xi32>
        %shift_right_arithmetic3A_658 = arith.constant 1 : i32
        %shift_right_arithmetic3A_659 = vector.broadcast %shift_right_arithmetic3A_658 : i32 to vector<16xi32>
        %shift_right_arithmetic3A_660 = arith.shrsi %bitcast_convert_type3A_657, %shift_right_arithmetic3A_659 : vector<16xi32>
        %sub3A_661 = arith.constant 1597463007 : i32
        %sub3A_662 = vector.broadcast %sub3A_661 : i32 to vector<16xi32>
        %sub3A_663 = arith.subi %sub3A_662, %shift_right_arithmetic3A_660 : vector<16xi32>
        %bitcast_convert_type3A_664 = tpu.bitcast %sub3A_663 : vector<16xi32> -> vector<16xf32>
        %mul3A_665 = arith.constant 5.000000e-01 : f32
        %mul3A_666 = vector.broadcast %mul3A_665 : f32 to vector<16xf32>
        %mul3A_667 = arith.mulf %mul3A_666, %add3A_656 : vector<16xf32>
        %mul3A_668 = arith.mulf %mul3A_667, %bitcast_convert_type3A_664 : vector<16xf32>
        %mul3A_669 = arith.mulf %mul3A_668, %bitcast_convert_type3A_664 : vector<16xf32>
        %sub3A_670 = arith.constant 1.500000e+00 : f32
        %sub3A_671 = vector.broadcast %sub3A_670 : f32 to vector<16xf32>
        %sub3A_672 = arith.subf %sub3A_671, %mul3A_669 : vector<16xf32>
        %mul3A_673 = arith.mulf %bitcast_convert_type3A_664, %sub3A_672 : vector<16xf32>
        %mul3A_674 = arith.mulf %add3A_656, %mul3A_673 : vector<16xf32>
        %add3A_675 = arith.addf %add3A_515, %mul3A_674 : vector<16xf32>
        %gather3A_676 = arith.constant 0 : i32
        %gather3A_677 = arith.constant 0 : i32
        %gather3A_678 = tpu.memref_slice %arg17[%scan3A_273, %gather3A_676, %gather3A_677] : memref<2x128x128xf32, #tpu.memory_space<vmem>> -> memref<1x128x128xf32, #tpu.memory_space<vmem>>
        %gather3A_679 = tpu.memref_squeeze %gather3A_678 : memref<1x128x128xf32, #tpu.memory_space<vmem>> -> memref<128x128xf32, #tpu.memory_space<vmem>>
        %gather3A_680 = tpu.vector_load_idx %gather3A_679[%add3A_266, %and3A_633] : memref<128x128xf32, #tpu.memory_space<vmem>>[vector<16xi32>, vector<16xi32>], vector<16xf32>,
        %gather3A_681 = arith.constant 0 : i32
        %gather3A_682 = arith.constant 0 : i32
        %gather3A_683 = tpu.memref_slice %arg17[%scan3A_273, %gather3A_681, %gather3A_682] : memref<2x128x128xf32, #tpu.memory_space<vmem>> -> memref<1x128x128xf32, #tpu.memory_space<vmem>>
        %gather3A_684 = tpu.memref_squeeze %gather3A_683 : memref<1x128x128xf32, #tpu.memory_space<vmem>> -> memref<128x128xf32, #tpu.memory_space<vmem>>
        %gather3A_685 = tpu.vector_load_idx %gather3A_684[%add3A_266, %or3A_636] : memref<128x128xf32, #tpu.memory_space<vmem>>[vector<16xi32>, vector<16xi32>], vector<16xf32>,
        %sub3A_686 = arith.subf %gather3A_637, %gather3A_680 : vector<16xf32>
        %sub3A_687 = arith.subf %gather3A_638, %gather3A_685 : vector<16xf32>
        %mul3A_688 = arith.mulf %sub3A_686, %sub3A_686 : vector<16xf32>
        %mul3A_689 = arith.mulf %sub3A_687, %sub3A_687 : vector<16xf32>
        %add3A_690 = arith.addf %mul3A_688, %mul3A_689 : vector<16xf32>
        %add3A_691 = arith.constant 9.99999996E-13 : f32
        %add3A_692 = vector.broadcast %add3A_691 : f32 to vector<16xf32>
        %add3A_693 = arith.addf %add3A_690, %add3A_692 : vector<16xf32>
        %bitcast_convert_type3A_694 = tpu.bitcast %add3A_693 : vector<16xf32> -> vector<16xi32>
        %shift_right_arithmetic3A_695 = arith.constant 1 : i32
        %shift_right_arithmetic3A_696 = vector.broadcast %shift_right_arithmetic3A_695 : i32 to vector<16xi32>
        %shift_right_arithmetic3A_697 = arith.shrsi %bitcast_convert_type3A_694, %shift_right_arithmetic3A_696 : vector<16xi32>
        %sub3A_698 = arith.constant 1597463007 : i32
        %sub3A_699 = vector.broadcast %sub3A_698 : i32 to vector<16xi32>
        %sub3A_700 = arith.subi %sub3A_699, %shift_right_arithmetic3A_697 : vector<16xi32>
        %bitcast_convert_type3A_701 = tpu.bitcast %sub3A_700 : vector<16xi32> -> vector<16xf32>
        %mul3A_702 = arith.constant 5.000000e-01 : f32
        %mul3A_703 = vector.broadcast %mul3A_702 : f32 to vector<16xf32>
        %mul3A_704 = arith.mulf %mul3A_703, %add3A_693 : vector<16xf32>
        %mul3A_705 = arith.mulf %mul3A_704, %bitcast_convert_type3A_701 : vector<16xf32>
        %mul3A_706 = arith.mulf %mul3A_705, %bitcast_convert_type3A_701 : vector<16xf32>
        %sub3A_707 = arith.constant 1.500000e+00 : f32
        %sub3A_708 = vector.broadcast %sub3A_707 : f32 to vector<16xf32>
        %sub3A_709 = arith.subf %sub3A_708, %mul3A_706 : vector<16xf32>
        %mul3A_710 = arith.mulf %bitcast_convert_type3A_701, %sub3A_709 : vector<16xf32>
        %mul3A_711 = arith.mulf %add3A_693, %mul3A_710 : vector<16xf32>
        %add3A_712 = arith.addf %add3A_552, %mul3A_711 : vector<16xf32>
        %gather3A_713 = arith.constant 0 : i32
        %gather3A_714 = arith.constant 0 : i32
        %gather3A_715 = tpu.memref_slice %arg17[%scan3A_273, %gather3A_713, %gather3A_714] : memref<2x128x128xf32, #tpu.memory_space<vmem>> -> memref<1x128x128xf32, #tpu.memory_space<vmem>>
        %gather3A_716 = tpu.memref_squeeze %gather3A_715 : memref<1x128x128xf32, #tpu.memory_space<vmem>> -> memref<128x128xf32, #tpu.memory_space<vmem>>
        %gather3A_717 = tpu.vector_load_idx %gather3A_716[%add3A_269, %and3A_633] : memref<128x128xf32, #tpu.memory_space<vmem>>[vector<16xi32>, vector<16xi32>], vector<16xf32>,
        %gather3A_718 = arith.constant 0 : i32
        %gather3A_719 = arith.constant 0 : i32
        %gather3A_720 = tpu.memref_slice %arg17[%scan3A_273, %gather3A_718, %gather3A_719] : memref<2x128x128xf32, #tpu.memory_space<vmem>> -> memref<1x128x128xf32, #tpu.memory_space<vmem>>
        %gather3A_721 = tpu.memref_squeeze %gather3A_720 : memref<1x128x128xf32, #tpu.memory_space<vmem>> -> memref<128x128xf32, #tpu.memory_space<vmem>>
        %gather3A_722 = tpu.vector_load_idx %gather3A_721[%add3A_269, %or3A_636] : memref<128x128xf32, #tpu.memory_space<vmem>>[vector<16xi32>, vector<16xi32>], vector<16xf32>,
        %sub3A_723 = arith.subf %gather3A_637, %gather3A_717 : vector<16xf32>
        %sub3A_724 = arith.subf %gather3A_638, %gather3A_722 : vector<16xf32>
        %mul3A_725 = arith.mulf %sub3A_723, %sub3A_723 : vector<16xf32>
        %mul3A_726 = arith.mulf %sub3A_724, %sub3A_724 : vector<16xf32>
        %add3A_727 = arith.addf %mul3A_725, %mul3A_726 : vector<16xf32>
        %add3A_728 = arith.constant 9.99999996E-13 : f32
        %add3A_729 = vector.broadcast %add3A_728 : f32 to vector<16xf32>
        %add3A_730 = arith.addf %add3A_727, %add3A_729 : vector<16xf32>
        %bitcast_convert_type3A_731 = tpu.bitcast %add3A_730 : vector<16xf32> -> vector<16xi32>
        %shift_right_arithmetic3A_732 = arith.constant 1 : i32
        %shift_right_arithmetic3A_733 = vector.broadcast %shift_right_arithmetic3A_732 : i32 to vector<16xi32>
        %shift_right_arithmetic3A_734 = arith.shrsi %bitcast_convert_type3A_731, %shift_right_arithmetic3A_733 : vector<16xi32>
        %sub3A_735 = arith.constant 1597463007 : i32
        %sub3A_736 = vector.broadcast %sub3A_735 : i32 to vector<16xi32>
        %sub3A_737 = arith.subi %sub3A_736, %shift_right_arithmetic3A_734 : vector<16xi32>
        %bitcast_convert_type3A_738 = tpu.bitcast %sub3A_737 : vector<16xi32> -> vector<16xf32>
        %mul3A_739 = arith.constant 5.000000e-01 : f32
        %mul3A_740 = vector.broadcast %mul3A_739 : f32 to vector<16xf32>
        %mul3A_741 = arith.mulf %mul3A_740, %add3A_730 : vector<16xf32>
        %mul3A_742 = arith.mulf %mul3A_741, %bitcast_convert_type3A_738 : vector<16xf32>
        %mul3A_743 = arith.mulf %mul3A_742, %bitcast_convert_type3A_738 : vector<16xf32>
        %sub3A_744 = arith.constant 1.500000e+00 : f32
        %sub3A_745 = vector.broadcast %sub3A_744 : f32 to vector<16xf32>
        %sub3A_746 = arith.subf %sub3A_745, %mul3A_743 : vector<16xf32>
        %mul3A_747 = arith.mulf %bitcast_convert_type3A_738, %sub3A_746 : vector<16xf32>
        %mul3A_748 = arith.mulf %add3A_730, %mul3A_747 : vector<16xf32>
        %add3A_749 = arith.addf %add3A_589, %mul3A_748 : vector<16xf32>
        %gather3A_750 = arith.constant 0 : i32
        %gather3A_751 = arith.constant 0 : i32
        %gather3A_752 = tpu.memref_slice %arg17[%scan3A_273, %gather3A_750, %gather3A_751] : memref<2x128x128xf32, #tpu.memory_space<vmem>> -> memref<1x128x128xf32, #tpu.memory_space<vmem>>
        %gather3A_753 = tpu.memref_squeeze %gather3A_752 : memref<1x128x128xf32, #tpu.memory_space<vmem>> -> memref<128x128xf32, #tpu.memory_space<vmem>>
        %gather3A_754 = tpu.vector_load_idx %gather3A_753[%add3A_272, %and3A_633] : memref<128x128xf32, #tpu.memory_space<vmem>>[vector<16xi32>, vector<16xi32>], vector<16xf32>,
        %gather3A_755 = arith.constant 0 : i32
        %gather3A_756 = arith.constant 0 : i32
        %gather3A_757 = tpu.memref_slice %arg17[%scan3A_273, %gather3A_755, %gather3A_756] : memref<2x128x128xf32, #tpu.memory_space<vmem>> -> memref<1x128x128xf32, #tpu.memory_space<vmem>>
        %gather3A_758 = tpu.memref_squeeze %gather3A_757 : memref<1x128x128xf32, #tpu.memory_space<vmem>> -> memref<128x128xf32, #tpu.memory_space<vmem>>
        %gather3A_759 = tpu.vector_load_idx %gather3A_758[%add3A_272, %or3A_636] : memref<128x128xf32, #tpu.memory_space<vmem>>[vector<16xi32>, vector<16xi32>], vector<16xf32>,
        %sub3A_760 = arith.subf %gather3A_637, %gather3A_754 : vector<16xf32>
        %sub3A_761 = arith.subf %gather3A_638, %gather3A_759 : vector<16xf32>
        %mul3A_762 = arith.mulf %sub3A_760, %sub3A_760 : vector<16xf32>
        %mul3A_763 = arith.mulf %sub3A_761, %sub3A_761 : vector<16xf32>
        %add3A_764 = arith.addf %mul3A_762, %mul3A_763 : vector<16xf32>
        %add3A_765 = arith.constant 9.99999996E-13 : f32
        %add3A_766 = vector.broadcast %add3A_765 : f32 to vector<16xf32>
        %add3A_767 = arith.addf %add3A_764, %add3A_766 : vector<16xf32>
        %bitcast_convert_type3A_768 = tpu.bitcast %add3A_767 : vector<16xf32> -> vector<16xi32>
        %shift_right_arithmetic3A_769 = arith.constant 1 : i32
        %shift_right_arithmetic3A_770 = vector.broadcast %shift_right_arithmetic3A_769 : i32 to vector<16xi32>
        %shift_right_arithmetic3A_771 = arith.shrsi %bitcast_convert_type3A_768, %shift_right_arithmetic3A_770 : vector<16xi32>
        %sub3A_772 = arith.constant 1597463007 : i32
        %sub3A_773 = vector.broadcast %sub3A_772 : i32 to vector<16xi32>
        %sub3A_774 = arith.subi %sub3A_773, %shift_right_arithmetic3A_771 : vector<16xi32>
        %bitcast_convert_type3A_775 = tpu.bitcast %sub3A_774 : vector<16xi32> -> vector<16xf32>
        %mul3A_776 = arith.constant 5.000000e-01 : f32
        %mul3A_777 = vector.broadcast %mul3A_776 : f32 to vector<16xf32>
        %mul3A_778 = arith.mulf %mul3A_777, %add3A_767 : vector<16xf32>
        %mul3A_779 = arith.mulf %mul3A_778, %bitcast_convert_type3A_775 : vector<16xf32>
        %mul3A_780 = arith.mulf %mul3A_779, %bitcast_convert_type3A_775 : vector<16xf32>
        %sub3A_781 = arith.constant 1.500000e+00 : f32
        %sub3A_782 = vector.broadcast %sub3A_781 : f32 to vector<16xf32>
        %sub3A_783 = arith.subf %sub3A_782, %mul3A_780 : vector<16xf32>
        %mul3A_784 = arith.mulf %bitcast_convert_type3A_775, %sub3A_783 : vector<16xf32>
        %mul3A_785 = arith.mulf %add3A_767, %mul3A_784 : vector<16xf32>
        %add3A_786 = arith.addf %add3A_626, %mul3A_785 : vector<16xf32>
        %scan3A_787 = arith.constant 3 : i32
        %scan3A_788 = arith.addi %scan3A_310, %scan3A_787 : i32
        %add3A_789 = vector.broadcast %scan3A_788 : i32 to vector<16xi32>
        %add3A_790 = arith.addi %iota3A, %add3A_789 : vector<16xi32>
        %and3A_791 = arith.constant 63 : i32
        %and3A_792 = vector.broadcast %and3A_791 : i32 to vector<16xi32>
        %and3A_793 = arith.andi %add3A_790, %and3A_792 : vector<16xi32>
        %or3A_794 = arith.constant 64 : i32
        %or3A_795 = vector.broadcast %or3A_794 : i32 to vector<16xi32>
        %or3A_796 = arith.ori %and3A_793, %or3A_795 : vector<16xi32>
        %gather3A_797 = tpu.vector_load_idx %arg14[%add3A_260, %and3A_793] : memref<128x128xf32, #tpu.memory_space<vmem>>[vector<16xi32>, vector<16xi32>], vector<16xf32>,
        %gather3A_798 = tpu.vector_load_idx %arg14[%add3A_260, %or3A_796] : memref<128x128xf32, #tpu.memory_space<vmem>>[vector<16xi32>, vector<16xi32>], vector<16xf32>,
        %gather3A_799 = arith.constant 0 : i32
        %gather3A_800 = arith.constant 0 : i32
        %gather3A_801 = tpu.memref_slice %arg17[%scan3A_273, %gather3A_799, %gather3A_800] : memref<2x128x128xf32, #tpu.memory_space<vmem>> -> memref<1x128x128xf32, #tpu.memory_space<vmem>>
        %gather3A_802 = tpu.memref_squeeze %gather3A_801 : memref<1x128x128xf32, #tpu.memory_space<vmem>> -> memref<128x128xf32, #tpu.memory_space<vmem>>
        %gather3A_803 = tpu.vector_load_idx %gather3A_802[%add3A_263, %and3A_793] : memref<128x128xf32, #tpu.memory_space<vmem>>[vector<16xi32>, vector<16xi32>], vector<16xf32>,
        %gather3A_804 = arith.constant 0 : i32
        %gather3A_805 = arith.constant 0 : i32
        %gather3A_806 = tpu.memref_slice %arg17[%scan3A_273, %gather3A_804, %gather3A_805] : memref<2x128x128xf32, #tpu.memory_space<vmem>> -> memref<1x128x128xf32, #tpu.memory_space<vmem>>
        %gather3A_807 = tpu.memref_squeeze %gather3A_806 : memref<1x128x128xf32, #tpu.memory_space<vmem>> -> memref<128x128xf32, #tpu.memory_space<vmem>>
        %gather3A_808 = tpu.vector_load_idx %gather3A_807[%add3A_263, %or3A_796] : memref<128x128xf32, #tpu.memory_space<vmem>>[vector<16xi32>, vector<16xi32>], vector<16xf32>,
        %sub3A_809 = arith.subf %gather3A_797, %gather3A_803 : vector<16xf32>
        %sub3A_810 = arith.subf %gather3A_798, %gather3A_808 : vector<16xf32>
        %mul3A_811 = arith.mulf %sub3A_809, %sub3A_809 : vector<16xf32>
        %mul3A_812 = arith.mulf %sub3A_810, %sub3A_810 : vector<16xf32>
        %add3A_813 = arith.addf %mul3A_811, %mul3A_812 : vector<16xf32>
        %add3A_814 = arith.constant 9.99999996E-13 : f32
        %add3A_815 = vector.broadcast %add3A_814 : f32 to vector<16xf32>
        %add3A_816 = arith.addf %add3A_813, %add3A_815 : vector<16xf32>
        %bitcast_convert_type3A_817 = tpu.bitcast %add3A_816 : vector<16xf32> -> vector<16xi32>
        %shift_right_arithmetic3A_818 = arith.constant 1 : i32
        %shift_right_arithmetic3A_819 = vector.broadcast %shift_right_arithmetic3A_818 : i32 to vector<16xi32>
        %shift_right_arithmetic3A_820 = arith.shrsi %bitcast_convert_type3A_817, %shift_right_arithmetic3A_819 : vector<16xi32>
        %sub3A_821 = arith.constant 1597463007 : i32
        %sub3A_822 = vector.broadcast %sub3A_821 : i32 to vector<16xi32>
        %sub3A_823 = arith.subi %sub3A_822, %shift_right_arithmetic3A_820 : vector<16xi32>
        %bitcast_convert_type3A_824 = tpu.bitcast %sub3A_823 : vector<16xi32> -> vector<16xf32>
        %mul3A_825 = arith.constant 5.000000e-01 : f32
        %mul3A_826 = vector.broadcast %mul3A_825 : f32 to vector<16xf32>
        %mul3A_827 = arith.mulf %mul3A_826, %add3A_816 : vector<16xf32>
        %mul3A_828 = arith.mulf %mul3A_827, %bitcast_convert_type3A_824 : vector<16xf32>
        %mul3A_829 = arith.mulf %mul3A_828, %bitcast_convert_type3A_824 : vector<16xf32>
        %sub3A_830 = arith.constant 1.500000e+00 : f32
        %sub3A_831 = vector.broadcast %sub3A_830 : f32 to vector<16xf32>
        %sub3A_832 = arith.subf %sub3A_831, %mul3A_829 : vector<16xf32>
        %mul3A_833 = arith.mulf %bitcast_convert_type3A_824, %sub3A_832 : vector<16xf32>
        %mul3A_834 = arith.mulf %add3A_816, %mul3A_833 : vector<16xf32>
        %add3A_835 = arith.addf %add3A_675, %mul3A_834 : vector<16xf32>
        %gather3A_836 = arith.constant 0 : i32
        %gather3A_837 = arith.constant 0 : i32
        %gather3A_838 = tpu.memref_slice %arg17[%scan3A_273, %gather3A_836, %gather3A_837] : memref<2x128x128xf32, #tpu.memory_space<vmem>> -> memref<1x128x128xf32, #tpu.memory_space<vmem>>
        %gather3A_839 = tpu.memref_squeeze %gather3A_838 : memref<1x128x128xf32, #tpu.memory_space<vmem>> -> memref<128x128xf32, #tpu.memory_space<vmem>>
        %gather3A_840 = tpu.vector_load_idx %gather3A_839[%add3A_266, %and3A_793] : memref<128x128xf32, #tpu.memory_space<vmem>>[vector<16xi32>, vector<16xi32>], vector<16xf32>,
        %gather3A_841 = arith.constant 0 : i32
        %gather3A_842 = arith.constant 0 : i32
        %gather3A_843 = tpu.memref_slice %arg17[%scan3A_273, %gather3A_841, %gather3A_842] : memref<2x128x128xf32, #tpu.memory_space<vmem>> -> memref<1x128x128xf32, #tpu.memory_space<vmem>>
        %gather3A_844 = tpu.memref_squeeze %gather3A_843 : memref<1x128x128xf32, #tpu.memory_space<vmem>> -> memref<128x128xf32, #tpu.memory_space<vmem>>
        %gather3A_845 = tpu.vector_load_idx %gather3A_844[%add3A_266, %or3A_796] : memref<128x128xf32, #tpu.memory_space<vmem>>[vector<16xi32>, vector<16xi32>], vector<16xf32>,
        %sub3A_846 = arith.subf %gather3A_797, %gather3A_840 : vector<16xf32>
        %sub3A_847 = arith.subf %gather3A_798, %gather3A_845 : vector<16xf32>
        %mul3A_848 = arith.mulf %sub3A_846, %sub3A_846 : vector<16xf32>
        %mul3A_849 = arith.mulf %sub3A_847, %sub3A_847 : vector<16xf32>
        %add3A_850 = arith.addf %mul3A_848, %mul3A_849 : vector<16xf32>
        %add3A_851 = arith.constant 9.99999996E-13 : f32
        %add3A_852 = vector.broadcast %add3A_851 : f32 to vector<16xf32>
        %add3A_853 = arith.addf %add3A_850, %add3A_852 : vector<16xf32>
        %bitcast_convert_type3A_854 = tpu.bitcast %add3A_853 : vector<16xf32> -> vector<16xi32>
        %shift_right_arithmetic3A_855 = arith.constant 1 : i32
        %shift_right_arithmetic3A_856 = vector.broadcast %shift_right_arithmetic3A_855 : i32 to vector<16xi32>
        %shift_right_arithmetic3A_857 = arith.shrsi %bitcast_convert_type3A_854, %shift_right_arithmetic3A_856 : vector<16xi32>
        %sub3A_858 = arith.constant 1597463007 : i32
        %sub3A_859 = vector.broadcast %sub3A_858 : i32 to vector<16xi32>
        %sub3A_860 = arith.subi %sub3A_859, %shift_right_arithmetic3A_857 : vector<16xi32>
        %bitcast_convert_type3A_861 = tpu.bitcast %sub3A_860 : vector<16xi32> -> vector<16xf32>
        %mul3A_862 = arith.constant 5.000000e-01 : f32
        %mul3A_863 = vector.broadcast %mul3A_862 : f32 to vector<16xf32>
        %mul3A_864 = arith.mulf %mul3A_863, %add3A_853 : vector<16xf32>
        %mul3A_865 = arith.mulf %mul3A_864, %bitcast_convert_type3A_861 : vector<16xf32>
        %mul3A_866 = arith.mulf %mul3A_865, %bitcast_convert_type3A_861 : vector<16xf32>
        %sub3A_867 = arith.constant 1.500000e+00 : f32
        %sub3A_868 = vector.broadcast %sub3A_867 : f32 to vector<16xf32>
        %sub3A_869 = arith.subf %sub3A_868, %mul3A_866 : vector<16xf32>
        %mul3A_870 = arith.mulf %bitcast_convert_type3A_861, %sub3A_869 : vector<16xf32>
        %mul3A_871 = arith.mulf %add3A_853, %mul3A_870 : vector<16xf32>
        %add3A_872 = arith.addf %add3A_712, %mul3A_871 : vector<16xf32>
        %gather3A_873 = arith.constant 0 : i32
        %gather3A_874 = arith.constant 0 : i32
        %gather3A_875 = tpu.memref_slice %arg17[%scan3A_273, %gather3A_873, %gather3A_874] : memref<2x128x128xf32, #tpu.memory_space<vmem>> -> memref<1x128x128xf32, #tpu.memory_space<vmem>>
        %gather3A_876 = tpu.memref_squeeze %gather3A_875 : memref<1x128x128xf32, #tpu.memory_space<vmem>> -> memref<128x128xf32, #tpu.memory_space<vmem>>
        %gather3A_877 = tpu.vector_load_idx %gather3A_876[%add3A_269, %and3A_793] : memref<128x128xf32, #tpu.memory_space<vmem>>[vector<16xi32>, vector<16xi32>], vector<16xf32>,
        %gather3A_878 = arith.constant 0 : i32
        %gather3A_879 = arith.constant 0 : i32
        %gather3A_880 = tpu.memref_slice %arg17[%scan3A_273, %gather3A_878, %gather3A_879] : memref<2x128x128xf32, #tpu.memory_space<vmem>> -> memref<1x128x128xf32, #tpu.memory_space<vmem>>
        %gather3A_881 = tpu.memref_squeeze %gather3A_880 : memref<1x128x128xf32, #tpu.memory_space<vmem>> -> memref<128x128xf32, #tpu.memory_space<vmem>>
        %gather3A_882 = tpu.vector_load_idx %gather3A_881[%add3A_269, %or3A_796] : memref<128x128xf32, #tpu.memory_space<vmem>>[vector<16xi32>, vector<16xi32>], vector<16xf32>,
        %sub3A_883 = arith.subf %gather3A_797, %gather3A_877 : vector<16xf32>
        %sub3A_884 = arith.subf %gather3A_798, %gather3A_882 : vector<16xf32>
        %mul3A_885 = arith.mulf %sub3A_883, %sub3A_883 : vector<16xf32>
        %mul3A_886 = arith.mulf %sub3A_884, %sub3A_884 : vector<16xf32>
        %add3A_887 = arith.addf %mul3A_885, %mul3A_886 : vector<16xf32>
        %add3A_888 = arith.constant 9.99999996E-13 : f32
        %add3A_889 = vector.broadcast %add3A_888 : f32 to vector<16xf32>
        %add3A_890 = arith.addf %add3A_887, %add3A_889 : vector<16xf32>
        %bitcast_convert_type3A_891 = tpu.bitcast %add3A_890 : vector<16xf32> -> vector<16xi32>
        %shift_right_arithmetic3A_892 = arith.constant 1 : i32
        %shift_right_arithmetic3A_893 = vector.broadcast %shift_right_arithmetic3A_892 : i32 to vector<16xi32>
        %shift_right_arithmetic3A_894 = arith.shrsi %bitcast_convert_type3A_891, %shift_right_arithmetic3A_893 : vector<16xi32>
        %sub3A_895 = arith.constant 1597463007 : i32
        %sub3A_896 = vector.broadcast %sub3A_895 : i32 to vector<16xi32>
        %sub3A_897 = arith.subi %sub3A_896, %shift_right_arithmetic3A_894 : vector<16xi32>
        %bitcast_convert_type3A_898 = tpu.bitcast %sub3A_897 : vector<16xi32> -> vector<16xf32>
        %mul3A_899 = arith.constant 5.000000e-01 : f32
        %mul3A_900 = vector.broadcast %mul3A_899 : f32 to vector<16xf32>
        %mul3A_901 = arith.mulf %mul3A_900, %add3A_890 : vector<16xf32>
        %mul3A_902 = arith.mulf %mul3A_901, %bitcast_convert_type3A_898 : vector<16xf32>
        %mul3A_903 = arith.mulf %mul3A_902, %bitcast_convert_type3A_898 : vector<16xf32>
        %sub3A_904 = arith.constant 1.500000e+00 : f32
        %sub3A_905 = vector.broadcast %sub3A_904 : f32 to vector<16xf32>
        %sub3A_906 = arith.subf %sub3A_905, %mul3A_903 : vector<16xf32>
        %mul3A_907 = arith.mulf %bitcast_convert_type3A_898, %sub3A_906 : vector<16xf32>
        %mul3A_908 = arith.mulf %add3A_890, %mul3A_907 : vector<16xf32>
        %add3A_909 = arith.addf %add3A_749, %mul3A_908 : vector<16xf32>
        %gather3A_910 = arith.constant 0 : i32
        %gather3A_911 = arith.constant 0 : i32
        %gather3A_912 = tpu.memref_slice %arg17[%scan3A_273, %gather3A_910, %gather3A_911] : memref<2x128x128xf32, #tpu.memory_space<vmem>> -> memref<1x128x128xf32, #tpu.memory_space<vmem>>
        %gather3A_913 = tpu.memref_squeeze %gather3A_912 : memref<1x128x128xf32, #tpu.memory_space<vmem>> -> memref<128x128xf32, #tpu.memory_space<vmem>>
        %gather3A_914 = tpu.vector_load_idx %gather3A_913[%add3A_272, %and3A_793] : memref<128x128xf32, #tpu.memory_space<vmem>>[vector<16xi32>, vector<16xi32>], vector<16xf32>,
        %gather3A_915 = arith.constant 0 : i32
        %gather3A_916 = arith.constant 0 : i32
        %gather3A_917 = tpu.memref_slice %arg17[%scan3A_273, %gather3A_915, %gather3A_916] : memref<2x128x128xf32, #tpu.memory_space<vmem>> -> memref<1x128x128xf32, #tpu.memory_space<vmem>>
        %gather3A_918 = tpu.memref_squeeze %gather3A_917 : memref<1x128x128xf32, #tpu.memory_space<vmem>> -> memref<128x128xf32, #tpu.memory_space<vmem>>
        %gather3A_919 = tpu.vector_load_idx %gather3A_918[%add3A_272, %or3A_796] : memref<128x128xf32, #tpu.memory_space<vmem>>[vector<16xi32>, vector<16xi32>], vector<16xf32>,
        %sub3A_920 = arith.subf %gather3A_797, %gather3A_914 : vector<16xf32>
        %sub3A_921 = arith.subf %gather3A_798, %gather3A_919 : vector<16xf32>
        %mul3A_922 = arith.mulf %sub3A_920, %sub3A_920 : vector<16xf32>
        %mul3A_923 = arith.mulf %sub3A_921, %sub3A_921 : vector<16xf32>
        %add3A_924 = arith.addf %mul3A_922, %mul3A_923 : vector<16xf32>
        %add3A_925 = arith.constant 9.99999996E-13 : f32
        %add3A_926 = vector.broadcast %add3A_925 : f32 to vector<16xf32>
        %add3A_927 = arith.addf %add3A_924, %add3A_926 : vector<16xf32>
        %bitcast_convert_type3A_928 = tpu.bitcast %add3A_927 : vector<16xf32> -> vector<16xi32>
        %shift_right_arithmetic3A_929 = arith.constant 1 : i32
        %shift_right_arithmetic3A_930 = vector.broadcast %shift_right_arithmetic3A_929 : i32 to vector<16xi32>
        %shift_right_arithmetic3A_931 = arith.shrsi %bitcast_convert_type3A_928, %shift_right_arithmetic3A_930 : vector<16xi32>
        %sub3A_932 = arith.constant 1597463007 : i32
        %sub3A_933 = vector.broadcast %sub3A_932 : i32 to vector<16xi32>
        %sub3A_934 = arith.subi %sub3A_933, %shift_right_arithmetic3A_931 : vector<16xi32>
        %bitcast_convert_type3A_935 = tpu.bitcast %sub3A_934 : vector<16xi32> -> vector<16xf32>
        %mul3A_936 = arith.constant 5.000000e-01 : f32
        %mul3A_937 = vector.broadcast %mul3A_936 : f32 to vector<16xf32>
        %mul3A_938 = arith.mulf %mul3A_937, %add3A_927 : vector<16xf32>
        %mul3A_939 = arith.mulf %mul3A_938, %bitcast_convert_type3A_935 : vector<16xf32>
        %mul3A_940 = arith.mulf %mul3A_939, %bitcast_convert_type3A_935 : vector<16xf32>
        %sub3A_941 = arith.constant 1.500000e+00 : f32
        %sub3A_942 = vector.broadcast %sub3A_941 : f32 to vector<16xf32>
        %sub3A_943 = arith.subf %sub3A_942, %mul3A_940 : vector<16xf32>
        %mul3A_944 = arith.mulf %bitcast_convert_type3A_935, %sub3A_943 : vector<16xf32>
        %mul3A_945 = arith.mulf %add3A_927, %mul3A_944 : vector<16xf32>
        %add3A_946 = arith.addf %add3A_786, %mul3A_945 : vector<16xf32>
        scf.yield %add3A_835, %add3A_872, %add3A_909, %add3A_946 : vector<16xf32>, vector<16xf32>, vector<16xf32>, vector<16xf32>
      }
      %scan3A_279 = arith.constant 64 : i32
      %neg3A_280 = arith.constant 0.000000e+00 : f32
      %neg3A_281 = vector.broadcast %neg3A_280 : f32 to vector<16xf32>
      %neg3A_282 = arith.subf %neg3A_281, %scan3A_278#0 : vector<16xf32>
      %swap3A_283 = arith.index_cast %add3A_255 : i32 to index
      %swap3A_284 = arith.constant 0 : index
      %swap3A_285 = tpu.vector_load %arg19[%swap3A_283, %swap3A_284] {strides = array<i32>} : memref<128x64xf32, #tpu.memory_space<vmem>>, vector<16xf32>,
      tpu.vector_store %arg19[%swap3A_283, %swap3A_284], %neg3A_282 {strides = array<i32>} : memref<128x64xf32, #tpu.memory_space<vmem>>, vector<16xf32>,
      %neg3A_286 = arith.constant 0.000000e+00 : f32
      %neg3A_287 = vector.broadcast %neg3A_286 : f32 to vector<16xf32>
      %neg3A_288 = arith.subf %neg3A_287, %scan3A_278#1 : vector<16xf32>
      %swap3A_289 = arith.index_cast %add3A_255 : i32 to index
      %swap3A_290 = arith.constant 16 : index
      %swap3A_291 = tpu.vector_load %arg19[%swap3A_289, %swap3A_290] {strides = array<i32>} : memref<128x64xf32, #tpu.memory_space<vmem>>, vector<16xf32>,
      tpu.vector_store %arg19[%swap3A_289, %swap3A_290], %neg3A_288 {strides = array<i32>} : memref<128x64xf32, #tpu.memory_space<vmem>>, vector<16xf32>,
      %neg3A_292 = arith.constant 0.000000e+00 : f32
      %neg3A_293 = vector.broadcast %neg3A_292 : f32 to vector<16xf32>
      %neg3A_294 = arith.subf %neg3A_293, %scan3A_278#2 : vector<16xf32>
      %swap3A_295 = arith.index_cast %add3A_255 : i32 to index
      %swap3A_296 = arith.constant 32 : index
      %swap3A_297 = tpu.vector_load %arg19[%swap3A_295, %swap3A_296] {strides = array<i32>} : memref<128x64xf32, #tpu.memory_space<vmem>>, vector<16xf32>,
      tpu.vector_store %arg19[%swap3A_295, %swap3A_296], %neg3A_294 {strides = array<i32>} : memref<128x64xf32, #tpu.memory_space<vmem>>, vector<16xf32>,
      %neg3A_298 = arith.constant 0.000000e+00 : f32
      %neg3A_299 = vector.broadcast %neg3A_298 : f32 to vector<16xf32>
      %neg3A_300 = arith.subf %neg3A_299, %scan3A_278#3 : vector<16xf32>
      %swap3A_301 = arith.index_cast %add3A_255 : i32 to index
      %swap3A_302 = arith.constant 48 : index
      %swap3A_303 = tpu.vector_load %arg19[%swap3A_301, %swap3A_302] {strides = array<i32>} : memref<128x64xf32, #tpu.memory_space<vmem>>, vector<16xf32>,
      tpu.vector_store %arg19[%swap3A_301, %swap3A_302], %neg3A_300 {strides = array<i32>} : memref<128x64xf32, #tpu.memory_space<vmem>>, vector<16xf32>,
      %lt3A_304 = arith.constant 62 : i32
      %lt3A_305 = arith.cmpi slt, %add3A_186, %lt3A_304 : i32
      %convert_element_type3A_306 = arith.extui %lt3A_305 : i1 to i32
      %cond3A_307 = arith.constant 0 : i32
      %cond3A_308 = arith.cmpi ne, %convert_element_type3A_306, %cond3A_307 : i32
      scf.if %cond3A_308 {
        %add3A_310 = arith.constant 2 : i32
        %add3A_311 = arith.addi %add3A_186, %add3A_310 : i32
        %mul3A_312 = arith.constant 2 : i32
        %mul3A_313 = arith.muli %add3A_311, %mul3A_312 : i32
        %mul3A_314 = arith.constant 64 : i32
        %mul3A_315 = arith.muli %mul3A_313, %mul3A_314 : i32
        %dma_start3A_316 = arith.constant 1 : i32
        %dma_start3A_317 = arith.constant 0 : i32
        %dma_start3A_318 = arith.constant 0 : i32
        %dma_start3A_319 = tpu.memref_slice %arg17[%dma_start3A_316, %dma_start3A_317, %dma_start3A_318] : memref<2x128x128xf32, #tpu.memory_space<vmem>> -> memref<1x128x128xf32, #tpu.memory_space<vmem>>
        %dma_start3A_320 = tpu.memref_squeeze %dma_start3A_319 : memref<1x128x128xf32, #tpu.memory_space<vmem>> -> memref<128x128xf32, #tpu.memory_space<vmem>>
        %dma_start3A_321 = tpu.memref_slice %arg13[%mul3A_315] : memref<8192xi32, #tpu.memory_space<vmem>> -> memref<128xi32, #tpu.memory_space<vmem>>
        %dma_start3A_322 = arith.constant 0 : i32
        %dma_start3A_323 = arith.constant 0 : i32
        %dma_start3A_324 = tpu.memref_slice %arg2[%dma_start3A_322, %dma_start3A_323] : memref<1000000x128xf32, #tpu.memory_space<hbm>> -> memref<1000000x128xf32, #tpu.memory_space<hbm>>
        tpu.enqueue_indirect_dma source(%dma_start3A_324 : memref<1000000x128xf32, #tpu.memory_space<hbm>>) target(%dma_start3A_320 : memref<128x128xf32, #tpu.memory_space<vmem>>) offsets(%dma_start3A_321 : memref<128xi32, #tpu.memory_space<vmem>>) semaphore(%arg22 : memref<!tpu.dma_semaphore, #tpu.memory_space<semaphore_mem>>)
      } else {
      }
      %scan3A_309 = arith.constant 0 : i32
      scf.yield %scan3A_309 : i32
    }
    %scan3A_59 = arith.constant 32 : i32
    "tpu.region"() ({
      %run_scoped3A = tpu.sem_alloc : memref<!tpu.dma_semaphore, #tpu.memory_space<semaphore_mem>>
      %dma_start3A_60 = tpu.memref_slice %arg8[%mul3A_2] : memref<4096xf32, #tpu.memory_space<hbm>> -> memref<128xf32, #tpu.memory_space<hbm>>
      %dma_start3A_61 = tpu.memref_slice %arg8[%mul3A_2] : memref<4096xf32, #tpu.memory_space<hbm>> -> memref<128xf32, #tpu.memory_space<hbm>>
      tpu.enqueue_dma source(%arg18 : memref<128xf32, #tpu.memory_space<vmem>>) target(%dma_start3A_61 : memref<128xf32, #tpu.memory_space<hbm>>) target_semaphore(%run_scoped3A : memref<!tpu.dma_semaphore, #tpu.memory_space<semaphore_mem>>)
      %dma_wait3A_62 = tpu.memref_slice %arg8[%mul3A_2] : memref<4096xf32, #tpu.memory_space<hbm>> -> memref<128xf32, #tpu.memory_space<hbm>>
      %dma_wait3A_63 = tpu.memref_slice %arg8[%mul3A_2] : memref<4096xf32, #tpu.memory_space<hbm>> -> memref<128xf32, #tpu.memory_space<hbm>>
      tpu.wait_dma2 semaphore(%run_scoped3A : memref<!tpu.dma_semaphore, #tpu.memory_space<semaphore_mem>>) src(%arg18 : memref<128xf32, #tpu.memory_space<vmem>>) dst(%dma_wait3A_63 : memref<128xf32, #tpu.memory_space<hbm>>)
      tpu.yield
    }) : () -> ()
    "tpu.region"() ({
      %run_scoped3A = tpu.sem_alloc : memref<!tpu.dma_semaphore, #tpu.memory_space<semaphore_mem>>
      %dma_start3A_60 = arith.constant 0 : i32
      %dma_start3A_61 = tpu.memref_slice %arg9[%mul3A_2, %dma_start3A_60] : memref<4096x64xf32, #tpu.memory_space<hbm>> -> memref<128x64xf32, #tpu.memory_space<hbm>>
      %dma_start3A_62 = arith.constant 0 : i32
      %dma_start3A_63 = tpu.memref_slice %arg9[%mul3A_2, %dma_start3A_62] : memref<4096x64xf32, #tpu.memory_space<hbm>> -> memref<128x64xf32, #tpu.memory_space<hbm>>
      tpu.enqueue_dma source(%arg19 : memref<128x64xf32, #tpu.memory_space<vmem>>) target(%dma_start3A_63 : memref<128x64xf32, #tpu.memory_space<hbm>>) target_semaphore(%run_scoped3A : memref<!tpu.dma_semaphore, #tpu.memory_space<semaphore_mem>>)
      %dma_wait3A_64 = arith.constant 0 : i32
      %dma_wait3A_65 = tpu.memref_slice %arg9[%mul3A_2, %dma_wait3A_64] : memref<4096x64xf32, #tpu.memory_space<hbm>> -> memref<128x64xf32, #tpu.memory_space<hbm>>
      %dma_wait3A_66 = arith.constant 0 : i32
      %dma_wait3A_67 = tpu.memref_slice %arg9[%mul3A_2, %dma_wait3A_66] : memref<4096x64xf32, #tpu.memory_space<hbm>> -> memref<128x64xf32, #tpu.memory_space<hbm>>
      tpu.wait_dma2 semaphore(%run_scoped3A : memref<!tpu.dma_semaphore, #tpu.memory_space<semaphore_mem>>) src(%arg19 : memref<128x64xf32, #tpu.memory_space<vmem>>) dst(%dma_wait3A_67 : memref<128x64xf32, #tpu.memory_space<hbm>>)
      tpu.yield
    }) : () -> ()
    return
  }
}

</mosaic_0001>

<sc_bundles>
// kernel: kernel.3.cloned.1.call-start
scs
__scs_entry_jumppad:
0x0: {  	(pc) =	sbr.rel $0x88, $3  }
0x1: {  	(tag) =	ssettag $0x0;
	lr =	simm.s32 $0x1  }
0x2: {  	[smem:$0x3F9A] =	sst lr;
	_ =	strace $0xD0000000  }
0x3: {  	_ = 	snop  }
0x4: {  	_ = 	snop  }
0x5: {  	_ = 	snop  }
0x6: {  	_ = 	snop  }
0x7: {  	_ = 	snop  }
__scs_overlays_trampoline_lowered:
0x8: {  	[smem:$0x3FA9] =	sst s0  }
0x9: {  	[smem:$0x3FAA] =	sst s1  }
0xa: {  	[smem:$0x3FAB] =	sst s2  }
0xb: {  	[smem:$0x3FAC] =	sst s3  }
0xc: {  	[smem:$0x3FAD] =	sst s4  }
0xd: {  	[smem:$0x3FAE] =	sst s5  }
0xe: {  	[smem:$0x3FAF] =	sst s6  }
0xf: {  	[smem:$0x3FB0] =	sst s7  }
0x10: {  	[smem:$0x3FB1] =	sst s8  }
0x11: {  	[smem:$0x3FB2] =	sst s9;
	s0 =	simm.s32 @!p0 $0x0  }
0x12: {  	s1 =	sld [smem:$0x3F98];
	s0 =	simm.s32 @p0 $0x1  }
0x13: {  	[smem:$0x3FB3] =	sst s0;
	s0 =	simm.s32 @!p1 $0x0  }
0x14: {  	s2 =	sld [smem:$0x3F97];
	s0 =	simm.s32 @p1 $0x1  }
0x15: {  	[smem:$0x3FB4] =	sst s0;
	s0 =	simm.s32 @!p2 $0x0  }
0x16: {  	s3 =	sld [smem:$0x3FDB];
	s0 =	simm.s32 @p2 $0x1  }
0x17: {  	s4 =	simm.s32 $0x1BF5;
	[smem:$0x3FB6] =	sst s0  }
0x18: {  	s0 =	sld [smem:$0x3F99];
	_ =	swait.ge [sflag:s4], $0x0  }
0x19: {  	s7 =	sld [smem:$0x3F9A]  }
0x1a: {  	s8 =	sadd.s32 $0xFFFFE003, lr  }
0x1b: {  	s9 =	sadd.s32 $0xFFFFFEF7, lr;
	s5 =	simm.s32 $0xFFFFFFFF;
	p2 =	slt.u32 s8, $0xFFFFF086  }
0x1c: {  	p1 =	slt.u32 s9, $0xF7A;
	s5 =	simm.s32 @!p2 $0x0  }
0x1d: {  	s5 =	simm.s32 @p1 $0x1;
	p0 =	seq.s32 s7, s2  }
0x1e: {  	s7 =	smul.u32 @!p0 $0xF7A, s2;
	p2 =	seq.s32 @!p0 s5, $0x0  }
0x1f: {  	s9 =	smul.u32 $0xF7A, s1;
	s8 =	simm.s32 @!p0 $0x1BF5;
	p2 =	por !p2, p0  }
0x20: {  	[sflag:s8] =	ssyncset.s32 @!p0 $0xFFFFF086;
	s6 =	sadd.s32 @!p0 s3, s7;
	s7 =	simm.s32 @!p0 $0x108  }
0x21: {  	s3 =	sadd.s32 s3, s9;
	s6 =	sadd.s32 @!p0 $0x88, s6;
	s7 =	simm.s32 @p2 $0x1082  }
0x22: {  	[simem:s7], [sflag:s8] =	dma.local @!p0 [hbm:s6], $0xF7A  }
0x23: {  	s9 =	sor.u32 $0xD0000000, s2;
	s6 =	simm.s32 $0x108;
	_ =	swait.ge @!p0 [sflag:s8], $0x0  }
0x24: {  	s3 =	sadd.s32 $0x88, s3;
	s6 =	simm.s32 @!p1 $0x1082;
	[sflag:s4] =	ssyncset.s32 $0xFFFFF086  }
0x25: {  	[simem:s6], [sflag:s4] =	dma.local [hbm:s3], $0xF7A  }
0x26: {  	[smem:$0x3F9A] =	sst s1;
	(tag) =	ssettag s2;
	_ =	strace s9  }
0x27: {  	s1 =	sld [smem:$0x3FAA]  }
0x28: {  	s2 =	sld [smem:$0x3FAB]  }
0x29: {  	s4 =	sld [smem:$0x3FAD]  }
0x2a: {  	p0 =	seq.s32 s5, $0x0;
	s5 =	sld [smem:$0x3FAE]  }
0x2b: {  	s6 =	sld [smem:$0x3FAF]  }
0x2c: {  	s7 =	sld [smem:$0x3FB0]  }
0x2d: {  	s3 =	simm.s32 $0x108;
	s8 =	sld [smem:$0x3FB1]  }
0x2e: {  	s3 =	simm.s32 @!p0 $0x1082;
	s9 =	sld [smem:$0x3FB2]  }
0x2f: {  	lr =	sadd.s32 s0, s3;
	s0 =	sld [smem:$0x3FA9]  }
0x30: {  	s3 =	sld [smem:$0x3FAC]  }
0x31: {  	[smem:$0x3FB5] =	sst s10  }
0x32: {  	s10 =	sld [smem:$0x3FB3];
	_ =	sdelay $0x3  }
0x33: {  	p0 =	seq.s32 s10, $0x1;
	s10 =	sld [smem:$0x3FB5];
	_ =	sdelay $0x3  }
0x34: {  	[smem:$0x3FB5] =	sst s10  }
0x35: {  	s10 =	sld [smem:$0x3FB4];
	_ =	sdelay $0x3  }
0x36: {  	p1 =	seq.s32 s10, $0x1;
	s10 =	sld [smem:$0x3FB5];
	_ =	sdelay $0x3  }
0x37: {  	[smem:$0x3FB5] =	sst s10  }
0x38: {  	s10 =	sld [smem:$0x3FB6]  }
0x39: {  	_ = 	snop;
	(pc) =	sbr.ind lr, $3  }
0x3a: {  	_ = 	snop  }
0x3b: {  	_ = 	snop  }
0x3c: {  	p2 =	seq.s32 s10, $0x1;
	s10 =	sld [smem:$0x3FB5]  }
0x3d: {  	_ =	shalt  }
0x3e: {  	_ =	shalt  }
0x3f: {  	_ =	shalt  }
0x40: {  	_ =	shalt  }
0x41: {  	_ =	shalt  }
0x42: {  	_ =	shalt  }
0x43: {  	_ =	shalt  }
0x44: {  	_ =	shalt  }
0x45: {  	_ =	shalt  }
0x46: {  	_ =	shalt  }
0x47: {  	_ =	shalt  }
0x48: {  	_ =	shalt  }
0x49: {  	_ =	shalt  }
0x4a: {  	_ =	shalt  }
0x4b: {  	_ =	shalt  }
0x4c: {  	_ =	shalt  }
0x4d: {  	_ =	shalt  }
0x4e: {  	_ =	shalt  }
0x4f: {  	_ =	shalt  }
0x50: {  	_ =	shalt  }
0x51: {  	_ =	shalt  }
0x52: {  	_ =	shalt  }
0x53: {  	_ =	shalt  }
0x54: {  	_ =	shalt  }
0x55: {  	_ =	shalt  }
0x56: {  	_ =	shalt  }
0x57: {  	_ =	shalt  }
0x58: {  	_ =	shalt  }
0x59: {  	_ =	shalt  }
0x5a: {  	_ =	shalt  }
0x5b: {  	_ =	shalt  }
0x5c: {  	_ =	shalt  }
0x5d: {  	_ =	shalt  }
0x5e: {  	_ =	shalt  }
0x5f: {  	_ =	shalt  }
0x60: {  	_ =	shalt  }
0x61: {  	_ =	shalt  }
0x62: {  	_ =	shalt  }
0x63: {  	_ =	shalt  }
0x64: {  	_ =	shalt  }
0x65: {  	_ =	shalt  }
0x66: {  	_ =	shalt  }
0x67: {  	_ =	shalt  }
0x68: {  	_ =	shalt  }
0x69: {  	_ =	shalt  }
0x6a: {  	_ =	shalt  }
0x6b: {  	_ =	shalt  }
0x6c: {  	_ =	shalt  }
0x6d: {  	_ =	shalt  }
0x6e: {  	_ =	shalt  }
0x6f: {  	_ =	shalt  }
0x70: {  	_ =	shalt  }
0x71: {  	_ =	shalt  }
0x72: {  	_ =	shalt  }
0x73: {  	_ =	shalt  }
0x74: {  	_ =	shalt  }
0x75: {  	_ =	shalt  }
0x76: {  	_ =	shalt  }
0x77: {  	_ =	shalt  }
0x78: {  	_ =	shalt  }
0x79: {  	_ =	shalt  }
0x7a: {  	_ =	shalt  }
0x7b: {  	_ =	shalt  }
0x7c: {  	_ =	shalt  }
0x7d: {  	_ =	shalt  }
0x7e: {  	_ =	shalt  }
0x7f: {  	_ =	shalt  }
0x80: {  	_ =	shalt  }
0x81: {  	_ =	shalt  }
0x82: {  	_ =	shalt  }
0x83: {  	_ =	shalt  }
0x84: {  	_ =	shalt  }
0x85: {  	_ =	shalt  }
0x86: {  	_ =	shalt  }
0x87: {  	_ =	shalt  }
.Lfunc_end0:
.L_simem_size_0:
called_computation.1_lowered:
.L_overlay_start_0:
0x88: {  	s2 =	sld [smem:$0x3FD9]  }
0x89: {  	s3 =	sld [smem:$0x3FFE];
	_ =	sdelay $0x1  }
0x8a: {  	s1 =	srdreg.scid  }
0x8b: {  	s0 =	sand.u32 $0x1, s1  }
0x8c: {  	s14 =	sshll.u32 s0, $0xA;
	s2 =	sadd.s32 s3, s2  }
0x8d: {  	s2 =	sadd.s32 s2, s14  }
0x8e: {  	[smem:$0x3FC1] =	sst s2  }
0x8f: {  	_ = 	snop  }
0x90: {  	s2 =	sld [smem:$0x3FD0]  }
0x91: {  	s15 =	sld [smem:$0x3FC9]  }
0x92: {  	s4 =	sld [smem:$0x3FC8]  }
0x93: {  	s6 =	simm.s32 $0xA;
	s7 =	simm.s32 $0x10;
	s5 =	sld [smem:$0x3FC7]  }
0x94: {  	[smem:s7], [sflag:s6] =	dma.local [hbm:s2], $0x1  }
0x95: {  	_ =	swait.eq [sflag:s6], $0x1  }
0x96: {  	[sflag:s6] =	ssyncset.done $0x0  }
0x97: {  	s16 =	sld [smem:$0x10];
	[sflag:s6] =	ssyncadd.s32 $0xFFFFFFFF  }
0x98: {  	s17 =	sld [smem:$0x11];
	(tm) =	ssettm $0x1  }
0x99: {  	s18 =	sld [smem:$0x3FFB];
	_ =	sdelay $0x3  }
0x9a: {  	_ =	strace s18  }
0x9b: {  	s7 =	sld [smem:$0x3FFC];
	_ =	sdelay $0x3  }
0x9c: {  	_ =	strace s7  }
0x9d: {  	s7 =	sld [smem:$0x3FFD];
	_ =	sdelay $0x3  }
0x9e: {  	_ =	strace s7  }
0x9f: {  	_ =	strace $0x8FFFFFFF  }
0xa0: {  	s19 =	sld [smem:$0x3FDB];
	_ =	sdelay $0x1  }
0xa1: {  	s8 =	simm.s32 $_scs_section_size  }
0xa2: {  	s9 =	simm.s32 $_size__tile_overlayer_lowered;
	s10 =	simm.s32 $_tile_overlayer_lowered  }
0xa3: {  	s22 =	simm.s32 $0x1BFF;
	s21 =	sshll.u32 s10, $0x1;
	s7 =	sadd.s32 s8, s19  }
0xa4: {  	s11 =	simm.s32 $0x0;
	s20 =	sshll.u32 s9, $0x1;
	s9 =	sadd.s32 s21, s7  }
0xa5: {  	[timem:s11], [sflag:s22] =	dma.local [hbm:s9], s20  }
0xa6: {  	_ =	swait.ge [sflag:s22], s20  }
0xa7: {  	s8 =	ssub.s32 $0x0, s20;
	[sflag:s22] =	ssyncset.done $0x0  }
0xa8: {  	[sflag:s22] =	ssyncadd.s32 s8;
	_ =	sdelay $0x1  }
0xa9: {  	s23 =	simm.s32 $0x1B8B  }
0xaa: {  	_ =	swait.ge [sflag:s23], $0x1  }
0xab: {  	[sflag:s23] =	ssyncset.done $0x0  }
0xac: {  	s25 =	simm.s32 $0x1B8E;
	s24 =	sld [smem:$0x3FFE];
	[sflag:s23] =	ssyncadd.s32 $0xFFFFFFFF  }
0xad: {  	s26 =	simm.s32 $execute0_lowered;
	[smem:$0x3FD2] =	sst s25  }
0xae: {  	s9 =	sshll.u32 s26, $0x1;
	_ =	strace $0x80000049;
	[dreg:$0x1] =	wrdreg $0xFFFFFFFF  }
0xaf: {  	s28 =	simm.s32 $_size_execute0_lowered;
	s7 =	sadd.s32 s7, s9;
	[dreg:$0x0] =	wrdreg $0x0  }
0xb0: {  	s9 =	sshll.u32 s28, $0x1;
	[dreg:$0x2] =	wrdreg s7  }
0xb1: {  	[dreg:$0x3] =	wrdreg s9  }
0xb2: {  	[dreg:$0x4] =	wrdreg $0xC0  }
0xb3: {  	_ =	task [dreg:s11], $0x5FFFF  }
0xb4: {  	[dreg:$0x1] =	wrdreg $0xFFFFFFFF  }
0xb5: {  	[dreg:$0x0] =	wrdreg $0x60  }
0xb6: {  	[dreg:$0x2] =	wrdreg s24  }
0xb7: {  	[dreg:$0x3] =	wrdreg s15  }
0xb8: {  	[dreg:$0x4] =	wrdreg s5  }
0xb9: {  	[dreg:$0x5] =	wrdreg s4  }
0xba: {  	[dreg:$0x6] =	wrdreg s17  }
0xbb: {  	[dreg:$0x7] =	wrdreg s16  }
0xbc: {  	[dreg:$0x8] =	wrdreg $0x9  }
0xbd: {  	_ =	task.clear_ibuf [dreg:s11], $0x9FFFF;
	_ =	strace $0x90000049  }
0xbe: {  	s29 =	simm.s32 $0x9;
	_ =	strace $0x8000004B  }
0xbf: {  	_ =	swait.ge [sflag:s29], $0x1  }
0xc0: {  	[sflag:s29] =	ssyncadd.s32 $0xFFFFFFFF  }
0xc1: {  	_ =	strace $0x9000004B  }
0xc2: {  	_ =	sfence  }
0xc3: {  	s30 =	sld [smem:$0x0];
	_ =	sdelay $0x2  }
0xc4: {  	s31 =	sshll.u32 s1, $0xD;
	s1 =	sshrl.u32 s1, $0x2  }
0xc5: {  	s3 =	sand.u32 $0x4000, s31;
	s1 =	sadd.s32 s1, s30  }
0xc6: {  	s0 =	sor.u32 s3, s0;
	s1 =	sshll.u32 s1, $0x11  }
0xc7: {  	s0 =	sor.u32 s1, s0  }
0xc8: {  	s0 =	sadd.s32 $0x8F2B, s0  }
0xc9: {  	[sflag:s0] =	ssyncadd.remote.s32 $0x1  }
0xca: {  	_ =	sfence.sel $0xFFFF  }
0xcb: {  	[dreg:$0x0] =	wrdreg $0xFFFFFFFF;
	(pc) =	sbr.abs _section_cstart, $3  }
0xcc: {  	[dreg:$0x1] =	wrdreg $0xFFFFFFFF  }
0xcd: {  	_ =	task.clear_ibuf [dreg:s11], $0x2FFFF;
	_ =	strace $0x9FFFFFFF  }
0xce: {  	(tm) =	ssettm $0x7FFFFFFF  }
0xcf: {  	_ =	shalt  }
tec
execute0_lowered:
.L_overlay_start_1:
0x0: {  	(tag) =	ssettag $0x1  }
0x1: {  	s0 =	rddreg [dreg:$0x0]  }
0x2: {  	s1 =	rddreg [dreg:$0x1]  }
0x3: {  	s6 =	rddreg [dreg:$0x2]  }
0x4: {  	s7 =	rddreg [dreg:$0x3]  }
0x5: {  	s8 =	rddreg [dreg:$0x4]  }
0x6: {  	s9 =	rddreg [dreg:$0x5];
	s2 =	simm.s32 $0x0;
	s3 =	srdreg.scid  }
0x7: {  	s4 =	stileid.u32;
	s13 =	simm.s32 $0x80;
	s15 =	simm.s32 $0x180  }
0x8: {  	s16 =	simm.s32 $0xE180;
	s18 =	simm.s32 $0x12180;
	s19 =	simm.s32 $0x2180  }
0x9: {  	s20 =	simm.s32 $0x6180;
	s22 =	simm.s32 $0x1;
	s23 =	simm.s32 $0x2  }
0xa: {  	s24 =	simm.s32 $0x3;
	s28 =	simm.s32 $0x0;
	[smem:$0x7FF] =	sst s2  }
0xb: {  	s5 =	sand.u32 $0x1, s3;
	s4 =	sshll.u32 s4, $0x1;
	s3 =	sadd.s32 $0xF43800, s0  }
0xc: {  	_ =	strace $0x8000004A;
	s10 =	sor.u32 s5, s4;
	s4 =	sadd.s32 $0x1E85C00, s0  }
.Ltmp0:
0xd: {  	v61 =	vlaneseq.u32;
	s5 =	ssub.s32 $0x2, s5;
	s11 =	sshll.u32 s10, $0xA;
	(pc) =	sbr.rel .LBB2_1-.Ltmp0, $4  }
0xe: {  	v47 =	vand.u32 $0x7, v61;
	v59 =	vmul.u32 $0x80, v61;
	s12 =	sshrl.u32 s5, $0x1;
	s10 =	sshll.u32 s10, $0x4;
	s0 =	sadd.s32 s11, s0  }
0xf: {  	[tilespmem:$0x1FFD0] =	vst v47;
	s12 =	ssub.s32 s5, s12;
	s5 =	sadd.s32 s1, s10;
	s6 =	sadd.s32 s6, s10  }
0x10: {  	v48 =	vor.u32 $0x40, v47;
	[tilespmem:$0x1FFE0] =	vst v59;
	s7 =	sadd.s32 s7, s10;
	s8 =	sadd.s32 s8, s11;
	s9 =	sadd.s32 s9, s10  }
0x11: {  	[tilespmem:$0x1FFF0] =	vst v48;
	s10 =	sadd.s32 $0x1000, s0;
	s11 =	smax.u32 s12, $0x1;
	s12 =	simm.s32 $0x4  }
.LBB2_18:
0x12: {  	s0 =	simm.s32 $0x16180  }
0x13: {  	[hbm4b:s9+s2] =	stream.linear.scatter [tilespmem:s0], [sflag:$0x4], $0x80, $0x38;
	[tilespmem:$0x18200] =	vst v63  }
0x14: {  	s28 =	sadd.s32 $0x1, s28;
	_ =	swait.ge [sflag:s12], $0x80  }
0x15: {  	p0 =	sne.s32 s28, s11;
	[sflag:s12] =	ssyncset.done $0x0  }
.Ltmp1:
0x16: {  	s31 =	simm.s32 $0x16200;
	[sflag:s12] =	ssyncadd.s32 $0xFFFFFF80;
	(pc) =	sbr.rel @!p0 .LBB2_19-.Ltmp1, $4  }
0x17: {  	[hbm4b:s10+s2] =	stream.linear.scatter [tilespmem:s31], [sflag:$0x4], $0x2000, $0x38;
	[tilespmem:$0x18200] =	vst v63  }
0x18: {  	_ =	swait.ge [sflag:s12], $0x2000  }
0x19: {  	[sflag:s12] =	ssyncset.done $0x0;
	v47 =	vld [tilespmem:$0x1FFD0]  }
0x1a: {  	v48 =	vld [tilespmem:$0x1FFF0];
	[sflag:s12] =	ssyncadd.s32 $0xFFFFE000  }
.LBB2_1:
0x1b: {  	[tilespmem:s2], [sflag:$0x4] =	stream.linear.gather [hbm4b:s5+s2], $0x80, $0x38;
	[tilespmem:$0x18200] =	vst v63  }
0x1c: {  	_ =	swait.ge [sflag:s12], $0x80  }
0x1d: {  	[sflag:s12] =	ssyncset.done $0x0  }
0x1e: {  	[sflag:s12] =	ssyncadd.s32 $0xFFFFFF80  }
0x1f: {  	[tilespmem:s13], [sflag:$0x4] =	stream.linear.gather [hbm4b:s6+s2], $0x80, $0x38;
	[tilespmem:$0x18200] =	vst v63  }
0x20: {  	_ =	swait.ge [sflag:s12], $0x80  }
0x21: {  	[sflag:s12] =	ssyncset.done $0x0  }
0x22: {  	s0 =	simm.s32 $0x100;
	[sflag:s12] =	ssyncadd.s32 $0xFFFFFF80  }
0x23: {  	[tilespmem:s0], [sflag:$0x4] =	stream.linear.gather [hbm4b:s7+s2], $0x80, $0x38;
	[tilespmem:$0x18200] =	vst v63  }
0x24: {  	_ =	swait.ge [sflag:s12], $0x80  }
0x25: {  	[sflag:s12] =	ssyncset.done $0x0  }
0x26: {  	[sflag:s12] =	ssyncadd.s32 $0xFFFFFF80  }
0x27: {  	[tilespmem:s15], [sflag:$0x4] =	stream.linear.gather [hbm4b:s8+s2], $0x2000, $0x38;
	[tilespmem:$0x18200] =	vst v63  }
0x28: {  	_ =	swait.ge [sflag:s12], $0x2000  }
0x29: {  	[sflag:s12] =	ssyncset.done $0x0  }
0x2a: {  	[sflag:s12] =	ssyncadd.s32 $0xFFFFE000  }
0x2b: {  	[tilespmem:s16], [sflag:$0x2] =	stream.indirect.gather [hbm4b:s3+s13], $0x80, s15, s13, $0xb8;
	[tilespmem:$0x18200] =	vst v63  }
0x2c: {  	s1 =	simm.s32 $0x200  }
0x2d: {  	[tilespmem:s18], [sflag:$0x3] =	stream.indirect.gather [hbm4b:s3+s13], $0x80, s1, s13, $0xb8;
	[tilespmem:$0x18200] =	vst v63  }
0x2e: {  	_ = 	snop  }
0x2f: {  	[tilespmem:s19], [sflag:$0x1] =	stream.indirect.gather [hbm4b:s3+s13], $0x80, s2, s13, $0xb8;
	[tilespmem:$0x18200] =	vst v63  }
0x30: {  	_ = 	snop  }
0x31: {  	[tilespmem:s20], [sflag:$0x1] =	stream.indirect.gather [hbm4b:s3+s13], $0x80, s13, s13, $0xb8;
	[tilespmem:$0x18200] =	vst v63  }
0x32: {  	s31 =	simm.s32 $0xA180  }
0x33: {  	[tilespmem:s31], [sflag:$0x1] =	stream.indirect.gather [hbm4b:s4+s13], $0x80, s0, s13, $0xb8;
	[tilespmem:$0x18200] =	vst v63  }
0x34: {  	_ =	swait.ge [sflag:s22], $0x4000  }
0x35: {  	[sflag:s22] =	ssyncset.done $0x0  }
0x36: {  	[sflag:s22] =	ssyncadd.s32 $0xFFFFC000  }
0x37: {  	_ =	swait.ge [sflag:s22], $0x4000  }
0x38: {  	[sflag:s22] =	ssyncset.done $0x0  }
0x39: {  	[sflag:s22] =	ssyncadd.s32 $0xFFFFC000  }
0x3a: {  	_ =	swait.ge [sflag:s22], $0x4000  }
0x3b: {  	[sflag:s22] =	ssyncset.done $0x0  }
0x3c: {  	s1 =	simm.s32 $0x0;
	[sflag:s22] =	ssyncadd.s32 $0xFFFFC000  }
0x3d: {  	v1 =	vld [tilespmem:s1+$0xA180]  }
0x3e: {  	v0 =	vld [tilespmem:s1+$0xA1B0];
	_ =	sdelay $0x1  }
0x3f: {  	v4 =	vld [tilespmem:s1+$0xA1A0];
	_ =	sdelay $0x1  }
0x40: {  	v2 =	vmul.f32 v1, v1  }
0x41: {  	v22 =	vmul.f32 v0, v0  }
0x42: {  	v6 =	vmul.f32 $2.053424450e-08, v2  }
0x43: {  	v3 =	vmul.f32 v4, v4;
	v5 =	vmul.f32 $2.053424450e-08, v22  }
0x44: {  	v6 =	vsub.f32 $2.704051210e-06, v6  }
0x45: {  	v7 =	vmul.f32 $2.219412920e-07, v3;
	v8 =	vmul.f32 $2.219412920e-07, v2;
	v5 =	vsub.f32 $2.704051210e-06, v5  }
0x46: {  	v6 =	vmul.f32 v6, v2  }
0x47: {  	v7 =	vsub.f32 $2.425322960e-05, v7;
	v9 =	vsub.f32 $2.425322960e-05, v8;
	v5 =	vmul.f32 v5, v22  }
0x48: {  	v10 =	vmul.f32 $2.219412920e-07, v22;
	v11 =	vmul.f32 $2.053424450e-08, v3;
	v6 =	vadd.f32 $-1.981257520e-04, v6  }
0x49: {  	v7 =	vmul.f32 v7, v3;
	v9 =	vmul.f32 v9, v2;
	v5 =	vadd.f32 $-1.981257520e-04, v5  }
0x4a: {  	v10 =	vsub.f32 $2.425322960e-05, v10;
	v11 =	vsub.f32 $2.704051210e-06, v11;
	v6 =	vmul.f32 v6, v2  }
0x4b: {  	v8 =	vld [tilespmem:s1+$0xA190];
	v7 =	vadd.f32 $-1.386275050e-03, v7;
	v9 =	vadd.f32 $-1.386275050e-03, v9;
	v5 =	vmul.f32 v5, v22  }
0x4c: {  	v11 =	vmul.f32 v11, v3;
	v10 =	vmul.f32 v10, v22;
	v6 =	vadd.f32 $8.332557980e-03, v6  }
0x4d: {  	v7 =	vmul.f32 v7, v3;
	v9 =	vmul.f32 v9, v2;
	v5 =	vadd.f32 $8.332557980e-03, v5  }
0x4e: {  	v11 =	vadd.f32 $-1.981257520e-04, v11;
	v10 =	vadd.f32 $-1.386275050e-03, v10;
	v6 =	vmul.f32 v6, v2  }
0x4f: {  	v7 =	vadd.f32 $4.166103530e-02, v7;
	v9 =	vadd.f32 $4.166103530e-02, v9;
	v5 =	vmul.f32 v5, v22  }
0x50: {  	v26 =	vmul.f32 v8, v8;
	v10 =	vmul.f32 v10, v22;
	v6 =	vadd.f32 $-1.666657780e-01, v6  }
0x51: {  	v7 =	vmul.f32 v7, v3;
	v9 =	vmul.f32 v9, v2;
	v5 =	vadd.f32 $-1.666657780e-01, v5  }
0x52: {  	v12 =	vmul.f32 $2.053424450e-08, v26;
	v10 =	vadd.f32 $4.166103530e-02, v10;
	v6 =	vmul.f32 v6, v2  }
0x53: {  	s17 =	simm.s32 $0x80;
	v16 =	vld [tilespmem:s1+$0x2180];
	v7 =	vadd.f32 $-4.999955890e-01, v7;
	v9 =	vadd.f32 $-4.999955890e-01, v9;
	v5 =	vmul.f32 v5, v22  }
0x54: {  	v20 =	vld [tilespmem:s17+$0xA1B0];
	v12 =	vsub.f32 $2.704051210e-06, v12;
	v10 =	vmul.f32 v10, v22;
	v6 =	vadd.f32 $9.999997010e-01, v6  }
0x55: {  	v14 =	vld [tilespmem:s1+$0x21C0];
	v7 =	vmul.f32 v7, v3;
	v2 =	vmul.f32 v9, v2;
	v5 =	vadd.f32 $9.999997010e-01, v5  }
0x56: {  	v1 =	vmul.f32 v6, v1;
	v6 =	vmul.f32 v12, v26  }
0x57: {  	v0 =	vmul.f32 v5, v0;
	v5 =	vld [tilespmem:s17+$0xA1A0];
	v12 =	vadd.f32 $9.999994630e-01, v7;
	v7 =	vmul.f32 v11, v3  }
0x58: {  	v27 =	vld [tilespmem:s17+$0xA180];
	v2 =	vadd.f32 $9.999994630e-01, v2;
	v11 =	vmul.f32 v1, v16;
	v13 =	vadd.f32 $-1.981257520e-04, v6  }
0x59: {  	v9 =	vadd.f32 $8.332557980e-03, v7;
	v7 =	vmul.f32 $2.219412920e-07, v26;
	v6 =	vmul.f32 v20, v20  }
0x5a: {  	v1 =	vmul.f32 v1, v14;
	v14 =	vmul.f32 v2, v14  }
0x5b: {  	v2 =	vmul.f32 v2, v16;
	v19 =	vmul.f32 v13, v26  }
0x5c: {  	v17 =	vsub.f32 $2.425322960e-05, v7;
	v18 =	vmul.f32 $2.053424450e-08, v6;
	v7 =	vmul.f32 v5, v5  }
0x5d: {  	v13 =	vmul.f32 v27, v27;
	v9 =	vmul.f32 v9, v3  }
0x5e: {  	v11 =	vadd.f32 v11, v14;
	v25 =	vmul.f32 $2.219412920e-07, v6;
	v21 =	vmul.f32 $2.219412920e-07, v7  }
0x5f: {  	v15 =	vld [tilespmem:s1+$0x21F0];
	v1 =	vsub.f32 v2, v1;
	v18 =	vsub.f32 $2.704051210e-06, v18;
	v14 =	vmul.f32 $2.053424450e-08, v13  }
0x60: {  	v17 =	vmul.f32 v17, v26;
	v23 =	vmul.f32 $2.219412920e-07, v13;
	v21 =	vsub.f32 $2.425322960e-05, v21  }
0x61: {  	v28 =	vadd.f32 $-1.666657780e-01, v9;
	v18 =	vmul.f32 v18, v6;
	v24 =	vsub.f32 $2.704051210e-06, v14  }
0x62: {  	v30 =	vsub.f32 $2.425322960e-05, v25;
	v25 =	vadd.f32 $8.332557980e-03, v19;
	v21 =	vmul.f32 v21, v7  }
0x63: {  	v19 =	vmul.f32 $2.053424450e-08, v7;
	v18 =	vadd.f32 $-1.981257520e-04, v18;
	v24 =	vmul.f32 v24, v13  }
0x64: {  	v17 =	vadd.f32 $-1.386275050e-03, v17;
	v14 =	vmul.f32 v0, v15;
	v21 =	vadd.f32 $-1.386275050e-03, v21  }
0x65: {  	v9 =	vld [tilespmem:s17+$0xA190];
	[tilespmem:s1+$0x21C0] =	vst v11;
	v3 =	vmul.f32 v28, v3;
	v18 =	vmul.f32 v18, v6;
	v11 =	vadd.f32 $-1.981257520e-04, v24  }
0x66: {  	v23 =	vsub.f32 $2.425322960e-05, v23;
	v32 =	vmul.f32 v25, v26;
	v16 =	vmul.f32 v21, v7  }
0x67: {  	v29 =	vmul.f32 v17, v26;
	v17 =	vld [tilespmem:s1+$0x21A0];
	v11 =	vmul.f32 v11, v13;
	v21 =	vadd.f32 $8.332557980e-03, v18  }
0x68: {  	v30 =	vmul.f32 v30, v6;
	v24 =	vmul.f32 v23, v13;
	v18 =	vld [tilespmem:s1+$0x21E0];
	v16 =	vadd.f32 $4.166103530e-02, v16  }
0x69: {  	v23 =	vadd.f32 $4.166103530e-02, v29;
	v11 =	vadd.f32 $8.332557980e-03, v11;
	v21 =	vmul.f32 v21, v6  }
0x6a: {  	v30 =	vadd.f32 $-1.386275050e-03, v30;
	v29 =	vadd.f32 $-4.999955890e-01, v10;
	v10 =	vmul.f32 v16, v7  }
0x6b: {  	v31 =	vmul.f32 v23, v26;
	v11 =	vmul.f32 v11, v13;
	v16 =	vadd.f32 $-1.666657780e-01, v21  }
0x6c: {  	v21 =	vsub.f32 $2.704051210e-06, v19;
	v19 =	vmul.f32 v12, v17;
	v10 =	vadd.f32 $-4.999955890e-01, v10  }
0x6d: {  	v28 =	vmul.f32 v16, v6;
	v16 =	vmul.f32 v12, v18;
	v12 =	vadd.f32 $-1.666657780e-01, v11  }
0x6e: {  	v62 =	vadd.f32 $-1.386275050e-03, v24;
	v21 =	vmul.f32 v21, v7;
	v10 =	vmul.f32 v10, v7  }
0x6f: {  	v25 =	vld [tilespmem:s1+$0x21B0];
	v22 =	vmul.f32 v29, v22;
	v28 =	vadd.f32 $9.999997010e-01, v28;
	v23 =	vmul.f32 v12, v13  }
0x70: {  	v11 =	vmul.f32 v9, v9;
	v21 =	vadd.f32 $-1.981257520e-04, v21;
	v12 =	vadd.f32 $9.999994630e-01, v10  }
0x71: {  	v10 =	vmul.f32 v28, v20;
	v2 =	vadd.f32 $9.999997010e-01, v23;
	v28 =	vadd.f32 $-1.666657780e-01, v32;
	v23 =	vld [tilespmem:s17+$0x21C0];
	[tilespmem:s1+$0x2180] =	vst v1  }
0x72: {  	v24 =	vadd.f32 $9.999997010e-01, v3;
	v29 =	vmul.f32 v62, v13;
	v21 =	vmul.f32 v21, v7;
	v20 =	vld [tilespmem:s17+$0x2180]  }
0x73: {  	v1 =	vadd.f32 $-4.999955890e-01, v31;
	v33 =	vmul.f32 v28, v26;
	v28 =	vmul.f32 $2.053424450e-08, v11  }
0x74: {  	v0 =	vmul.f32 v0, v25;
	v31 =	vadd.f32 $4.166103530e-02, v29;
	v21 =	vadd.f32 $8.332557980e-03, v21  }
0x75: {  	v63 =	vmul.f32 v1, v26;
	v3 =	vmul.f32 v2, v27;
	v1 =	vld [tilespmem:s1+$0x2190];
	v2 =	vsub.f32 $2.704051210e-06, v28  }
0x76: {  	v26 =	vmul.f32 v30, v6;
	v28 =	vadd.f32 $9.999994630e-01, v22;
	v30 =	vadd.f32 $9.999997010e-01, v33  }
0x77: {  	s21 =	simm.s32 $0x400;
	v29 =	vld [tilespmem:s1+$0x21D0];
	v27 =	vmul.f32 v3, v20;
	v22 =	vmul.f32 v2, v11;
	v2 =	vadd.f32 $9.999994630e-01, v63  }
.LBB2_2:
0x78: {  	s0 =	sshra.s32 s21, $0x2;
	p0 =	sne.s32 s21, $0xFE00;
	s21 =	sadd.s32 $0x200, s21;
	v31 =	vmul.f32 v31, v13;
	v32 =	vmul.f32 v24, v4;
	v4 =	vmov v5  }
0x79: {  	v30 =	vmul.f32 v30, v8;
	v15 =	vmul.f32 v28, v15;
	v8 =	vmovc v9;
	v24 =	vld [tilespmem:s0+$0xA1B0];
	v33 =	vadd.f32 $-1.981257520e-04, v22  }
0x7a: {  	v3 =	vmul.f32 v3, v23;
	v5 =	vld [tilespmem:s0+$0xA1A0];
	v31 =	vadd.f32 $-4.999955890e-01, v31;
	v34 =	vmul.f32 v2, v1  }
0x7b: {  	v35 =	vmul.f32 $2.219412920e-07, v11;
	v0 =	vadd.f32 v0, v15;
	v22 =	vld [tilespmem:s0+$0xA180];
	v33 =	vmul.f32 v33, v11  }
0x7c: {  	v9 =	vld [tilespmem:s0+$0xA190];
	v13 =	vmul.f32 v31, v13;
	v15 =	vmul.f32 v30, v29  }
0x7d: {  	v31 =	vsub.f32 $2.425322960e-05, v35;
	v35 =	vmul.f32 v32, v17;
	v17 =	vmul.f32 v28, v25;
	[tilespmem:s1+$0x21F0] =	vst v0  }
0x7e: {  	v1 =	vmul.f32 v30, v1;
	v0 =	vmul.f32 v24, v24;
	v25 =	vadd.f32 $9.999994630e-01, v13  }
0x7f: {  	v2 =	vmul.f32 v2, v29;
	v30 =	vsub.f32 v34, v15;
	v28 =	vmul.f32 v5, v5  }
0x80: {  	v14 =	vsub.f32 v17, v14;
	v13 =	vmul.f32 v22, v22;
	v23 =	vmul.f32 v25, v23;
	v15 =	vld [tilespmem:s17+$0x21F0]  }
0x81: {  	v26 =	vadd.f32 $4.166103530e-02, v26;
	v18 =	vmul.f32 v32, v18;
	v17 =	vmul.f32 $2.053424450e-08, v0;
	[tilespmem:s1+$0x2190] =	vst v30  }
0x82: {  	v29 =	vmul.f32 $2.219412920e-07, v28;
	v23 =	vadd.f32 v27, v23;
	v27 =	vmul.f32 v31, v11;
	[tilespmem:s1+$0x21B0] =	vst v14  }
0x83: {  	v18 =	vsub.f32 v19, v18;
	v14 =	vmul.f32 $2.053424450e-08, v13;
	v17 =	vsub.f32 $2.704051210e-06, v17  }
0x84: {  	v21 =	vmul.f32 v21, v7;
	v19 =	vmul.f32 $2.219412920e-07, v13;
	[tilespmem:s17+$0x21C0] =	vst v23;
	v23 =	vadd.f32 $-1.386275050e-03, v27  }
0x85: {  	v1 =	vadd.f32 v1, v2;
	v27 =	vsub.f32 $2.425322960e-05, v29;
	v17 =	vmul.f32 v17, v0;
	[tilespmem:s1+$0x21A0] =	vst v18  }
0x86: {  	v2 =	vsub.f32 $2.704051210e-06, v14;
	v18 =	vmul.f32 $2.219412920e-07, v0;
	v14 =	vmul.f32 v10, v15  }
0x87: {  	v21 =	vadd.f32 $-1.666657780e-01, v21;
	v27 =	vmul.f32 v27, v28;
	v29 =	vadd.f32 $-1.981257520e-04, v17;
	[tilespmem:s1+$0x21D0] =	vst v1  }
0x88: {  	v1 =	vmul.f32 v2, v13;
	v2 =	vsub.f32 $2.425322960e-05, v19;
	v19 =	vmul.f32 v23, v11;
	v17 =	vld [tilespmem:s17+$0x21A0]  }
0x89: {  	v16 =	vadd.f32 v35, v16;
	v23 =	vadd.f32 $-1.386275050e-03, v27;
	v27 =	vmul.f32 v29, v0  }
0x8a: {  	v20 =	vmul.f32 v25, v20;
	v1 =	vadd.f32 $-1.981257520e-04, v1;
	v2 =	vmul.f32 v2, v13  }
0x8b: {  	v26 =	vmul.f32 v26, v6;
	v23 =	vmul.f32 v23, v28;
	v25 =	vadd.f32 $8.332557980e-03, v27;
	[tilespmem:s1+$0x21E0] =	vst v16;
	s1 =	smov.u32 s17;
	s17 =	smov.u32 s0  }
0x8c: {  	v29 =	vadd.f32 $4.166103530e-02, v19;
	v27 =	vsub.f32 $2.425322960e-05, v18;
	v1 =	vmul.f32 v1, v13;
	v18 =	vld [tilespmem:s1+$0x21E0]  }
0x8d: {  	v16 =	vadd.f32 $4.166103530e-02, v23;
	v19 =	vmul.f32 v25, v0;
	v23 =	vadd.f32 $8.332557980e-03, v33  }
0x8e: {  	v26 =	vadd.f32 $-4.999955890e-01, v26;
	v25 =	vmul.f32 $2.053424450e-08, v28;
	v1 =	vadd.f32 $8.332557980e-03, v1  }
0x8f: {  	v31 =	vmul.f32 v21, v7;
	v7 =	vmovc v28;
	v16 =	vmul.f32 v16, v28;
	v30 =	vadd.f32 $-1.666657780e-01, v19  }
0x90: {  	v21 =	vsub.f32 $2.704051210e-06, v25;
	v19 =	vmul.f32 v12, v17;
	v1 =	vmul.f32 v1, v13  }
0x91: {  	v25 =	vadd.f32 $-4.999955890e-01, v16;
	v28 =	vmul.f32 v30, v0;
	v16 =	vmul.f32 v12, v18  }
0x92: {  	v30 =	vmul.f32 v9, v9;
	v1 =	vadd.f32 $-1.666657780e-01, v1;
	v12 =	vmul.f32 v21, v7  }
0x93: {  	v29 =	vmul.f32 v29, v11;
	v21 =	vmul.f32 v25, v7;
	v28 =	vadd.f32 $9.999997010e-01, v28  }
0x94: {  	v23 =	vmul.f32 v23, v11;
	v1 =	vmul.f32 v1, v13;
	v32 =	vadd.f32 $-1.981257520e-04, v12;
	v25 =	vld [tilespmem:s1+$0x21B0]  }
0x95: {  	v3 =	vsub.f32 v20, v3;
	v12 =	vadd.f32 $9.999994630e-01, v21;
	v28 =	vmul.f32 v28, v24  }
0x96: {  	v24 =	vadd.f32 $-1.666657780e-01, v23;
	v1 =	vadd.f32 $9.999997010e-01, v1;
	v21 =	vmul.f32 v32, v7  }
0x97: {  	v2 =	vadd.f32 $-1.386275050e-03, v2;
	v27 =	vmul.f32 v27, v0;
	v23 =	vld [tilespmem:s17+$0x21C0];
	[tilespmem:s1+$0x2180] =	vst v3;
	v3 =	vadd.f32 $-4.999955890e-01, v29  }
0x98: {  	v26 =	vmul.f32 v26, v6;
	v6 =	vmovc v0;
	v21 =	vadd.f32 $8.332557980e-03, v21;
	v29 =	vmul.f32 v24, v11;
	v20 =	vld [tilespmem:s17+$0x2180]  }
.Ltmp2:
0x99: {  	v32 =	vmul.f32 $2.053424450e-08, v30;
	v24 =	vadd.f32 $9.999997010e-01, v31;
	v0 =	vmul.f32 v10, v25;
	v10 =	vmovc v28;
	(pc) =	sbr.rel @p0 .LBB2_2-.Ltmp2, $4  }
0x9a: {  	v2 =	vmul.f32 v2, v13;
	v27 =	vadd.f32 $-1.386275050e-03, v27;
	v33 =	vmul.f32 v3, v11;
	v11 =	vmovc v30  }
0x9b: {  	v3 =	vmul.f32 v1, v22;
	v22 =	vsub.f32 $2.704051210e-06, v32;
	v28 =	vadd.f32 $9.999994630e-01, v26;
	v1 =	vld [tilespmem:s1+$0x2190]  }
0x9c: {  	v31 =	vadd.f32 $4.166103530e-02, v2;
	v26 =	vmul.f32 v27, v6;
	v30 =	vadd.f32 $9.999997010e-01, v29  }
0x9d: {  	s0 =	simm.s32 $0x0;
	v22 =	vmul.f32 v22, v11;
	v2 =	vadd.f32 $9.999994630e-01, v33;
	v27 =	vmul.f32 v3, v20;
	v29 =	vld [tilespmem:s1+$0x21D0]  }
0x9e: {  	v31 =	vmul.f32 v31, v13;
	_ =	sdelay $0x1  }
0x9f: {  	v8 =	vmul.f32 v30, v8;
	v15 =	vmul.f32 v28, v15;
	v31 =	vadd.f32 $-4.999955890e-01, v31  }
0xa0: {  	v62 =	vmul.f32 $2.219412920e-07, v11;
	v4 =	vmul.f32 v24, v4  }
0xa1: {  	v28 =	vmul.f32 v28, v25;
	v43 =	vadd.f32 $4.166103530e-02, v26;
	v58 =	vmul.f32 v31, v13  }
0xa2: {  	v22 =	vadd.f32 $-1.981257520e-04, v22;
	v60 =	vmul.f32 v2, v1;
	v34 =	vmul.f32 v8, v1  }
0xa3: {  	v18 =	vmul.f32 v4, v18;
	v31 =	vsub.f32 $2.425322960e-05, v62;
	v13 =	vadd.f32 $9.999994630e-01, v58  }
0xa4: {  	v0 =	vadd.f32 v0, v15;
	v4 =	vmul.f32 v4, v17;
	v63 =	vmul.f32 v8, v29  }
0xa5: {  	v14 =	vsub.f32 v28, v14;
	v38 =	vmul.f32 v31, v11;
	v33 =	vmul.f32 v13, v23  }
0xa6: {  	v22 =	vmul.f32 v22, v11;
	[tilespmem:s1+$0x21F0] =	vst v0;
	v39 =	vsub.f32 v19, v18;
	v32 =	vsub.f32 v60, v63  }
0xa7: {  	v36 =	vmul.f32 v2, v29;
	v35 =	vld [tilespmem:s17+$0x21F0];
	[tilespmem:s1+$0x21B0] =	vst v14;
	v40 =	vadd.f32 $-1.386275050e-03, v38;
	v37 =	vadd.f32 v27, v33  }
0xa8: {  	v45 =	vmul.f32 v21, v7;
	v41 =	vadd.f32 v4, v16;
	v42 =	vadd.f32 $8.332557980e-03, v22;
	[tilespmem:s1+$0x2190] =	vst v32  }
0xa9: {  	v4 =	vmul.f32 v43, v6;
	v1 =	vadd.f32 v34, v36;
	v0 =	vmul.f32 v40, v11;
	[tilespmem:s17+$0x21C0] =	vst v37  }
0xaa: {  	v2 =	vadd.f32 $-1.666657780e-01, v45;
	v44 =	vmul.f32 v42, v11;
	[tilespmem:s1+$0x21A0] =	vst v39  }
0xab: {  	v4 =	vadd.f32 $-4.999955890e-01, v4;
	v0 =	vadd.f32 $4.166103530e-02, v0;
	[tilespmem:s1+$0x21D0] =	vst v1  }
0xac: {  	v2 =	vmul.f32 v2, v7;
	v1 =	vadd.f32 $-1.666657780e-01, v44;
	v14 =	vld [tilespmem:s17+$0x21A0];
	[tilespmem:s1+$0x21E0] =	vst v41  }
0xad: {  	v4 =	vmul.f32 v4, v6;
	v0 =	vmul.f32 v0, v11;
	v49 =	vld [tilespmem:s17+$0x21B0]  }
0xae: {  	v3 =	vmul.f32 v3, v23;
	v2 =	vadd.f32 $9.999997010e-01, v2;
	v1 =	vmul.f32 v1, v11  }
0xaf: {  	v13 =	vmul.f32 v13, v20;
	v4 =	vadd.f32 $9.999994630e-01, v4;
	v46 =	vld [tilespmem:s17+$0x21E0];
	v0 =	vadd.f32 $-4.999955890e-01, v0  }
0xb0: {  	v2 =	vmul.f32 v2, v5;
	v8 =	vmul.f32 v10, v35;
	v50 =	vld [tilespmem:s17+$0x2190];
	v1 =	vadd.f32 $9.999997010e-01, v1  }
0xb1: {  	v53 =	vmul.f32 v4, v35;
	v51 =	vld [tilespmem:s17+$0x21D0];
	v0 =	vmul.f32 v0, v11  }
0xb2: {  	v1 =	vmul.f32 v1, v9;
	v52 =	vmul.f32 v10, v49  }
0xb3: {  	v3 =	vsub.f32 v13, v3;
	v56 =	vmul.f32 v12, v14;
	v4 =	vmul.f32 v4, v49  }
0xb4: {  	v0 =	vadd.f32 $9.999994630e-01, v0;
	v57 =	vmul.f32 v2, v46;
	v5 =	vadd.f32 v52, v53  }
0xb5: {  	[tilespmem:s17+$0x2180] =	vst v3;
	v60 =	vmul.f32 v12, v46;
	v2 =	vmul.f32 v2, v14;
	v58 =	vsub.f32 v4, v8  }
0xb6: {  	v55 =	vmul.f32 v1, v51;
	v54 =	vmul.f32 v0, v50;
	v62 =	vsub.f32 v56, v57;
	[tilespmem:s17+$0x21F0] =	vst v5  }
0xb7: {  	v1 =	vmul.f32 v1, v50;
	v0 =	vmul.f32 v0, v51;
	v63 =	vadd.f32 v2, v60;
	[tilespmem:s17+$0x21B0] =	vst v58  }
0xb8: {  	v9 =	vsub.f32 v54, v55;
	[tilespmem:s17+$0x21A0] =	vst v62  }
0xb9: {  	v0 =	vadd.f32 v1, v0;
	[tilespmem:s17+$0x21E0] =	vst v63  }
0xba: {  	[tilespmem:s17+$0x2190] =	vst v9  }
0xbb: {  	s1 =	simm.s32 $0x0;
	[tilespmem:s17+$0x21D0] =	vst v0  }
.LBB2_4:
0xbc: {  	s29 =	sshll.u32 s1, $0x4  }
0xbd: {  	s14 =	simm.s32 $0x3;
	v0 =	vmov s29  }
0xbe: {  	v6 =	vadd.s32 s14, v61;
	v0 =	vshll.u32 v0, $0x7  }
0xbf: {  	s25 =	simm.s32 $0x4;
	v7 =	vand.u32 $0x3F, v6;
	v4 =	vor.u32 v59, v0  }
0xc0: {  	v15 =	vadd.s32 s25, v61;
	v7 =	vor.u32 v4, v7  }
0xc1: {  	v17 =	vand.u32 $0x3F, v15  }
0xc2: {  	s17 =	simm.s32 $0x1;
	v17 =	vor.u32 v4, v17  }
0xc3: {  	v0 =	vadd.s32 s17, v61;
	v5 =	vor.u32 $0x40, v4  }
0xc4: {  	s31 =	simm.s32 $0x2;
	v1 =	vor.u32 v0, v5  }
0xc5: {  	v2 =	vadd.s32 s31, v61;
	v14 =	vld.idx.msk [tilespmem:v7+s19+$0x0], $0xffff  }
0xc6: {  	v3 =	vor.u32 v2, v5;
	v16 =	vld.idx.msk [tilespmem:v7+s20+$0x0], $0xffff  }
0xc7: {  	s21 =	simm.s32 $0x5;
	v9 =	vor.u32 v6, v5;
	v26 =	vld.idx.msk [tilespmem:v17+s20+$0x0], $0xffff  }
0xc8: {  	v11 =	vadd.s32 s21, v61;
	s31 =	simm.s32 $0x6;
	v17 =	vld.idx.msk [tilespmem:v17+s19+$0x0], $0xffff  }
0xc9: {  	v24 =	vadd.s32 s31, v61;
	v13 =	vor.u32 v11, v5;
	v8 =	vld.idx.msk [tilespmem:v1+s19+$0x0], $0xffff  }
0xca: {  	v25 =	vor.u32 v24, v5;
	v1 =	vld.idx.msk [tilespmem:v1+s20+$0x0], $0xffff  }
0xcb: {  	v10 =	vld.idx.msk [tilespmem:v3+s20+$0x0], $0xffff  }
0xcc: {  	v0 =	vand.u32 $0x3F, v0;
	v15 =	vor.u32 v15, v5;
	v18 =	vld.idx.msk [tilespmem:v9+s20+$0x0], $0xffff  }
0xcd: {  	v0 =	vor.u32 v4, v0;
	v3 =	vld.idx.msk [tilespmem:v3+s19+$0x0], $0xffff  }
0xce: {  	v2 =	vand.u32 $0x3F, v2;
	v22 =	vld.idx.msk [tilespmem:v13+s19+$0x0], $0xffff  }
0xcf: {  	v2 =	vor.u32 v4, v2;
	v30 =	vld.idx.msk [tilespmem:v25+s20+$0x0], $0xffff  }
0xd0: {  	s26 =	simm.s32 $0x7;
	v24 =	vand.u32 $0x3F, v24;
	v7 =	vadd.s32 s0, v61;
	v13 =	vld.idx.msk [tilespmem:v13+s20+$0x0], $0xffff  }
0xd1: {  	v24 =	vor.u32 v4, v24;
	v19 =	vand.u32 $0x38, v7;
	v7 =	vadd.s32 s26, v61;
	v60 =	vld.idx.msk [tilespmem:v15+s20+$0x0], $0xffff  }
0xd2: {  	v12 =	vld.idx.msk [tilespmem:v0+s20+$0x0], $0xffff;
	v21 =	vor.u32 v7, v5  }
0xd3: {  	v0 =	vld.idx.msk [tilespmem:v0+s19+$0x0], $0xffff;
	v7 =	vand.u32 $0x3F, v7  }
0xd4: {  	v23 =	vld.idx.msk [tilespmem:v2+s20+$0x0], $0xffff;
	v7 =	vor.u32 v4, v7  }
0xd5: {  	v2 =	vld.idx.msk [tilespmem:v2+s19+$0x0], $0xffff  }
0xd6: {  	v6 =	vor.u32 v47, v4;
	v32 =	vld.idx.msk [tilespmem:v24+s19+$0x0], $0xffff  }
0xd7: {  	v20 =	vor.u32 v19, v6;
	v28 =	vld.idx.msk [tilespmem:v21+s19+$0x0], $0xffff  }
0xd8: {  	v21 =	vld.idx.msk [tilespmem:v21+s20+$0x0], $0xffff  }
0xd9: {  	v29 =	vld.idx.msk [tilespmem:v7+s20+$0x0], $0xffff  }
0xda: {  	v1 =	vsub.f32 v8, v1;
	v31 =	vld.idx.msk [tilespmem:v7+s19+$0x0], $0xffff;
	v7 =	vor.u32 v48, v4  }
0xdb: {  	v3 =	vsub.f32 v3, v10;
	v10 =	vld.idx.msk [tilespmem:v9+s19+$0x0], $0xffff;
	v2 =	vsub.f32 v2, v23;
	v8 =	vor.u32 v7, v19  }
0xdc: {  	v11 =	vand.u32 $0x3F, v11;
	v27 =	vld.idx.msk [tilespmem:v20+s20+$0x0], $0xffff;
	v0 =	vsub.f32 v0, v12  }
0xdd: {  	v12 =	vld.idx.msk [tilespmem:v20+s19+$0x0], $0xffff;
	v3 =	vmul.f32 v3, v3;
	v19 =	vor.u32 v4, v11;
	v2 =	vmul.f32 v2, v2  }
0xde: {  	v14 =	vsub.f32 v14, v16;
	v20 =	vld.idx.msk [tilespmem:v24+s20+$0x0], $0xffff;
	v1 =	vmul.f32 v1, v1;
	v0 =	vmul.f32 v0, v0  }
0xdf: {  	v2 =	vadd.f32 v3, v2;
	v3 =	vld.idx.msk [tilespmem:v25+s19+$0x0], $0xffff;
	v9 =	vsub.f32 v28, v21  }
0xe0: {  	v0 =	vadd.f32 v1, v0;
	v10 =	vsub.f32 v10, v18;
	v23 =	vld.idx.msk [tilespmem:v8+s20+$0x0], $0xffff  }
0xe1: {  	v62 =	vmul.f32 v14, v14;
	v16 =	vmul.f32 v9, v9;
	v9 =	vadd.f32 $9.999999960e-13, v2;
	v2 =	vld.idx.msk [tilespmem:v8+s19+$0x0], $0xffff  }
0xe2: {  	v11 =	vsub.f32 v31, v29;
	v10 =	vmul.f32 v10, v10;
	v8 =	vadd.f32 $9.999999960e-13, v0;
	v0 =	vld.idx.msk [tilespmem:v19+s20+$0x0], $0xffff  }
0xe3: {  	v18 =	vld.idx.msk [tilespmem:v19+s19+$0x0], $0xffff;
	v19 =	vsub.f32 v22, v13  }
0xe4: {  	v15 =	vld.idx.msk [tilespmem:v15+s19+$0x0], $0xffff;
	v1 =	vmul.f32 v11, v11;
	v11 =	vimm.f32 $0.0e+00;
	v10 =	vadd.f32 v10, v62  }
0xe5: {  	v63 =	vmul.f32 $5.000000000e-01, v9;
	v14 =	vshra.s32 v8, $0x1;
	v3 =	vsub.f32 v3, v30  }
0xe6: {  	v13 =	vmul.f32 $5.000000000e-01, v8;
	v21 =	vadd.f32 v16, v1;
	v1 =	vsub.f32 v12, v27  }
0xe7: {  	v12 =	vsub.f32 v32, v20;
	v16 =	vsub.f32 v17, v26;
	v14 =	vsub.s32 $0x5F3759DF, v14  }
0xe8: {  	v17 =	vshra.s32 v9, $0x1;
	v22 =	vmul.f32 v14, v13;
	v13 =	vadd.f32 $9.999999960e-13, v10  }
0xe9: {  	v20 =	vmul.f32 v19, v19;
	v10 =	vsub.f32 v15, v60;
	v2 =	vsub.f32 v2, v23  }
0xea: {  	v23 =	vmul.f32 v16, v16;
	v16 =	vsub.s32 $0x5F3759DF, v17;
	v1 =	vmul.f32 v1, v1  }
0xeb: {  	v0 =	vsub.f32 v18, v0;
	v17 =	vmul.f32 v16, v63;
	v2 =	vmul.f32 v2, v2  }
0xec: {  	v15 =	vmul.f32 v3, v3;
	v3 =	vshra.s32 v13, $0x1;
	v10 =	vmul.f32 v10, v10  }
0xed: {  	v0 =	vmul.f32 v0, v0;
	v18 =	vmul.f32 v16, v17;
	v19 =	vadd.f32 v2, v1  }
0xee: {  	v17 =	vsub.s32 $0x5F3759DF, v3;
	v3 =	vmul.f32 v14, v22;
	v2 =	vadd.f32 v10, v23  }
0xef: {  	s30 =	simm.s32 $0x8;
	v1 =	vmul.f32 $5.000000000e-01, v13;
	v22 =	vsub.f32 $1.500000000e+00, v18;
	v19 =	vadd.f32 $9.999999960e-13, v19  }
.LBB2_5:
0xf0: {  	s25 =	sadd.s32 $0x1, s30  }
0xf1: {  	s31 =	sadd.s32 $0x2, s30;
	v3 =	vsub.f32 $1.500000000e+00, v3;
	v1 =	vmul.f32 v17, v1;
	v10 =	vadd.f32 $9.999999960e-13, v21;
	s21 =	smov.u32 s30;
	s17 =	sadd.s32 $0x8, s30  }
0xf2: {  	p0 =	slt.u32 s30, $0x38;
	v2 =	vadd.f32 $9.999999960e-13, v2;
	v18 =	vadd.s32 s25, v61;
	v21 =	vadd.s32 s31, v61  }
0xf3: {  	v25 =	vshra.s32 v19, $0x1;
	v23 =	vand.u32 $0x3F, v18;
	v24 =	vor.u32 v18, v5  }
0xf4: {  	s25 =	sadd.s32 $0x3, s21;
	s30 =	sadd.s32 $0x4, s21;
	v26 =	vand.u32 $0x3F, v21;
	v27 =	vshra.s32 v2, $0x1;
	v23 =	vor.u32 v4, v23  }
0xf5: {  	v21 =	vor.u32 v21, v5;
	v28 =	vadd.s32 s25, v61;
	v29 =	vmul.f32 $5.000000000e-01, v2  }
0xf6: {  	v18 =	vadd.s32 s21, v61;
	v1 =	vmul.f32 v17, v1;
	v30 =	vand.u32 $0x3F, v28  }
0xf7: {  	v31 =	vshra.s32 v10, $0x1;
	v18 =	vand.u32 $0x38, v18;
	v30 =	vor.u32 v4, v30  }
0xf8: {  	v0 =	vadd.f32 v20, v0;
	v32 =	vor.u32 v18, v6;
	v18 =	vor.u32 v7, v18;
	v33 =	vld.idx.msk [tilespmem:v24+s19+$0x0], $0xffff  }
0xf9: {  	v34 =	vadd.s32 s30, v61;
	s25 =	sadd.s32 $0x5, s21;
	v28 =	vor.u32 v28, v5;
	v24 =	vld.idx.msk [tilespmem:v24+s20+$0x0], $0xffff  }
0xfa: {  	v36 =	vmul.f32 $5.000000000e-01, v19;
	v26 =	vor.u32 v4, v26;
	v20 =	vadd.s32 s25, v61;
	v35 =	vld.idx.msk [tilespmem:v21+s20+$0x0], $0xffff  }
0xfb: {  	s25 =	sadd.s32 $0x6, s21;
	v27 =	vsub.s32 $0x5F3759DF, v27;
	v38 =	vand.u32 $0x3F, v20;
	v39 =	vor.u32 v20, v5;
	v37 =	vld.idx.msk [tilespmem:v23+s20+$0x0], $0xffff  }
0xfc: {  	v0 =	vadd.f32 $9.999999960e-13, v0;
	v41 =	vadd.s32 s25, v61;
	v38 =	vor.u32 v4, v38;
	v40 =	vld.idx.msk [tilespmem:v30+s19+$0x0], $0xffff  }
0xfd: {  	v25 =	vsub.s32 $0x5F3759DF, v25;
	v42 =	vand.u32 $0x3F, v34;
	v43 =	vand.u32 $0x3F, v41;
	v30 =	vld.idx.msk [tilespmem:v30+s20+$0x0], $0xffff  }
0xfe: {  	v36 =	vmul.f32 v25, v36;
	v42 =	vor.u32 v4, v42;
	v43 =	vor.u32 v4, v43;
	v20 =	vld.idx.msk [tilespmem:v28+s20+$0x0], $0xffff  }
0xff: {  	v34 =	vor.u32 v34, v5;
	v29 =	vmul.f32 v27, v29;
	v41 =	vor.u32 v41, v5;
	v21 =	vld.idx.msk [tilespmem:v21+s19+$0x0], $0xffff  }
0x100: {  	v16 =	vmul.f32 v16, v22;
	s21 =	sadd.s32 $0x7, s21;
	v1 =	vsub.f32 $1.500000000e+00, v1;
	v36 =	vmul.f32 v25, v36;
	v44 =	vld.idx.msk [tilespmem:v39+s19+$0x0], $0xffff  }
0x101: {  	v12 =	vmul.f32 v12, v12;
	v3 =	vmul.f32 v14, v3;
	v22 =	vld.idx.msk [tilespmem:v23+s19+$0x0], $0xffff;
	v23 =	vadd.s32 s21, v61  }
0x102: {  	v36 =	vsub.f32 $1.500000000e+00, v36;
	v14 =	vld.idx.msk [tilespmem:v26+s20+$0x0], $0xffff;
	v45 =	vand.u32 $0x3F, v23;
	v23 =	vor.u32 v23, v5  }
0x103: {  	v9 =	vmul.f32 v16, v9;
	v16 =	vmul.f32 v27, v29;
	v26 =	vld.idx.msk [tilespmem:v26+s19+$0x0], $0xffff;
	v45 =	vor.u32 v4, v45  }
0x104: {  	v1 =	vmul.f32 v17, v1;
	v17 =	vshra.s32 v0, $0x1;
	v25 =	vmul.f32 v25, v36;
	v29 =	vld.idx.msk [tilespmem:v34+s20+$0x0], $0xffff  }
0x105: {  	v12 =	vadd.f32 v15, v12;
	v46 =	vmul.f32 $5.000000000e-01, v0;
	v16 =	vsub.f32 $1.500000000e+00, v16;
	v36 =	vld.idx.msk [tilespmem:v42+s20+$0x0], $0xffff  }
0x106: {  	v1 =	vmul.f32 v1, v13;
	v13 =	vsub.s32 $0x5F3759DF, v17;
	v19 =	vmul.f32 v25, v19;
	v15 =	vld.idx.msk [tilespmem:v32+s20+$0x0], $0xffff  }
0x107: {  	v25 =	vmul.f32 v13, v46;
	v17 =	vsub.f32 v22, v37;
	v37 =	vadd.f32 $9.999999960e-13, v12;
	v22 =	vld.idx.msk [tilespmem:v23+s19+$0x0], $0xffff  }
0x108: {  	v3 =	vmul.f32 v3, v8;
	v11 =	vadd.f32 v19, v11;
	v12 =	vld.idx.msk [tilespmem:v23+s20+$0x0], $0xffff  }
0x109: {  	v16 =	vmul.f32 v27, v16;
	v8 =	vsub.f32 v33, v24;
	v23 =	vshra.s32 v37, $0x1;
	v19 =	vld.idx.msk [tilespmem:v45+s20+$0x0], $0xffff  }
0x10a: {  	v25 =	vmul.f32 v13, v25;
	v14 =	vsub.f32 v26, v14;
	v23 =	vsub.s32 $0x5F3759DF, v23;
	v24 =	vld.idx.msk [tilespmem:v41+s20+$0x0], $0xffff  }
0x10b: {  	v8 =	vmul.f32 v8, v8;
	v3 =	vadd.f32 v3, v11;
	v11 =	vmul.f32 $5.000000000e-01, v37;
	v26 =	vld.idx.msk [tilespmem:v45+s19+$0x0], $0xffff  }
0x10c: {  	v2 =	vmul.f32 v16, v2;
	v16 =	vmul.f32 $5.000000000e-01, v10;
	v21 =	vsub.f32 v21, v35;
	v27 =	vld.idx.msk [tilespmem:v43+s19+$0x0], $0xffff  }
0x10d: {  	v31 =	vsub.s32 $0x5F3759DF, v31;
	v3 =	vadd.f32 v9, v3;
	v14 =	vmul.f32 v14, v14;
	v33 =	vld.idx.msk [tilespmem:v39+s20+$0x0], $0xffff  }
0x10e: {  	v9 =	vmul.f32 v21, v21;
	v21 =	vsub.f32 v40, v30;
	v11 =	vmul.f32 v23, v11;
	v30 =	vld.idx.msk [tilespmem:v38+s20+$0x0], $0xffff  }
0x10f: {  	v16 =	vmul.f32 v31, v16;
	v12 =	vsub.f32 v22, v12;
	v22 =	vsub.f32 $1.500000000e+00, v25;
	v28 =	vld.idx.msk [tilespmem:v28+s19+$0x0], $0xffff  }
0x110: {  	v17 =	vmul.f32 v17, v17;
	v9 =	vadd.f32 v9, v14;
	v25 =	vld.idx.msk [tilespmem:v32+s19+$0x0], $0xffff  }
0x111: {  	v12 =	vmul.f32 v12, v12;
	v32 =	vmul.f32 v21, v21;
	v19 =	vsub.f32 v26, v19;
	v14 =	vld.idx.msk [tilespmem:v43+s20+$0x0], $0xffff  }
0x112: {  	v8 =	vadd.f32 v8, v17;
	v11 =	vmul.f32 v23, v11;
	v13 =	vmul.f32 v13, v22;
	v17 =	vld.idx.msk [tilespmem:v42+s19+$0x0], $0xffff  }
0x113: {  	v1 =	vadd.f32 v1, v3;
	v9 =	vadd.f32 $9.999999960e-13, v9;
	v19 =	vmul.f32 v19, v19;
	v22 =	vld.idx.msk [tilespmem:v41+s19+$0x0], $0xffff  }
0x114: {  	v11 =	vsub.f32 $1.500000000e+00, v11;
	v0 =	vmul.f32 v13, v0;
	v13 =	vmul.f32 v31, v16;
	v3 =	vld.idx.msk [tilespmem:v38+s19+$0x0], $0xffff  }
0x115: {  	v8 =	vadd.f32 $9.999999960e-13, v8;
	v21 =	vadd.f32 v12, v19;
	v16 =	vld.idx.msk [tilespmem:v18+s20+$0x0], $0xffff  }
0x116: {  	v11 =	vmul.f32 v23, v11;
	v13 =	vsub.f32 $1.500000000e+00, v13;
	v15 =	vsub.f32 v25, v15;
	v18 =	vld.idx.msk [tilespmem:v18+s19+$0x0], $0xffff  }
0x117: {  	v1 =	vadd.f32 v2, v1;
	v19 =	vmul.f32 $5.000000000e-01, v9;
	v12 =	vsub.f32 v27, v14  }
0x118: {  	v2 =	vshra.s32 v8, $0x1;
	v11 =	vmul.f32 v11, v37;
	v17 =	vsub.f32 v17, v36  }
0x119: {  	v23 =	vshra.s32 v9, $0x1;
	v20 =	vsub.f32 v28, v20;
	v13 =	vmul.f32 v31, v13;
	v25 =	vld.idx.msk [tilespmem:v34+s19+$0x0], $0xffff  }
0x11a: {  	v26 =	vmul.f32 $5.000000000e-01, v8;
	v27 =	vsub.f32 v44, v33;
	v22 =	vsub.f32 v22, v24  }
0x11b: {  	v14 =	vsub.s32 $0x5F3759DF, v2;
	v2 =	vmul.f32 v20, v20;
	v24 =	vmul.f32 v17, v17  }
0x11c: {  	v10 =	vmul.f32 v13, v10;
	v17 =	vsub.f32 v18, v16;
	v16 =	vsub.s32 $0x5F3759DF, v23  }
0x11d: {  	v0 =	vadd.f32 v0, v1;
	v2 =	vadd.f32 v2, v32;
	v18 =	vmul.f32 v14, v26  }
0x11e: {  	v20 =	vmul.f32 v27, v27;
	v23 =	vsub.f32 v3, v30;
	v1 =	vmul.f32 v17, v17  }
0x11f: {  	v13 =	vadd.f32 $9.999999960e-13, v2;
	v3 =	vmul.f32 v16, v19;
	v2 =	vsub.f32 v25, v29  }
.Ltmp3:
0x120: {  	v11 =	vadd.f32 v11, v0;
	v17 =	vmul.f32 v15, v15;
	v15 =	vmul.f32 v22, v22;
	(pc) =	sbr.rel @p0 .LBB2_5-.Ltmp3, $4  }
0x121: {  	v0 =	vmul.f32 v16, v3;
	v3 =	vshra.s32 v13, $0x1;
	v2 =	vmul.f32 v2, v2  }
0x122: {  	v19 =	vadd.f32 v1, v17;
	v17 =	vsub.s32 $0x5F3759DF, v3;
	v1 =	vmul.f32 $5.000000000e-01, v13  }
0x123: {  	v3 =	vmul.f32 v14, v18;
	v22 =	vsub.f32 $1.500000000e+00, v0;
	v2 =	vadd.f32 v2, v24  }
0x124: {  	s30 =	smov.u32 s17;
	v11 =	vadd.f32 v10, v11;
	v0 =	vmul.f32 v23, v23;
	v19 =	vadd.f32 $9.999999960e-13, v19  }
0x125: {  	_ = 	snop  }
0x126: {  	v4 =	vshra.s32 v19, $0x1;
	v5 =	vmul.f32 $5.000000000e-01, v19  }
0x127: {  	v2 =	vadd.f32 $9.999999960e-13, v2;
	v1 =	vmul.f32 v17, v1;
	v4 =	vsub.s32 $0x5F3759DF, v4  }
0x128: {  	v3 =	vsub.f32 $1.500000000e+00, v3;
	v16 =	vmul.f32 v16, v22;
	v5 =	vmul.f32 v4, v5  }
0x129: {  	v6 =	vadd.f32 $9.999999960e-13, v21;
	v12 =	vmul.f32 v12, v12;
	v10 =	vmul.f32 $5.000000000e-01, v2  }
0x12a: {  	v0 =	vadd.f32 v20, v0;
	v1 =	vmul.f32 v17, v1;
	v5 =	vmul.f32 v4, v5  }
0x12b: {  	v7 =	vshra.s32 v2, $0x1;
	v3 =	vmul.f32 v14, v3;
	v44 =	vmul.f32 v16, v9  }
0x12c: {  	v46 =	vadd.f32 v15, v12;
	v7 =	vsub.s32 $0x5F3759DF, v7;
	v5 =	vsub.f32 $1.500000000e+00, v5  }
0x12d: {  	v54 =	vmul.f32 $5.000000000e-01, v6;
	v0 =	vadd.f32 $9.999999960e-13, v0;
	v10 =	vmul.f32 v7, v10  }
0x12e: {  	v1 =	vsub.f32 $1.500000000e+00, v1;
	v3 =	vmul.f32 v3, v8;
	v4 =	vmul.f32 v4, v5  }
0x12f: {  	v49 =	vshra.s32 v0, $0x1;
	v50 =	vmul.f32 $5.000000000e-01, v0;
	v45 =	vmul.f32 v7, v10  }
0x130: {  	v12 =	vsub.s32 $0x5F3759DF, v49;
	v10 =	vadd.f32 $9.999999960e-13, v46;
	v4 =	vmul.f32 v4, v19  }
0x131: {  	v18 =	vshra.s32 v6, $0x1;
	v1 =	vmul.f32 v17, v1;
	v14 =	vmul.f32 v12, v50  }
0x132: {  	v51 =	vshra.s32 v10, $0x1;
	v52 =	vmul.f32 $5.000000000e-01, v10;
	v4 =	vadd.f32 v4, v11  }
0x133: {  	v9 =	vsub.f32 $1.500000000e+00, v45;
	v53 =	vmul.f32 v12, v14;
	v8 =	vsub.s32 $0x5F3759DF, v51  }
0x134: {  	v55 =	vsub.s32 $0x5F3759DF, v18;
	v11 =	vmul.f32 v8, v52;
	v3 =	vadd.f32 v3, v4  }
0x135: {  	v1 =	vmul.f32 v1, v13;
	v7 =	vmul.f32 v7, v9;
	v13 =	vsub.f32 $1.500000000e+00, v53  }
0x136: {  	v4 =	vmul.f32 v55, v54;
	v56 =	vmul.f32 v8, v11;
	v3 =	vadd.f32 v44, v3  }
0x137: {  	v2 =	vmul.f32 v7, v2;
	v57 =	vmul.f32 v12, v13  }
0x138: {  	v58 =	vsub.f32 $1.500000000e+00, v56;
	v4 =	vmul.f32 v55, v4;
	v1 =	vadd.f32 v1, v3  }
0x139: {  	v0 =	vmul.f32 v57, v0  }
0x13a: {  	v3 =	vmul.f32 v8, v58;
	v4 =	vsub.f32 $1.500000000e+00, v4;
	v1 =	vadd.f32 v2, v1;
	_ =	sdelay $0x1  }
0x13b: {  	v60 =	vmul.f32 v3, v10;
	v62 =	vmul.f32 v55, v4;
	v0 =	vadd.f32 v0, v1;
	_ =	sdelay $0x1  }
0x13c: {  	s1 =	sadd.s32 $0x1, s1;
	v63 =	vmul.f32 v62, v6;
	v0 =	vadd.f32 v60, v0  }
0x13d: {  	p0 =	sne.s32 s1, $0x8  }
.Ltmp4:
0x13e: {  	v0 =	vadd.f32 v63, v0;
	(pc) =	sbr.rel @p0 .LBB2_4-.Ltmp4, $3  }
0x13f: {  	_ = 	snop  }
0x140: {  	v0 =	vsub.f32 $0.0e+00, v0;
	_ =	sdelay $0x1  }
0x141: {  	[tilespmem:s29+$0x16180] =	vst v0;
	s29 =	simm.s32 $0x0  }
0x142: {  	s30 =	simm.s32 $0x0  }
.LBB2_8:
0x143: {  	s0 =	sshll.u32 s30, $0x9;
	v0 =	vadd.s32 s29, v61  }
0x144: {  	v10 =	vmov s0;
	v0 =	vand.u32 $0x3F, v0  }
0x145: {  	v1 =	vor.u32 v10, v0  }
0x146: {  	v38 =	vor.u32 $0x40, v59;
	v3 =	vor.u32 v59, v0  }
0x147: {  	_ =	swait.ge [sflag:s23], $0x4000;
	v39 =	vor.u32 $0x800, v59;
	v4 =	vor.u32 v38, v0  }
0x148: {  	v63 =	vor.u32 $0x840, v59;
	[sflag:s23] =	ssyncset.done $0x0;
	v5 =	vor.u32 v39, v0  }
0x149: {  	v62 =	vor.u32 $0x1000, v59;
	[sflag:s23] =	ssyncadd.s32 $0xFFFFC000;
	v6 =	vor.u32 v63, v0  }
0x14a: {  	v12 =	vor.u32 $0x1040, v59;
	v7 =	vor.u32 v62, v0;
	v1 =	vld.idx.msk [tilespmem:v1+s19+$0x0], $0xffff  }
0x14b: {  	v9 =	vor.u32 $0x1800, v59;
	v8 =	vor.u32 v12, v0;
	v3 =	vld.idx.msk [tilespmem:v3+s16+$0x0], $0xffff  }
0x14c: {  	s25 =	simm.s32 $0x3;
	v36 =	vor.u32 $0x40, v10;
	v13 =	vor.u32 v9, v0;
	v4 =	vld.idx.msk [tilespmem:v4+s16+$0x0], $0xffff  }
0x14d: {  	v11 =	vor.u32 $0x1840, v59;
	v14 =	vadd.s32 s25, v61;
	v2 =	vor.u32 v36, v0;
	v5 =	vld.idx.msk [tilespmem:v5+s16+$0x0], $0xffff  }
0x14e: {  	v14 =	vand.u32 $0x3F, v14;
	v0 =	vor.u32 v11, v0;
	v6 =	vld.idx.msk [tilespmem:v6+s16+$0x0], $0xffff  }
0x14f: {  	v15 =	vor.u32 v10, v14;
	v7 =	vld.idx.msk [tilespmem:v7+s16+$0x0], $0xffff  }
0x150: {  	v16 =	vor.u32 v36, v14;
	v8 =	vld.idx.msk [tilespmem:v8+s16+$0x0], $0xffff  }
0x151: {  	v17 =	vor.u32 v59, v14;
	v13 =	vld.idx.msk [tilespmem:v13+s16+$0x0], $0xffff  }
0x152: {  	v18 =	vor.u32 v38, v14;
	v2 =	vld.idx.msk [tilespmem:v2+s19+$0x0], $0xffff  }
0x153: {  	v19 =	vor.u32 v39, v14;
	v0 =	vld.idx.msk [tilespmem:v0+s16+$0x0], $0xffff  }
0x154: {  	v20 =	vor.u32 v63, v14;
	v15 =	vld.idx.msk [tilespmem:v15+s19+$0x0], $0xffff  }
0x155: {  	s26 =	simm.s32 $0x2;
	v21 =	vor.u32 v62, v14;
	v16 =	vld.idx.msk [tilespmem:v16+s19+$0x0], $0xffff  }
0x156: {  	s31 =	simm.s32 $0x1;
	v23 =	vadd.s32 s26, v61;
	v22 =	vor.u32 v12, v14;
	v17 =	vld.idx.msk [tilespmem:v17+s16+$0x0], $0xffff  }
0x157: {  	v31 =	vadd.s32 s31, v61;
	v23 =	vand.u32 $0x3F, v23;
	v24 =	vor.u32 v9, v14;
	v18 =	vld.idx.msk [tilespmem:v18+s16+$0x0], $0xffff  }
0x158: {  	v31 =	vand.u32 $0x3F, v31;
	v14 =	vor.u32 v11, v14;
	v25 =	vor.u32 v10, v23;
	v19 =	vld.idx.msk [tilespmem:v19+s16+$0x0], $0xffff  }
0x159: {  	v26 =	vor.u32 v36, v23;
	v27 =	vor.u32 v59, v23;
	v28 =	vor.u32 v38, v23;
	v20 =	vld.idx.msk [tilespmem:v20+s16+$0x0], $0xffff  }
0x15a: {  	v29 =	vor.u32 v39, v23;
	v30 =	vor.u32 v63, v23;
	v32 =	vor.u32 v62, v23;
	v21 =	vld.idx.msk [tilespmem:v21+s16+$0x0], $0xffff  }
0x15b: {  	v33 =	vor.u32 v12, v23;
	v34 =	vor.u32 v9, v23;
	v35 =	vor.u32 v10, v31;
	v22 =	vld.idx.msk [tilespmem:v22+s16+$0x0], $0xffff  }
0x15c: {  	v23 =	vor.u32 v11, v23;
	v24 =	vld.idx.msk [tilespmem:v24+s16+$0x0], $0xffff;
	v3 =	vsub.f32 v1, v3;
	v5 =	vsub.f32 v1, v5  }
0x15d: {  	[tilespmem:$0x1FFA0] =	vst v36;
	v14 =	vld.idx.msk [tilespmem:v14+s16+$0x0], $0xffff;
	v7 =	vsub.f32 v1, v7;
	v1 =	vsub.f32 v1, v13  }
0x15e: {  	v36 =	vor.u32 v36, v31;
	v25 =	vld.idx.msk [tilespmem:v25+s19+$0x0], $0xffff;
	v4 =	vsub.f32 v2, v4;
	v6 =	vsub.f32 v2, v6  }
0x15f: {  	v37 =	vor.u32 v59, v31;
	v27 =	vld.idx.msk [tilespmem:v27+s16+$0x0], $0xffff;
	v8 =	vsub.f32 v2, v8;
	v0 =	vsub.f32 v2, v0  }
0x160: {  	v52 =	vor.u32 v63, v31;
	v26 =	vld.idx.msk [tilespmem:v26+s19+$0x0], $0xffff;
	v17 =	vsub.f32 v15, v17;
	v18 =	vsub.f32 v16, v18  }
0x161: {  	v53 =	vor.u32 v62, v31;
	v28 =	vld.idx.msk [tilespmem:v28+s16+$0x0], $0xffff;
	v19 =	vsub.f32 v15, v19;
	v20 =	vsub.f32 v16, v20  }
0x162: {  	v40 =	vor.u32 v12, v31;
	v29 =	vld.idx.msk [tilespmem:v29+s16+$0x0], $0xffff;
	v21 =	vsub.f32 v15, v21;
	v22 =	vsub.f32 v16, v22  }
0x163: {  	v30 =	vld.idx.msk [tilespmem:v30+s16+$0x0], $0xffff;
	v15 =	vsub.f32 v15, v24;
	v3 =	vmul.f32 v3, v3;
	v5 =	vmul.f32 v5, v5  }
0x164: {  	v32 =	vld.idx.msk [tilespmem:v32+s16+$0x0], $0xffff;
	v27 =	vsub.f32 v25, v27;
	v7 =	vmul.f32 v7, v7;
	v1 =	vmul.f32 v1, v1  }
0x165: {  	v33 =	vld.idx.msk [tilespmem:v33+s16+$0x0], $0xffff;
	v14 =	vsub.f32 v16, v14;
	v4 =	vmul.f32 v4, v4;
	v6 =	vmul.f32 v6, v6  }
0x166: {  	v34 =	vld.idx.msk [tilespmem:v34+s16+$0x0], $0xffff;
	v28 =	vsub.f32 v26, v28;
	v8 =	vmul.f32 v8, v8;
	v0 =	vmul.f32 v0, v0  }
0x167: {  	v23 =	vld.idx.msk [tilespmem:v23+s16+$0x0], $0xffff;
	v29 =	vsub.f32 v25, v29;
	v17 =	vmul.f32 v17, v17;
	v18 =	vmul.f32 v18, v18  }
0x168: {  	v30 =	vsub.f32 v26, v30;
	v19 =	vmul.f32 v19, v19;
	v20 =	vmul.f32 v20, v20  }
0x169: {  	v32 =	vsub.f32 v25, v32;
	v21 =	vmul.f32 v21, v21;
	v22 =	vmul.f32 v22, v22  }
0x16a: {  	v55 =	vld.idx.msk [tilespmem:v37+s16+$0x0], $0xffff;
	v33 =	vsub.f32 v26, v33;
	v15 =	vmul.f32 v15, v15;
	v14 =	vmul.f32 v14, v14  }
0x16b: {  	v56 =	vld.idx.msk [tilespmem:v52+s16+$0x0], $0xffff;
	v25 =	vsub.f32 v25, v34;
	v27 =	vmul.f32 v27, v27;
	v28 =	vmul.f32 v28, v28  }
0x16c: {  	v57 =	vld.idx.msk [tilespmem:v53+s16+$0x0], $0xffff;
	v23 =	vsub.f32 v26, v23;
	v29 =	vmul.f32 v29, v29;
	v30 =	vmul.f32 v30, v30  }
0x16d: {  	v24 =	vld.idx.msk [tilespmem:v35+s19+$0x0], $0xffff;
	v32 =	vmul.f32 v32, v32;
	v3 =	vadd.f32 v4, v3;
	v4 =	vadd.f32 v6, v5  }
0x16e: {  	v16 =	vld.idx.msk [tilespmem:v36+s19+$0x0], $0xffff;
	v33 =	vmul.f32 v33, v33;
	v5 =	vadd.f32 v8, v7;
	v0 =	vadd.f32 v0, v1  }
0x16f: {  	v26 =	vld.idx.msk [tilespmem:v40+s16+$0x0], $0xffff;
	v25 =	vmul.f32 v25, v25;
	v7 =	vadd.f32 v18, v17;
	v8 =	vadd.f32 v20, v19  }
0x170: {  	v23 =	vmul.f32 v23, v23;
	v18 =	vadd.f32 v22, v21;
	v14 =	vadd.f32 v14, v15  }
0x171: {  	v19 =	vadd.f32 v28, v27;
	v20 =	vadd.f32 v30, v29  }
0x172: {  	v30 =	vadd.f32 v33, v32;
	v23 =	vadd.f32 v23, v25  }
0x173: {  	v54 =	vor.u32 v9, v31;
	v36 =	vsub.f32 v24, v55;
	v37 =	vsub.f32 v16, v56  }
0x174: {  	v13 =	vor.u32 v38, v31;
	v34 =	vsub.f32 v24, v57;
	v26 =	vsub.f32 v16, v26  }
0x175: {  	v2 =	vor.u32 v39, v31;
	v27 =	vadd.f32 $9.999999960e-13, v4;
	v25 =	vadd.f32 $9.999999960e-13, v0  }
0x176: {  	v31 =	vor.u32 v11, v31;
	v21 =	vadd.f32 $9.999999960e-13, v7;
	v22 =	vadd.f32 $9.999999960e-13, v8  }
0x177: {  	v18 =	vadd.f32 $9.999999960e-13, v18;
	v28 =	vadd.f32 $9.999999960e-13, v19  }
0x178: {  	v35 =	vld.idx.msk [tilespmem:v54+s16+$0x0], $0xffff;
	v29 =	vadd.f32 $9.999999960e-13, v20;
	v20 =	vadd.f32 $9.999999960e-13, v30;
	v58 =	vmul.f32 v36, v36  }
0x179: {  	v13 =	vld.idx.msk [tilespmem:v13+s16+$0x0], $0xffff;
	v19 =	vadd.f32 $9.999999960e-13, v23;
	v1 =	vmul.f32 v37, v37;
	v6 =	vmul.f32 v34, v34  }
0x17a: {  	v2 =	vld.idx.msk [tilespmem:v2+s16+$0x0], $0xffff;
	v17 =	vmul.f32 v26, v26;
	v26 =	vadd.f32 $9.999999960e-13, v3;
	v42 =	vmul.f32 $5.000000000e-01, v27  }
0x17b: {  	v31 =	vld.idx.msk [tilespmem:v31+s16+$0x0], $0xffff;
	v8 =	vshra.s32 v25, $0x1;
	v44 =	vmul.f32 $5.000000000e-01, v25;
	v46 =	vmul.f32 $5.000000000e-01, v21  }
0x17c: {  	v45 =	vmul.f32 $5.000000000e-01, v22;
	v47 =	vmul.f32 $5.000000000e-01, v18;
	v60 =	vshra.s32 v28, $0x1  }
0x17d: {  	v48 =	vmul.f32 $5.000000000e-01, v28;
	v50 =	vmul.f32 $5.000000000e-01, v29;
	v4 =	vshra.s32 v20, $0x1  }
0x17e: {  	v52 =	vmul.f32 $5.000000000e-01, v20;
	v57 =	vshra.s32 v19, $0x1;
	v51 =	vmul.f32 $5.000000000e-01, v19  }
0x17f: {  	v13 =	vsub.f32 v16, v13;
	v3 =	vshra.s32 v26, $0x1;
	v2 =	vsub.f32 v24, v2  }
0x180: {  	v40 =	vsub.s32 $0x5F3759DF, v8;
	v24 =	vsub.f32 v24, v35;
	v16 =	vsub.f32 v16, v31  }
0x181: {  	v33 =	vsub.s32 $0x5F3759DF, v60;
	v13 =	vmul.f32 v13, v13;
	v2 =	vmul.f32 v2, v2  }
0x182: {  	[tilespmem:$0x1FFB0] =	vst v38;
	v38 =	vsub.s32 $0x5F3759DF, v3;
	v15 =	vmul.f32 v24, v24;
	v16 =	vmul.f32 v16, v16  }
0x183: {  	v24 =	vadd.f32 $9.999999960e-13, v5;
	v5 =	vmul.f32 $5.000000000e-01, v26;
	v13 =	vadd.f32 v13, v58  }
0x184: {  	v58 =	vshra.s32 v29, $0x1;
	v1 =	vadd.f32 v1, v2;
	v2 =	vadd.f32 v17, v6  }
0x185: {  	v6 =	vadd.f32 v16, v15;
	v17 =	vadd.f32 $9.999999960e-13, v14;
	v7 =	vshra.s32 v24, $0x1  }
0x186: {  	v43 =	vmul.f32 $5.000000000e-01, v24;
	v14 =	vshra.s32 v21, $0x1;
	v15 =	vshra.s32 v22, $0x1  }
0x187: {  	v16 =	vshra.s32 v18, $0x1;
	v5 =	vmul.f32 v38, v5;
	v31 =	vadd.f32 $9.999999960e-13, v13  }
0x188: {  	[tilespmem:$0x1FFC0] =	vst v39;
	v13 =	vimm.f32 $0.0e+00;
	v39 =	vsub.s32 $0x5F3759DF, v7;
	v35 =	vsub.s32 $0x5F3759DF, v14  }
0x189: {  	v36 =	vsub.s32 $0x5F3759DF, v15;
	v34 =	vsub.s32 $0x5F3759DF, v16;
	v14 =	vimm.f32 $0.0e+00  }
0x18a: {  	v15 =	vimm.f32 $0.0e+00;
	v16 =	vimm.f32 $0.0e+00;
	v32 =	vadd.f32 $9.999999960e-13, v1  }
0x18b: {  	v30 =	vadd.f32 $9.999999960e-13, v2;
	v23 =	vadd.f32 $9.999999960e-13, v6;
	v6 =	vshra.s32 v27, $0x1  }
0x18c: {  	v37 =	vshra.s32 v17, $0x1;
	v49 =	vmul.f32 $5.000000000e-01, v17;
	v0 =	vshra.s32 v31, $0x1  }
0x18d: {  	v54 =	vmul.f32 $5.000000000e-01, v31;
	v41 =	vsub.s32 $0x5F3759DF, v6;
	v37 =	vsub.s32 $0x5F3759DF, v37  }
0x18e: {  	v2 =	vshra.s32 v32, $0x1;
	v53 =	vmul.f32 $5.000000000e-01, v32;
	v1 =	vshra.s32 v30, $0x1  }
0x18f: {  	s1 =	simm.s32 $0x4;
	s0 =	sshll.u32 s30, $0x2;
	[tilespmem:$0x1FF90] =	vst v10;
	v55 =	vmul.f32 $5.000000000e-01, v30;
	v3 =	vshra.s32 v23, $0x1;
	v56 =	vmul.f32 $5.000000000e-01, v23  }
.LBB2_9:
0x190: {  	v8 =	vsub.s32 $0x5F3759DF, v58;
	v6 =	vmul.f32 v41, v42  }
0x191: {  	v4 =	vsub.s32 $0x5F3759DF, v4;
	v7 =	vmul.f32 v39, v43;
	v42 =	vmul.f32 v40, v44  }
0x192: {  	v0 =	vsub.s32 $0x5F3759DF, v0;
	v43 =	vmul.f32 v35, v46;
	v45 =	vmul.f32 v36, v45  }
0x193: {  	v2 =	vsub.s32 $0x5F3759DF, v2;
	v46 =	vmul.f32 v34, v47;
	v47 =	vmul.f32 v33, v48  }
0x194: {  	v1 =	vsub.s32 $0x5F3759DF, v1;
	v48 =	vmul.f32 v37, v49;
	v49 =	vmul.f32 v8, v50  }
0x195: {  	v44 =	vsub.s32 $0x5F3759DF, v57;
	v50 =	vmul.f32 v4, v52;
	v57 =	vmul.f32 v0, v54  }
0x196: {  	v3 =	vsub.s32 $0x5F3759DF, v3;
	v53 =	vmul.f32 v2, v53;
	v58 =	vmul.f32 v1, v55  }
0x197: {  	v5 =	vmul.f32 v38, v5;
	v60 =	vmul.f32 v3, v56  }
0x198: {  	v51 =	vmul.f32 v44, v51;
	v6 =	vmul.f32 v41, v6  }
0x199: {  	v7 =	vmul.f32 v39, v7;
	v42 =	vmul.f32 v40, v42  }
0x19a: {  	v43 =	vmul.f32 v35, v43;
	v45 =	vmul.f32 v36, v45  }
0x19b: {  	v46 =	vmul.f32 v34, v46;
	v47 =	vmul.f32 v33, v47  }
0x19c: {  	v48 =	vmul.f32 v37, v48;
	v49 =	vmul.f32 v8, v49  }
0x19d: {  	v50 =	vmul.f32 v4, v50;
	v5 =	vsub.f32 $1.500000000e+00, v5;
	v52 =	vmul.f32 v0, v57  }
0x19e: {  	v53 =	vmul.f32 v2, v53;
	v6 =	vsub.f32 $1.500000000e+00, v6;
	v7 =	vsub.f32 $1.500000000e+00, v7  }
0x19f: {  	v54 =	vmul.f32 v1, v58;
	v42 =	vsub.f32 $1.500000000e+00, v42;
	v43 =	vsub.f32 $1.500000000e+00, v43  }
0x1a0: {  	v55 =	vmul.f32 v3, v60;
	v45 =	vsub.f32 $1.500000000e+00, v45;
	v46 =	vsub.f32 $1.500000000e+00, v46  }
0x1a1: {  	v51 =	vmul.f32 v44, v51;
	v48 =	vsub.f32 $1.500000000e+00, v48;
	v47 =	vsub.f32 $1.500000000e+00, v47  }
0x1a2: {  	v49 =	vsub.f32 $1.500000000e+00, v49;
	v5 =	vmul.f32 v38, v5;
	v57 =	vsub.f32 $1.500000000e+00, v50  }
0x1a3: {  	v60 =	vsub.f32 $1.500000000e+00, v52;
	v6 =	vmul.f32 v41, v6;
	v7 =	vmul.f32 v39, v7  }
0x1a4: {  	v50 =	vsub.f32 $1.500000000e+00, v53;
	v39 =	vmul.f32 v40, v42;
	v35 =	vmul.f32 v35, v43  }
0x1a5: {  	v58 =	vsub.f32 $1.500000000e+00, v51;
	v36 =	vmul.f32 v36, v45;
	v51 =	vmul.f32 v34, v46  }
0x1a6: {  	v53 =	vsub.f32 $1.500000000e+00, v54;
	v52 =	vmul.f32 v37, v48;
	v54 =	vmul.f32 v33, v47  }
0x1a7: {  	v56 =	vsub.f32 $1.500000000e+00, v55;
	v8 =	vmul.f32 v8, v49;
	v4 =	vmul.f32 v4, v57  }
0x1a8: {  	v0 =	vmul.f32 v0, v60;
	v2 =	vmul.f32 v2, v50  }
0x1a9: {  	v1 =	vmul.f32 v1, v53;
	v3 =	vmul.f32 v3, v56  }
0x1aa: {  	v5 =	vmul.f32 v5, v26;
	v57 =	vmul.f32 v44, v58  }
0x1ab: {  	v10 =	vld [tilespmem:$0x1FF90];
	v6 =	vmul.f32 v6, v27;
	v7 =	vmul.f32 v7, v24  }
0x1ac: {  	v24 =	vmul.f32 v39, v25;
	v21 =	vmul.f32 v35, v21  }
0x1ad: {  	v48 =	vld [tilespmem:$0x1FFA0];
	v58 =	vadd.s32 s1, v61;
	v22 =	vmul.f32 v36, v22;
	v28 =	vmul.f32 v54, v28  }
0x1ae: {  	v49 =	vld [tilespmem:$0x1FFB0];
	v40 =	vand.u32 $0x3F, v58;
	v8 =	vmul.f32 v8, v29;
	v0 =	vmul.f32 v0, v31  }
0x1af: {  	v50 =	vld [tilespmem:$0x1FFC0];
	v2 =	vmul.f32 v2, v32;
	v5 =	vadd.f32 v5, v13;
	v1 =	vmul.f32 v1, v30  }
0x1b0: {  	v3 =	vmul.f32 v3, v23;
	v4 =	vmul.f32 v4, v20;
	v60 =	vor.u32 v10, v40  }
0x1b1: {  	v25 =	vor.u32 v59, v40;
	v6 =	vadd.f32 v6, v14;
	v7 =	vadd.f32 v7, v15  }
0x1b2: {  	v13 =	vadd.f32 v24, v16;
	v0 =	vadd.f32 v0, v5;
	v26 =	vor.u32 v48, v40  }
0x1b3: {  	v5 =	vmul.f32 v57, v19;
	v27 =	vor.u32 v49, v40;
	v2 =	vadd.f32 v2, v6  }
0x1b4: {  	v29 =	vor.u32 v50, v40;
	v1 =	vadd.f32 v1, v7;
	v3 =	vadd.f32 v3, v13  }
0x1b5: {  	v0 =	vadd.f32 v28, v0;
	v6 =	vmul.f32 v51, v18;
	v2 =	vadd.f32 v8, v2  }
0x1b6: {  	v7 =	vor.u32 v63, v40;
	v1 =	vadd.f32 v4, v1;
	v3 =	vadd.f32 v5, v3;
	v5 =	vld.idx.msk [tilespmem:v60+s19+$0x0], $0xffff  }
0x1b7: {  	v18 =	vor.u32 v11, v40;
	v4 =	vmul.f32 v52, v17;
	v13 =	vadd.f32 v21, v0;
	v0 =	vld.idx.msk [tilespmem:v26+s19+$0x0], $0xffff  }
0x1b8: {  	s17 =	sadd.s32 $0x3, s1;
	v14 =	vadd.f32 v22, v2;
	v2 =	vor.u32 v62, v40;
	v15 =	vadd.f32 v6, v1;
	v1 =	vld.idx.msk [tilespmem:v25+s16+$0x0], $0xffff  }
0x1b9: {  	v8 =	vadd.s32 s17, v61;
	v16 =	vadd.f32 v4, v3;
	v3 =	vor.u32 v12, v40;
	v4 =	vld.idx.msk [tilespmem:v27+s16+$0x0], $0xffff  }
0x1ba: {  	v8 =	vand.u32 $0x3F, v8;
	v6 =	vor.u32 v9, v40;
	v17 =	vld.idx.msk [tilespmem:v29+s16+$0x0], $0xffff  }
0x1bb: {  	v19 =	vor.u32 v10, v8;
	v7 =	vld.idx.msk [tilespmem:v7+s16+$0x0], $0xffff  }
0x1bc: {  	v20 =	vor.u32 v48, v8;
	v18 =	vld.idx.msk [tilespmem:v18+s16+$0x0], $0xffff  }
0x1bd: {  	v21 =	vor.u32 v59, v8;
	v2 =	vld.idx.msk [tilespmem:v2+s16+$0x0], $0xffff  }
0x1be: {  	v22 =	vor.u32 v49, v8;
	v3 =	vld.idx.msk [tilespmem:v3+s16+$0x0], $0xffff  }
0x1bf: {  	v23 =	vor.u32 v50, v8;
	v6 =	vld.idx.msk [tilespmem:v6+s16+$0x0], $0xffff  }
0x1c0: {  	v24 =	vor.u32 v63, v8;
	v19 =	vld.idx.msk [tilespmem:v19+s19+$0x0], $0xffff  }
0x1c1: {  	v25 =	vor.u32 v62, v8;
	v20 =	vld.idx.msk [tilespmem:v20+s19+$0x0], $0xffff  }
0x1c2: {  	s26 =	sadd.s32 $0x2, s1;
	v26 =	vor.u32 v12, v8;
	v21 =	vld.idx.msk [tilespmem:v21+s16+$0x0], $0xffff  }
0x1c3: {  	s31 =	sadd.s32 $0x1, s1;
	v27 =	vadd.s32 s26, v61;
	v28 =	vor.u32 v9, v8;
	v22 =	vld.idx.msk [tilespmem:v22+s16+$0x0], $0xffff  }
0x1c4: {  	v54 =	vadd.s32 s31, v61;
	v8 =	vor.u32 v11, v8;
	v27 =	vand.u32 $0x3F, v27;
	v23 =	vld.idx.msk [tilespmem:v23+s16+$0x0], $0xffff  }
0x1c5: {  	v35 =	vand.u32 $0x3F, v54;
	v29 =	vor.u32 v10, v27;
	v24 =	vld.idx.msk [tilespmem:v24+s16+$0x0], $0xffff  }
0x1c6: {  	v58 =	vor.u32 v10, v35;
	v60 =	vor.u32 v48, v35;
	v51 =	vor.u32 v49, v27;
	v25 =	vld.idx.msk [tilespmem:v25+s16+$0x0], $0xffff  }
0x1c7: {  	v30 =	vor.u32 v48, v27;
	v31 =	vor.u32 v59, v27;
	v52 =	vor.u32 v50, v27;
	v26 =	vld.idx.msk [tilespmem:v26+s16+$0x0], $0xffff  }
0x1c8: {  	v53 =	vor.u32 v63, v27;
	v28 =	vld.idx.msk [tilespmem:v28+s16+$0x0], $0xffff;
	v1 =	vsub.f32 v5, v1;
	v4 =	vsub.f32 v0, v4  }
0x1c9: {  	v55 =	vor.u32 v62, v27;
	v56 =	vor.u32 v12, v27;
	v57 =	vor.u32 v9, v27;
	v8 =	vld.idx.msk [tilespmem:v8+s16+$0x0], $0xffff  }
0x1ca: {  	v27 =	vor.u32 v11, v27;
	v29 =	vld.idx.msk [tilespmem:v29+s19+$0x0], $0xffff;
	v1 =	vmul.f32 v1, v1;
	v4 =	vmul.f32 v4, v4  }
0x1cb: {  	v48 =	vor.u32 v59, v35;
	v17 =	vsub.f32 v5, v17;
	v7 =	vsub.f32 v0, v7;
	v32 =	vld.idx.msk [tilespmem:v51+s16+$0x0], $0xffff  }
0x1cc: {  	v33 =	vld.idx.msk [tilespmem:v52+s16+$0x0], $0xffff;
	v51 =	vor.u32 v12, v35;
	v52 =	vor.u32 v9, v35;
	v1 =	vadd.f32 v4, v1  }
0x1cd: {  	v30 =	vld.idx.msk [tilespmem:v30+s19+$0x0], $0xffff;
	v17 =	vmul.f32 v17, v17;
	v2 =	vsub.f32 v5, v2;
	v3 =	vsub.f32 v0, v3  }
0x1ce: {  	v31 =	vld.idx.msk [tilespmem:v31+s16+$0x0], $0xffff;
	v7 =	vmul.f32 v7, v7;
	v5 =	vsub.f32 v5, v6;
	v0 =	vsub.f32 v0, v18  }
0x1cf: {  	v6 =	vor.u32 v49, v35;
	v21 =	vsub.f32 v19, v21;
	v22 =	vsub.f32 v20, v22  }
0x1d0: {  	v34 =	vld.idx.msk [tilespmem:v53+s16+$0x0], $0xffff;
	v18 =	vor.u32 v50, v35;
	v23 =	vsub.f32 v19, v23;
	v24 =	vsub.f32 v20, v24  }
0x1d1: {  	v36 =	vld.idx.msk [tilespmem:v55+s16+$0x0], $0xffff;
	v49 =	vor.u32 v63, v35;
	v25 =	vsub.f32 v19, v25;
	v26 =	vsub.f32 v20, v26  }
0x1d2: {  	v37 =	vld.idx.msk [tilespmem:v56+s16+$0x0], $0xffff;
	v50 =	vor.u32 v62, v35;
	v19 =	vsub.f32 v19, v28;
	v8 =	vsub.f32 v20, v8  }
0x1d3: {  	v38 =	vld.idx.msk [tilespmem:v57+s16+$0x0], $0xffff;
	v35 =	vor.u32 v11, v35;
	v31 =	vsub.f32 v29, v31;
	v32 =	vsub.f32 v30, v32  }
0x1d4: {  	v27 =	vld.idx.msk [tilespmem:v27+s16+$0x0], $0xffff;
	v33 =	vsub.f32 v29, v33;
	v2 =	vmul.f32 v2, v2;
	v3 =	vmul.f32 v3, v3  }
0x1d5: {  	v39 =	vld.idx.msk [tilespmem:v58+s19+$0x0], $0xffff;
	v34 =	vsub.f32 v30, v34;
	v5 =	vmul.f32 v5, v5;
	v0 =	vmul.f32 v0, v0  }
0x1d6: {  	v28 =	vld.idx.msk [tilespmem:v60+s19+$0x0], $0xffff;
	v36 =	vsub.f32 v29, v36;
	v21 =	vmul.f32 v21, v21;
	v22 =	vmul.f32 v22, v22  }
0x1d7: {  	v20 =	vld.idx.msk [tilespmem:v48+s16+$0x0], $0xffff;
	v37 =	vsub.f32 v30, v37;
	v23 =	vmul.f32 v23, v23;
	v24 =	vmul.f32 v24, v24  }
0x1d8: {  	v29 =	vsub.f32 v29, v38;
	v55 =	vld.idx.msk [tilespmem:v51+s16+$0x0], $0xffff;
	v19 =	vmul.f32 v19, v19;
	v8 =	vmul.f32 v8, v8  }
0x1d9: {  	v27 =	vsub.f32 v30, v27;
	v30 =	vld.idx.msk [tilespmem:v52+s16+$0x0], $0xffff;
	v31 =	vmul.f32 v31, v31;
	v32 =	vmul.f32 v32, v32  }
0x1da: {  	v4 =	vadd.f32 v7, v17;
	v36 =	vmul.f32 v36, v36;
	v37 =	vmul.f32 v37, v37;
	v6 =	vld.idx.msk [tilespmem:v6+s16+$0x0], $0xffff  }
0x1db: {  	v29 =	vmul.f32 v29, v29;
	v2 =	vadd.f32 v3, v2;
	v0 =	vadd.f32 v0, v5;
	v18 =	vld.idx.msk [tilespmem:v18+s16+$0x0], $0xffff  }
0x1dc: {  	v27 =	vmul.f32 v27, v27;
	v17 =	vadd.f32 v22, v21;
	v8 =	vadd.f32 v8, v19;
	v53 =	vld.idx.msk [tilespmem:v49+s16+$0x0], $0xffff  }
0x1dd: {  	v33 =	vmul.f32 v33, v33;
	v54 =	vld.idx.msk [tilespmem:v50+s16+$0x0], $0xffff;
	v20 =	vsub.f32 v39, v20;
	v58 =	vadd.f32 v37, v36  }
0x1de: {  	v34 =	vmul.f32 v34, v34;
	v35 =	vld.idx.msk [tilespmem:v35+s16+$0x0], $0xffff;
	v60 =	vadd.f32 v27, v29;
	v30 =	vsub.f32 v39, v30  }
0x1df: {  	v25 =	vmul.f32 v25, v25;
	v27 =	vadd.f32 $9.999999960e-13, v4;
	v38 =	vsub.f32 v28, v55  }
0x1e0: {  	v19 =	vmul.f32 v30, v30;
	v30 =	vadd.f32 v32, v31;
	v31 =	vadd.f32 v34, v33  }
0x1e1: {  	v26 =	vmul.f32 v26, v26;
	v6 =	vsub.f32 v28, v6;
	v18 =	vsub.f32 v39, v18  }
0x1e2: {  	v20 =	vmul.f32 v20, v20;
	v56 =	vsub.f32 v28, v53;
	v57 =	vsub.f32 v39, v54  }
0x1e3: {  	v21 =	vmul.f32 v38, v38;
	v28 =	vsub.f32 v28, v35;
	v29 =	vadd.f32 $9.999999960e-13, v31  }
0x1e4: {  	v6 =	vmul.f32 v6, v6;
	v7 =	vmul.f32 v18, v18;
	v18 =	vadd.f32 v24, v23  }
0x1e5: {  	v3 =	vmul.f32 v56, v56;
	v23 =	vadd.f32 v26, v25;
	v26 =	vadd.f32 $9.999999960e-13, v1  }
0x1e6: {  	v5 =	vmul.f32 v57, v57;
	v24 =	vadd.f32 $9.999999960e-13, v2;
	v25 =	vadd.f32 $9.999999960e-13, v0  }
0x1e7: {  	v22 =	vmul.f32 v28, v28;
	v28 =	vadd.f32 $9.999999960e-13, v30;
	v6 =	vadd.f32 v6, v20  }
0x1e8: {  	v3 =	vadd.f32 v3, v7;
	v5 =	vadd.f32 v21, v5  }
0x1e9: {  	v7 =	vadd.f32 v22, v19;
	v21 =	vadd.f32 $9.999999960e-13, v17  }
0x1ea: {  	v42 =	vmul.f32 $5.000000000e-01, v27;
	v22 =	vadd.f32 $9.999999960e-13, v18;
	v18 =	vadd.f32 $9.999999960e-13, v23  }
0x1eb: {  	v50 =	vmul.f32 $5.000000000e-01, v29;
	v17 =	vadd.f32 $9.999999960e-13, v8;
	v20 =	vadd.f32 $9.999999960e-13, v58  }
0x1ec: {  	v19 =	vadd.f32 $9.999999960e-13, v60;
	v43 =	vmul.f32 $5.000000000e-01, v24;
	v8 =	vshra.s32 v25, $0x1  }
0x1ed: {  	v44 =	vmul.f32 $5.000000000e-01, v25;
	v60 =	vshra.s32 v28, $0x1;
	v48 =	vmul.f32 $5.000000000e-01, v28  }
0x1ee: {  	v58 =	vshra.s32 v29, $0x1;
	v31 =	vadd.f32 $9.999999960e-13, v6;
	v32 =	vadd.f32 $9.999999960e-13, v3  }
0x1ef: {  	v40 =	vsub.s32 $0x5F3759DF, v8;
	v30 =	vadd.f32 $9.999999960e-13, v5;
	v23 =	vadd.f32 $9.999999960e-13, v7  }
0x1f0: {  	v3 =	vshra.s32 v26, $0x1;
	v5 =	vmul.f32 $5.000000000e-01, v26;
	v6 =	vshra.s32 v27, $0x1  }
0x1f1: {  	v7 =	vshra.s32 v24, $0x1;
	v33 =	vshra.s32 v21, $0x1;
	v46 =	vmul.f32 $5.000000000e-01, v21  }
0x1f2: {  	v34 =	vshra.s32 v22, $0x1;
	v45 =	vmul.f32 $5.000000000e-01, v22;
	v37 =	vshra.s32 v18, $0x1  }
0x1f3: {  	v10 =	vmovc v59;
	v47 =	vmul.f32 $5.000000000e-01, v18;
	v59 =	vshra.s32 v17, $0x1;
	v49 =	vmul.f32 $5.000000000e-01, v17  }
0x1f4: {  	v4 =	vshra.s32 v20, $0x1;
	v52 =	vmul.f32 $5.000000000e-01, v20;
	v57 =	vshra.s32 v19, $0x1  }
0x1f5: {  	p0 =	slt.u32 s1, $0x3C;
	v51 =	vmul.f32 $5.000000000e-01, v19;
	v38 =	vsub.s32 $0x5F3759DF, v3;
	v41 =	vsub.s32 $0x5F3759DF, v6  }
.Ltmp5:
0x1f6: {  	v39 =	vsub.s32 $0x5F3759DF, v7;
	v35 =	vsub.s32 $0x5F3759DF, v33;
	v36 =	vsub.s32 $0x5F3759DF, v34;
	(pc) =	sbr.rel @p0 .LBB2_9-.Ltmp5, $4  }
0x1f7: {  	v34 =	vsub.s32 $0x5F3759DF, v37;
	v33 =	vsub.s32 $0x5F3759DF, v60;
	v37 =	vsub.s32 $0x5F3759DF, v59  }
0x1f8: {  	v0 =	vshra.s32 v31, $0x1;
	v54 =	vmul.f32 $5.000000000e-01, v31;
	v2 =	vshra.s32 v32, $0x1  }
0x1f9: {  	v53 =	vmul.f32 $5.000000000e-01, v32;
	v1 =	vshra.s32 v30, $0x1;
	v55 =	vmul.f32 $5.000000000e-01, v30  }
0x1fa: {  	s1 =	sadd.s32 $0x4, s1;
	v3 =	vshra.s32 v23, $0x1;
	v56 =	vmul.f32 $5.000000000e-01, v23;
	v5 =	vmul.f32 v38, v5;
	v59 =	vmovc v10  }
0x1fb: {  	v6 =	vmul.f32 v41, v42;
	v7 =	vmul.f32 v39, v43;
	v8 =	vsub.s32 $0x5F3759DF, v58  }
0x1fc: {  	[tilespmem:$0x1FF50] =	vst v12;
	v10 =	vmul.f32 v40, v44;
	v4 =	vsub.s32 $0x5F3759DF, v4;
	v12 =	vmul.f32 v35, v46  }
0x1fd: {  	v42 =	vsub.s32 $0x5F3759DF, v57;
	v43 =	vmul.f32 v36, v45;
	v44 =	vmul.f32 v34, v47  }
0x1fe: {  	v0 =	vsub.s32 $0x5F3759DF, v0;
	v45 =	vmul.f32 v33, v48;
	v46 =	vmul.f32 v37, v49  }
0x1ff: {  	v2 =	vsub.s32 $0x5F3759DF, v2;
	v47 =	vmul.f32 v8, v50;
	v48 =	vmul.f32 v4, v52  }
0x200: {  	v1 =	vsub.s32 $0x5F3759DF, v1;
	v57 =	vmul.f32 v0, v54;
	v58 =	vmul.f32 v42, v51  }
0x201: {  	[tilespmem:$0x1FF60] =	vst v62;
	v3 =	vsub.s32 $0x5F3759DF, v3;
	v60 =	vmul.f32 v2, v53;
	v62 =	vmul.f32 v1, v55  }
0x202: {  	[tilespmem:$0x1FF70] =	vst v63;
	v5 =	vmul.f32 v38, v5;
	v63 =	vmul.f32 v3, v56  }
0x203: {  	v6 =	vmul.f32 v41, v6;
	v7 =	vmul.f32 v39, v7  }
0x204: {  	v10 =	vmul.f32 v40, v10;
	v12 =	vmul.f32 v35, v12  }
0x205: {  	v43 =	vmul.f32 v36, v43;
	v44 =	vmul.f32 v34, v44  }
0x206: {  	v45 =	vmul.f32 v33, v45;
	v46 =	vmul.f32 v37, v46  }
0x207: {  	v47 =	vmul.f32 v8, v47;
	v48 =	vmul.f32 v4, v48  }
0x208: {  	v5 =	vsub.f32 $1.500000000e+00, v5;
	v50 =	vmul.f32 v42, v58;
	v49 =	vmul.f32 v0, v57  }
0x209: {  	v51 =	vmul.f32 v2, v60;
	v6 =	vsub.f32 $1.500000000e+00, v6;
	v7 =	vsub.f32 $1.500000000e+00, v7  }
0x20a: {  	v52 =	vmul.f32 v1, v62;
	v10 =	vsub.f32 $1.500000000e+00, v10;
	v12 =	vsub.f32 $1.500000000e+00, v12  }
0x20b: {  	v53 =	vmul.f32 v3, v63;
	v43 =	vsub.f32 $1.500000000e+00, v43;
	v46 =	vsub.f32 $1.500000000e+00, v46  }
0x20c: {  	v45 =	vsub.f32 $1.500000000e+00, v45;
	v47 =	vsub.f32 $1.500000000e+00, v47;
	v5 =	vmul.f32 v38, v5  }
0x20d: {  	v55 =	vsub.f32 $1.500000000e+00, v48;
	v6 =	vmul.f32 v41, v6;
	v7 =	vmul.f32 v39, v7  }
0x20e: {  	v56 =	vsub.f32 $1.500000000e+00, v50;
	v10 =	vmul.f32 v40, v10;
	v12 =	vmul.f32 v35, v12  }
0x20f: {  	v57 =	vsub.f32 $1.500000000e+00, v49;
	v58 =	vmul.f32 v36, v43;
	v63 =	vmul.f32 v37, v46  }
0x210: {  	v60 =	vsub.f32 $1.500000000e+00, v51;
	v48 =	vmul.f32 v33, v45;
	v8 =	vmul.f32 v8, v47  }
0x211: {  	v49 =	vsub.f32 $1.500000000e+00, v53;
	v4 =	vmul.f32 v4, v55;
	v50 =	vmul.f32 v42, v56  }
0x212: {  	v46 =	vsub.f32 $1.500000000e+00, v52;
	v0 =	vmul.f32 v0, v57;
	v2 =	vmul.f32 v2, v60  }
0x213: {  	v3 =	vmul.f32 v3, v49;
	v5 =	vmul.f32 v5, v26  }
0x214: {  	v1 =	vmul.f32 v1, v46;
	v6 =	vmul.f32 v6, v27  }
0x215: {  	v7 =	vmul.f32 v7, v24;
	v10 =	vmul.f32 v10, v25  }
0x216: {  	v12 =	vmul.f32 v12, v21;
	v21 =	vmul.f32 v58, v22  }
0x217: {  	v22 =	vmul.f32 v48, v28;
	v8 =	vmul.f32 v8, v29  }
0x218: {  	v44 =	vsub.f32 $1.500000000e+00, v44;
	v0 =	vmul.f32 v0, v31;
	v2 =	vmul.f32 v2, v32  }
0x219: {  	v5 =	vadd.f32 v5, v13;
	v3 =	vmul.f32 v3, v23;
	v6 =	vadd.f32 v6, v14  }
0x21a: {  	v1 =	vmul.f32 v1, v30;
	v7 =	vadd.f32 v7, v15;
	v10 =	vadd.f32 v10, v16  }
0x21b: {  	v4 =	vmul.f32 v4, v20;
	v0 =	vadd.f32 v0, v5;
	v2 =	vadd.f32 v2, v6  }
0x21c: {  	v5 =	vmul.f32 v50, v19;
	v1 =	vadd.f32 v1, v7;
	v3 =	vadd.f32 v3, v10  }
0x21d: {  	s1 =	sor.u32 $0x1, s0;
	v62 =	vmul.f32 v34, v44;
	v0 =	vadd.f32 v22, v0;
	v2 =	vadd.f32 v8, v2  }
0x21e: {  	s17 =	sshll.u32 s1, $0x7;
	v1 =	vadd.f32 v4, v1;
	v3 =	vadd.f32 v5, v3;
	v4 =	vmul.f32 v63, v17  }
0x21f: {  	[tilespmem:$0x1FF40] =	vst v9;
	s14 =	simm.s32 $0x0;
	v9 =	vmov s17;
	v6 =	vmul.f32 v62, v18;
	v0 =	vadd.f32 v12, v0  }
0x220: {  	v2 =	vadd.f32 v21, v2;
	v3 =	vadd.f32 v4, v3;
	v4 =	vadd.s32 s14, v61  }
0x221: {  	s0 =	sshll.u32 s30, $0xA;
	v1 =	vadd.f32 v6, v1;
	v0 =	vsub.f32 $0.0e+00, v0;
	v4 =	vand.u32 $0x3F, v4  }
0x222: {  	s31 =	sshrl.u32 s0, $0x2;
	v15 =	vor.u32 $0x2840, v59;
	v2 =	vsub.f32 $0.0e+00, v2;
	v5 =	vor.u32 v9, v4  }
0x223: {  	v16 =	vor.u32 $0x3000, v59;
	v6 =	vor.u32 v15, v4;
	[tilespmem:s31+$0x16200] =	vst v0;
	v0 =	vsub.f32 $0.0e+00, v1  }
0x224: {  	s21 =	simm.s32 $0x3;
	v17 =	vor.u32 $0x3040, v59;
	v7 =	vor.u32 v16, v4;
	[tilespmem:s31+$0x16210] =	vst v2;
	v2 =	vsub.f32 $0.0e+00, v3  }
0x225: {  	v18 =	vor.u32 $0x3800, v59;
	v22 =	vadd.s32 s21, v61;
	v8 =	vor.u32 v17, v4;
	[tilespmem:s31+$0x16220] =	vst v0  }
0x226: {  	v22 =	vand.u32 $0x3F, v22;
	v21 =	vor.u32 v18, v4;
	[tilespmem:s31+$0x16230] =	vst v2  }
0x227: {  	v20 =	vor.u32 $0x40, v9;
	v23 =	vor.u32 v9, v22;
	v5 =	vld.idx.msk [tilespmem:v5+s19+$0x0], $0xffff  }
0x228: {  	v12 =	vor.u32 $0x2000, v59;
	v24 =	vor.u32 v20, v22;
	v6 =	vld.idx.msk [tilespmem:v6+s16+$0x0], $0xffff  }
0x229: {  	v13 =	vor.u32 $0x2040, v59;
	v25 =	vor.u32 v12, v22;
	v7 =	vld.idx.msk [tilespmem:v7+s16+$0x0], $0xffff  }
0x22a: {  	v14 =	vor.u32 $0x2800, v59;
	v26 =	vor.u32 v13, v22;
	v8 =	vld.idx.msk [tilespmem:v8+s16+$0x0], $0xffff  }
0x22b: {  	v27 =	vor.u32 v14, v22;
	v21 =	vld.idx.msk [tilespmem:v21+s16+$0x0], $0xffff  }
0x22c: {  	v28 =	vor.u32 v15, v22;
	v23 =	vld.idx.msk [tilespmem:v23+s19+$0x0], $0xffff  }
0x22d: {  	v29 =	vor.u32 v16, v22;
	v24 =	vld.idx.msk [tilespmem:v24+s19+$0x0], $0xffff  }
0x22e: {  	s25 =	simm.s32 $0x2;
	v30 =	vor.u32 v17, v22;
	v25 =	vld.idx.msk [tilespmem:v25+s16+$0x0], $0xffff  }
0x22f: {  	v31 =	vadd.s32 s25, v61;
	v19 =	vor.u32 $0x3840, v59;
	v51 =	vor.u32 v18, v22;
	v26 =	vld.idx.msk [tilespmem:v26+s16+$0x0], $0xffff  }
0x230: {  	v31 =	vand.u32 $0x3F, v31;
	v22 =	vor.u32 v19, v22;
	v27 =	vld.idx.msk [tilespmem:v27+s16+$0x0], $0xffff  }
0x231: {  	v52 =	vor.u32 v9, v31;
	v28 =	vld.idx.msk [tilespmem:v28+s16+$0x0], $0xffff  }
0x232: {  	v53 =	vor.u32 v20, v31;
	v29 =	vld.idx.msk [tilespmem:v29+s16+$0x0], $0xffff  }
0x233: {  	v54 =	vor.u32 v12, v31;
	v30 =	vld.idx.msk [tilespmem:v30+s16+$0x0], $0xffff  }
0x234: {  	v55 =	vor.u32 v13, v31;
	v32 =	vld.idx.msk [tilespmem:v51+s16+$0x0], $0xffff  }
0x235: {  	v56 =	vor.u32 v14, v31;
	v22 =	vld.idx.msk [tilespmem:v22+s16+$0x0], $0xffff  }
0x236: {  	s26 =	simm.s32 $0x1;
	v57 =	vor.u32 v15, v31;
	v33 =	vld.idx.msk [tilespmem:v52+s19+$0x0], $0xffff  }
0x237: {  	v58 =	vadd.s32 s26, v61;
	v59 =	vor.u32 v16, v31;
	v34 =	vld.idx.msk [tilespmem:v53+s19+$0x0], $0xffff  }
0x238: {  	v39 =	vand.u32 $0x3F, v58;
	v60 =	vor.u32 v17, v31;
	v35 =	vld.idx.msk [tilespmem:v54+s16+$0x0], $0xffff  }
0x239: {  	v62 =	vor.u32 v9, v39;
	v63 =	vor.u32 v20, v39;
	v61 =	vor.u32 v18, v31;
	v36 =	vld.idx.msk [tilespmem:v55+s16+$0x0], $0xffff  }
0x23a: {  	v31 =	vor.u32 v19, v31;
	v1 =	vor.u32 v20, v4;
	v3 =	vor.u32 v12, v4;
	v37 =	vld.idx.msk [tilespmem:v56+s16+$0x0], $0xffff  }
0x23b: {  	v0 =	vor.u32 v13, v4;
	v2 =	vor.u32 v14, v4;
	v38 =	vld.idx.msk [tilespmem:v57+s16+$0x0], $0xffff;
	v7 =	vsub.f32 v5, v7  }
0x23c: {  	v4 =	vor.u32 v19, v4;
	v40 =	vld.idx.msk [tilespmem:v59+s16+$0x0], $0xffff;
	v25 =	vsub.f32 v23, v25;
	v26 =	vsub.f32 v24, v26  }
0x23d: {  	v52 =	vor.u32 v12, v39;
	v41 =	vld.idx.msk [tilespmem:v60+s16+$0x0], $0xffff;
	v27 =	vsub.f32 v23, v27;
	v28 =	vsub.f32 v24, v28  }
0x23e: {  	v53 =	vor.u32 v15, v39;
	v42 =	vld.idx.msk [tilespmem:v61+s16+$0x0], $0xffff;
	v29 =	vsub.f32 v23, v29;
	v30 =	vsub.f32 v24, v30  }
0x23f: {  	v54 =	vor.u32 v16, v39;
	v31 =	vld.idx.msk [tilespmem:v31+s16+$0x0], $0xffff;
	v23 =	vsub.f32 v23, v32;
	v35 =	vsub.f32 v33, v35  }
0x240: {  	v55 =	vor.u32 v17, v39;
	v1 =	vld.idx.msk [tilespmem:v1+s19+$0x0], $0xffff;
	v22 =	vsub.f32 v24, v22;
	v36 =	vsub.f32 v34, v36  }
0x241: {  	v57 =	vor.u32 v18, v39;
	v3 =	vld.idx.msk [tilespmem:v3+s16+$0x0], $0xffff;
	v37 =	vsub.f32 v33, v37;
	v38 =	vsub.f32 v34, v38  }
0x242: {  	v0 =	vld.idx.msk [tilespmem:v0+s16+$0x0], $0xffff;
	v40 =	vsub.f32 v33, v40;
	v41 =	vsub.f32 v34, v41;
	v7 =	vmul.f32 v7, v7  }
0x243: {  	v2 =	vld.idx.msk [tilespmem:v2+s16+$0x0], $0xffff;
	v33 =	vsub.f32 v33, v42;
	v25 =	vmul.f32 v25, v25;
	v26 =	vmul.f32 v26, v26  }
0x244: {  	v4 =	vld.idx.msk [tilespmem:v4+s16+$0x0], $0xffff;
	v31 =	vsub.f32 v34, v31;
	v27 =	vmul.f32 v27, v27;
	v28 =	vmul.f32 v28, v28  }
0x245: {  	v6 =	vsub.f32 v1, v6;
	v29 =	vmul.f32 v29, v29;
	v30 =	vmul.f32 v30, v30  }
0x246: {  	v56 =	vld.idx.msk [tilespmem:v62+s19+$0x0], $0xffff;
	v8 =	vsub.f32 v1, v8;
	v23 =	vmul.f32 v23, v23;
	v22 =	vmul.f32 v22, v22  }
0x247: {  	v24 =	vld.idx.msk [tilespmem:v63+s19+$0x0], $0xffff;
	v3 =	vsub.f32 v5, v3;
	v35 =	vmul.f32 v35, v35;
	v36 =	vmul.f32 v36, v36  }
0x248: {  	v58 =	vld.idx.msk [tilespmem:v52+s16+$0x0], $0xffff;
	v2 =	vsub.f32 v5, v2;
	v5 =	vsub.f32 v5, v21;
	v21 =	vor.u32 v13, v39  }
0x249: {  	v59 =	vld.idx.msk [tilespmem:v53+s16+$0x0], $0xffff;
	v0 =	vsub.f32 v1, v0;
	v1 =	vsub.f32 v1, v4;
	v4 =	vor.u32 v14, v39  }
0x24a: {  	v60 =	vld.idx.msk [tilespmem:v54+s16+$0x0], $0xffff;
	v37 =	vmul.f32 v37, v37;
	v38 =	vmul.f32 v38, v38;
	v39 =	vor.u32 v19, v39  }
0x24b: {  	v61 =	vld.idx.msk [tilespmem:v55+s16+$0x0], $0xffff;
	v40 =	vmul.f32 v40, v40;
	v41 =	vmul.f32 v41, v41  }
0x24c: {  	v43 =	vld.idx.msk [tilespmem:v57+s16+$0x0], $0xffff;
	v33 =	vmul.f32 v33, v33;
	v31 =	vmul.f32 v31, v31  }
0x24d: {  	v6 =	vmul.f32 v6, v6;
	v3 =	vmul.f32 v3, v3;
	v22 =	vadd.f32 v22, v23;
	v21 =	vld.idx.msk [tilespmem:v21+s16+$0x0], $0xffff  }
0x24e: {  	v63 =	vadd.f32 v31, v33;
	v0 =	vmul.f32 v0, v0;
	v44 =	vsub.f32 v56, v58;
	v4 =	vld.idx.msk [tilespmem:v4+s16+$0x0], $0xffff  }
0x24f: {  	v45 =	vsub.f32 v24, v59;
	v5 =	vmul.f32 v5, v5;
	v1 =	vmul.f32 v1, v1;
	v39 =	vld.idx.msk [tilespmem:v39+s16+$0x0], $0xffff  }
0x250: {  	v42 =	vsub.f32 v56, v60;
	v34 =	vsub.f32 v24, v61;
	v2 =	vmul.f32 v2, v2  }
0x251: {  	v8 =	vmul.f32 v8, v8;
	v32 =	vsub.f32 v56, v43;
	v1 =	vadd.f32 v1, v5  }
0x252: {  	v62 =	vmul.f32 v44, v44;
	v0 =	vadd.f32 v0, v3;
	v2 =	vadd.f32 v6, v2  }
0x253: {  	v23 =	vmul.f32 v32, v32;
	v33 =	vadd.f32 $9.999999960e-13, v1;
	v4 =	vsub.f32 v56, v4  }
0x254: {  	v5 =	vmul.f32 v45, v45;
	v21 =	vsub.f32 v24, v21;
	v24 =	vsub.f32 v24, v39  }
0x255: {  	v3 =	vmul.f32 v4, v4;
	v4 =	vadd.f32 v8, v7;
	v7 =	vadd.f32 v26, v25  }
0x256: {  	v6 =	vmul.f32 v42, v42;
	v8 =	vadd.f32 v28, v27;
	v26 =	vadd.f32 v30, v29  }
0x257: {  	v21 =	vmul.f32 v21, v21;
	v27 =	vadd.f32 v36, v35;
	v28 =	vadd.f32 v38, v37  }
0x258: {  	v25 =	vmul.f32 v34, v34;
	v29 =	vadd.f32 v41, v40;
	v34 =	vadd.f32 $9.999999960e-13, v0  }
0x259: {  	v24 =	vmul.f32 v24, v24;
	v35 =	vadd.f32 $9.999999960e-13, v2;
	v21 =	vadd.f32 v21, v62  }
0x25a: {  	v3 =	vadd.f32 v5, v3;
	v5 =	vadd.f32 v25, v6  }
0x25b: {  	v6 =	vadd.f32 v24, v23;
	v32 =	vadd.f32 $9.999999960e-13, v4  }
0x25c: {  	v30 =	vadd.f32 $9.999999960e-13, v7;
	v31 =	vadd.f32 $9.999999960e-13, v8  }
0x25d: {  	v26 =	vadd.f32 $9.999999960e-13, v26;
	v25 =	vadd.f32 $9.999999960e-13, v22  }
0x25e: {  	v52 =	vmul.f32 $5.000000000e-01, v33;
	v37 =	vadd.f32 $9.999999960e-13, v27;
	v36 =	vadd.f32 $9.999999960e-13, v28  }
0x25f: {  	v28 =	vadd.f32 $9.999999960e-13, v29;
	v27 =	vadd.f32 $9.999999960e-13, v63;
	v1 =	vshra.s32 v34, $0x1  }
0x260: {  	v8 =	vmul.f32 $5.000000000e-01, v34;
	v43 =	vshra.s32 v35, $0x1;
	v50 =	vmul.f32 $5.000000000e-01, v35  }
0x261: {  	v24 =	vshra.s32 v33, $0x1;
	v46 =	vsub.s32 $0x5F3759DF, v1;
	v49 =	vsub.s32 $0x5F3759DF, v43  }
0x262: {  	v48 =	vsub.s32 $0x5F3759DF, v24;
	v24 =	vimm.f32 $0.0e+00;
	v40 =	vadd.f32 $9.999999960e-13, v21  }
0x263: {  	v39 =	vadd.f32 $9.999999960e-13, v3;
	v21 =	vimm.f32 $0.0e+00;
	v38 =	vadd.f32 $9.999999960e-13, v5  }
0x264: {  	v29 =	vadd.f32 $9.999999960e-13, v6;
	v44 =	vshra.s32 v32, $0x1;
	v51 =	vmul.f32 $5.000000000e-01, v32  }
0x265: {  	v41 =	vshra.s32 v30, $0x1;
	v54 =	vmul.f32 $5.000000000e-01, v30;
	v42 =	vshra.s32 v31, $0x1  }
0x266: {  	v53 =	vmul.f32 $5.000000000e-01, v31;
	v45 =	vshra.s32 v26, $0x1;
	v55 =	vmul.f32 $5.000000000e-01, v26  }
0x267: {  	v22 =	vshra.s32 v25, $0x1;
	v23 =	vshra.s32 v37, $0x1;
	v56 =	vmul.f32 $5.000000000e-01, v37  }
0x268: {  	v57 =	vmul.f32 $5.000000000e-01, v25;
	v7 =	vshra.s32 v36, $0x1;
	v58 =	vmul.f32 $5.000000000e-01, v36  }
0x269: {  	v5 =	vshra.s32 v28, $0x1;
	v60 =	vmul.f32 $5.000000000e-01, v28;
	v6 =	vshra.s32 v27, $0x1  }
0x26a: {  	v59 =	vmul.f32 $5.000000000e-01, v27;
	v8 =	vmul.f32 v46, v8;
	v47 =	vsub.s32 $0x5F3759DF, v44  }
0x26b: {  	v43 =	vsub.s32 $0x5F3759DF, v41;
	v44 =	vsub.s32 $0x5F3759DF, v42;
	v42 =	vsub.s32 $0x5F3759DF, v45  }
0x26c: {  	v41 =	vsub.s32 $0x5F3759DF, v23;
	v45 =	vsub.s32 $0x5F3759DF, v22;
	v23 =	vimm.f32 $0.0e+00  }
0x26d: {  	v22 =	vimm.f32 $0.0e+00;
	v4 =	vshra.s32 v40, $0x1;
	v62 =	vmul.f32 $5.000000000e-01, v40  }
0x26e: {  	[tilespmem:$0x1FF30] =	vst v11;
	v0 =	vshra.s32 v39, $0x1;
	v61 =	vmul.f32 $5.000000000e-01, v39;
	v2 =	vshra.s32 v38, $0x1  }
0x26f: {  	s17 =	simm.s32 $0x4;
	[tilespmem:$0x1FF80] =	vst v9;
	v63 =	vmul.f32 $5.000000000e-01, v38;
	v1 =	vshra.s32 v29, $0x1;
	v3 =	vmul.f32 $5.000000000e-01, v29  }
.LBB2_11:
0x270: {  	v7 =	vsub.s32 $0x5F3759DF, v7;
	v50 =	vmul.f32 v49, v50;
	v51 =	vmul.f32 v47, v51  }
0x271: {  	v5 =	vsub.s32 $0x5F3759DF, v5;
	v52 =	vmul.f32 v48, v52;
	v54 =	vmul.f32 v43, v54  }
0x272: {  	v6 =	vsub.s32 $0x5F3759DF, v6;
	v53 =	vmul.f32 v44, v53;
	v55 =	vmul.f32 v42, v55  }
0x273: {  	v4 =	vsub.s32 $0x5F3759DF, v4;
	v56 =	vmul.f32 v41, v56;
	v57 =	vmul.f32 v45, v57  }
0x274: {  	v0 =	vsub.s32 $0x5F3759DF, v0;
	v58 =	vmul.f32 v7, v58;
	v60 =	vmul.f32 v5, v60  }
0x275: {  	v2 =	vsub.s32 $0x5F3759DF, v2;
	v62 =	vmul.f32 v4, v62;
	v59 =	vmul.f32 v6, v59  }
0x276: {  	v1 =	vsub.s32 $0x5F3759DF, v1;
	v61 =	vmul.f32 v0, v61;
	v63 =	vmul.f32 v2, v63  }
0x277: {  	v8 =	vmul.f32 v46, v8;
	v3 =	vmul.f32 v1, v3  }
0x278: {  	v50 =	vmul.f32 v49, v50;
	v51 =	vmul.f32 v47, v51  }
0x279: {  	v52 =	vmul.f32 v48, v52;
	v54 =	vmul.f32 v43, v54  }
0x27a: {  	v53 =	vmul.f32 v44, v53;
	v55 =	vmul.f32 v42, v55  }
0x27b: {  	v56 =	vmul.f32 v41, v56;
	v57 =	vmul.f32 v45, v57  }
0x27c: {  	v58 =	vmul.f32 v7, v58;
	v60 =	vmul.f32 v5, v60  }
0x27d: {  	v8 =	vsub.f32 $1.500000000e+00, v8;
	v59 =	vmul.f32 v6, v59;
	v62 =	vmul.f32 v4, v62  }
0x27e: {  	v61 =	vmul.f32 v0, v61;
	v50 =	vsub.f32 $1.500000000e+00, v50;
	v51 =	vsub.f32 $1.500000000e+00, v51  }
0x27f: {  	v63 =	vmul.f32 v2, v63;
	v52 =	vsub.f32 $1.500000000e+00, v52;
	v53 =	vsub.f32 $1.500000000e+00, v53  }
0x280: {  	v3 =	vmul.f32 v1, v3;
	v55 =	vsub.f32 $1.500000000e+00, v55;
	v57 =	vsub.f32 $1.500000000e+00, v57  }
0x281: {  	v56 =	vsub.f32 $1.500000000e+00, v56;
	v58 =	vsub.f32 $1.500000000e+00, v58;
	v8 =	vmul.f32 v46, v8  }
0x282: {  	v3 =	vsub.f32 $1.500000000e+00, v3;
	v46 =	vmul.f32 v49, v50;
	v47 =	vmul.f32 v47, v51  }
0x283: {  	v49 =	vsub.f32 $1.500000000e+00, v60;
	v48 =	vmul.f32 v48, v52;
	v44 =	vmul.f32 v44, v53  }
0x284: {  	v50 =	vsub.f32 $1.500000000e+00, v59;
	v42 =	vmul.f32 v42, v55;
	v57 =	vmul.f32 v45, v57  }
0x285: {  	v51 =	vsub.f32 $1.500000000e+00, v62;
	v60 =	vmul.f32 v41, v56;
	v7 =	vmul.f32 v7, v58  }
0x286: {  	v62 =	vsub.f32 $1.500000000e+00, v61;
	v1 =	vmul.f32 v1, v3;
	v8 =	vmul.f32 v8, v34  }
0x287: {  	v10 =	vld [tilespmem:$0x1FF80];
	v59 =	vsub.f32 $1.500000000e+00, v63;
	v5 =	vmul.f32 v5, v49;
	v6 =	vmul.f32 v6, v50  }
0x288: {  	v9 =	vlaneseq.u32;
	v4 =	vmul.f32 v4, v51;
	v0 =	vmul.f32 v0, v62  }
0x289: {  	s25 =	sadd.s32 $0x2, s17;
	v61 =	vadd.s32 s17, v9;
	v2 =	vmul.f32 v2, v59;
	v62 =	vmul.f32 v46, v35  }
0x28a: {  	v56 =	vadd.s32 s25, v9;
	v32 =	vmul.f32 v47, v32;
	v33 =	vmul.f32 v48, v33  }
0x28b: {  	v49 =	vand.u32 $0x3F, v61;
	v37 =	vmul.f32 v60, v37;
	v7 =	vmul.f32 v7, v36  }
0x28c: {  	v8 =	vadd.f32 v8, v21;
	v35 =	vand.u32 $0x3F, v56;
	v3 =	vor.u32 v10, v49  }
0x28d: {  	v1 =	vmul.f32 v1, v29;
	v52 =	vor.u32 v14, v49;
	v58 =	vor.u32 v10, v35  }
0x28e: {  	v21 =	vadd.f32 v62, v23;
	v2 =	vmul.f32 v2, v38;
	v23 =	vadd.f32 v32, v24  }
0x28f: {  	v59 =	vor.u32 v20, v35;
	v60 =	vor.u32 v12, v35;
	v4 =	vmul.f32 v4, v40  }
0x290: {  	v61 =	vor.u32 v13, v35;
	v5 =	vmul.f32 v5, v28;
	v2 =	vadd.f32 v2, v23  }
0x291: {  	v0 =	vmul.f32 v0, v39;
	v22 =	vadd.f32 v33, v22;
	v4 =	vadd.f32 v4, v8;
	v3 =	vld.idx.msk [tilespmem:v3+s19+$0x0], $0xffff  }
0x292: {  	v62 =	vor.u32 v14, v35;
	v2 =	vadd.f32 v5, v2;
	v5 =	vmul.f32 v57, v25;
	v25 =	vld.idx.msk [tilespmem:v52+s16+$0x0], $0xffff  }
0x293: {  	v63 =	vor.u32 v20, v49;
	v50 =	vor.u32 v12, v49;
	v4 =	vadd.f32 v37, v4;
	v37 =	vld.idx.msk [tilespmem:v58+s19+$0x0], $0xffff  }
0x294: {  	s21 =	sadd.s32 $0x3, s17;
	v6 =	vmul.f32 v6, v27;
	v0 =	vadd.f32 v0, v21;
	v1 =	vadd.f32 v1, v22;
	v38 =	vld.idx.msk [tilespmem:v59+s19+$0x0], $0xffff  }
0x295: {  	v31 =	vmul.f32 v44, v31;
	v51 =	vor.u32 v13, v49;
	v8 =	vadd.s32 s21, v9;
	v39 =	vld.idx.msk [tilespmem:v60+s16+$0x0], $0xffff  }
0x296: {  	v0 =	vadd.f32 v7, v0;
	v1 =	vadd.f32 v6, v1;
	v6 =	vor.u32 v15, v49;
	v40 =	vld.idx.msk [tilespmem:v61+s16+$0x0], $0xffff  }
0x297: {  	v8 =	vand.u32 $0x3F, v8;
	v7 =	vmul.f32 v42, v26;
	v26 =	vor.u32 v19, v49;
	v41 =	vld.idx.msk [tilespmem:v62+s16+$0x0], $0xffff  }
0x298: {  	v27 =	vor.u32 v10, v8;
	v23 =	vadd.f32 v31, v0;
	v0 =	vld.idx.msk [tilespmem:v63+s19+$0x0], $0xffff  }
0x299: {  	v54 =	vsub.f32 $1.500000000e+00, v54;
	v28 =	vor.u32 v20, v8;
	v22 =	vadd.f32 v5, v1;
	v1 =	vld.idx.msk [tilespmem:v50+s16+$0x0], $0xffff  }
0x29a: {  	v29 =	vor.u32 v12, v8;
	v5 =	vld.idx.msk [tilespmem:v51+s16+$0x0], $0xffff  }
0x29b: {  	v43 =	vmul.f32 v43, v54;
	v53 =	vor.u32 v15, v8;
	v6 =	vld.idx.msk [tilespmem:v6+s16+$0x0], $0xffff  }
0x29c: {  	v54 =	vor.u32 v16, v8;
	v26 =	vld.idx.msk [tilespmem:v26+s16+$0x0], $0xffff  }
0x29d: {  	v30 =	vmul.f32 v43, v30;
	v55 =	vor.u32 v17, v8;
	v27 =	vld.idx.msk [tilespmem:v27+s19+$0x0], $0xffff  }
0x29e: {  	v57 =	vor.u32 v18, v8;
	v28 =	vld.idx.msk [tilespmem:v28+s19+$0x0], $0xffff  }
0x29f: {  	s26 =	sadd.s32 $0x1, s17;
	v21 =	vadd.f32 v30, v4;
	v4 =	vor.u32 v16, v49;
	v29 =	vld.idx.msk [tilespmem:v29+s16+$0x0], $0xffff  }
0x2a0: {  	v52 =	vadd.s32 s26, v9;
	v24 =	vadd.f32 v7, v2;
	v2 =	vor.u32 v17, v49;
	v32 =	vld.idx.msk [tilespmem:v53+s16+$0x0], $0xffff  }
0x2a1: {  	v43 =	vand.u32 $0x3F, v52;
	v7 =	vor.u32 v18, v49;
	v33 =	vld.idx.msk [tilespmem:v54+s16+$0x0], $0xffff  }
0x2a2: {  	v30 =	vor.u32 v13, v8;
	v31 =	vor.u32 v14, v8;
	v8 =	vor.u32 v19, v8;
	v34 =	vld.idx.msk [tilespmem:v55+s16+$0x0], $0xffff  }
0x2a3: {  	v63 =	vor.u32 v15, v35;
	v56 =	vor.u32 v10, v43;
	v58 =	vor.u32 v12, v43;
	v36 =	vld.idx.msk [tilespmem:v57+s16+$0x0], $0xffff  }
0x2a4: {  	v59 =	vor.u32 v15, v43;
	v60 =	vor.u32 v16, v43;
	v61 =	vor.u32 v17, v43;
	v4 =	vld.idx.msk [tilespmem:v4+s16+$0x0], $0xffff  }
0x2a5: {  	v53 =	vor.u32 v16, v35;
	v54 =	vor.u32 v17, v35;
	v55 =	vor.u32 v18, v35;
	v2 =	vld.idx.msk [tilespmem:v2+s16+$0x0], $0xffff  }
0x2a6: {  	v35 =	vor.u32 v19, v35;
	v25 =	vsub.f32 v3, v25;
	v39 =	vsub.f32 v37, v39;
	v7 =	vld.idx.msk [tilespmem:v7+s16+$0x0], $0xffff  }
0x2a7: {  	v57 =	vor.u32 v20, v43;
	v40 =	vsub.f32 v38, v40;
	v30 =	vld.idx.msk [tilespmem:v30+s16+$0x0], $0xffff;
	v1 =	vsub.f32 v3, v1  }
0x2a8: {  	v41 =	vsub.f32 v37, v41;
	v31 =	vld.idx.msk [tilespmem:v31+s16+$0x0], $0xffff;
	v5 =	vsub.f32 v0, v5;
	v39 =	vmul.f32 v39, v39  }
0x2a9: {  	v8 =	vld.idx.msk [tilespmem:v8+s16+$0x0], $0xffff;
	v40 =	vmul.f32 v40, v40;
	v1 =	vmul.f32 v1, v1;
	v6 =	vsub.f32 v0, v6  }
0x2aa: {  	v42 =	vld.idx.msk [tilespmem:v63+s16+$0x0], $0xffff;
	v5 =	vmul.f32 v5, v5;
	v29 =	vsub.f32 v27, v29;
	v32 =	vsub.f32 v28, v32  }
0x2ab: {  	v63 =	vor.u32 v18, v43;
	v45 =	vld.idx.msk [tilespmem:v54+s16+$0x0], $0xffff;
	v33 =	vsub.f32 v27, v33;
	v34 =	vsub.f32 v28, v34  }
0x2ac: {  	v25 =	vmul.f32 v25, v25;
	v54 =	vld.idx.msk [tilespmem:v60+s16+$0x0], $0xffff;
	v60 =	vadd.f32 v40, v39;
	v1 =	vadd.f32 v5, v1  }
0x2ad: {  	v47 =	vld.idx.msk [tilespmem:v56+s19+$0x0], $0xffff;
	v41 =	vmul.f32 v41, v41;
	v4 =	vsub.f32 v3, v4;
	v2 =	vsub.f32 v0, v2  }
0x2ae: {  	v44 =	vld.idx.msk [tilespmem:v53+s16+$0x0], $0xffff;
	v3 =	vsub.f32 v3, v7;
	v7 =	vor.u32 v13, v43;
	v0 =	vsub.f32 v0, v26  }
0x2af: {  	v46 =	vld.idx.msk [tilespmem:v55+s16+$0x0], $0xffff;
	v26 =	vor.u32 v14, v43;
	v30 =	vsub.f32 v28, v30;
	v31 =	vsub.f32 v27, v31  }
0x2b0: {  	v35 =	vld.idx.msk [tilespmem:v35+s16+$0x0], $0xffff;
	v27 =	vsub.f32 v27, v36;
	v8 =	vsub.f32 v28, v8;
	v6 =	vmul.f32 v6, v6  }
0x2b1: {  	v62 =	vld.idx.msk [tilespmem:v57+s19+$0x0], $0xffff;
	v43 =	vor.u32 v19, v43;
	v29 =	vmul.f32 v29, v29;
	v33 =	vmul.f32 v33, v33  }
0x2b2: {  	v53 =	vld.idx.msk [tilespmem:v59+s16+$0x0], $0xffff;
	v42 =	vsub.f32 v38, v42;
	v34 =	vmul.f32 v34, v34;
	v4 =	vmul.f32 v4, v4  }
0x2b3: {  	v55 =	vld.idx.msk [tilespmem:v61+s16+$0x0], $0xffff;
	v2 =	vmul.f32 v2, v2;
	v3 =	vmul.f32 v3, v3;
	v5 =	vadd.f32 v6, v25  }
0x2b4: {  	v0 =	vmul.f32 v0, v0;
	v59 =	vadd.f32 v34, v33;
	v34 =	vadd.f32 $9.999999960e-13, v1  }
0x2b5: {  	v30 =	vmul.f32 v30, v30;
	v44 =	vsub.f32 v37, v44;
	v45 =	vsub.f32 v38, v45  }
0x2b6: {  	v27 =	vmul.f32 v27, v27;
	v37 =	vsub.f32 v37, v46;
	v35 =	vsub.f32 v38, v35  }
0x2b7: {  	v28 =	vld.idx.msk [tilespmem:v58+s16+$0x0], $0xffff;
	v8 =	vmul.f32 v8, v8;
	v57 =	vsub.f32 v62, v53;
	v58 =	vsub.f32 v47, v54  }
0x2b8: {  	v56 =	vld.idx.msk [tilespmem:v63+s16+$0x0], $0xffff;
	v42 =	vmul.f32 v42, v42;
	v46 =	vsub.f32 v62, v55;
	v2 =	vadd.f32 v2, v4  }
0x2b9: {  	v32 =	vmul.f32 v32, v32;
	v0 =	vadd.f32 v0, v3;
	v25 =	vadd.f32 v30, v29  }
0x2ba: {  	v31 =	vmul.f32 v31, v31;
	v8 =	vadd.f32 v8, v27;
	v61 =	vadd.f32 v42, v41  }
0x2bb: {  	v1 =	vshra.s32 v34, $0x1;
	v44 =	vmul.f32 v44, v44;
	v45 =	vmul.f32 v45, v45  }
0x2bc: {  	v7 =	vld.idx.msk [tilespmem:v7+s16+$0x0], $0xffff;
	v28 =	vsub.f32 v47, v28;
	v37 =	vmul.f32 v37, v37;
	v35 =	vmul.f32 v35, v35  }
0x2bd: {  	v26 =	vld.idx.msk [tilespmem:v26+s16+$0x0], $0xffff;
	v38 =	vsub.f32 v47, v56;
	v4 =	vmul.f32 v58, v58;
	v29 =	vmul.f32 v46, v46  }
0x2be: {  	v43 =	vld.idx.msk [tilespmem:v43+s16+$0x0], $0xffff;
	v3 =	vmul.f32 v57, v57;
	v33 =	vadd.f32 $9.999999960e-13, v0;
	v63 =	vadd.f32 v35, v37  }
0x2bf: {  	v46 =	vsub.s32 $0x5F3759DF, v1;
	v4 =	vadd.f32 v29, v4;
	v35 =	vadd.f32 $9.999999960e-13, v5  }
0x2c0: {  	v28 =	vmul.f32 v28, v28;
	v27 =	vmul.f32 v38, v38;
	v37 =	vadd.f32 $9.999999960e-13, v60  }
0x2c1: {  	v52 =	vmul.f32 $5.000000000e-01, v33;
	v38 =	vadd.f32 $9.999999960e-13, v4;
	v41 =	vshra.s32 v35, $0x1  }
0x2c2: {  	v50 =	vmul.f32 $5.000000000e-01, v35;
	v7 =	vsub.f32 v62, v7;
	v26 =	vsub.f32 v47, v26  }
0x2c3: {  	v11 =	vshra.s32 v37, $0x1;
	v56 =	vmul.f32 $5.000000000e-01, v37;
	v36 =	vsub.f32 v62, v43  }
0x2c4: {  	v62 =	vadd.f32 v45, v44;
	v7 =	vmul.f32 v7, v7;
	v6 =	vmul.f32 v26, v26  }
0x2c5: {  	v26 =	vadd.f32 v32, v31;
	v30 =	vmul.f32 v36, v36;
	v32 =	vadd.f32 $9.999999960e-13, v2  }
0x2c6: {  	v43 =	vshra.s32 v33, $0x1;
	v36 =	vadd.f32 $9.999999960e-13, v61;
	v7 =	vadd.f32 v7, v28  }
0x2c7: {  	v49 =	vsub.s32 $0x5F3759DF, v41;
	v3 =	vadd.f32 v3, v6;
	v6 =	vadd.f32 v30, v27  }
0x2c8: {  	v41 =	vsub.s32 $0x5F3759DF, v11;
	v30 =	vadd.f32 $9.999999960e-13, v25;
	v31 =	vadd.f32 $9.999999960e-13, v26  }
0x2c9: {  	v48 =	vsub.s32 $0x5F3759DF, v43;
	v26 =	vadd.f32 $9.999999960e-13, v59;
	v25 =	vadd.f32 $9.999999960e-13, v8  }
0x2ca: {  	v2 =	vshra.s32 v38, $0x1;
	v28 =	vadd.f32 $9.999999960e-13, v62;
	v27 =	vadd.f32 $9.999999960e-13, v63  }
0x2cb: {  	v8 =	vmul.f32 $5.000000000e-01, v34;
	v42 =	vshra.s32 v32, $0x1;
	v51 =	vmul.f32 $5.000000000e-01, v32  }
0x2cc: {  	v58 =	vmul.f32 $5.000000000e-01, v36;
	v63 =	vmul.f32 $5.000000000e-01, v38;
	v40 =	vadd.f32 $9.999999960e-13, v7  }
0x2cd: {  	v47 =	vsub.s32 $0x5F3759DF, v42;
	v39 =	vadd.f32 $9.999999960e-13, v3;
	v29 =	vadd.f32 $9.999999960e-13, v6  }
0x2ce: {  	v44 =	vshra.s32 v30, $0x1;
	v54 =	vmul.f32 $5.000000000e-01, v30;
	v45 =	vshra.s32 v31, $0x1  }
0x2cf: {  	v53 =	vmul.f32 $5.000000000e-01, v31;
	v9 =	vshra.s32 v26, $0x1;
	v55 =	vmul.f32 $5.000000000e-01, v26  }
0x2d0: {  	p0 =	slt.u32 s17, $0x3C;
	v10 =	vshra.s32 v25, $0x1;
	v57 =	vmul.f32 $5.000000000e-01, v25;
	v7 =	vshra.s32 v36, $0x1  }
.Ltmp6:
0x2d1: {  	v5 =	vshra.s32 v28, $0x1;
	v60 =	vmul.f32 $5.000000000e-01, v28;
	v6 =	vshra.s32 v27, $0x1;
	(pc) =	sbr.rel @p0 .LBB2_11-.Ltmp6, $4  }
0x2d2: {  	v59 =	vmul.f32 $5.000000000e-01, v27;
	v8 =	vmul.f32 v46, v8;
	v43 =	vsub.s32 $0x5F3759DF, v44  }
0x2d3: {  	v44 =	vsub.s32 $0x5F3759DF, v45;
	v42 =	vsub.s32 $0x5F3759DF, v9;
	v45 =	vsub.s32 $0x5F3759DF, v10  }
0x2d4: {  	v4 =	vshra.s32 v40, $0x1;
	v62 =	vmul.f32 $5.000000000e-01, v40;
	v0 =	vshra.s32 v39, $0x1  }
0x2d5: {  	s17 =	sadd.s32 $0x4, s17;
	v61 =	vmul.f32 $5.000000000e-01, v39;
	v1 =	vshra.s32 v29, $0x1;
	v3 =	vmul.f32 $5.000000000e-01, v29  }
0x2d6: {  	v9 =	vmul.f32 v49, v50;
	v10 =	vmul.f32 v47, v51;
	v7 =	vsub.s32 $0x5F3759DF, v7  }
0x2d7: {  	[tilespmem:$0x1FEB0] =	vst v19;
	v11 =	vmul.f32 v48, v52;
	v5 =	vsub.s32 $0x5F3759DF, v5;
	v19 =	vmul.f32 v43, v54  }
0x2d8: {  	v6 =	vsub.s32 $0x5F3759DF, v6;
	v20 =	vmul.f32 v44, v53;
	v50 =	vmul.f32 v42, v55  }
0x2d9: {  	v4 =	vsub.s32 $0x5F3759DF, v4;
	v51 =	vmul.f32 v41, v56;
	v52 =	vmul.f32 v45, v57  }
0x2da: {  	v0 =	vsub.s32 $0x5F3759DF, v0;
	v8 =	vmul.f32 v46, v8;
	v53 =	vmul.f32 v7, v58  }
0x2db: {  	v2 =	vsub.s32 $0x5F3759DF, v2;
	v54 =	vmul.f32 v5, v60;
	v55 =	vmul.f32 v4, v62  }
0x2dc: {  	v1 =	vsub.s32 $0x5F3759DF, v1;
	v60 =	vmul.f32 v6, v59;
	v62 =	vmul.f32 v0, v61  }
0x2dd: {  	v63 =	vmul.f32 v2, v63;
	v3 =	vmul.f32 v1, v3  }
0x2de: {  	v9 =	vmul.f32 v49, v9;
	v10 =	vmul.f32 v47, v10  }
0x2df: {  	v11 =	vmul.f32 v48, v11;
	v19 =	vmul.f32 v43, v19  }
0x2e0: {  	v20 =	vmul.f32 v44, v20;
	v50 =	vmul.f32 v42, v50  }
0x2e1: {  	v51 =	vmul.f32 v41, v51;
	v52 =	vmul.f32 v45, v52  }
0x2e2: {  	v53 =	vmul.f32 v7, v53;
	v54 =	vmul.f32 v5, v54  }
0x2e3: {  	v8 =	vsub.f32 $1.500000000e+00, v8;
	v56 =	vmul.f32 v6, v60;
	v55 =	vmul.f32 v4, v55  }
0x2e4: {  	v57 =	vmul.f32 v0, v62;
	v9 =	vsub.f32 $1.500000000e+00, v9;
	v10 =	vsub.f32 $1.500000000e+00, v10  }
0x2e5: {  	v58 =	vmul.f32 v2, v63;
	v11 =	vsub.f32 $1.500000000e+00, v11;
	v19 =	vsub.f32 $1.500000000e+00, v19  }
0x2e6: {  	v3 =	vmul.f32 v1, v3;
	v20 =	vsub.f32 $1.500000000e+00, v20;
	v50 =	vsub.f32 $1.500000000e+00, v50  }
0x2e7: {  	v52 =	vsub.f32 $1.500000000e+00, v52;
	v51 =	vsub.f32 $1.500000000e+00, v51;
	v8 =	vmul.f32 v46, v8  }
0x2e8: {  	v53 =	vsub.f32 $1.500000000e+00, v53;
	v46 =	vsub.f32 $1.500000000e+00, v54;
	v9 =	vmul.f32 v49, v9  }
0x2e9: {  	v54 =	vsub.f32 $1.500000000e+00, v56;
	v10 =	vmul.f32 v47, v10;
	v11 =	vmul.f32 v48, v11  }
0x2ea: {  	v56 =	vsub.f32 $1.500000000e+00, v55;
	v19 =	vmul.f32 v43, v19;
	v20 =	vmul.f32 v44, v20  }
0x2eb: {  	v59 =	vsub.f32 $1.500000000e+00, v57;
	v60 =	vmul.f32 v42, v50;
	v61 =	vmul.f32 v45, v52  }
0x2ec: {  	v62 =	vsub.f32 $1.500000000e+00, v58;
	v63 =	vmul.f32 v41, v51;
	v7 =	vmul.f32 v7, v53  }
0x2ed: {  	v3 =	vsub.f32 $1.500000000e+00, v3;
	v5 =	vmul.f32 v5, v46;
	v6 =	vmul.f32 v6, v54  }
0x2ee: {  	v4 =	vmul.f32 v4, v56;
	v0 =	vmul.f32 v0, v59  }
0x2ef: {  	v2 =	vmul.f32 v2, v62;
	v1 =	vmul.f32 v1, v3  }
0x2f0: {  	v3 =	vmul.f32 v8, v34;
	v8 =	vmul.f32 v9, v35  }
0x2f1: {  	v43 =	vmul.f32 v10, v32;
	v45 =	vmul.f32 v11, v33  }
0x2f2: {  	v46 =	vmul.f32 v19, v30;
	v19 =	vmul.f32 v20, v31  }
0x2f3: {  	v20 =	vmul.f32 v63, v37;
	v4 =	vmul.f32 v4, v40;
	v3 =	vadd.f32 v3, v21  }
0x2f4: {  	v7 =	vmul.f32 v7, v36;
	v0 =	vmul.f32 v0, v39;
	v8 =	vadd.f32 v8, v23  }
0x2f5: {  	v2 =	vmul.f32 v2, v38;
	v9 =	vadd.f32 v43, v24;
	v3 =	vadd.f32 v4, v3  }
0x2f6: {  	[tilespmem:$0x1FEC0] =	vst v18;
	v1 =	vmul.f32 v1, v29;
	v4 =	vadd.f32 v45, v22;
	v0 =	vadd.f32 v0, v8  }
0x2f7: {  	[tilespmem:$0x1FED0] =	vst v17;
	v5 =	vmul.f32 v5, v28;
	v2 =	vadd.f32 v2, v9;
	v3 =	vadd.f32 v20, v3  }
0x2f8: {  	[tilespmem:$0x1FEE0] =	vst v16;
	v1 =	vadd.f32 v1, v4;
	v4 =	vmul.f32 v6, v27;
	v0 =	vadd.f32 v7, v0  }
0x2f9: {  	[tilespmem:$0x1FEF0] =	vst v15;
	v6 =	vmul.f32 v60, v26;
	v2 =	vadd.f32 v5, v2;
	v3 =	vadd.f32 v46, v3  }
0x2fa: {  	[tilespmem:$0x1FF00] =	vst v14;
	v1 =	vadd.f32 v4, v1;
	v4 =	vmul.f32 v61, v25;
	v0 =	vadd.f32 v19, v0  }
0x2fb: {  	[tilespmem:$0x1FF10] =	vst v13;
	s1 =	sshll.u32 s1, $0x6;
	v2 =	vadd.f32 v6, v2;
	v3 =	vsub.f32 $0.0e+00, v3  }
0x2fc: {  	[tilespmem:$0x1FF20] =	vst v12;
	s1 =	sand.u32 $0x3FFFFFC0, s1;
	v1 =	vadd.f32 v4, v1;
	v0 =	vsub.f32 $0.0e+00, v0  }
0x2fd: {  	v2 =	vsub.f32 $0.0e+00, v2;
	[tilespmem:s1+$0x16200] =	vst v3  }
0x2fe: {  	p0 =	seq.s32 s30, $0x1F;
	[tilespmem:s1+$0x16210] =	vst v0;
	v0 =	vsub.f32 $0.0e+00, v1  }
0x2ff: {  	s21 =	simm.s32 $0x1;
	s0 =	sshrl.u32 @!p0 s0, $0x2;
	v50 =	vld [tilespmem:$0x1FFB0];
	[tilespmem:s1+$0x16220] =	vst v2  }
0x300: {  	s25 =	simm.s32 @!p0 $0xE180;
	s0 =	sadd.s32 @!p0 $0x280, s0;
	v59 =	vld [tilespmem:$0x1FFE0];
	[tilespmem:s1+$0x16230] =	vst v0;
	s1 =	simm.s32 @!p0 $0x80  }
0x301: {  	v13 =	vlaneseq.u32;
	[tilespmem:s25], [sflag:$0x2] =	stream.indirect.gather @!p0 [hbm4b:s3+s1], $0x80, s0, s1, $0xb8;
	[tilespmem:$0x18200] =	vst v63  }
0x302: {  	v0 =	vadd.s32 s21, v13;
	_ =	swait.ge [sflag:s24], $0x4000  }
0x303: {  	s21 =	simm.s32 $0x2;
	v0 =	vand.u32 $0x3F, v0;
	v54 =	vld [tilespmem:$0x1FF50]  }
0x304: {  	s17 =	sshll.u32 s30, $0x1;
	v6 =	vadd.s32 s21, v13;
	v1 =	vor.u32 v50, v0;
	v12 =	vld [tilespmem:$0x1FF30]  }
0x305: {  	s0 =	sor.u32 $0x1, s17;
	v2 =	vor.u32 v59, v0;
	v6 =	vand.u32 $0x3F, v6;
	v52 =	vld [tilespmem:$0x1FF70]  }
0x306: {  	s17 =	sshll.u32 s0, $0x8;
	v53 =	vld [tilespmem:$0x1FF60];
	v58 =	vor.u32 v59, v6  }
0x307: {  	v19 =	vmov s17;
	[sflag:s24] =	ssyncset.done $0x0;
	v22 =	vor.u32 v50, v6;
	v51 =	vld [tilespmem:$0x1FFC0]  }
0x308: {  	v55 =	vld [tilespmem:$0x1FF40];
	[sflag:s24] =	ssyncadd.s32 $0xFFFFC000;
	v47 =	vor.u32 v19, v6  }
0x309: {  	v20 =	vor.u32 $0x40, v19;
	v57 =	vor.u32 v19, v0;
	v1 =	vld.idx.msk [tilespmem:v1+s18+$0x0], $0xffff  }
0x30a: {  	v5 =	vor.u32 v20, v0;
	v2 =	vld.idx.msk [tilespmem:v2+s18+$0x0], $0xffff  }
0x30b: {  	v3 =	vor.u32 v54, v0;
	v11 =	vld.idx.msk [tilespmem:v58+s18+$0x0], $0xffff  }
0x30c: {  	s25 =	simm.s32 $0x3;
	v4 =	vor.u32 v12, v0;
	v60 =	vld.idx.msk [tilespmem:v22+s18+$0x0], $0xffff  }
0x30d: {  	v30 =	vadd.s32 s25, v13;
	v7 =	vor.u32 v52, v0;
	v9 =	vld.idx.msk [tilespmem:v47+s19+$0x0], $0xffff  }
0x30e: {  	v31 =	vand.u32 $0x3F, v30;
	v8 =	vor.u32 v53, v0;
	v10 =	vld.idx.msk [tilespmem:v57+s19+$0x0], $0xffff  }
0x30f: {  	v25 =	vor.u32 v20, v6;
	v23 =	vor.u32 v51, v0;
	v0 =	vor.u32 v55, v0;
	v5 =	vld.idx.msk [tilespmem:v5+s19+$0x0], $0xffff  }
0x310: {  	v24 =	vor.u32 v12, v6;
	v27 =	vor.u32 v54, v6;
	v26 =	vor.u32 v52, v6;
	v3 =	vld.idx.msk [tilespmem:v3+s18+$0x0], $0xffff  }
0x311: {  	v28 =	vor.u32 v53, v6;
	v29 =	vor.u32 v51, v6;
	v6 =	vor.u32 v55, v6;
	v4 =	vld.idx.msk [tilespmem:v4+s18+$0x0], $0xffff  }
0x312: {  	v22 =	vor.u32 v19, v31;
	v7 =	vld.idx.msk [tilespmem:v7+s18+$0x0], $0xffff  }
0x313: {  	v46 =	vor.u32 v55, v31;
	v8 =	vld.idx.msk [tilespmem:v8+s18+$0x0], $0xffff  }
0x314: {  	v21 =	vimm.f32 $0.0e+00;
	v23 =	vld.idx.msk [tilespmem:v23+s18+$0x0], $0xffff  }
0x315: {  	v62 =	vor.u32 v59, v31;
	v61 =	vor.u32 v51, v31;
	v63 =	vor.u32 v53, v31;
	v0 =	vld.idx.msk [tilespmem:v0+s18+$0x0], $0xffff  }
0x316: {  	v44 =	vor.u32 v54, v31;
	v45 =	vor.u32 v12, v31;
	v6 =	vld.idx.msk [tilespmem:v6+s18+$0x0], $0xffff;
	v2 =	vsub.f32 v10, v2  }
0x317: {  	v47 =	vor.u32 v52, v31;
	v48 =	vld.idx.msk [tilespmem:v22+s19+$0x0], $0xffff;
	v11 =	vsub.f32 v9, v11;
	v1 =	vsub.f32 v5, v1  }
0x318: {  	v56 =	vld.idx.msk [tilespmem:v46+s18+$0x0], $0xffff;
	v2 =	vmul.f32 v2, v2;
	v3 =	vsub.f32 v5, v3;
	v7 =	vsub.f32 v5, v7  }
0x319: {  	v28 =	vld.idx.msk [tilespmem:v28+s18+$0x0], $0xffff;
	v30 =	vmul.f32 v11, v11;
	v8 =	vsub.f32 v10, v8;
	v4 =	vsub.f32 v5, v4  }
0x31a: {  	v1 =	vmul.f32 v1, v1;
	v5 =	vld.idx.msk [tilespmem:v29+s18+$0x0], $0xffff;
	v23 =	vsub.f32 v10, v23;
	v0 =	vsub.f32 v10, v0  }
0x31b: {  	v29 =	vld.idx.msk [tilespmem:v25+s19+$0x0], $0xffff;
	v6 =	vsub.f32 v9, v6;
	v3 =	vmul.f32 v3, v3;
	v7 =	vmul.f32 v7, v7  }
0x31c: {  	v27 =	vld.idx.msk [tilespmem:v27+s18+$0x0], $0xffff;
	v1 =	vadd.f32 v1, v2;
	v8 =	vmul.f32 v8, v8;
	v49 =	vmul.f32 v23, v23  }
0x31d: {  	v24 =	vld.idx.msk [tilespmem:v24+s18+$0x0], $0xffff;
	v10 =	vsub.f32 v48, v56;
	v2 =	vmul.f32 v4, v4;
	v0 =	vmul.f32 v0, v0  }
0x31e: {  	v6 =	vmul.f32 v6, v6;
	v22 =	vadd.f32 $9.999999960e-13, v1;
	v3 =	vadd.f32 v3, v8  }
0x31f: {  	v10 =	vmul.f32 v10, v10;
	v0 =	vadd.f32 v2, v0;
	v2 =	vsub.f32 v9, v28  }
0x320: {  	v4 =	vsub.f32 v9, v5;
	v1 =	vsub.f32 v29, v60;
	v57 =	vshra.s32 v22, $0x1  }
0x321: {  	v8 =	vld.idx.msk [tilespmem:v63+s18+$0x0], $0xffff;
	v58 =	vmul.f32 $5.000000000e-01, v22;
	v27 =	vsub.f32 v29, v27;
	v25 =	vadd.f32 $9.999999960e-13, v3  }
0x322: {  	v28 =	vld.idx.msk [tilespmem:v61+s18+$0x0], $0xffff;
	v3 =	vsub.f32 v29, v24;
	v24 =	vor.u32 v50, v31;
	v31 =	vor.u32 v20, v31  }
0x323: {  	v5 =	vld.idx.msk [tilespmem:v62+s18+$0x0], $0xffff;
	v0 =	vadd.f32 $9.999999960e-13, v0;
	v2 =	vmul.f32 v2, v2;
	v27 =	vmul.f32 v27, v27  }
0x324: {  	v4 =	vmul.f32 v4, v4;
	v1 =	vmul.f32 v1, v1;
	v23 =	vshra.s32 v25, $0x1  }
0x325: {  	v60 =	vmul.f32 $5.000000000e-01, v25;
	v3 =	vmul.f32 v3, v3;
	v62 =	vshra.s32 v0, $0x1  }
0x326: {  	v33 =	vsub.s32 $0x5F3759DF, v23;
	v8 =	vsub.f32 v48, v8;
	v23 =	vsub.s32 $0x5F3759DF, v57  }
0x327: {  	v11 =	vsub.f32 v48, v28;
	v28 =	vadd.f32 v7, v49;
	v7 =	vmul.f32 $5.000000000e-01, v0  }
0x328: {  	v61 =	vld.idx.msk [tilespmem:v45+s18+$0x0], $0xffff;
	v35 =	vsub.s32 $0x5F3759DF, v62;
	v2 =	vadd.f32 v27, v2;
	v5 =	vsub.f32 v48, v5  }
0x329: {  	s26 =	simm.s32 $0x0;
	v63 =	vld.idx.msk [tilespmem:v44+s18+$0x0], $0xffff;
	v34 =	vmul.f32 v33, v60;
	v9 =	vmul.f32 v23, v58;
	v3 =	vadd.f32 v3, v6  }
0x32a: {  	v58 =	vadd.s32 s26, v13;
	v31 =	vld.idx.msk [tilespmem:v31+s19+$0x0], $0xffff;
	v11 =	vmul.f32 v11, v11;
	v7 =	vmul.f32 v35, v7  }
0x32b: {  	v6 =	vld.idx.msk [tilespmem:v24+s18+$0x0], $0xffff;
	v2 =	vadd.f32 $9.999999960e-13, v2;
	v8 =	vmul.f32 v8, v8;
	v24 =	vmul.f32 v23, v9  }
0x32c: {  	v40 =	vld.idx.msk [tilespmem:v47+s18+$0x0], $0xffff;
	v3 =	vadd.f32 $9.999999960e-13, v3;
	v34 =	vmul.f32 v33, v34;
	v5 =	vmul.f32 v5, v5  }
0x32d: {  	v7 =	vmul.f32 v35, v7;
	v44 =	vshra.s32 v2, $0x1;
	v45 =	vmul.f32 $5.000000000e-01, v2  }
0x32e: {  	v41 =	vshra.s32 v3, $0x1;
	v42 =	vmul.f32 $5.000000000e-01, v3;
	v34 =	vsub.f32 $1.500000000e+00, v34  }
0x32f: {  	v43 =	vsub.s32 $0x5F3759DF, v41;
	v7 =	vsub.f32 $1.500000000e+00, v7;
	v27 =	vsub.f32 v31, v61  }
0x330: {  	v6 =	vsub.f32 v31, v6;
	v9 =	vsub.f32 v31, v63;
	v37 =	vmul.f32 v43, v42  }
0x331: {  	v31 =	vsub.f32 v31, v40;
	v7 =	vmul.f32 v35, v7;
	v27 =	vmul.f32 v27, v27  }
0x332: {  	v35 =	vand.u32 $0x3F, v58;
	v9 =	vmul.f32 v9, v9;
	v6 =	vmul.f32 v6, v6  }
0x333: {  	v37 =	vmul.f32 v43, v37;
	v31 =	vmul.f32 v31, v31;
	v60 =	vor.u32 v20, v35  }
0x334: {  	v61 =	vor.u32 v12, v35;
	v62 =	vor.u32 v59, v35;
	v63 =	vor.u32 v50, v35  }
0x335: {  	v10 =	vadd.f32 v27, v10;
	v27 =	vsub.s32 $0x5F3759DF, v44;
	v8 =	vadd.f32 v9, v8  }
0x336: {  	v37 =	vsub.f32 $1.500000000e+00, v37;
	v5 =	vadd.f32 v6, v5;
	v36 =	vmul.f32 v27, v45  }
0x337: {  	v42 =	vor.u32 v55, v35;
	v10 =	vadd.f32 $9.999999960e-13, v10;
	v8 =	vadd.f32 $9.999999960e-13, v8  }
0x338: {  	v11 =	vadd.f32 v31, v11;
	v32 =	vmul.f32 v43, v37;
	v36 =	vmul.f32 v27, v36  }
0x339: {  	v46 =	vshra.s32 v10, $0x1;
	v47 =	vmul.f32 $5.000000000e-01, v10;
	v56 =	vshra.s32 v8, $0x1  }
0x33a: {  	v57 =	vmul.f32 $5.000000000e-01, v8;
	v9 =	vsub.s32 $0x5F3759DF, v46;
	v48 =	vsub.f32 $1.500000000e+00, v36  }
0x33b: {  	v5 =	vadd.f32 $9.999999960e-13, v5;
	v6 =	vsub.s32 $0x5F3759DF, v56;
	v49 =	vmul.f32 v9, v47  }
0x33c: {  	v37 =	vor.u32 v19, v35;
	v31 =	vmul.f32 v6, v57;
	v27 =	vmul.f32 v27, v48  }
0x33d: {  	v58 =	vmul.f32 $5.000000000e-01, v5;
	v56 =	vor.u32 v53, v35;
	v48 =	vld.idx.msk [tilespmem:v26+s18+$0x0], $0xffff;
	v36 =	vmul.f32 v9, v49  }
0x33e: {  	v57 =	vor.u32 v54, v35;
	v27 =	vmul.f32 v27, v2;
	v2 =	vmul.f32 v6, v31  }
0x33f: {  	v31 =	vmul.f32 v32, v3;
	v32 =	vmul.f32 v7, v0;
	v0 =	vadd.f32 v1, v30  }
0x340: {  	v26 =	vshra.s32 v5, $0x1;
	v36 =	vsub.f32 $1.500000000e+00, v36;
	v2 =	vsub.f32 $1.500000000e+00, v2  }
0x341: {  	v49 =	vor.u32 v52, v35;
	v3 =	vsub.s32 $0x5F3759DF, v26;
	v0 =	vadd.f32 $9.999999960e-13, v0  }
0x342: {  	v9 =	vmul.f32 v9, v36;
	v1 =	vsub.f32 v29, v48;
	v2 =	vmul.f32 v6, v2  }
0x343: {  	v35 =	vor.u32 v51, v35;
	v7 =	vld.idx.msk [tilespmem:v62+s18+$0x0], $0xffff;
	v6 =	vmul.f32 v3, v58;
	v62 =	vmul.f32 $5.000000000e-01, v0  }
0x344: {  	v29 =	vld.idx.msk [tilespmem:v60+s19+$0x0], $0xffff;
	v26 =	vmul.f32 v9, v10;
	v9 =	vadd.f32 $9.999999960e-13, v11;
	v1 =	vmul.f32 v1, v1  }
0x345: {  	v36 =	vadd.f32 $9.999999960e-13, v28;
	v10 =	vld.idx.msk [tilespmem:v37+s19+$0x0], $0xffff;
	v30 =	vmul.f32 v2, v8;
	v2 =	vmul.f32 v3, v6  }
0x346: {  	v8 =	vld.idx.msk [tilespmem:v61+s18+$0x0], $0xffff;
	v61 =	vshra.s32 v0, $0x1;
	v6 =	vshra.s32 v9, $0x1;
	v11 =	vmul.f32 $5.000000000e-01, v9  }
0x347: {  	v43 =	vld.idx.msk [tilespmem:v56+s18+$0x0], $0xffff;
	v1 =	vadd.f32 v1, v4;
	v6 =	vsub.s32 $0x5F3759DF, v6;
	v2 =	vsub.f32 $1.500000000e+00, v2  }
0x348: {  	v60 =	vld.idx.msk [tilespmem:v63+s18+$0x0], $0xffff;
	v28 =	vimm.f32 $0.0e+00;
	v4 =	vsub.s32 $0x5F3759DF, v61;
	v11 =	vmul.f32 v6, v11  }
0x349: {  	v63 =	vld.idx.msk [tilespmem:v57+s18+$0x0], $0xffff;
	v37 =	vmul.f32 v4, v62;
	v48 =	vadd.f32 $9.999999960e-13, v1;
	v2 =	vmul.f32 v3, v2  }
0x34a: {  	v1 =	vmul.f32 v33, v34;
	v3 =	vld.idx.msk [tilespmem:v42+s18+$0x0], $0xffff;
	v7 =	vsub.f32 v10, v7;
	v11 =	vmul.f32 v6, v11  }
0x34b: {  	v56 =	vmul.f32 v4, v37;
	v8 =	vsub.f32 v29, v8;
	v34 =	vmul.f32 v2, v5;
	v2 =	vld.idx.msk [tilespmem:v49+s18+$0x0], $0xffff  }
0x34c: {  	v57 =	vmul.f32 $5.000000000e-01, v48;
	v7 =	vmul.f32 v7, v7;
	v49 =	vld.idx.msk [tilespmem:v35+s18+$0x0], $0xffff;
	v5 =	vsub.f32 $1.500000000e+00, v11  }
0x34d: {  	v35 =	vmul.f32 v1, v25;
	v1 =	vshra.s32 v48, $0x1;
	v58 =	vsub.f32 $1.500000000e+00, v56  }
0x34e: {  	v25 =	vsub.f32 v29, v63;
	v8 =	vmul.f32 v8, v8;
	v5 =	vmul.f32 v6, v5  }
0x34f: {  	v61 =	vsub.s32 $0x5F3759DF, v1;
	v4 =	vmul.f32 v4, v58;
	v6 =	vsub.f32 v29, v60  }
0x350: {  	v3 =	vsub.f32 v10, v3;
	v33 =	vmul.f32 v5, v9;
	v5 =	vsub.f32 v10, v43  }
0x351: {  	v6 =	vmul.f32 v6, v6;
	v2 =	vsub.f32 v29, v2;
	v10 =	vsub.f32 v10, v49  }
0x352: {  	v60 =	vmul.f32 v25, v25;
	v25 =	vimm.f32 $0.0e+00;
	v3 =	vmul.f32 v3, v3  }
0x353: {  	v1 =	vadd.f32 v6, v7;
	v2 =	vmul.f32 v2, v2;
	v6 =	vmul.f32 v10, v10  }
0x354: {  	v37 =	vmul.f32 v4, v0;
	v5 =	vmul.f32 v5, v5;
	v3 =	vadd.f32 v8, v3  }
0x355: {  	v42 =	vadd.f32 $9.999999960e-13, v1;
	v1 =	vmul.f32 v61, v57;
	v0 =	vadd.f32 v2, v6  }
0x356: {  	v29 =	vimm.f32 $0.0e+00;
	v2 =	vadd.f32 v60, v5;
	v40 =	vadd.f32 $9.999999960e-13, v3  }
0x357: {  	v7 =	vmul.f32 $5.000000000e-01, v36;
	v4 =	vshra.s32 v42, $0x1;
	v3 =	vmul.f32 v61, v1  }
0x358: {  	v39 =	vadd.f32 $9.999999960e-13, v0;
	v41 =	vadd.f32 $9.999999960e-13, v2;
	v0 =	vshra.s32 v40, $0x1  }
0x359: {  	v2 =	vmul.f32 $5.000000000e-01, v40;
	v1 =	vsub.s32 $0x5F3759DF, v4;
	v4 =	vsub.f32 $1.500000000e+00, v3  }
0x35a: {  	v5 =	vmul.f32 $5.000000000e-01, v42;
	v6 =	vshra.s32 v41, $0x1;
	v8 =	vmul.f32 $5.000000000e-01, v41  }
0x35b: {  	v3 =	vsub.s32 $0x5F3759DF, v0;
	v44 =	vsub.s32 $0x5F3759DF, v6;
	v0 =	vmul.f32 v61, v4  }
0x35c: {  	v4 =	vmul.f32 v1, v5;
	v5 =	vshra.s32 v39, $0x1;
	v6 =	vmul.f32 v44, v8  }
0x35d: {  	v2 =	vmul.f32 v3, v2;
	v43 =	vsub.s32 $0x5F3759DF, v5;
	v5 =	vmul.f32 $5.000000000e-01, v39  }
0x35e: {  	v8 =	vshra.s32 v36, $0x1;
	v4 =	vmul.f32 v1, v4;
	v63 =	vmul.f32 v44, v6  }
0x35f: {  	v45 =	vsub.s32 $0x5F3759DF, v8;
	v38 =	vmul.f32 v0, v48;
	v62 =	vmul.f32 v43, v5  }
0x360: {  	v61 =	vlaneseq.u32;
	v5 =	vmul.f32 v3, v2;
	v2 =	vmul.f32 v45, v7  }
0x361: {  	s1 =	sshll.u32 s0, $0x1;
	s17 =	simm.s32 $0x4;
	v6 =	vsub.f32 $1.500000000e+00, v4;
	v0 =	vsub.f32 $1.500000000e+00, v63;
	v4 =	vmul.f32 v43, v62  }
.LBB2_13:
0x362: {  	s26 =	sadd.s32 $0x1, s17  }
0x363: {  	s14 =	sadd.s32 $0x2, s17;
	v1 =	vmul.f32 v1, v6;
	v5 =	vsub.f32 $1.500000000e+00, v5;
	v6 =	vsub.f32 $1.500000000e+00, v24;
	s21 =	smov.u32 s17;
	s25 =	sadd.s32 $0x4, s17  }
0x364: {  	p1 =	slt.u32 s17, $0x3C;
	v7 =	vadd.s32 s26, v61;
	v8 =	vadd.s32 s14, v61;
	v4 =	vsub.f32 $1.500000000e+00, v4  }
0x365: {  	v7 =	vand.u32 $0x3F, v7;
	v1 =	vmul.f32 v1, v42;
	v6 =	vmul.f32 v23, v6  }
0x366: {  	v3 =	vmul.f32 v3, v5;
	v9 =	vor.u32 v59, v7;
	v10 =	vor.u32 v50, v7  }
0x367: {  	v2 =	vmul.f32 v45, v2;
	v5 =	vor.u32 v54, v7;
	v11 =	vor.u32 v12, v7  }
0x368: {  	v23 =	vor.u32 v19, v7;
	v24 =	vor.u32 v20, v7;
	v1 =	vadd.f32 v1, v21  }
0x369: {  	v0 =	vmul.f32 v44, v0;
	v42 =	vor.u32 v53, v7;
	v21 =	vor.u32 v52, v7  }
0x36a: {  	v44 =	vor.u32 v51, v7;
	v2 =	vsub.f32 $1.500000000e+00, v2;
	v3 =	vmul.f32 v3, v40  }
0x36b: {  	v0 =	vmul.f32 v0, v41;
	v7 =	vor.u32 v55, v7;
	v6 =	vmul.f32 v6, v22;
	v10 =	vld.idx.msk [tilespmem:v10+s18+$0x0], $0xffff  }
0x36c: {  	v8 =	vand.u32 $0x3F, v8;
	v2 =	vmul.f32 v45, v2;
	v3 =	vadd.f32 v3, v29;
	v9 =	vld.idx.msk [tilespmem:v9+s18+$0x0], $0xffff  }
0x36d: {  	v4 =	vmul.f32 v43, v4;
	v22 =	vor.u32 v19, v8;
	v29 =	vor.u32 v50, v8;
	v5 =	vld.idx.msk [tilespmem:v5+s18+$0x0], $0xffff  }
0x36e: {  	v40 =	vor.u32 v20, v8;
	v0 =	vadd.f32 v0, v25;
	v3 =	vadd.f32 v32, v3;
	v11 =	vld.idx.msk [tilespmem:v11+s18+$0x0], $0xffff  }
0x36f: {  	v25 =	vor.u32 v59, v8;
	v4 =	vmul.f32 v4, v39;
	v1 =	vadd.f32 v6, v1;
	v24 =	vld.idx.msk [tilespmem:v24+s19+$0x0], $0xffff  }
0x370: {  	v0 =	vadd.f32 v35, v0;
	v32 =	vor.u32 v54, v8;
	v3 =	vadd.f32 v31, v3;
	v6 =	vld.idx.msk [tilespmem:v21+s18+$0x0], $0xffff  }
0x371: {  	v39 =	vor.u32 v12, v8;
	v1 =	vadd.f32 v37, v1;
	v31 =	vor.u32 v52, v8;
	v35 =	vld.idx.msk [tilespmem:v42+s18+$0x0], $0xffff  }
0x372: {  	s14 =	sadd.s32 $0x3, s21;
	v41 =	vor.u32 v55, v8;
	v4 =	vadd.f32 v4, v28;
	v37 =	vld.idx.msk [tilespmem:v22+s19+$0x0], $0xffff;
	v22 =	vor.u32 v53, v8  }
0x373: {  	v0 =	vadd.f32 v27, v0;
	v21 =	vadd.s32 s14, v61;
	v8 =	vor.u32 v51, v8;
	v23 =	vld.idx.msk [tilespmem:v23+s19+$0x0], $0xffff  }
0x374: {  	v2 =	vmul.f32 v2, v36;
	v42 =	vand.u32 $0x3F, v21;
	v21 =	vadd.f32 v34, v1;
	v27 =	vld.idx.msk [tilespmem:v25+s18+$0x0], $0xffff  }
0x375: {  	v28 =	vor.u32 v19, v42;
	v1 =	vsub.f32 v24, v5;
	v25 =	vadd.f32 v30, v0;
	v5 =	vld.idx.msk [tilespmem:v29+s18+$0x0], $0xffff  }
0x376: {  	v2 =	vadd.f32 v2, v4;
	v34 =	vor.u32 v51, v42;
	v0 =	vsub.f32 v24, v10;
	v10 =	vld.idx.msk [tilespmem:v44+s18+$0x0], $0xffff  }
0x377: {  	v36 =	vor.u32 v59, v42;
	v43 =	vor.u32 v54, v42;
	v4 =	vld.idx.msk [tilespmem:v39+s18+$0x0], $0xffff;
	v39 =	vor.u32 v53, v42  }
0x378: {  	v6 =	vsub.f32 v24, v6;
	v0 =	vmul.f32 v0, v0;
	v44 =	vor.u32 v12, v42;
	v7 =	vld.idx.msk [tilespmem:v7+s18+$0x0], $0xffff  }
0x379: {  	v11 =	vsub.f32 v24, v11;
	v1 =	vmul.f32 v1, v1;
	v35 =	vsub.f32 v23, v35;
	v8 =	vld.idx.msk [tilespmem:v8+s18+$0x0], $0xffff  }
0x37a: {  	v2 =	vadd.f32 v38, v2;
	v9 =	vsub.f32 v23, v9;
	v30 =	vld.idx.msk [tilespmem:v40+s19+$0x0], $0xffff;
	v40 =	vor.u32 v52, v42  }
0x37b: {  	v29 =	vadd.f32 v26, v3;
	v24 =	vsub.f32 v37, v27;
	v27 =	vld.idx.msk [tilespmem:v22+s18+$0x0], $0xffff;
	v22 =	vor.u32 v55, v42  }
0x37c: {  	v6 =	vmul.f32 v6, v6;
	v3 =	vsub.f32 v23, v10;
	v10 =	vmul.f32 v35, v35;
	v26 =	vld.idx.msk [tilespmem:v41+s18+$0x0], $0xffff  }
0x37d: {  	v9 =	vmul.f32 v9, v9;
	v35 =	vmul.f32 v24, v24;
	v24 =	vld.idx.msk [tilespmem:v28+s19+$0x0], $0xffff;
	v28 =	vadd.f32 v33, v2  }
0x37e: {  	v2 =	vmul.f32 v3, v3;
	v1 =	vadd.f32 v1, v10;
	v3 =	vsub.f32 v23, v7;
	v7 =	vld.idx.msk [tilespmem:v39+s18+$0x0], $0xffff  }
0x37f: {  	v0 =	vadd.f32 v0, v9;
	v9 =	vmul.f32 v11, v11;
	v8 =	vsub.f32 v37, v8;
	v10 =	vld.idx.msk [tilespmem:v36+s18+$0x0], $0xffff  }
0x380: {  	v33 =	vadd.f32 $9.999999960e-13, v1;
	v1 =	vmul.f32 v3, v3;
	v3 =	vsub.f32 v30, v4;
	v4 =	vld.idx.msk [tilespmem:v22+s18+$0x0], $0xffff  }
0x381: {  	v22 =	vadd.f32 $9.999999960e-13, v0;
	v0 =	vsub.f32 v30, v5;
	v5 =	vor.u32 v50, v42;
	v11 =	vld.idx.msk [tilespmem:v34+s18+$0x0], $0xffff  }
0x382: {  	v23 =	vshra.s32 v33, $0x1;
	v1 =	vadd.f32 v9, v1;
	v9 =	vsub.f32 v37, v27  }
0x383: {  	v38 =	vor.u32 v20, v42;
	v27 =	vshra.s32 v22, $0x1;
	v36 =	vld.idx.msk [tilespmem:v32+s18+$0x0], $0xffff  }
0x384: {  	v26 =	vsub.f32 v37, v26;
	v34 =	vsub.s32 $0x5F3759DF, v23;
	v7 =	vsub.f32 v24, v7  }
0x385: {  	v39 =	vmul.f32 $5.000000000e-01, v33;
	v37 =	vmul.f32 $5.000000000e-01, v22;
	v10 =	vsub.f32 v24, v10  }
0x386: {  	v32 =	vadd.f32 $9.999999960e-13, v1;
	v4 =	vsub.f32 v24, v4;
	v1 =	vld.idx.msk [tilespmem:v5+s18+$0x0], $0xffff  }
0x387: {  	v3 =	vmul.f32 v3, v3;
	v23 =	vsub.s32 $0x5F3759DF, v27;
	v5 =	vmul.f32 v26, v26;
	v26 =	vld.idx.msk [tilespmem:v44+s18+$0x0], $0xffff  }
0x388: {  	v27 =	vmul.f32 v34, v39;
	v39 =	vshra.s32 v32, $0x1;
	v11 =	vsub.f32 v24, v11;
	v38 =	vld.idx.msk [tilespmem:v38+s19+$0x0], $0xffff  }
0x389: {  	v24 =	vmul.f32 v23, v37;
	v37 =	vsub.f32 v30, v36;
	v3 =	vadd.f32 v3, v5;
	v5 =	vld.idx.msk [tilespmem:v43+s18+$0x0], $0xffff  }
0x38a: {  	v36 =	vadd.f32 v6, v2;
	v2 =	vmul.f32 $5.000000000e-01, v32;
	v6 =	vmul.f32 v9, v9  }
0x38b: {  	v24 =	vmul.f32 v23, v24;
	v11 =	vmul.f32 v11, v11;
	v3 =	vadd.f32 $9.999999960e-13, v3;
	v9 =	vld.idx.msk [tilespmem:v40+s18+$0x0], $0xffff  }
0x38c: {  	v37 =	vmul.f32 v37, v37;
	v40 =	vmul.f32 v34, v27;
	v27 =	vsub.s32 $0x5F3759DF, v39  }
0x38d: {  	v2 =	vmul.f32 v27, v2;
	v39 =	vshra.s32 v3, $0x1;
	v41 =	vmul.f32 $5.000000000e-01, v3  }
0x38e: {  	v8 =	vmul.f32 v8, v8;
	v6 =	vadd.f32 v37, v6;
	v26 =	vsub.f32 v38, v26  }
0x38f: {  	v37 =	vsub.s32 $0x5F3759DF, v39;
	v1 =	vsub.f32 v38, v1;
	v5 =	vsub.f32 v38, v5  }
0x390: {  	v4 =	vmul.f32 v4, v4;
	v6 =	vadd.f32 $9.999999960e-13, v6;
	v26 =	vmul.f32 v26, v26  }
0x391: {  	v2 =	vmul.f32 v27, v2;
	v39 =	vmul.f32 v37, v41;
	v9 =	vsub.f32 v38, v9  }
0x392: {  	v38 =	vshra.s32 v6, $0x1;
	v5 =	vmul.f32 v5, v5;
	v4 =	vadd.f32 v26, v4  }
0x393: {  	v1 =	vmul.f32 v1, v1;
	v26 =	vsub.s32 $0x5F3759DF, v38;
	v38 =	vmul.f32 $5.000000000e-01, v6  }
0x394: {  	v7 =	vmul.f32 v7, v7;
	v39 =	vmul.f32 v37, v39;
	v4 =	vadd.f32 $9.999999960e-13, v4  }
0x395: {  	v2 =	vsub.f32 $1.500000000e+00, v2;
	v9 =	vmul.f32 v9, v9;
	v38 =	vmul.f32 v26, v38  }
0x396: {  	v10 =	vmul.f32 v10, v10;
	v5 =	vadd.f32 v5, v7;
	v7 =	vshra.s32 v4, $0x1  }
0x397: {  	v38 =	vmul.f32 v26, v38;
	v41 =	vmul.f32 $5.000000000e-01, v4;
	v7 =	vsub.s32 $0x5F3759DF, v7  }
0x398: {  	v2 =	vmul.f32 v27, v2;
	v27 =	vsub.f32 $1.500000000e+00, v39;
	v5 =	vadd.f32 $9.999999960e-13, v5  }
0x399: {  	v0 =	vmul.f32 v0, v0;
	v38 =	vsub.f32 $1.500000000e+00, v38;
	v39 =	vmul.f32 v7, v41  }
0x39a: {  	v37 =	vmul.f32 v37, v27;
	v27 =	vshra.s32 v5, $0x1;
	v41 =	vmul.f32 $5.000000000e-01, v5  }
0x39b: {  	v1 =	vadd.f32 v1, v10;
	v10 =	vsub.s32 $0x5F3759DF, v27;
	v27 =	vmul.f32 v7, v39  }
0x39c: {  	v9 =	vadd.f32 v9, v11;
	v26 =	vmul.f32 v26, v38;
	v11 =	vmul.f32 v10, v41  }
0x39d: {  	v1 =	vadd.f32 $9.999999960e-13, v1;
	v38 =	vadd.s32 s21, v61;
	v39 =	vsub.f32 $1.500000000e+00, v27  }
0x39e: {  	v38 =	vand.u32 $0x3F, v38;
	v27 =	vmul.f32 v26, v6;
	v6 =	vmul.f32 v10, v11  }
0x39f: {  	v11 =	vor.u32 v19, v38;
	v41 =	vor.u32 v20, v38;
	v42 =	vor.u32 v12, v38  }
0x3a0: {  	v43 =	vor.u32 v59, v38;
	v44 =	vor.u32 v50, v38;
	v45 =	vor.u32 v55, v38;
	v46 =	vld.idx.msk [tilespmem:v31+s18+$0x0], $0xffff  }
0x3a1: {  	v47 =	vor.u32 v52, v38;
	v48 =	vor.u32 v53, v38;
	v49 =	vor.u32 v54, v38  }
0x3a2: {  	v38 =	vor.u32 v51, v38;
	v6 =	vsub.f32 $1.500000000e+00, v6;
	v7 =	vmul.f32 v7, v39  }
0x3a3: {  	v31 =	vmul.f32 v37, v3;
	v3 =	vshra.s32 v1, $0x1;
	v37 =	vmul.f32 $5.000000000e-01, v1  }
0x3a4: {  	v6 =	vmul.f32 v10, v6;
	v26 =	vmul.f32 v7, v4;
	v3 =	vsub.s32 $0x5F3759DF, v3;
	v11 =	vld.idx.msk [tilespmem:v11+s19+$0x0], $0xffff  }
0x3a5: {  	v32 =	vmul.f32 v2, v32;
	v7 =	vadd.f32 $9.999999960e-13, v9;
	v2 =	vmul.f32 v3, v37;
	v4 =	vld.idx.msk [tilespmem:v42+s18+$0x0], $0xffff  }
0x3a6: {  	v0 =	vadd.f32 v0, v35;
	v10 =	vsub.f32 v30, v46;
	v30 =	vmul.f32 v6, v5;
	v9 =	vld.idx.msk [tilespmem:v43+s18+$0x0], $0xffff  }
0x3a7: {  	v35 =	vmul.f32 $5.000000000e-01, v7;
	v2 =	vmul.f32 v3, v2;
	v6 =	vshra.s32 v7, $0x1;
	v5 =	vld.idx.msk [tilespmem:v44+s18+$0x0], $0xffff  }
0x3a8: {  	v0 =	vadd.f32 $9.999999960e-13, v0;
	v6 =	vsub.s32 $0x5F3759DF, v6;
	v10 =	vmul.f32 v10, v10;
	v37 =	vld.idx.msk [tilespmem:v41+s19+$0x0], $0xffff  }
0x3a9: {  	v40 =	vsub.f32 $1.500000000e+00, v40;
	v2 =	vsub.f32 $1.500000000e+00, v2;
	v35 =	vmul.f32 v6, v35;
	v39 =	vld.idx.msk [tilespmem:v49+s18+$0x0], $0xffff  }
0x3aa: {  	v42 =	vshra.s32 v0, $0x1;
	v43 =	vmul.f32 $5.000000000e-01, v0;
	v8 =	vadd.f32 v10, v8;
	v41 =	vld.idx.msk [tilespmem:v45+s18+$0x0], $0xffff  }
0x3ab: {  	v42 =	vsub.s32 $0x5F3759DF, v42;
	v2 =	vmul.f32 v3, v2;
	v3 =	vmul.f32 v6, v35;
	v10 =	vld.idx.msk [tilespmem:v48+s18+$0x0], $0xffff  }
0x3ac: {  	v35 =	vmul.f32 v42, v43;
	v9 =	vsub.f32 v11, v9;
	v8 =	vadd.f32 $9.999999960e-13, v8;
	v38 =	vld.idx.msk [tilespmem:v38+s18+$0x0], $0xffff  }
0x3ad: {  	v40 =	vmul.f32 v34, v40;
	v34 =	vmul.f32 v2, v1;
	v1 =	vsub.f32 $1.500000000e+00, v3;
	v43 =	vld.idx.msk [tilespmem:v47+s18+$0x0], $0xffff  }
0x3ae: {  	v2 =	vmul.f32 v9, v9;
	v3 =	vsub.f32 v37, v4;
	v4 =	vmul.f32 v42, v35  }
0x3af: {  	v35 =	vmul.f32 v40, v33;
	v9 =	vshra.s32 v8, $0x1;
	v1 =	vmul.f32 v6, v1  }
0x3b0: {  	v5 =	vsub.f32 v37, v5;
	v6 =	vsub.f32 v37, v39;
	v39 =	vmul.f32 $5.000000000e-01, v8  }
0x3b1: {  	v3 =	vmul.f32 v3, v3;
	v4 =	vsub.f32 $1.500000000e+00, v4;
	v33 =	vmul.f32 v1, v7  }
0x3b2: {  	v7 =	vsub.f32 v11, v41;
	v1 =	vsub.f32 v11, v10;
	v6 =	vmul.f32 v6, v6  }
0x3b3: {  	v5 =	vmul.f32 v5, v5;
	v10 =	vsub.f32 v11, v38;
	v11 =	vsub.f32 v37, v43  }
0x3b4: {  	v9 =	vsub.s32 $0x5F3759DF, v9;
	v7 =	vmul.f32 v7, v7;
	v4 =	vmul.f32 v42, v4  }
0x3b5: {  	v2 =	vadd.f32 v5, v2;
	v1 =	vmul.f32 v1, v1;
	v5 =	vmul.f32 v11, v11  }
0x3b6: {  	v10 =	vmul.f32 v10, v10;
	v3 =	vadd.f32 v3, v7;
	v37 =	vmul.f32 v4, v0  }
0x3b7: {  	v36 =	vadd.f32 $9.999999960e-13, v36;
	v42 =	vadd.f32 $9.999999960e-13, v2;
	v0 =	vmul.f32 v9, v39  }
0x3b8: {  	v4 =	vadd.f32 v6, v1;
	v2 =	vadd.f32 v5, v10  }
0x3b9: {  	v1 =	vshra.s32 v42, $0x1;
	v40 =	vadd.f32 $9.999999960e-13, v3;
	v0 =	vmul.f32 v9, v0  }
0x3ba: {  	v1 =	vsub.s32 $0x5F3759DF, v1;
	v41 =	vadd.f32 $9.999999960e-13, v4;
	v39 =	vadd.f32 $9.999999960e-13, v2  }
0x3bb: {  	v4 =	vmul.f32 $5.000000000e-01, v40;
	v0 =	vsub.f32 $1.500000000e+00, v0;
	v2 =	vshra.s32 v40, $0x1  }
0x3bc: {  	v7 =	vmul.f32 $5.000000000e-01, v36;
	v5 =	vmul.f32 $5.000000000e-01, v42;
	v6 =	vshra.s32 v41, $0x1  }
0x3bd: {  	v10 =	vmul.f32 $5.000000000e-01, v41;
	v3 =	vsub.s32 $0x5F3759DF, v2;
	v0 =	vmul.f32 v9, v0  }
0x3be: {  	v2 =	vmul.f32 v1, v5;
	v44 =	vsub.s32 $0x5F3759DF, v6;
	v5 =	vshra.s32 v39, $0x1  }
.Ltmp7:
0x3bf: {  	v6 =	vmul.f32 v44, v10;
	v43 =	vsub.s32 $0x5F3759DF, v5;
	v5 =	vmul.f32 $5.000000000e-01, v39;
	(pc) =	sbr.rel @p1 .LBB2_13-.Ltmp7, $4  }
0x3c0: {  	v9 =	vshra.s32 v36, $0x1;
	v4 =	vmul.f32 v3, v4;
	v2 =	vmul.f32 v1, v2  }
0x3c1: {  	v45 =	vsub.s32 $0x5F3759DF, v9;
	v11 =	vmul.f32 v44, v6;
	v10 =	vmul.f32 v43, v5  }
0x3c2: {  	v38 =	vmul.f32 v0, v8;
	v6 =	vsub.f32 $1.500000000e+00, v2;
	v5 =	vmul.f32 v3, v4  }
0x3c3: {  	s17 =	smov.u32 s25;
	v2 =	vmul.f32 v45, v7;
	v0 =	vsub.f32 $1.500000000e+00, v11;
	v4 =	vmul.f32 v43, v10  }
0x3c4: {  	v1 =	vmul.f32 v1, v6;
	v6 =	vsub.f32 $1.500000000e+00, v24;
	v5 =	vsub.f32 $1.500000000e+00, v5  }
0x3c5: {  	v4 =	vsub.f32 $1.500000000e+00, v4;
	v2 =	vmul.f32 v45, v2;
	v0 =	vmul.f32 v44, v0  }
0x3c6: {  	v1 =	vmul.f32 v1, v42;
	v6 =	vmul.f32 v23, v6  }
0x3c7: {  	v3 =	vmul.f32 v3, v5;
	v2 =	vsub.f32 $1.500000000e+00, v2;
	v4 =	vmul.f32 v43, v4  }
0x3c8: {  	v0 =	vmul.f32 v0, v41;
	v5 =	vmul.f32 v6, v22  }
0x3c9: {  	v1 =	vadd.f32 v1, v21;
	v2 =	vmul.f32 v45, v2;
	v4 =	vmul.f32 v4, v39  }
0x3ca: {  	v3 =	vmul.f32 v3, v40;
	v0 =	vadd.f32 v0, v25  }
0x3cb: {  	v1 =	vadd.f32 v5, v1;
	v4 =	vadd.f32 v4, v28;
	v2 =	vmul.f32 v2, v36  }
0x3cc: {  	v3 =	vadd.f32 v3, v29;
	v0 =	vadd.f32 v35, v0  }
0x3cd: {  	v1 =	vadd.f32 v37, v1;
	v2 =	vadd.f32 v2, v4  }
0x3ce: {  	v12 =	vld [tilespmem:$0x1FF10];
	v3 =	vadd.f32 v32, v3;
	v0 =	vadd.f32 v27, v0  }
0x3cf: {  	v49 =	vld [tilespmem:$0x1FF20];
	v1 =	vadd.f32 v34, v1;
	v2 =	vadd.f32 v38, v2  }
0x3d0: {  	s14 =	simm.s32 $0x1;
	v18 =	vld [tilespmem:$0x1FEB0];
	v3 =	vadd.f32 v31, v3;
	v0 =	vadd.f32 v30, v0  }
0x3d1: {  	s0 =	sshll.u32 s0, $0x7;
	v14 =	vld [tilespmem:$0x1FEF0];
	v4 =	vadd.s32 s14, v61;
	v1 =	vsub.f32 $0.0e+00, v1;
	v2 =	vadd.f32 v33, v2  }
0x3d2: {  	s17 =	sand.u32 $0x3FFFFF80, s0;
	v7 =	vand.u32 $0x3F, v4;
	v0 =	vsub.f32 $0.0e+00, v0  }
0x3d3: {  	v6 =	vor.u32 v12, v7;
	v3 =	vadd.f32 v26, v3;
	[tilespmem:s17+$0x16200] =	vst v1;
	v2 =	vsub.f32 $0.0e+00, v2  }
0x3d4: {  	v16 =	vld [tilespmem:$0x1FED0];
	s21 =	simm.s32 $0x2;
	s0 =	sor.u32 $0x1, s1;
	v1 =	vor.u32 v49, v7;
	[tilespmem:s17+$0x16220] =	vst v0  }
0x3d5: {  	v15 =	vld [tilespmem:$0x1FEE0];
	v8 =	vadd.s32 s21, v61;
	s1 =	sshll.u32 s0, $0x7;
	v0 =	vor.u32 v18, v7;
	[tilespmem:s17+$0x16210] =	vst v2;
	v2 =	vsub.f32 $0.0e+00, v3  }
0x3d6: {  	v13 =	vld [tilespmem:$0x1FF00];
	v8 =	vand.u32 $0x3F, v8;
	v4 =	vmov s1;
	v9 =	vor.u32 v14, v7  }
0x3d7: {  	v17 =	vld [tilespmem:$0x1FEC0];
	v11 =	vor.u32 v4, v8;
	[tilespmem:s17+$0x16230] =	vst v2  }
0x3d8: {  	v19 =	vor.u32 v4, v7;
	v10 =	vld.idx.msk [tilespmem:v6+s18+$0x0], $0xffff  }
0x3d9: {  	v21 =	vor.u32 v49, v8;
	v1 =	vld.idx.msk [tilespmem:v1+s18+$0x0], $0xffff  }
0x3da: {  	s25 =	simm.s32 $0x3;
	v22 =	vor.u32 v12, v8;
	v0 =	vld.idx.msk [tilespmem:v0+s18+$0x0], $0xffff  }
0x3db: {  	v23 =	vor.u32 v13, v7;
	v30 =	vadd.s32 s25, v61;
	v9 =	vld.idx.msk [tilespmem:v9+s18+$0x0], $0xffff  }
0x3dc: {  	v25 =	vor.u32 v18, v8;
	v30 =	vand.u32 $0x3F, v30;
	v27 =	vld.idx.msk [tilespmem:v11+s19+$0x0], $0xffff  }
0x3dd: {  	v45 =	vor.u32 v4, v30;
	v19 =	vld.idx.msk [tilespmem:v19+s19+$0x0], $0xffff  }
0x3de: {  	v5 =	vor.u32 $0x40, v4;
	v3 =	vor.u32 v16, v7;
	v21 =	vld.idx.msk [tilespmem:v21+s18+$0x0], $0xffff  }
0x3df: {  	v2 =	vor.u32 v5, v7;
	v31 =	vld.idx.msk [tilespmem:v22+s18+$0x0], $0xffff  }
0x3e0: {  	v6 =	vor.u32 v15, v7;
	v23 =	vld.idx.msk [tilespmem:v23+s18+$0x0], $0xffff  }
0x3e1: {  	v7 =	vor.u32 v17, v7;
	v25 =	vld.idx.msk [tilespmem:v25+s18+$0x0], $0xffff  }
0x3e2: {  	v11 =	vor.u32 v5, v8;
	v32 =	vld.idx.msk [tilespmem:v45+s19+$0x0], $0xffff  }
0x3e3: {  	v20 =	vor.u32 v14, v8;
	v28 =	vor.u32 v16, v8;
	v3 =	vld.idx.msk [tilespmem:v3+s18+$0x0], $0xffff  }
0x3e4: {  	v29 =	vor.u32 v13, v8;
	v26 =	vor.u32 v15, v8;
	v8 =	vor.u32 v17, v8;
	v2 =	vld.idx.msk [tilespmem:v2+s19+$0x0], $0xffff  }
0x3e5: {  	v24 =	vld.idx.msk [tilespmem:v6+s18+$0x0], $0xffff  }
0x3e6: {  	v46 =	vor.u32 v13, v30;
	v47 =	vor.u32 v49, v30;
	v48 =	vor.u32 v15, v30;
	v7 =	vld.idx.msk [tilespmem:v7+s18+$0x0], $0xffff  }
0x3e7: {  	v50 =	vor.u32 v16, v30;
	v22 =	vld.idx.msk [tilespmem:v11+s19+$0x0], $0xffff;
	v11 =	vsub.f32 v27, v21;
	v21 =	vor.u32 v17, v30  }
0x3e8: {  	v51 =	vor.u32 v18, v30;
	v28 =	vld.idx.msk [tilespmem:v28+s18+$0x0], $0xffff;
	v1 =	vsub.f32 v19, v1;
	v23 =	vsub.f32 v19, v23  }
0x3e9: {  	v52 =	vor.u32 v14, v30;
	v8 =	vld.idx.msk [tilespmem:v8+s18+$0x0], $0xffff;
	v3 =	vsub.f32 v2, v3;
	v10 =	vsub.f32 v2, v10  }
0x3ea: {  	v1 =	vmul.f32 v1, v1;
	v9 =	vsub.f32 v2, v9;
	v0 =	vsub.f32 v2, v0;
	v2 =	vld.idx.msk [tilespmem:v29+s18+$0x0], $0xffff  }
0x3eb: {  	v23 =	vmul.f32 v23, v23;
	v24 =	vsub.f32 v19, v24;
	v7 =	vsub.f32 v19, v7;
	v19 =	vld.idx.msk [tilespmem:v48+s18+$0x0], $0xffff  }
0x3ec: {  	v25 =	vsub.f32 v22, v25;
	v21 =	vld.idx.msk [tilespmem:v21+s18+$0x0], $0xffff;
	v10 =	vmul.f32 v10, v10;
	v3 =	vmul.f32 v3, v3  }
0x3ed: {  	v28 =	vsub.f32 v22, v28;
	v9 =	vmul.f32 v9, v9;
	v0 =	vmul.f32 v0, v0  }
0x3ee: {  	v8 =	vsub.f32 v27, v8;
	v29 =	vmul.f32 v24, v24;
	v24 =	vmul.f32 v11, v11  }
0x3ef: {  	v25 =	vmul.f32 v25, v25;
	v28 =	vmul.f32 v28, v28;
	v1 =	vadd.f32 v10, v1  }
0x3f0: {  	v26 =	vld.idx.msk [tilespmem:v26+s18+$0x0], $0xffff;
	v3 =	vadd.f32 v3, v29;
	v2 =	vsub.f32 v27, v2;
	v29 =	vor.u32 v12, v30  }
0x3f1: {  	v33 =	vld.idx.msk [tilespmem:v46+s18+$0x0], $0xffff;
	v30 =	vor.u32 v5, v30;
	v19 =	vsub.f32 v32, v19;
	v54 =	vsub.f32 v32, v21  }
0x3f2: {  	v10 =	vld.idx.msk [tilespmem:v47+s18+$0x0], $0xffff;
	v21 =	vmul.f32 v8, v8;
	v11 =	vadd.f32 $9.999999960e-13, v3;
	v3 =	vmul.f32 v7, v7  }
0x3f3: {  	v7 =	vadd.f32 $9.999999960e-13, v1;
	v1 =	vsub.f32 v22, v31;
	v2 =	vmul.f32 v2, v2  }
0x3f4: {  	v25 =	vadd.f32 v25, v21;
	v21 =	vadd.f32 v9, v23;
	v35 =	vmul.f32 v54, v54  }
0x3f5: {  	v19 =	vmul.f32 v19, v19;
	v31 =	vshra.s32 v11, $0x1;
	v0 =	vadd.f32 v0, v3  }
0x3f6: {  	v3 =	vsub.f32 v27, v26;
	v53 =	vshra.s32 v7, $0x1;
	v27 =	vmul.f32 $5.000000000e-01, v7  }
0x3f7: {  	v10 =	vsub.f32 v32, v10;
	v32 =	vsub.f32 v32, v33;
	v1 =	vmul.f32 v1, v1  }
0x3f8: {  	v55 =	vld.idx.msk [tilespmem:v51+s18+$0x0], $0xffff;
	v26 =	vsub.s32 $0x5F3759DF, v31;
	v31 =	vmul.f32 $5.000000000e-01, v11;
	v8 =	vsub.s32 $0x5F3759DF, v53  }
0x3f9: {  	v30 =	vld.idx.msk [tilespmem:v30+s19+$0x0], $0xffff;
	v25 =	vadd.f32 $9.999999960e-13, v25;
	v27 =	vmul.f32 v8, v27;
	v3 =	vmul.f32 v3, v3  }
0x3fa: {  	v0 =	vadd.f32 $9.999999960e-13, v0;
	v32 =	vmul.f32 v32, v32;
	v10 =	vmul.f32 v10, v10  }
0x3fb: {  	v29 =	vld.idx.msk [tilespmem:v29+s18+$0x0], $0xffff;
	v31 =	vmul.f32 v26, v31;
	v60 =	vshra.s32 v25, $0x1;
	v62 =	vmul.f32 $5.000000000e-01, v25  }
0x3fc: {  	s26 =	simm.s32 $0x0;
	v58 =	vld.idx.msk [tilespmem:v52+s18+$0x0], $0xffff;
	v56 =	vshra.s32 v0, $0x1;
	v23 =	vmul.f32 $5.000000000e-01, v0;
	v9 =	vmul.f32 v8, v27  }
0x3fd: {  	v27 =	vld.idx.msk [tilespmem:v50+s18+$0x0], $0xffff;
	v3 =	vadd.f32 v28, v3;
	v63 =	vsub.s32 $0x5F3759DF, v60;
	v50 =	vadd.s32 s26, v61  }
0x3fe: {  	v57 =	vsub.s32 $0x5F3759DF, v56;
	v37 =	vmul.f32 v63, v62;
	v28 =	vsub.f32 v30, v55  }
0x3ff: {  	v31 =	vmul.f32 v26, v31;
	v23 =	vmul.f32 v57, v23;
	v3 =	vadd.f32 $9.999999960e-13, v3  }
0x400: {  	v29 =	vsub.f32 v30, v29;
	v37 =	vmul.f32 v63, v37;
	v28 =	vmul.f32 v28, v28  }
0x401: {  	v23 =	vmul.f32 v57, v23;
	v42 =	vshra.s32 v3, $0x1;
	v44 =	vmul.f32 $5.000000000e-01, v3  }
0x402: {  	v29 =	vmul.f32 v29, v29;
	v27 =	vsub.f32 v30, v27;
	v30 =	vsub.f32 v30, v58  }
0x403: {  	v43 =	vsub.s32 $0x5F3759DF, v42;
	v37 =	vsub.f32 $1.500000000e+00, v37;
	v28 =	vadd.f32 v28, v35  }
0x404: {  	v23 =	vsub.f32 $1.500000000e+00, v23;
	v36 =	vmul.f32 v43, v44;
	v10 =	vadd.f32 v29, v10  }
0x405: {  	v35 =	vand.u32 $0x3F, v50;
	v27 =	vmul.f32 v27, v27;
	v30 =	vmul.f32 v30, v30  }
0x406: {  	v34 =	vmul.f32 v63, v37;
	v51 =	vor.u32 v4, v35;
	v28 =	vadd.f32 $9.999999960e-13, v28  }
0x407: {  	v52 =	vor.u32 v5, v35;
	v53 =	vor.u32 v18, v35;
	v19 =	vadd.f32 v27, v19  }
0x408: {  	v54 =	vor.u32 v49, v35;
	v27 =	vshra.s32 v28, $0x1;
	v45 =	vmul.f32 $5.000000000e-01, v28  }
0x409: {  	v36 =	vmul.f32 v43, v36;
	v27 =	vsub.s32 $0x5F3759DF, v27;
	v39 =	vadd.f32 $9.999999960e-13, v19  }
0x40a: {  	v55 =	vor.u32 v12, v35;
	v33 =	vmul.f32 v57, v23;
	v23 =	vmul.f32 v27, v45  }
0x40b: {  	v19 =	vsub.f32 $1.500000000e+00, v36;
	v46 =	vshra.s32 v39, $0x1;
	v47 =	vmul.f32 $5.000000000e-01, v39  }
0x40c: {  	v56 =	vor.u32 v17, v35;
	v29 =	vsub.s32 $0x5F3759DF, v46;
	v23 =	vmul.f32 v27, v23  }
0x40d: {  	v58 =	vor.u32 v14, v35;
	v19 =	vmul.f32 v43, v19;
	v48 =	vmul.f32 v29, v47  }
0x40e: {  	v60 =	vor.u32 v15, v35;
	v62 =	vor.u32 v16, v35;
	v57 =	vld.idx.msk [tilespmem:v20+s18+$0x0], $0xffff;
	v23 =	vsub.f32 $1.500000000e+00, v23  }
0x40f: {  	v10 =	vadd.f32 $9.999999960e-13, v10;
	v19 =	vmul.f32 v19, v3;
	v3 =	vmul.f32 v29, v48  }
0x410: {  	v63 =	vor.u32 v13, v35;
	v30 =	vadd.f32 v30, v32;
	v20 =	vmul.f32 v27, v23  }
0x411: {  	v23 =	vmul.f32 v34, v25;
	v25 =	vshra.s32 v10, $0x1;
	v3 =	vsub.f32 $1.500000000e+00, v3  }
0x412: {  	v27 =	vmul.f32 $5.000000000e-01, v10;
	v46 =	vsub.s32 $0x5F3759DF, v25;
	v25 =	vmul.f32 v33, v0  }
0x413: {  	v0 =	vadd.f32 v1, v24;
	v1 =	vsub.f32 v22, v57;
	v3 =	vmul.f32 v29, v3  }
0x414: {  	v22 =	vld.idx.msk [tilespmem:v54+s18+$0x0], $0xffff;
	v20 =	vmul.f32 v20, v28;
	v27 =	vmul.f32 v46, v27;
	v29 =	vadd.f32 $9.999999960e-13, v30  }
0x415: {  	v30 =	vld.idx.msk [tilespmem:v51+s19+$0x0], $0xffff;
	v0 =	vadd.f32 $9.999999960e-13, v0;
	v1 =	vmul.f32 v1, v1;
	v24 =	vmul.f32 v3, v39  }
0x416: {  	v48 =	vld.idx.msk [tilespmem:v52+s19+$0x0], $0xffff;
	v3 =	vmul.f32 v46, v27;
	v27 =	vshra.s32 v29, $0x1;
	v47 =	vmul.f32 $5.000000000e-01, v29  }
0x417: {  	v28 =	vld.idx.msk [tilespmem:v53+s18+$0x0], $0xffff;
	v51 =	vshra.s32 v0, $0x1;
	v52 =	vmul.f32 $5.000000000e-01, v0;
	v1 =	vadd.f32 v1, v2  }
0x418: {  	v54 =	vld.idx.msk [tilespmem:v56+s18+$0x0], $0xffff;
	v50 =	vsub.s32 $0x5F3759DF, v27;
	v27 =	vsub.f32 $1.500000000e+00, v31;
	v2 =	vsub.s32 $0x5F3759DF, v51  }
0x419: {  	v31 =	vld.idx.msk [tilespmem:v55+s18+$0x0], $0xffff;
	v3 =	vsub.f32 $1.500000000e+00, v3;
	v32 =	vmul.f32 v50, v47;
	v37 =	vmul.f32 v2, v52  }
0x41a: {  	v53 =	vld.idx.msk [tilespmem:v62+s18+$0x0], $0xffff;
	v56 =	vadd.f32 $9.999999960e-13, v1;
	v22 =	vsub.f32 v30, v22;
	v1 =	vmul.f32 v26, v27  }
0x41b: {  	v3 =	vmul.f32 v46, v3;
	v32 =	vmul.f32 v50, v32  }
0x41c: {  	v55 =	vld.idx.msk [tilespmem:v60+s18+$0x0], $0xffff;
	v26 =	vsub.f32 v48, v28;
	v60 =	vmul.f32 $5.000000000e-01, v56;
	v22 =	vmul.f32 v22, v22  }
0x41d: {  	v57 =	vld.idx.msk [tilespmem:v63+s18+$0x0], $0xffff;
	v28 =	vmul.f32 v1, v11;
	v27 =	vmul.f32 v3, v10;
	v10 =	vsub.f32 $1.500000000e+00, v32  }
0x41e: {  	v1 =	vshra.s32 v56, $0x1;
	v3 =	vld.idx.msk [tilespmem:v58+s18+$0x0], $0xffff;
	v58 =	vmul.f32 v2, v37;
	v11 =	vsub.f32 v48, v31  }
0x41f: {  	v62 =	vmul.f32 v26, v26;
	v31 =	vsub.f32 v48, v53;
	v10 =	vmul.f32 v50, v10  }
0x420: {  	v1 =	vsub.s32 $0x5F3759DF, v1;
	v34 =	vsub.f32 $1.500000000e+00, v58;
	v11 =	vmul.f32 v11, v11  }
0x421: {  	v26 =	vmul.f32 v10, v29;
	v10 =	vsub.f32 v30, v55;
	v29 =	vsub.f32 v30, v54  }
0x422: {  	v31 =	vmul.f32 v31, v31;
	v30 =	vsub.f32 v30, v57;
	v11 =	vadd.f32 v11, v22  }
0x423: {  	v2 =	vmul.f32 v2, v34;
	v3 =	vsub.f32 v48, v3;
	v29 =	vmul.f32 v29, v29  }
0x424: {  	v10 =	vmul.f32 v10, v10;
	v22 =	vmul.f32 v30, v30;
	v35 =	vadd.f32 $9.999999960e-13, v11  }
0x425: {  	v11 =	vmul.f32 v1, v60;
	v3 =	vmul.f32 v3, v3;
	v63 =	vadd.f32 v62, v29  }
0x426: {  	v30 =	vmul.f32 v2, v0;
	v29 =	vadd.f32 $9.999999960e-13, v21;
	v2 =	vadd.f32 v31, v10  }
0x427: {  	v10 =	vmul.f32 v1, v11;
	v0 =	vadd.f32 v3, v22;
	v3 =	vshra.s32 v35, $0x1  }
0x428: {  	v11 =	vmul.f32 $5.000000000e-01, v35;
	v33 =	vadd.f32 $9.999999960e-13, v63;
	v38 =	vsub.s32 $0x5F3759DF, v3  }
0x429: {  	v34 =	vadd.f32 $9.999999960e-13, v2;
	v10 =	vsub.f32 $1.500000000e+00, v10;
	v22 =	vmul.f32 $5.000000000e-01, v29  }
0x42a: {  	v32 =	vadd.f32 $9.999999960e-13, v0;
	v0 =	vshra.s32 v33, $0x1;
	v2 =	vmul.f32 $5.000000000e-01, v33  }
0x42b: {  	v21 =	vshra.s32 v34, $0x1;
	v31 =	vmul.f32 $5.000000000e-01, v34;
	v3 =	vsub.s32 $0x5F3759DF, v0  }
0x42c: {  	v0 =	vmul.f32 v1, v10;
	v1 =	vmul.f32 v38, v11;
	v10 =	vshra.s32 v32, $0x1  }
0x42d: {  	v37 =	vsub.s32 $0x5F3759DF, v21;
	v36 =	vsub.s32 $0x5F3759DF, v10;
	v10 =	vmul.f32 $5.000000000e-01, v32  }
0x42e: {  	v11 =	vmul.f32 v37, v31;
	v2 =	vmul.f32 v3, v2  }
0x42f: {  	v6 =	vimm.f32 $0.0e+00;
	v21 =	vmul.f32 v38, v1;
	v31 =	vmul.f32 v0, v56  }
0x430: {  	v1 =	vshra.s32 v29, $0x1;
	v10 =	vmul.f32 v36, v10;
	v11 =	vmul.f32 v37, v11  }
0x431: {  	v1 =	vsub.s32 $0x5F3759DF, v1;
	v40 =	vmul.f32 v3, v2;
	v41 =	vsub.f32 $1.500000000e+00, v21  }
0x432: {  	v2 =	vmul.f32 v1, v22;
	v22 =	vimm.f32 $0.0e+00;
	v21 =	vimm.f32 $0.0e+00  }
0x433: {  	s21 =	simm.s32 $0x4;
	v39 =	vmul.f32 v36, v10;
	v0 =	vsub.f32 $1.500000000e+00, v11;
	v11 =	vimm.f32 $0.0e+00  }
.LBB2_15:
0x434: {  	s14 =	sadd.s32 $0x1, s21  }
0x435: {  	s25 =	sadd.s32 $0x2, s21;
	v10 =	vmul.f32 v38, v41;
	v38 =	vsub.f32 $1.500000000e+00, v40;
	v9 =	vsub.f32 $1.500000000e+00, v9;
	s17 =	smov.u32 s21;
	s1 =	sadd.s32 $0x4, s21  }
0x436: {  	p1 =	slt.u32 s21, $0x3C;
	v40 =	vadd.s32 s14, v61;
	v41 =	vadd.s32 s25, v61;
	v39 =	vsub.f32 $1.500000000e+00, v39  }
0x437: {  	v40 =	vand.u32 $0x3F, v40;
	v10 =	vmul.f32 v10, v35;
	v8 =	vmul.f32 v8, v9  }
0x438: {  	v3 =	vmul.f32 v3, v38;
	v9 =	vor.u32 v49, v40;
	v35 =	vor.u32 v12, v40  }
0x439: {  	v2 =	vmul.f32 v1, v2;
	v38 =	vor.u32 v16, v40;
	v42 =	vor.u32 v18, v40  }
0x43a: {  	v43 =	vor.u32 v4, v40;
	v44 =	vor.u32 v5, v40;
	v6 =	vadd.f32 v10, v6  }
0x43b: {  	v0 =	vmul.f32 v37, v0;
	v45 =	vor.u32 v15, v40;
	v10 =	vor.u32 v14, v40  }
0x43c: {  	v37 =	vor.u32 v13, v40;
	v2 =	vsub.f32 $1.500000000e+00, v2;
	v3 =	vmul.f32 v3, v33  }
0x43d: {  	v0 =	vmul.f32 v0, v34;
	v7 =	vmul.f32 v8, v7;
	v33 =	vld.idx.msk [tilespmem:v35+s18+$0x0], $0xffff;
	v35 =	vor.u32 v17, v40  }
0x43e: {  	v1 =	vmul.f32 v1, v2;
	v3 =	vadd.f32 v3, v22;
	v8 =	vld.idx.msk [tilespmem:v9+s18+$0x0], $0xffff;
	v9 =	vand.u32 $0x3F, v41  }
0x43f: {  	v36 =	vmul.f32 v36, v39;
	v2 =	vld.idx.msk [tilespmem:v38+s18+$0x0], $0xffff;
	v22 =	vor.u32 v4, v9;
	v34 =	vor.u32 v12, v9  }
0x440: {  	v0 =	vadd.f32 v0, v11;
	v3 =	vadd.f32 v25, v3;
	v39 =	vor.u32 v5, v9;
	v38 =	vld.idx.msk [tilespmem:v42+s18+$0x0], $0xffff  }
0x441: {  	v32 =	vmul.f32 v36, v32;
	v6 =	vadd.f32 v7, v6;
	v11 =	vor.u32 v49, v9;
	v25 =	vld.idx.msk [tilespmem:v44+s19+$0x0], $0xffff  }
0x442: {  	v0 =	vadd.f32 v28, v0;
	v3 =	vadd.f32 v23, v3;
	v7 =	vld.idx.msk [tilespmem:v10+s18+$0x0], $0xffff;
	v10 =	vor.u32 v16, v9  }
0x443: {  	v6 =	vadd.f32 v30, v6;
	v23 =	vor.u32 v14, v9;
	v36 =	vor.u32 v18, v9;
	v28 =	vld.idx.msk [tilespmem:v45+s18+$0x0], $0xffff  }
0x444: {  	s14 =	sadd.s32 $0x3, s17;
	v21 =	vadd.f32 v32, v21;
	v40 =	vor.u32 v17, v9;
	v30 =	vld.idx.msk [tilespmem:v22+s19+$0x0], $0xffff;
	v22 =	vor.u32 v15, v9  }
0x445: {  	v41 =	vadd.s32 s14, v61;
	v0 =	vadd.f32 v19, v0;
	v9 =	vor.u32 v13, v9;
	v32 =	vld.idx.msk [tilespmem:v43+s19+$0x0], $0xffff  }
0x446: {  	v1 =	vmul.f32 v1, v29;
	v41 =	vand.u32 $0x3F, v41;
	v6 =	vadd.f32 v27, v6;
	v19 =	vld.idx.msk [tilespmem:v11+s18+$0x0], $0xffff  }
0x447: {  	v29 =	vor.u32 v4, v41;
	v2 =	vsub.f32 v25, v2;
	v11 =	vadd.f32 v24, v0;
	v27 =	vld.idx.msk [tilespmem:v34+s18+$0x0], $0xffff  }
0x448: {  	v1 =	vadd.f32 v1, v21;
	v0 =	vsub.f32 v25, v33;
	v34 =	vor.u32 v13, v41;
	v33 =	vld.idx.msk [tilespmem:v37+s18+$0x0], $0xffff  }
0x449: {  	v42 =	vor.u32 v15, v41;
	v43 =	vor.u32 v16, v41;
	v37 =	vor.u32 v49, v41;
	v36 =	vld.idx.msk [tilespmem:v36+s18+$0x0], $0xffff  }
0x44a: {  	v44 =	vor.u32 v18, v41;
	v7 =	vsub.f32 v25, v7;
	v0 =	vmul.f32 v0, v0;
	v35 =	vld.idx.msk [tilespmem:v35+s18+$0x0], $0xffff  }
0x44b: {  	v25 =	vsub.f32 v25, v38;
	v2 =	vmul.f32 v2, v2;
	v21 =	vsub.f32 v32, v28;
	v9 =	vld.idx.msk [tilespmem:v9+s18+$0x0], $0xffff  }
0x44c: {  	v1 =	vadd.f32 v31, v1;
	v38 =	vor.u32 v14, v41;
	v8 =	vsub.f32 v32, v8;
	v24 =	vld.idx.msk [tilespmem:v39+s19+$0x0], $0xffff  }
0x44d: {  	v19 =	vsub.f32 v30, v19;
	v39 =	vor.u32 v17, v41;
	v31 =	vld.idx.msk [tilespmem:v22+s18+$0x0], $0xffff;
	v22 =	vadd.f32 v20, v3  }
0x44e: {  	v3 =	vsub.f32 v32, v33;
	v20 =	vmul.f32 v7, v7;
	v7 =	vmul.f32 v21, v21;
	v33 =	vld.idx.msk [tilespmem:v40+s18+$0x0], $0xffff  }
0x44f: {  	v8 =	vmul.f32 v8, v8;
	v28 =	vmul.f32 v19, v19;
	v21 =	vadd.f32 v26, v1;
	v19 =	vld.idx.msk [tilespmem:v29+s19+$0x0], $0xffff  }
0x450: {  	v1 =	vmul.f32 v3, v3;
	v2 =	vadd.f32 v2, v7;
	v3 =	vsub.f32 v32, v35;
	v29 =	vld.idx.msk [tilespmem:v42+s18+$0x0], $0xffff  }
0x451: {  	v0 =	vadd.f32 v0, v8;
	v8 =	vmul.f32 v25, v25;
	v32 =	vsub.f32 v30, v9;
	v9 =	vld.idx.msk [tilespmem:v37+s18+$0x0], $0xffff  }
0x452: {  	v26 =	vadd.f32 $9.999999960e-13, v2;
	v2 =	vmul.f32 v3, v3;
	v3 =	vsub.f32 v24, v36;
	v35 =	vld.idx.msk [tilespmem:v39+s18+$0x0], $0xffff  }
0x453: {  	v7 =	vadd.f32 $9.999999960e-13, v0;
	v0 =	vsub.f32 v24, v27;
	v36 =	vor.u32 v12, v41;
	v34 =	vld.idx.msk [tilespmem:v34+s18+$0x0], $0xffff  }
0x454: {  	v31 =	vsub.f32 v30, v31;
	v25 =	vshra.s32 v26, $0x1;
	v2 =	vadd.f32 v8, v2  }
0x455: {  	v37 =	vor.u32 v5, v41;
	v8 =	vshra.s32 v7, $0x1;
	v10 =	vld.idx.msk [tilespmem:v10+s18+$0x0], $0xffff  }
0x456: {  	v30 =	vsub.f32 v30, v33;
	v27 =	vsub.s32 $0x5F3759DF, v25;
	v33 =	vsub.f32 v19, v29  }
0x457: {  	v39 =	vmul.f32 $5.000000000e-01, v26;
	v29 =	vmul.f32 $5.000000000e-01, v7;
	v40 =	vsub.f32 v19, v9  }
0x458: {  	v25 =	vadd.f32 $9.999999960e-13, v2;
	v35 =	vsub.f32 v19, v35;
	v2 =	vld.idx.msk [tilespmem:v36+s18+$0x0], $0xffff  }
0x459: {  	v3 =	vmul.f32 v3, v3;
	v8 =	vsub.s32 $0x5F3759DF, v8;
	v9 =	vmul.f32 v30, v30;
	v30 =	vld.idx.msk [tilespmem:v44+s18+$0x0], $0xffff  }
0x45a: {  	v36 =	vmul.f32 v27, v39;
	v39 =	vshra.s32 v25, $0x1;
	v19 =	vsub.f32 v19, v34;
	v37 =	vld.idx.msk [tilespmem:v37+s19+$0x0], $0xffff  }
0x45b: {  	v34 =	vmul.f32 v8, v29;
	v3 =	vadd.f32 v3, v9;
	v10 =	vsub.f32 v24, v10;
	v41 =	vld.idx.msk [tilespmem:v43+s18+$0x0], $0xffff  }
0x45c: {  	v29 =	vadd.f32 v20, v1;
	v1 =	vmul.f32 $5.000000000e-01, v25;
	v20 =	vmul.f32 v31, v31  }
0x45d: {  	v9 =	vmul.f32 v8, v34;
	v3 =	vadd.f32 $9.999999960e-13, v3;
	v19 =	vmul.f32 v19, v19;
	v31 =	vld.idx.msk [tilespmem:v38+s18+$0x0], $0xffff  }
0x45e: {  	v34 =	vmul.f32 v27, v36;
	v36 =	vsub.s32 $0x5F3759DF, v39;
	v10 =	vmul.f32 v10, v10  }
0x45f: {  	v1 =	vmul.f32 v36, v1;
	v39 =	vmul.f32 $5.000000000e-01, v3;
	v38 =	vshra.s32 v3, $0x1  }
0x460: {  	v32 =	vmul.f32 v32, v32;
	v10 =	vadd.f32 v10, v20;
	v20 =	vsub.f32 v37, v30  }
0x461: {  	v30 =	vsub.s32 $0x5F3759DF, v38;
	v2 =	vsub.f32 v37, v2;
	v38 =	vsub.f32 v37, v41  }
0x462: {  	v35 =	vmul.f32 v35, v35;
	v10 =	vadd.f32 $9.999999960e-13, v10;
	v20 =	vmul.f32 v20, v20  }
0x463: {  	v1 =	vmul.f32 v36, v1;
	v39 =	vmul.f32 v30, v39;
	v31 =	vsub.f32 v37, v31  }
0x464: {  	v37 =	vshra.s32 v10, $0x1;
	v38 =	vmul.f32 v38, v38;
	v20 =	vadd.f32 v20, v35  }
0x465: {  	v2 =	vmul.f32 v2, v2;
	v35 =	vsub.s32 $0x5F3759DF, v37;
	v37 =	vmul.f32 $5.000000000e-01, v10  }
0x466: {  	v33 =	vmul.f32 v33, v33;
	v39 =	vmul.f32 v30, v39;
	v20 =	vadd.f32 $9.999999960e-13, v20  }
0x467: {  	v1 =	vsub.f32 $1.500000000e+00, v1;
	v31 =	vmul.f32 v31, v31;
	v37 =	vmul.f32 v35, v37  }
0x468: {  	v40 =	vmul.f32 v40, v40;
	v33 =	vadd.f32 v38, v33;
	v38 =	vshra.s32 v20, $0x1  }
0x469: {  	v37 =	vmul.f32 v35, v37;
	v41 =	vmul.f32 $5.000000000e-01, v20;
	v38 =	vsub.s32 $0x5F3759DF, v38  }
0x46a: {  	v1 =	vmul.f32 v36, v1;
	v36 =	vsub.f32 $1.500000000e+00, v39;
	v33 =	vadd.f32 $9.999999960e-13, v33  }
0x46b: {  	v0 =	vmul.f32 v0, v0;
	v37 =	vsub.f32 $1.500000000e+00, v37;
	v39 =	vmul.f32 v38, v41  }
0x46c: {  	v30 =	vmul.f32 v30, v36;
	v36 =	vshra.s32 v33, $0x1;
	v41 =	vmul.f32 $5.000000000e-01, v33  }
0x46d: {  	v2 =	vadd.f32 v2, v40;
	v36 =	vsub.s32 $0x5F3759DF, v36;
	v39 =	vmul.f32 v38, v39  }
0x46e: {  	v31 =	vadd.f32 v31, v19;
	v35 =	vmul.f32 v35, v37;
	v37 =	vmul.f32 v36, v41  }
0x46f: {  	v2 =	vadd.f32 $9.999999960e-13, v2;
	v19 =	vadd.s32 s17, v61;
	v39 =	vsub.f32 $1.500000000e+00, v39  }
0x470: {  	v40 =	vand.u32 $0x3F, v19;
	v19 =	vmul.f32 v35, v10;
	v10 =	vmul.f32 v36, v37  }
0x471: {  	v41 =	vor.u32 v18, v40;
	v35 =	vor.u32 v4, v40;
	v37 =	vor.u32 v5, v40  }
0x472: {  	v42 =	vor.u32 v49, v40;
	v43 =	vor.u32 v12, v40;
	v44 =	vor.u32 v17, v40;
	v45 =	vld.idx.msk [tilespmem:v23+s18+$0x0], $0xffff  }
0x473: {  	v46 =	vor.u32 v14, v40;
	v47 =	vor.u32 v15, v40;
	v48 =	vor.u32 v16, v40  }
0x474: {  	v40 =	vor.u32 v13, v40;
	v10 =	vsub.f32 $1.500000000e+00, v10;
	v38 =	vmul.f32 v38, v39  }
0x475: {  	v23 =	vmul.f32 v30, v3;
	v3 =	vshra.s32 v2, $0x1;
	v30 =	vmul.f32 $5.000000000e-01, v2  }
0x476: {  	v10 =	vmul.f32 v36, v10;
	v20 =	vmul.f32 v38, v20;
	v3 =	vsub.s32 $0x5F3759DF, v3;
	v35 =	vld.idx.msk [tilespmem:v35+s19+$0x0], $0xffff  }
0x477: {  	v25 =	vmul.f32 v1, v25;
	v1 =	vmul.f32 v3, v30;
	v30 =	vadd.f32 $9.999999960e-13, v31;
	v36 =	vld.idx.msk [tilespmem:v41+s18+$0x0], $0xffff  }
0x478: {  	v0 =	vadd.f32 v0, v28;
	v28 =	vsub.f32 v24, v45;
	v24 =	vmul.f32 v10, v33;
	v31 =	vld.idx.msk [tilespmem:v42+s18+$0x0], $0xffff  }
0x479: {  	v1 =	vmul.f32 v3, v1;
	v38 =	vmul.f32 $5.000000000e-01, v30;
	v33 =	vshra.s32 v30, $0x1;
	v10 =	vld.idx.msk [tilespmem:v43+s18+$0x0], $0xffff  }
0x47a: {  	v0 =	vadd.f32 $9.999999960e-13, v0;
	v33 =	vsub.s32 $0x5F3759DF, v33;
	v28 =	vmul.f32 v28, v28;
	v37 =	vld.idx.msk [tilespmem:v37+s19+$0x0], $0xffff  }
0x47b: {  	v34 =	vsub.f32 $1.500000000e+00, v34;
	v1 =	vsub.f32 $1.500000000e+00, v1;
	v38 =	vmul.f32 v33, v38;
	v39 =	vld.idx.msk [tilespmem:v48+s18+$0x0], $0xffff  }
0x47c: {  	v42 =	vshra.s32 v0, $0x1;
	v43 =	vmul.f32 $5.000000000e-01, v0;
	v28 =	vadd.f32 v28, v32;
	v41 =	vld.idx.msk [tilespmem:v44+s18+$0x0], $0xffff  }
0x47d: {  	v42 =	vsub.s32 $0x5F3759DF, v42;
	v1 =	vmul.f32 v3, v1;
	v3 =	vmul.f32 v33, v38;
	v32 =	vld.idx.msk [tilespmem:v47+s18+$0x0], $0xffff  }
0x47e: {  	v31 =	vsub.f32 v35, v31;
	v38 =	vld.idx.msk [tilespmem:v40+s18+$0x0], $0xffff;
	v40 =	vmul.f32 v42, v43;
	v43 =	vadd.f32 $9.999999960e-13, v28  }
0x47f: {  	v28 =	vmul.f32 v27, v34;
	v27 =	vmul.f32 v1, v2;
	v1 =	vsub.f32 $1.500000000e+00, v3;
	v44 =	vld.idx.msk [tilespmem:v46+s18+$0x0], $0xffff  }
0x480: {  	v2 =	vmul.f32 v31, v31;
	v3 =	vsub.f32 v37, v36;
	v31 =	vmul.f32 v42, v40  }
0x481: {  	v28 =	vmul.f32 v28, v26;
	v34 =	vshra.s32 v43, $0x1;
	v1 =	vmul.f32 v33, v1  }
0x482: {  	v10 =	vsub.f32 v37, v10;
	v33 =	vsub.f32 v37, v39;
	v36 =	vmul.f32 $5.000000000e-01, v43  }
0x483: {  	v3 =	vmul.f32 v3, v3;
	v31 =	vsub.f32 $1.500000000e+00, v31;
	v26 =	vmul.f32 v1, v30  }
0x484: {  	v1 =	vsub.f32 v35, v32;
	v32 =	vmul.f32 v33, v33;
	v30 =	vsub.f32 v35, v41  }
0x485: {  	v10 =	vmul.f32 v10, v10;
	v33 =	vsub.f32 v35, v38;
	v35 =	vsub.f32 v37, v44  }
0x486: {  	v30 =	vmul.f32 v30, v30;
	v31 =	vmul.f32 v42, v31;
	v37 =	vsub.s32 $0x5F3759DF, v34  }
0x487: {  	v2 =	vadd.f32 v10, v2;
	v1 =	vmul.f32 v1, v1;
	v10 =	vmul.f32 v35, v35  }
0x488: {  	v33 =	vmul.f32 v33, v33;
	v3 =	vadd.f32 v3, v30;
	v30 =	vmul.f32 v31, v0  }
0x489: {  	v29 =	vadd.f32 $9.999999960e-13, v29;
	v35 =	vadd.f32 $9.999999960e-13, v2;
	v0 =	vmul.f32 v37, v36  }
0x48a: {  	v1 =	vadd.f32 v32, v1;
	v2 =	vadd.f32 v10, v33  }
0x48b: {  	v10 =	vshra.s32 v35, $0x1;
	v33 =	vadd.f32 $9.999999960e-13, v3;
	v0 =	vmul.f32 v37, v0  }
0x48c: {  	v34 =	vadd.f32 $9.999999960e-13, v1;
	v38 =	vsub.s32 $0x5F3759DF, v10;
	v32 =	vadd.f32 $9.999999960e-13, v2  }
0x48d: {  	v1 =	vshra.s32 v33, $0x1;
	v2 =	vmul.f32 $5.000000000e-01, v33;
	v0 =	vsub.f32 $1.500000000e+00, v0  }
0x48e: {  	v42 =	vmul.f32 $5.000000000e-01, v29;
	v10 =	vmul.f32 $5.000000000e-01, v35;
	v31 =	vshra.s32 v34, $0x1  }
0x48f: {  	v39 =	vmul.f32 $5.000000000e-01, v34;
	v3 =	vsub.s32 $0x5F3759DF, v1;
	v0 =	vmul.f32 v37, v0  }
0x490: {  	v1 =	vmul.f32 v38, v10;
	v10 =	vshra.s32 v32, $0x1;
	v37 =	vsub.s32 $0x5F3759DF, v31  }
.Ltmp8:
0x491: {  	v36 =	vsub.s32 $0x5F3759DF, v10;
	v10 =	vmul.f32 $5.000000000e-01, v32;
	v31 =	vmul.f32 v37, v39;
	(pc) =	sbr.rel @p1 .LBB2_15-.Ltmp8, $4  }
0x492: {  	v2 =	vmul.f32 v3, v2;
	v39 =	vmul.f32 v38, v1;
	v1 =	vshra.s32 v29, $0x1  }
0x493: {  	v1 =	vsub.s32 $0x5F3759DF, v1;
	v10 =	vmul.f32 v36, v10;
	v44 =	vmul.f32 v37, v31  }
0x494: {  	v40 =	vmul.f32 v3, v2;
	v41 =	vsub.f32 $1.500000000e+00, v39;
	v31 =	vmul.f32 v0, v43  }
0x495: {  	s21 =	smov.u32 s1;
	v2 =	vmul.f32 v1, v42;
	v39 =	vmul.f32 v36, v10;
	v0 =	vsub.f32 $1.500000000e+00, v44  }
0x496: {  	v4 =	vmul.f32 v38, v41  }
0x497: {  	v5 =	vsub.f32 $1.500000000e+00, v9;
	v10 =	vsub.f32 $1.500000000e+00, v40;
	v2 =	vmul.f32 v1, v2  }
0x498: {  	v56 =	vsub.f32 $1.500000000e+00, v39;
	v0 =	vmul.f32 v37, v0;
	v4 =	vmul.f32 v4, v35  }
0x499: {  	v5 =	vmul.f32 v8, v5;
	v3 =	vmul.f32 v3, v10  }
0x49a: {  	v2 =	vsub.f32 $1.500000000e+00, v2;
	v57 =	vmul.f32 v36, v56;
	v0 =	vmul.f32 v0, v34  }
0x49b: {  	v4 =	vadd.f32 v4, v6;
	v5 =	vmul.f32 v5, v7;
	v3 =	vmul.f32 v3, v33  }
0x49c: {  	v58 =	vmul.f32 v1, v2;
	v60 =	vmul.f32 v57, v32;
	v0 =	vadd.f32 v0, v11  }
0x49d: {  	v4 =	vadd.f32 v5, v4;
	v3 =	vadd.f32 v3, v22  }
0x49e: {  	v2 =	vadd.f32 v60, v21;
	v1 =	vmul.f32 v58, v29;
	v0 =	vadd.f32 v28, v0  }
0x49f: {  	v62 =	vadd.f32 v30, v4;
	v3 =	vadd.f32 v25, v3  }
0x4a0: {  	v1 =	vadd.f32 v1, v2;
	v0 =	vadd.f32 v19, v0  }
0x4a1: {  	v2 =	vadd.f32 v27, v62;
	v3 =	vadd.f32 v23, v3  }
0x4a2: {  	v1 =	vadd.f32 v31, v1;
	v0 =	vadd.f32 v24, v0  }
0x4a3: {  	s0 =	sshll.u32 s0, $0x6;
	v2 =	vsub.f32 $0.0e+00, v2;
	v3 =	vadd.f32 v20, v3  }
.Ltmp9:
0x4a4: {  	s0 =	sand.u32 $0x3FFFFFC0, s0;
	v1 =	vadd.f32 v26, v1;
	v0 =	vsub.f32 $0.0e+00, v0;
	(pc) =	sbr.rel @p0 .LBB2_18-.Ltmp9, $4  }
0x4a5: {  	[tilespmem:s0+$0x16200] =	vst v2;
	v63 =	vsub.f32 $0.0e+00, v3  }
0x4a6: {  	v1 =	vsub.f32 $0.0e+00, v1;
	[tilespmem:s0+$0x16220] =	vst v0  }
0x4a7: {  	[tilespmem:s0+$0x16230] =	vst v63  }
0x4a8: {  	[tilespmem:s0+$0x16210] =	vst v1  }
.Ltmp10:
0x4a9: {  	(pc) =	sbr.rel .LBB2_8-.Ltmp10, $3  }
0x4aa: {  	_ =	sdelay $0x1  }
0x4ab: {  	s0 =	sadd.s32 $0x300, s31;
	s30 =	sadd.s32 $0x1, s30  }
0x4ac: {  	[tilespmem:s18], [sflag:$0x3] =	stream.indirect.gather [hbm4b:s3+s13], $0x80, s0, s13, $0xb8;
	[tilespmem:$0x18200] =	vst v63  }
.LBB2_19:
0x4ad: {  	_ =	sfence.sel $0x180000  }
0x4ae: {  	[bflag:$0x0] =	sbarrier.arrive $0xFFFF  }
0x4af: {  	_ =	strace $0x9000004A  }
0x4b0: {  	s0 =	stileid.u32;
	[bflag:$0x2] =	sbarrier.arrive $0xFFFF  }
0x4b1: {  	p0 =	sne.s32 s0, $0x0;
	s0 =	rddreg [dreg:$0x6]  }
0x4b2: {  	s0 =	sadd.s32 @!p0 $0x100000, s0  }
0x4b3: {  	[sflag:s0] =	ssyncadd.tile.s32 @!p0 $0x1;
	_ =	shalt  }
.Lfunc_end2:
_tile_overlayer_lowered:
.L_overlay_start_2:
0x4b4: {  	(tag) =	ssettag $0x2  }
0x4b5: {  	s0 =	rddreg [dreg:$0x0];
	s2 =	stileid.u32  }
0x4b6: {  	s1 =	rddreg [dreg:$0x1];
	p0 =	sne.s32 s2, $0x0  }
0x4b7: {  	s3 =	rddreg [dreg:$0x2];
	[bflag:$0x3] =	sbarrier.arrive $0xFFFF;
	s2 =	simm.s32 @!p0 $0x1C04  }
0x4b8: {  	[timem:s3], [sflag:s2] =	dma.local @!p0 [hbm:s0], s1  }
0x4b9: {  	s0 =	simm.s32 @!p0 $0x4  }
0x4ba: {  	_ =	swait.ge @!p0 [sflag:s0], s1  }
0x4bb: {  	s1 =	ssub.s32 @!p0 $0x0, s1;
	[sflag:s0] =	ssyncset.done @!p0 $0x0  }
0x4bc: {  	[sflag:s0] =	ssyncadd.s32 @!p0 s1  }
0x4bd: {  	[bflag:$0x3] =	sbarrier.arrive $0xFFFF  }
0x4be: {  	_ =	shalt  }

// kernel: sparse-core-data-format-call.cloned.1.call-start
scs
called_computation_lowered:
.L_overlay_start_0:
0x0: {  	s1 =	sld [smem:$0x3FD9]  }
0x1: {  	s2 =	sld [smem:$0x3FFE];
	_ =	sdelay $0x1  }
0x2: {  	s3 =	srdreg.scid  }
0x3: {  	s0 =	sand.u32 $0x1, s3  }
0x4: {  	s17 =	sshll.u32 s0, $0xA;
	s1 =	sadd.s32 s2, s1  }
0x5: {  	s1 =	sadd.s32 s1, s17  }
0x6: {  	[smem:$0x3FC1] =	sst s1  }
0x7: {  	_ = 	snop  }
0x8: {  	(tm) =	ssettm $0x1  }
0x9: {  	s18 =	sld [smem:$0x3FFB];
	_ =	sdelay $0x3  }
0xa: {  	_ =	strace s18  }
0xb: {  	s1 =	sld [smem:$0x3FFC];
	_ =	sdelay $0x3  }
0xc: {  	_ =	strace s1  }
0xd: {  	s1 =	sld [smem:$0x3FFD];
	_ =	sdelay $0x3  }
0xe: {  	_ =	strace s1  }
0xf: {  	_ =	strace $0x8FFFFFFF  }
0x10: {  	s19 =	sld [smem:$0x3FDB];
	_ =	sdelay $0x1  }
0x11: {  	s20 =	simm.s32 $_scs_section_size  }
0x12: {  	s4 =	simm.s32 $_size__tile_overlayer_lowered;
	s5 =	simm.s32 $_tile_overlayer_lowered  }
0x13: {  	s23 =	simm.s32 $0x1BFF;
	s22 =	sshll.u32 s5, $0x1;
	s1 =	sadd.s32 s20, s19  }
0x14: {  	s6 =	simm.s32 $0x0;
	s21 =	sshll.u32 s4, $0x1;
	s4 =	sadd.s32 s22, s1  }
0x15: {  	[timem:s6], [sflag:s23] =	dma.local [hbm:s4], s21  }
0x16: {  	_ =	swait.ge [sflag:s23], s21  }
0x17: {  	s2 =	ssub.s32 $0x0, s21;
	[sflag:s23] =	ssyncset.done $0x0  }
0x18: {  	[sflag:s23] =	ssyncadd.s32 s2;
	_ =	sdelay $0x1  }
0x19: {  	s24 =	simm.s32 $0x1B8B  }
0x1a: {  	_ =	swait.ge [sflag:s24], $0x1  }
0x1b: {  	[sflag:s24] =	ssyncset.done $0x0  }
0x1c: {  	s26 =	simm.s32 $0x1B8E;
	s25 =	sld [smem:$0x3FFE];
	[sflag:s24] =	ssyncadd.s32 $0xFFFFFFFF  }
0x1d: {  	s27 =	simm.s32 $execute0_lowered;
	[smem:$0x3FD2] =	sst s26  }
0x1e: {  	s4 =	sshll.u32 s27, $0x1;
	_ =	strace $0x80000046;
	[dreg:$0x1] =	wrdreg $0xFFFFFFFF  }
0x1f: {  	s28 =	simm.s32 $_size_execute0_lowered;
	s1 =	sadd.s32 s1, s4;
	[dreg:$0x0] =	wrdreg $0x0  }
0x20: {  	s4 =	sshll.u32 s28, $0x1;
	[dreg:$0x2] =	wrdreg s1  }
0x21: {  	[dreg:$0x3] =	wrdreg s4  }
0x22: {  	[dreg:$0x4] =	wrdreg $0xC0  }
0x23: {  	_ =	task [dreg:s6], $0x5FFFF  }
0x24: {  	[dreg:$0x1] =	wrdreg $0xFFFFFFFF  }
0x25: {  	[dreg:$0x0] =	wrdreg $0x60  }
0x26: {  	[dreg:$0x2] =	wrdreg s25  }
0x27: {  	[dreg:$0x3] =	wrdreg $0x9  }
0x28: {  	_ =	task.clear_ibuf [dreg:s6], $0x4FFFF;
	_ =	strace $0x90000046  }
0x29: {  	s29 =	simm.s32 $0x9;
	_ =	strace $0x80000048  }
0x2a: {  	_ =	swait.ge [sflag:s29], $0x1  }
0x2b: {  	[sflag:s29] =	ssyncadd.s32 $0xFFFFFFFF  }
0x2c: {  	_ =	strace $0x90000048  }
0x2d: {  	_ =	sfence  }
0x2e: {  	s30 =	sld [smem:$0x0];
	_ =	sdelay $0x2  }
0x2f: {  	s31 =	sshll.u32 s3, $0xD;
	s3 =	sshrl.u32 s3, $0x2  }
0x30: {  	s2 =	sand.u32 $0x4000, s31;
	s1 =	sadd.s32 s3, s30  }
0x31: {  	s0 =	sor.u32 s2, s0;
	s1 =	sshll.u32 s1, $0x11  }
0x32: {  	s0 =	sor.u32 s1, s0  }
0x33: {  	s0 =	sadd.s32 $0x8F2B, s0  }
0x34: {  	[sflag:s0] =	ssyncadd.remote.s32 $0x1  }
0x35: {  	_ =	sfence.sel $0xFFFF  }
0x36: {  	[dreg:$0x0] =	wrdreg $0xFFFFFFFF;
	(pc) =	sbr.abs _section_cstart, $3  }
0x37: {  	[dreg:$0x1] =	wrdreg $0xFFFFFFFF  }
0x38: {  	_ =	task.clear_ibuf [dreg:s6], $0x2FFFF;
	_ =	strace $0x9FFFFFFF  }
0x39: {  	(tm) =	ssettm $0x7FFFFFFF  }
tec
execute0_lowered:
.L_overlay_start_1:
0x0: {  	(tag) =	ssettag $0x1  }
0x1: {  	s0 =	srdreg.scid  }
0x2: {  	s4 =	rddreg [dreg:$0x0];
	s1 =	stileid.u32  }
0x3: {  	s5 =	simm.s32 $0x1;
	s7 =	simm.s32 $0x2;
	s14 =	simm.s32 $0x0  }
0x4: {  	p0 =	por $0x0, $0x0;
	s13 =	simm.s32 $0x0;
	s0 =	sshll.u32 s0, $0x4  }
0x5: {  	s8 =	simm.s32 $0x0;
	s9 =	simm.s32 $0x0;
	s2 =	sand.u32 $0x10, s0  }
.Ltmp0:
0x6: {  	s11 =	simm.s32 $0x0;
	s3 =	sor.u32 s1, s2;
	(pc) =	sbr.rel .LBB1_1-.Ltmp0, $4  }
0x7: {  	s12 =	simm.s32 $0x0;
	s0 =	rddreg [dreg:$0x1];
	s3 =	sshll.u32 s3, $0x7  }
0x8: {  	_ =	strace $0x80000047;
	s2 =	sadd.s32 $0x1000, s4;
	s6 =	ssub.s32 $0xF4200, s3  }
0x9: {  	s4 =	sadd.s32 $0xF43800, s4;
	[sflag:s5] =	ssyncpa.u1 $0x0;
	s6 =	sshrl.u32 s6, $0xC  }
0xa: {  	[sflag:s7] =	ssyncpa.u1 $0x0;
	s10 =	smov.u32 s3;
	s7 =	sadd.s32 $0x2, s6  }
.LBB1_5:
0xb: {  	p1 =	slt.u32 s12, $0x2  }
0xc: {  	p2 =	sgt.s32 @!p1 s14, $0xF41C0  }
0xd: {  	s15 =	smov.u32 s14;
	s16 =	sshra.s32 @!p1 s14, $0x1F;
	p2 =	por !p2, p1  }
0xe: {  	s14 =	sand.u32 @!p1 s16, s14;
	s15 =	simm.s32 @p2 $0xF41C0  }
0xf: {  	s14 =	ssub.s32 @!p1 s15, s14;
	s15 =	ssub.s32 @!p1 $0x0, s13  }
0x10: {  	s17 =	smov.u32 s11;
	s16 =	sadd.s32 @!p1 $0xFFF0BE40, s14;
	s13 =	smin.u32 @!p1 s13, s15  }
0x11: {  	s14 =	ssub.s32 @!p1 $0xF4240, s14;
	p2 =	sgt.s32 @!p1 s16, $0x7F;
	p3 =	sgt.s32 @!p1 s13, $0x7F  }
0x12: {  	s13 =	ssub.s32 @!p1 $0x80, s13;
	p2 =	por !p2, p1;
	p3 =	por !p3, p1  }
0x13: {  	s15 =	sadd.s32 $0x1000, s10;
	s14 =	simm.s32 @!p2 $0x0;
	s13 =	simm.s32 @!p3 $0x0  }
0x14: {  	p2 =	sgt.s32 s15, $0xF423F;
	s13 =	smul.u32 @!p1 s13, s14;
	s14 =	sadd.s32 $0x80, s11  }
0x15: {  	s17 =	smov.u32 @p2 s14  }
0x16: {  	s15 =	smov.u32 @p2 s3;
	p2 =	sgt.s32 s17, $0x7F  }
0x17: {  	s17 =	simm.s32 @p2 $0x0;
	p2 =	sne.s32 s12, s7  }
.Ltmp1:
0x18: {  	p0 =	por !p0, !p0;
	s16 =	simm.s32 @!p1 $0x2;
	(pc) =	sbr.rel @!p2 .LBB1_6-.Ltmp1, $4  }
0x19: {  	s14 =	smov.u32 s8;
	s8 =	smov.u32 s10;
	s13 =	sand.u32 @!p1 $0x3FFFFFFF, s13  }
0x1a: {  	s10 =	smov.u32 s15;
	_ =	swait.ge @!p1 [sflag:s16], s13;
	s18 =	ssub.s32 @!p1 $0x0, s13  }
0x1b: {  	s13 =	smov.u32 s9;
	s12 =	sadd.s32 $0x1, s12;
	[sflag:s16] =	ssyncset.done @!p1 $0x0  }
0x1c: {  	s9 =	smov.u32 s11;
	s11 =	smov.u32 s17;
	[sflag:s16] =	ssyncadd.s32 @!p1 s18  }
.LBB1_1:
0x1d: {  	p1 =	sgt.u32 s12, s6  }
0x1e: {  	s15 =	sshrl.u32 @!p1 s11, $0x3  }
0x1f: {  	s16 =	sshll.u32 @!p1 s10, $0x3;
	s15 =	smul.u32 @!p1 $0x7A1400, s15  }
0x20: {  	s17 =	sshll.u32 @!p1 s11, $0x7;
	s16 =	sand.u32 @!p1 $0xFFFFFC00, s16  }
0x21: {  	s15 =	sadd.s32 @!p1 s15, s16;
	s16 =	sand.u32 @!p1 $0x380, s17  }
0x22: {  	s17 =	sand.u32 @!p1 $0x7F, s10;
	s15 =	sor.u32 @!p1 s16, s15  }
0x23: {  	s16 =	sor.u32 @!p1 s17, s15  }
0x24: {  	s17 =	smulhi.u32 @!p1 $0x218D6287, s16;
	_ =	sdelay $0x1  }
0x25: {  	s15 =	smulhi.u32 @!p1 $0x218D6287, s15;
	s17 =	sshrl.u32 @!p1 s17, $0x11  }
0x26: {  	s17 =	smul.u32 @!p1 $0xF4280, s17  }
0x27: {  	s18 =	sxor.u32 @!p1 $0xFFFFFFFF, s12;
	s15 =	sshrl.u32 @!p1 s15, $0x11  }
0x28: {  	s18 =	sshll.u32 @!p1 s18, $0xE;
	s15 =	sand.u32 @!p1 $0x7F, s15;
	s16 =	ssub.s32 @!p1 s16, s17  }
0x29: {  	s15 =	smul.u32 @!p1 $0x1E850, s15;
	s17 =	sshrl.u32 @!p1 s16, $0x3;
	s16 =	sand.u32 @!p1 $0x7, s16  }
0x2a: {  	s18 =	sand.u32 @!p1 $0x4000, s18;
	s17 =	sadd.s32 @!p1 s2, s17;
	s16 =	sshll.u32 @!p1 s16, $0x12  }
0x2b: {  	s15 =	sadd.s32 @!p1 s15, s17;
	s16 =	sor.u32 @!p1 $0x400, s16;
	s17 =	simm.s32 @!p1 $0x7A1400  }
0x2c: {  	[tilespmem:s18], [sflag:$0x1] =	stream.strided.gather @!p1 [hbm4b:s15+s16], $0x4000, s17, s16, $0x38;
	[tilespmem:$0x10100] =	vst v63  }
0x2d: {  	p1 =	seq.s32 s12, $0x0  }
0x2e: {  	p2 =	sge.u32 @!p1 s12, s7  }
0x2f: {  	p1 =	por p1, p2  }
.Ltmp2:
0x30: {  	_ = 	snop;
	(pc) =	sbr.rel @p1 .LBB1_5-.Ltmp2, $1  }
0x31: {  	_ =	sdelay $0x3  }
0x32: {  	s15 =	simm.s32 $0x1  }
0x33: {  	_ =	swait.ge [sflag:s5], $0x4000;
	s15 =	simm.s32 @!p0 $0x0  }
0x34: {  	[sflag:s5] =	ssyncset.done $0x0;
	s16 =	sshll.u32 s15, $0xE  }
0x35: {  	[sflag:s5] =	ssyncadd.s32 $0xFFFFC000;
	s16 =	sor.u32 $0x40, s16  }
0x36: {  	s15 =	smul.u32 $0x10200, s15;
	v0 =	vld [tilespmem:s16+$0x30]  }
0x37: {  	v1 =	vld [tilespmem:s16+$0xFFFFFFD0]  }
0x38: {  	s15 =	sshrl.u32 s15, $0x2;
	v5 =	vld [tilespmem:s16+$0xFFFFFFE0]  }
0x39: {  	v6 =	vld [tilespmem:s16+$0xFFFFFFF0];
	s18 =	sor.u32 $0x8000, s15  }
0x3a: {  	s31 =	sand.u32 $0x1, s12;
	v4 =	vld [tilespmem:s16+$0x0];
	s17 =	sadd.s32 $0x0, s18  }
0x3b: {  	v3 =	vld [tilespmem:s16+$0x10];
	s15 =	smul.u32 $0x10200, s31;
	[tilespmem:s17+$0x3870 ss:$0x81] =	vst.msk $0xffff, v0  }
0x3c: {  	v2 =	vld [tilespmem:s16+$0x20];
	[tilespmem:s17+$0x810 ss:$0x81] =	vst.msk $0xffff, v1  }
0x3d: {  	s15 =	sshrl.u32 s15, $0x2;
	v0 =	vld [tilespmem:s16+$0xFFFFFFC0];
	[tilespmem:s17+$0x1020 ss:$0x81] =	vst.msk $0xffff, v5;
	s16 =	sadd.s32 $0x80, s16  }
0x3e: {  	s19 =	simm.s32 $0x4;
	s20 =	simm.s32 $0x8;
	s15 =	sor.u32 $0x8000, s15;
	[tilespmem:s17+$0x1830 ss:$0x81] =	vst.msk $0xffff, v6;
	v1 =	vld [tilespmem:s16+$0x30]  }
.LBB1_3:
0x3f: {  	p1 =	sne.s32 s20, $0x1FC;
	v5 =	vld [tilespmem:s16+$0xFFFFFFD0];
	[tilespmem:s17+$0x2040 ss:$0x81] =	vst.msk $0xffff, v4  }
0x40: {  	v6 =	vld [tilespmem:s16+$0xFFFFFFE0];
	[tilespmem:s17+$0x2850 ss:$0x81] =	vst.msk $0xffff, v3  }
0x41: {  	s21 =	sshra.s32 s19, $0x2;
	s19 =	smov.u32 s20;
	v7 =	vld [tilespmem:s16+$0xFFFFFFF0];
	[tilespmem:s17+$0x3060 ss:$0x81] =	vst.msk $0xffff, v2  }
.Ltmp3:
0x42: {  	v4 =	vld [tilespmem:s16+$0x0];
	[tilespmem:s17+$0x0 ss:$0x81] =	vst.msk $0xffff, v0;
	s17 =	sadd.s32 s21, s18;
	(pc) =	sbr.rel @p1 .LBB1_3-.Ltmp3, $4  }
0x43: {  	v3 =	vld [tilespmem:s16+$0x10];
	[tilespmem:s17+$0x3870 ss:$0x81] =	vst.msk $0xffff, v1  }
0x44: {  	[tilespmem:s17+$0x810 ss:$0x81] =	vst.msk $0xffff, v5;
	v2 =	vld [tilespmem:s16+$0x20]  }
0x45: {  	v0 =	vld [tilespmem:s16+$0xFFFFFFC0];
	[tilespmem:s17+$0x1020 ss:$0x81] =	vst.msk $0xffff, v6;
	s16 =	sadd.s32 $0x80, s16  }
0x46: {  	s20 =	sadd.s32 $0x4, s20;
	v1 =	vld [tilespmem:s16+$0x30];
	[tilespmem:s17+$0x1830 ss:$0x81] =	vst.msk $0xffff, v7  }
0x47: {  	s20 =	sshll.u32 s8, $0x7;
	s21 =	sshll.u32 s9, $0x3;
	s19 =	sshra.s32 s19, $0x2  }
0x48: {  	v5 =	vld [tilespmem:s16+$0xFFFFFFD0];
	[tilespmem:s17+$0x2040 ss:$0x81] =	vst.msk $0xffff, v4;
	p1 =	sgt.s32 s8, $0xF41C0;
	s22 =	sand.u32 $0xFFFFFC00, s20;
	s21 =	sand.u32 $0xFFFFFC00, s21  }
0x49: {  	v58 =	vld [tilespmem:s16+$0xFFFFFFE0];
	s24 =	sshra.s32 s8, $0x1F;
	s20 =	sand.u32 $0x380, s20;
	[tilespmem:s17+$0x2850 ss:$0x81] =	vst.msk $0xffff, v3;
	s21 =	sadd.s32 s21, s22  }
0x4a: {  	v59 =	vld [tilespmem:s16+$0xFFFFFFF0];
	s26 =	ssub.s32 $0x0, s9;
	s18 =	sadd.s32 s19, s18;
	[tilespmem:s17+$0x3060 ss:$0x81] =	vst.msk $0xffff, v2;
	s23 =	sor.u32 s20, s21  }
0x4b: {  	v60 =	vld [tilespmem:s16+$0x0];
	s28 =	smin.u32 s9, s26;
	s20 =	smov.u32 s8;
	[tilespmem:s17+$0x0 ss:$0x81] =	vst.msk $0xffff, v0;
	s19 =	sshrl.u32 s23, $0x7  }
0x4c: {  	v61 =	vld [tilespmem:s16+$0x10];
	s21 =	sand.u32 s24, s8;
	s20 =	simm.s32 @!p1 $0xF41C0;
	[tilespmem:s18+$0x3870 ss:$0x81] =	vst.msk $0xffff, v1;
	s25 =	smulhi.u32 $0x218DEF5, s19  }
0x4d: {  	v62 =	vld [tilespmem:s16+$0x20];
	s29 =	sshrl.u32 s9, $0x3;
	p2 =	sgt.s32 s28, $0x7F;
	s20 =	ssub.s32 s20, s21;
	[tilespmem:s18+$0x810 ss:$0x81] =	vst.msk $0xffff, v5  }
0x4e: {  	v63 =	vld [tilespmem:s16+$0xFFFFFFC0];
	[tilespmem:s18+$0x1020 ss:$0x81] =	vst.msk $0xffff, v58;
	s21 =	sadd.s32 $0xFFF0BE40, s20;
	s20 =	ssub.s32 $0xF4240, s20;
	s17 =	sshrl.u32 s25, $0xD  }
0x4f: {  	[tilespmem:s18+$0x1830 ss:$0x81] =	vst.msk $0xffff, v59;
	p1 =	sgt.s32 s21, $0x7F;
	s27 =	smul.u32 $0xF4240, s17;
	s17 =	ssub.s32 $0x80, s28  }
.Ltmp4:
0x50: {  	[tilespmem:s18+$0x2040 ss:$0x81] =	vst.msk $0xffff, v60;
	s20 =	simm.s32 @p1 $0x0;
	s17 =	simm.s32 @p2 $0x0;
	(pc) =	sbr.rel .LBB1_5-.Ltmp4, $4  }
0x51: {  	s30 =	sand.u32 $0xF, s29;
	[tilespmem:s18+$0x2850 ss:$0x81] =	vst.msk $0xffff, v61;
	s16 =	ssub.s32 s19, s27;
	s17 =	smul.u32 s17, s20  }
0x52: {  	[tilespmem:s18+$0x3060 ss:$0x81] =	vst.msk $0xffff, v62;
	s19 =	sadd.s32 s4, s30;
	s16 =	sshll.u32 s16, $0x4  }
0x53: {  	s31 =	sand.u32 $0x7, s9;
	[tilespmem:s18+$0x0 ss:$0x81] =	vst.msk $0xffff, v63;
	s17 =	sand.u32 $0x3FFFFFFF, s17;
	s16 =	sadd.s32 s16, s19  }
0x54: {  	[hbm4b:s16+s31] =	stream.linear.scatter [tilespmem:s15], [sflag:$0x2], s17, $0x20;
	[tilespmem:$0x10100] =	vst v63  }
.LBB1_6:
0x55: {  	_ =	sfence.sel $0x180000  }
0x56: {  	s2 =	simm.s32 $0x1;
	[bflag:$0x0] =	sbarrier.arrive $0xFFFF  }
0x57: {  	s31 =	simm.s32 $0x2;
	[sflag:s2] =	ssyncpa.u1 $0x1  }
0x58: {  	[sflag:s31] =	ssyncpa.u1 $0x1  }
0x59: {  	p0 =	sne.s32 s1, $0x0;
	_ =	strace $0x90000047  }
0x5a: {  	s0 =	sadd.s32 @!p0 $0x100000, s0;
	[bflag:$0x2] =	sbarrier.arrive $0xFFFF  }
0x5b: {  	[sflag:s0] =	ssyncadd.tile.s32 @!p0 $0x1;
	_ =	shalt  }
.Lfunc_end1:
_tile_overlayer_lowered:
.L_overlay_start_2:
0x5c: {  	(tag) =	ssettag $0x2  }
0x5d: {  	s0 =	rddreg [dreg:$0x0];
	s2 =	stileid.u32  }
0x5e: {  	s1 =	rddreg [dreg:$0x1];
	p0 =	sne.s32 s2, $0x0  }
0x5f: {  	s3 =	rddreg [dreg:$0x2];
	[bflag:$0x3] =	sbarrier.arrive $0xFFFF;
	s2 =	simm.s32 @!p0 $0x1C01  }
0x60: {  	[timem:s3], [sflag:s2] =	dma.local @!p0 [hbm:s0], s1  }
0x61: {  	s0 =	simm.s32 @!p0 $0x1  }
0x62: {  	_ =	swait.ge @!p0 [sflag:s0], s1  }
0x63: {  	s1 =	ssub.s32 @!p0 $0x0, s1;
	[sflag:s0] =	ssyncset.done @!p0 $0x0  }
0x64: {  	[sflag:s0] =	ssyncadd.s32 @!p0 s1  }
0x65: {  	[bflag:$0x3] =	sbarrier.arrive $0xFFFF  }
0x66: {  	_ =	shalt  }

</sc_bundles>
